<compile_context>
chip_gen: v7x
topology: tpu7x:2x2x1
jax: 0.10.2.dev20260603
libtpu: 0.0.44.dev20260713+nightly
codegen_flags: <defaults>
</compile_context>

<pallas_src>
import jax
import jax.numpy as jnp
from jax import lax
from jax.experimental import pallas as pl
from jax.experimental.pallas import tpu as pltpu
from jax.experimental.pallas import tpu_sc as plsc

EMB = 16
BATCH = 16384
BN_EPS = 1e-3
NT = 32
W = BATCH // NT
NB = 16
NWAVE = W // NB
WCH = W // 16


def _gather_body(idx2_hbm, uembT_hbm, bembT_hbm,
                 partials_hbm,
                 uidx_v, bidx_v, ua_v, ub_v, ba_v, bb_v, acc_v,
                 sua, sub, sba, sbb):
    c = lax.axis_index("c")
    s = lax.axis_index("s")
    w = s * 2 + c
    base = w * W

    pltpu.sync_copy(idx2_hbm.at[0, pl.ds(base, W)], uidx_v)
    pltpu.sync_copy(idx2_hbm.at[1, pl.ds(base, W)], bidx_v)

    eiota = lax.iota(jnp.int32, 16)

    def fire(tbl, iv, lane0, blk, sem):
        for u in range(8):
            off = pl.multiple_of((iv[lane0 + u] // 128) * 128, 128)
            pltpu.async_copy(tbl.at[:, pl.ds(off, 128)], blk.at[u], sem)

    def drain(blk, sem):
        for u in range(8):
            pltpu.make_async_copy(
                uembT_hbm.at[:, pl.ds(0, 128)], blk.at[u], sem).wait()

    def extract(iv, lane0, blk, u):
        i = iv[lane0 + u]
        col = jnp.full((16,), i - (i // 128) * 128, jnp.int32)
        return plsc.load_gather(blk.at[u], [eiota, col])

    def mac(uiv, biv, lane0, ublk, bblk, acc):
        uvals = [extract(uiv, lane0, ublk, u) for u in range(8)]
        for u in range(8):
            acc = acc + uvals[u] * extract(biv, lane0, bblk, u)
        return acc

    uiv0 = uidx_v[pl.ds(0, 16)]
    biv0 = bidx_v[pl.ds(0, 16)]
    fire(uembT_hbm, uiv0, 0, ua_v, sua)
    fire(bembT_hbm, biv0, 0, ba_v, sba)

    def step(k, carry):
        acc, uiv, biv = carry
        fire(uembT_hbm, uiv, 8, ub_v, sub)
        fire(bembT_hbm, biv, 8, bb_v, sbb)
        drain(ua_v, sua)
        drain(ba_v, sba)
        acc = mac(uiv, biv, 0, ua_v, ba_v, acc)
        nk = jnp.minimum(k + 1, NWAVE - 1)
        nuiv = uidx_v[pl.ds(nk * 16, 16)]
        nbiv = bidx_v[pl.ds(nk * 16, 16)]

        @pl.when(k + 1 < NWAVE)
        def _():
            fire(uembT_hbm, nuiv, 0, ua_v, sua)
            fire(bembT_hbm, nbiv, 0, ba_v, sba)

        drain(ub_v, sub)
        drain(bb_v, sbb)
        acc = mac(uiv, biv, 8, ub_v, bb_v, acc)
        return acc, nuiv, nbiv

    acc, _, _ = lax.fori_loop(
        0, NWAVE, step, (jnp.zeros((16,), jnp.float32), uiv0, biv0))
    acc_v[...] = acc
    pltpu.sync_copy(acc_v, partials_hbm.at[pl.ds(w * 16, 16)])


def _finish_body(idx2_hbm, partials_hbm, ubias_hbm, bbias_hbm, params_hbm,
                 out_hbm,
                 uidx_v, bidx_v, pt_v, ub_v, bb_v, params_v, out_v, sem):
    c = lax.axis_index("c")
    s = lax.axis_index("s")
    w = s * 2 + c
    base = w * W

    pltpu.sync_copy(idx2_hbm.at[0, pl.ds(base, W)], uidx_v)
    pltpu.sync_copy(idx2_hbm.at[1, pl.ds(base, W)], bidx_v)
    pltpu.sync_copy(partials_hbm, pt_v)
    pltpu.sync_copy(params_hbm, params_v)

    cp1 = pltpu.async_copy(ubias_hbm.at[uidx_v], ub_v, sem)
    cp2 = pltpu.async_copy(bbias_hbm.at[bidx_v], bb_v, sem)

    t = pt_v[pl.ds(0, 16)]
    for j in range(1, NT):
        t = t + pt_v[pl.ds(j * 16, 16)]
    S = t[0]
    for j in range(1, 16):
        S = S + t[j]

    scale = params_v[0, :]
    shift = params_v[1, :]
    cp1.wait()
    cp2.wait()

    def emit(j, carry):
        ch = pl.ds(j * 16, 16)
        x = (S + ub_v[ch] + bb_v[ch]) * scale + shift
        out_v[ch] = 1.0 / (1.0 + jnp.exp(-x))
        return carry

    lax.fori_loop(0, WCH, emit, 0)
    pltpu.sync_copy(out_v, out_hbm.at[pl.ds(base, W)])


@jax.jit
def _sc_call(idx2, uembT, ubias, bembT, bbias, params):
    mesh = plsc.VectorSubcoreMesh(core_axis_name="c", subcore_axis_name="s",
                                  num_cores=2)
    k1 = pl.kernel(
        _gather_body,
        out_type=jax.ShapeDtypeStruct((NT * 16,), jnp.float32),
        mesh=mesh,
        scratch_types=[
            pltpu.VMEM((W,), jnp.int32),
            pltpu.VMEM((W,), jnp.int32),
            pltpu.VMEM((8, 16, 128), jnp.float32),
            pltpu.VMEM((8, 16, 128), jnp.float32),
            pltpu.VMEM((8, 16, 128), jnp.float32),
            pltpu.VMEM((8, 16, 128), jnp.float32),
            pltpu.VMEM((16,), jnp.float32),
            pltpu.SemaphoreType.DMA,
            pltpu.SemaphoreType.DMA,
            pltpu.SemaphoreType.DMA,
            pltpu.SemaphoreType.DMA,
        ],
        compiler_params=pltpu.CompilerParams(use_tc_tiling_on_sc=True,
                                             needs_layout_passes=False,
                                             disable_bounds_checks=True),
    )
    partials = k1(idx2, uembT, bembT)

    k2 = pl.kernel(
        _finish_body,
        out_type=jax.ShapeDtypeStruct((BATCH,), jnp.float32),
        mesh=mesh,
        scratch_types=[
            pltpu.VMEM((W,), jnp.int32),
            pltpu.VMEM((W,), jnp.int32),
            pltpu.VMEM((NT * 16,), jnp.float32),
            pltpu.VMEM((W,), jnp.float32),
            pltpu.VMEM((W,), jnp.float32),
            pltpu.VMEM((2, 16), jnp.float32),
            pltpu.VMEM((W,), jnp.float32),
            pltpu.SemaphoreType.DMA,
        ],
        compiler_params=pltpu.CompilerParams(use_tc_tiling_on_sc=False),
    )
    return k2(idx2, partials, ubias, bbias, params)


def kernel(inputs, user_emb, user_bias, book_emb, book_bias,
           bn_gamma, bn_beta, bn_mean, bn_var):
    idx2 = inputs.T
    ubias = user_bias.reshape(-1)
    bbias = book_bias.reshape(-1)
    scale = bn_gamma * lax.rsqrt(bn_var + BN_EPS)
    shift = bn_beta - bn_mean * scale
    params = jnp.stack([jnp.broadcast_to(scale, (16,)),
                        jnp.broadcast_to(shift, (16,))])
    out = _sc_call(idx2, user_emb.T, ubias, book_emb.T, bbias, params)
    return out.reshape(BATCH, 1)

# --- scband reference (transcript-rebuilt; emitter-appended) ---
"""Pipeline reference for scband-recommender-net-77266461655386 (READ-ONLY COPY).

The authoritative reference and input builder live on the scoring server;
editing this copy changes nothing except your own understanding.
"""

import jax, jax.numpy as jnp
import numpy as np

NUM_USERS = 1000000
NUM_BOOKS = 1000000
EMB = 16
BATCH = 16384
BN_EPS = 1e-3  # keras BatchNormalization default epsilon


def setup_inputs(seed: int = 0) -> dict:
    key = jax.random.key(seed)
    ks = jax.random.split(key, 5)
    inputs = jax.random.randint(ks[0], (BATCH, 2), 0, NUM_USERS, dtype=jnp.int32)
    # he_normal-ish init for embedding tables
    user_emb = jax.random.normal(ks[1], (NUM_USERS, EMB), dtype=jnp.float32) * 0.05
    user_bias = jax.random.normal(ks[2], (NUM_USERS, 1), dtype=jnp.float32) * 0.01
    book_emb = jax.random.normal(ks[3], (NUM_BOOKS, EMB), dtype=jnp.float32) * 0.05
    book_bias = jax.random.normal(ks[4], (NUM_BOOKS, 1), dtype=jnp.float32) * 0.01
    # BatchNormalization params (inference mode: moving stats)
    bn_gamma = jnp.ones((1,), dtype=jnp.float32)
    bn_beta = jnp.zeros((1,), dtype=jnp.float32)
    bn_mean = jnp.zeros((1,), dtype=jnp.float32)
    bn_var = jnp.ones((1,), dtype=jnp.float32)
    return {
        "inputs": inputs,
        "user_emb": user_emb,
        "user_bias": user_bias,
        "book_emb": book_emb,
        "book_bias": book_bias,
        "bn_gamma": bn_gamma,
        "bn_beta": bn_beta,
        "bn_mean": bn_mean,
        "bn_var": bn_var,
    }


def reference(inputs, user_emb, user_bias, book_emb, book_bias, bn_gamma, bn_beta, bn_mean, bn_var):
    user_vector = jnp.take(user_emb, inputs[:, 0], axis=0)        # [B, EMB]
    u_bias = jnp.take(user_bias, inputs[:, 0], axis=0)            # [B, 1]
    book_vector = jnp.take(book_emb, inputs[:, 1], axis=0)        # [B, EMB]
    b_bias = jnp.take(book_bias, inputs[:, 1], axis=0)            # [B, 1]
    # tf.tensordot(user_vector, book_vector, 2) contracts BOTH axes -> scalar
    dot_user_book = jnp.tensordot(user_vector, book_vector, axes=2)
    x = dot_user_book + u_bias + b_bias                           # [B, 1] via broadcast
    # dropout is identity at inference
    # batch norm in inference mode with moving statistics
    x = (x - bn_mean) * jax.lax.rsqrt(bn_var + BN_EPS) * bn_gamma + bn_beta
    return jax.nn.sigmoid(x)

if __name__ == "__main__":
    import jax
    _d = setup_inputs()
    print(jax.jit(kernel)(*tuple(_d.values())))

</pallas_src>

<mosaic_0001>
#map = affine_map<(d0, d1) -> (0, 0)>
#map1 = affine_map<(d0, d1) -> (0)>
module attributes {stable_mosaic.version = 14 : i64} {
  func.func @_finish_body(%arg0: i32, %arg1: i32, %arg2: memref<2x16384xi32, #tpu.memory_space<hbm>>, %arg3: memref<512xf32, #tpu.memory_space<hbm>>, %arg4: memref<1000000xf32, #tpu.memory_space<hbm>>, %arg5: memref<1000000xf32, #tpu.memory_space<hbm>>, %arg6: memref<2x16xf32, #tpu.memory_space<hbm>>, %arg7: memref<16384xf32, #tpu.memory_space<hbm>>, %arg8: memref<512xi32, #tpu.memory_space<vmem>>, %arg9: memref<512xi32, #tpu.memory_space<vmem>>, %arg10: memref<512xf32, #tpu.memory_space<vmem>>, %arg11: memref<512xf32, #tpu.memory_space<vmem>>, %arg12: memref<512xf32, #tpu.memory_space<vmem>>, %arg13: memref<2x16xf32, #tpu.memory_space<vmem>>, %arg14: memref<512xf32, #tpu.memory_space<vmem>>, %arg15: memref<!tpu.dma_semaphore, #tpu.memory_space<semaphore_mem>>) attributes {dimension_semantics = [#tpu.dimension_semantics<core_parallel>, #tpu.dimension_semantics<subcore_parallel>], iteration_bounds = array<i64: 2, 16>, scalar_prefetch = 0 : i64, scratch_operands = 8 : i64, tpu.core_type = #tpu.core_type<sc_vector_subcore>, window_params = [{transform_indices = #map}, {transform_indices = #map1}, {transform_indices = #map1}, {transform_indices = #map1}, {transform_indices = #map}, {transform_indices = #map1}]} {
    %mul3A = arith.constant 2 : i32
    %mul3A_0 = arith.muli %arg1, %mul3A : i32
    %add3A = arith.addi %mul3A_0, %arg0 : i32
    %mul3A_1 = arith.constant 512 : i32
    %mul3A_2 = arith.muli %add3A, %mul3A_1 : i32
    %run_scoped3A = arith.constant 0 : i32
    "tpu.region"() ({
      %run_scoped3A_196 = tpu.sem_alloc : memref<!tpu.dma_semaphore, #tpu.memory_space<semaphore_mem>>
      %dma_start3A_197 = tpu.memref_slice %arg2[%run_scoped3A, %mul3A_2] : memref<2x16384xi32, #tpu.memory_space<hbm>> -> memref<1x512xi32, #tpu.memory_space<hbm>>
      %dma_start3A_198 = tpu.memref_squeeze %dma_start3A_197 : memref<1x512xi32, #tpu.memory_space<hbm>> -> memref<512xi32, #tpu.memory_space<hbm>>
      %dma_start3A_199 = tpu.memref_slice %arg2[%run_scoped3A, %mul3A_2] : memref<2x16384xi32, #tpu.memory_space<hbm>> -> memref<1x512xi32, #tpu.memory_space<hbm>>
      %dma_start3A_200 = tpu.memref_squeeze %dma_start3A_199 : memref<1x512xi32, #tpu.memory_space<hbm>> -> memref<512xi32, #tpu.memory_space<hbm>>
      tpu.enqueue_dma source(%dma_start3A_200 : memref<512xi32, #tpu.memory_space<hbm>>) target(%arg8 : memref<512xi32, #tpu.memory_space<vmem>>) target_semaphore(%run_scoped3A_196 : memref<!tpu.dma_semaphore, #tpu.memory_space<semaphore_mem>>)
      %dma_wait3A_201 = tpu.memref_slice %arg2[%run_scoped3A, %mul3A_2] : memref<2x16384xi32, #tpu.memory_space<hbm>> -> memref<1x512xi32, #tpu.memory_space<hbm>>
      %dma_wait3A_202 = tpu.memref_squeeze %dma_wait3A_201 : memref<1x512xi32, #tpu.memory_space<hbm>> -> memref<512xi32, #tpu.memory_space<hbm>>
      %dma_wait3A_203 = tpu.memref_slice %arg2[%run_scoped3A, %mul3A_2] : memref<2x16384xi32, #tpu.memory_space<hbm>> -> memref<1x512xi32, #tpu.memory_space<hbm>>
      %dma_wait3A_204 = tpu.memref_squeeze %dma_wait3A_203 : memref<1x512xi32, #tpu.memory_space<hbm>> -> memref<512xi32, #tpu.memory_space<hbm>>
      tpu.wait_dma2 semaphore(%run_scoped3A_196 : memref<!tpu.dma_semaphore, #tpu.memory_space<semaphore_mem>>) src(%dma_wait3A_204 : memref<512xi32, #tpu.memory_space<hbm>>) dst(%arg8 : memref<512xi32, #tpu.memory_space<vmem>>)
      tpu.yield
    }) : () -> ()
    %run_scoped3A_3 = arith.constant 1 : i32
    "tpu.region"() ({
      %run_scoped3A_196 = tpu.sem_alloc : memref<!tpu.dma_semaphore, #tpu.memory_space<semaphore_mem>>
      %dma_start3A_197 = tpu.memref_slice %arg2[%run_scoped3A_3, %mul3A_2] : memref<2x16384xi32, #tpu.memory_space<hbm>> -> memref<1x512xi32, #tpu.memory_space<hbm>>
      %dma_start3A_198 = tpu.memref_squeeze %dma_start3A_197 : memref<1x512xi32, #tpu.memory_space<hbm>> -> memref<512xi32, #tpu.memory_space<hbm>>
      %dma_start3A_199 = tpu.memref_slice %arg2[%run_scoped3A_3, %mul3A_2] : memref<2x16384xi32, #tpu.memory_space<hbm>> -> memref<1x512xi32, #tpu.memory_space<hbm>>
      %dma_start3A_200 = tpu.memref_squeeze %dma_start3A_199 : memref<1x512xi32, #tpu.memory_space<hbm>> -> memref<512xi32, #tpu.memory_space<hbm>>
      tpu.enqueue_dma source(%dma_start3A_200 : memref<512xi32, #tpu.memory_space<hbm>>) target(%arg9 : memref<512xi32, #tpu.memory_space<vmem>>) target_semaphore(%run_scoped3A_196 : memref<!tpu.dma_semaphore, #tpu.memory_space<semaphore_mem>>)
      %dma_wait3A_201 = tpu.memref_slice %arg2[%run_scoped3A_3, %mul3A_2] : memref<2x16384xi32, #tpu.memory_space<hbm>> -> memref<1x512xi32, #tpu.memory_space<hbm>>
      %dma_wait3A_202 = tpu.memref_squeeze %dma_wait3A_201 : memref<1x512xi32, #tpu.memory_space<hbm>> -> memref<512xi32, #tpu.memory_space<hbm>>
      %dma_wait3A_203 = tpu.memref_slice %arg2[%run_scoped3A_3, %mul3A_2] : memref<2x16384xi32, #tpu.memory_space<hbm>> -> memref<1x512xi32, #tpu.memory_space<hbm>>
      %dma_wait3A_204 = tpu.memref_squeeze %dma_wait3A_203 : memref<1x512xi32, #tpu.memory_space<hbm>> -> memref<512xi32, #tpu.memory_space<hbm>>
      tpu.wait_dma2 semaphore(%run_scoped3A_196 : memref<!tpu.dma_semaphore, #tpu.memory_space<semaphore_mem>>) src(%dma_wait3A_204 : memref<512xi32, #tpu.memory_space<hbm>>) dst(%arg9 : memref<512xi32, #tpu.memory_space<vmem>>)
      tpu.yield
    }) : () -> ()
    "tpu.region"() ({
      %run_scoped3A_196 = tpu.sem_alloc : memref<!tpu.dma_semaphore, #tpu.memory_space<semaphore_mem>>
      tpu.enqueue_dma source(%arg3 : memref<512xf32, #tpu.memory_space<hbm>>) target(%arg10 : memref<512xf32, #tpu.memory_space<vmem>>) target_semaphore(%run_scoped3A_196 : memref<!tpu.dma_semaphore, #tpu.memory_space<semaphore_mem>>)
      tpu.wait_dma2 semaphore(%run_scoped3A_196 : memref<!tpu.dma_semaphore, #tpu.memory_space<semaphore_mem>>) src(%arg3 : memref<512xf32, #tpu.memory_space<hbm>>) dst(%arg10 : memref<512xf32, #tpu.memory_space<vmem>>)
      tpu.yield
    }) : () -> ()
    "tpu.region"() ({
      %run_scoped3A_196 = tpu.sem_alloc : memref<!tpu.dma_semaphore, #tpu.memory_space<semaphore_mem>>
      tpu.enqueue_dma source(%arg6 : memref<2x16xf32, #tpu.memory_space<hbm>>) target(%arg13 : memref<2x16xf32, #tpu.memory_space<vmem>>) target_semaphore(%run_scoped3A_196 : memref<!tpu.dma_semaphore, #tpu.memory_space<semaphore_mem>>)
      tpu.wait_dma2 semaphore(%run_scoped3A_196 : memref<!tpu.dma_semaphore, #tpu.memory_space<semaphore_mem>>) src(%arg6 : memref<2x16xf32, #tpu.memory_space<hbm>>) dst(%arg13 : memref<2x16xf32, #tpu.memory_space<vmem>>)
      tpu.yield
    }) : () -> ()
    %dma_start3A = arith.constant 0 : i32
    %dma_start3A_4 = tpu.memref_slice %arg4[%dma_start3A] : memref<1000000xf32, #tpu.memory_space<hbm>> -> memref<1000000xf32, #tpu.memory_space<hbm>>
    tpu.enqueue_indirect_dma source(%dma_start3A_4 : memref<1000000xf32, #tpu.memory_space<hbm>>) target(%arg11 : memref<512xf32, #tpu.memory_space<vmem>>) offsets(%arg8 : memref<512xi32, #tpu.memory_space<vmem>>) semaphore(%arg15 : memref<!tpu.dma_semaphore, #tpu.memory_space<semaphore_mem>>)
    %dma_start3A_5 = arith.constant 0 : i32
    %dma_start3A_6 = tpu.memref_slice %arg5[%dma_start3A_5] : memref<1000000xf32, #tpu.memory_space<hbm>> -> memref<1000000xf32, #tpu.memory_space<hbm>>
    tpu.enqueue_indirect_dma source(%dma_start3A_6 : memref<1000000xf32, #tpu.memory_space<hbm>>) target(%arg12 : memref<512xf32, #tpu.memory_space<vmem>>) offsets(%arg9 : memref<512xi32, #tpu.memory_space<vmem>>) semaphore(%arg15 : memref<!tpu.dma_semaphore, #tpu.memory_space<semaphore_mem>>)
    %get3A = arith.constant 0 : index
    %get3A_7 = tpu.vector_load %arg10[%get3A] {strides = array<i32>} : memref<512xf32, #tpu.memory_space<vmem>>, vector<16xf32>,
    %get3A_8 = vector.shape_cast %get3A_7 : vector<16xf32> to vector<16xf32>
    %get3A_9 = arith.constant 16 : index
    %get3A_10 = tpu.vector_load %arg10[%get3A_9] {strides = array<i32>} : memref<512xf32, #tpu.memory_space<vmem>>, vector<16xf32>,
    %get3A_11 = vector.shape_cast %get3A_10 : vector<16xf32> to vector<16xf32>
    %add3A_12 = arith.addf %get3A_8, %get3A_11 : vector<16xf32>
    %get3A_13 = arith.constant 32 : index
    %get3A_14 = tpu.vector_load %arg10[%get3A_13] {strides = array<i32>} : memref<512xf32, #tpu.memory_space<vmem>>, vector<16xf32>,
    %get3A_15 = vector.shape_cast %get3A_14 : vector<16xf32> to vector<16xf32>
    %add3A_16 = arith.addf %add3A_12, %get3A_15 : vector<16xf32>
    %get3A_17 = arith.constant 48 : index
    %get3A_18 = tpu.vector_load %arg10[%get3A_17] {strides = array<i32>} : memref<512xf32, #tpu.memory_space<vmem>>, vector<16xf32>,
    %get3A_19 = vector.shape_cast %get3A_18 : vector<16xf32> to vector<16xf32>
    %add3A_20 = arith.addf %add3A_16, %get3A_19 : vector<16xf32>
    %get3A_21 = arith.constant 64 : index
    %get3A_22 = tpu.vector_load %arg10[%get3A_21] {strides = array<i32>} : memref<512xf32, #tpu.memory_space<vmem>>, vector<16xf32>,
    %get3A_23 = vector.shape_cast %get3A_22 : vector<16xf32> to vector<16xf32>
    %add3A_24 = arith.addf %add3A_20, %get3A_23 : vector<16xf32>
    %get3A_25 = arith.constant 80 : index
    %get3A_26 = tpu.vector_load %arg10[%get3A_25] {strides = array<i32>} : memref<512xf32, #tpu.memory_space<vmem>>, vector<16xf32>,
    %get3A_27 = vector.shape_cast %get3A_26 : vector<16xf32> to vector<16xf32>
    %add3A_28 = arith.addf %add3A_24, %get3A_27 : vector<16xf32>
    %get3A_29 = arith.constant 96 : index
    %get3A_30 = tpu.vector_load %arg10[%get3A_29] {strides = array<i32>} : memref<512xf32, #tpu.memory_space<vmem>>, vector<16xf32>,
    %get3A_31 = vector.shape_cast %get3A_30 : vector<16xf32> to vector<16xf32>
    %add3A_32 = arith.addf %add3A_28, %get3A_31 : vector<16xf32>
    %get3A_33 = arith.constant 112 : index
    %get3A_34 = tpu.vector_load %arg10[%get3A_33] {strides = array<i32>} : memref<512xf32, #tpu.memory_space<vmem>>, vector<16xf32>,
    %get3A_35 = vector.shape_cast %get3A_34 : vector<16xf32> to vector<16xf32>
    %add3A_36 = arith.addf %add3A_32, %get3A_35 : vector<16xf32>
    %get3A_37 = arith.constant 128 : index
    %get3A_38 = tpu.vector_load %arg10[%get3A_37] {strides = array<i32>} : memref<512xf32, #tpu.memory_space<vmem>>, vector<16xf32>,
    %get3A_39 = vector.shape_cast %get3A_38 : vector<16xf32> to vector<16xf32>
    %add3A_40 = arith.addf %add3A_36, %get3A_39 : vector<16xf32>
    %get3A_41 = arith.constant 144 : index
    %get3A_42 = tpu.vector_load %arg10[%get3A_41] {strides = array<i32>} : memref<512xf32, #tpu.memory_space<vmem>>, vector<16xf32>,
    %get3A_43 = vector.shape_cast %get3A_42 : vector<16xf32> to vector<16xf32>
    %add3A_44 = arith.addf %add3A_40, %get3A_43 : vector<16xf32>
    %get3A_45 = arith.constant 160 : index
    %get3A_46 = tpu.vector_load %arg10[%get3A_45] {strides = array<i32>} : memref<512xf32, #tpu.memory_space<vmem>>, vector<16xf32>,
    %get3A_47 = vector.shape_cast %get3A_46 : vector<16xf32> to vector<16xf32>
    %add3A_48 = arith.addf %add3A_44, %get3A_47 : vector<16xf32>
    %get3A_49 = arith.constant 176 : index
    %get3A_50 = tpu.vector_load %arg10[%get3A_49] {strides = array<i32>} : memref<512xf32, #tpu.memory_space<vmem>>, vector<16xf32>,
    %get3A_51 = vector.shape_cast %get3A_50 : vector<16xf32> to vector<16xf32>
    %add3A_52 = arith.addf %add3A_48, %get3A_51 : vector<16xf32>
    %get3A_53 = arith.constant 192 : index
    %get3A_54 = tpu.vector_load %arg10[%get3A_53] {strides = array<i32>} : memref<512xf32, #tpu.memory_space<vmem>>, vector<16xf32>,
    %get3A_55 = vector.shape_cast %get3A_54 : vector<16xf32> to vector<16xf32>
    %add3A_56 = arith.addf %add3A_52, %get3A_55 : vector<16xf32>
    %get3A_57 = arith.constant 208 : index
    %get3A_58 = tpu.vector_load %arg10[%get3A_57] {strides = array<i32>} : memref<512xf32, #tpu.memory_space<vmem>>, vector<16xf32>,
    %get3A_59 = vector.shape_cast %get3A_58 : vector<16xf32> to vector<16xf32>
    %add3A_60 = arith.addf %add3A_56, %get3A_59 : vector<16xf32>
    %get3A_61 = arith.constant 224 : index
    %get3A_62 = tpu.vector_load %arg10[%get3A_61] {strides = array<i32>} : memref<512xf32, #tpu.memory_space<vmem>>, vector<16xf32>,
    %get3A_63 = vector.shape_cast %get3A_62 : vector<16xf32> to vector<16xf32>
    %add3A_64 = arith.addf %add3A_60, %get3A_63 : vector<16xf32>
    %get3A_65 = arith.constant 240 : index
    %get3A_66 = tpu.vector_load %arg10[%get3A_65] {strides = array<i32>} : memref<512xf32, #tpu.memory_space<vmem>>, vector<16xf32>,
    %get3A_67 = vector.shape_cast %get3A_66 : vector<16xf32> to vector<16xf32>
    %add3A_68 = arith.addf %add3A_64, %get3A_67 : vector<16xf32>
    %get3A_69 = arith.constant 256 : index
    %get3A_70 = tpu.vector_load %arg10[%get3A_69] {strides = array<i32>} : memref<512xf32, #tpu.memory_space<vmem>>, vector<16xf32>,
    %get3A_71 = vector.shape_cast %get3A_70 : vector<16xf32> to vector<16xf32>
    %add3A_72 = arith.addf %add3A_68, %get3A_71 : vector<16xf32>
    %get3A_73 = arith.constant 272 : index
    %get3A_74 = tpu.vector_load %arg10[%get3A_73] {strides = array<i32>} : memref<512xf32, #tpu.memory_space<vmem>>, vector<16xf32>,
    %get3A_75 = vector.shape_cast %get3A_74 : vector<16xf32> to vector<16xf32>
    %add3A_76 = arith.addf %add3A_72, %get3A_75 : vector<16xf32>
    %get3A_77 = arith.constant 288 : index
    %get3A_78 = tpu.vector_load %arg10[%get3A_77] {strides = array<i32>} : memref<512xf32, #tpu.memory_space<vmem>>, vector<16xf32>,
    %get3A_79 = vector.shape_cast %get3A_78 : vector<16xf32> to vector<16xf32>
    %add3A_80 = arith.addf %add3A_76, %get3A_79 : vector<16xf32>
    %get3A_81 = arith.constant 304 : index
    %get3A_82 = tpu.vector_load %arg10[%get3A_81] {strides = array<i32>} : memref<512xf32, #tpu.memory_space<vmem>>, vector<16xf32>,
    %get3A_83 = vector.shape_cast %get3A_82 : vector<16xf32> to vector<16xf32>
    %add3A_84 = arith.addf %add3A_80, %get3A_83 : vector<16xf32>
    %get3A_85 = arith.constant 320 : index
    %get3A_86 = tpu.vector_load %arg10[%get3A_85] {strides = array<i32>} : memref<512xf32, #tpu.memory_space<vmem>>, vector<16xf32>,
    %get3A_87 = vector.shape_cast %get3A_86 : vector<16xf32> to vector<16xf32>
    %add3A_88 = arith.addf %add3A_84, %get3A_87 : vector<16xf32>
    %get3A_89 = arith.constant 336 : index
    %get3A_90 = tpu.vector_load %arg10[%get3A_89] {strides = array<i32>} : memref<512xf32, #tpu.memory_space<vmem>>, vector<16xf32>,
    %get3A_91 = vector.shape_cast %get3A_90 : vector<16xf32> to vector<16xf32>
    %add3A_92 = arith.addf %add3A_88, %get3A_91 : vector<16xf32>
    %get3A_93 = arith.constant 352 : index
    %get3A_94 = tpu.vector_load %arg10[%get3A_93] {strides = array<i32>} : memref<512xf32, #tpu.memory_space<vmem>>, vector<16xf32>,
    %get3A_95 = vector.shape_cast %get3A_94 : vector<16xf32> to vector<16xf32>
    %add3A_96 = arith.addf %add3A_92, %get3A_95 : vector<16xf32>
    %get3A_97 = arith.constant 368 : index
    %get3A_98 = tpu.vector_load %arg10[%get3A_97] {strides = array<i32>} : memref<512xf32, #tpu.memory_space<vmem>>, vector<16xf32>,
    %get3A_99 = vector.shape_cast %get3A_98 : vector<16xf32> to vector<16xf32>
    %add3A_100 = arith.addf %add3A_96, %get3A_99 : vector<16xf32>
    %get3A_101 = arith.constant 384 : index
    %get3A_102 = tpu.vector_load %arg10[%get3A_101] {strides = array<i32>} : memref<512xf32, #tpu.memory_space<vmem>>, vector<16xf32>,
    %get3A_103 = vector.shape_cast %get3A_102 : vector<16xf32> to vector<16xf32>
    %add3A_104 = arith.addf %add3A_100, %get3A_103 : vector<16xf32>
    %get3A_105 = arith.constant 400 : index
    %get3A_106 = tpu.vector_load %arg10[%get3A_105] {strides = array<i32>} : memref<512xf32, #tpu.memory_space<vmem>>, vector<16xf32>,
    %get3A_107 = vector.shape_cast %get3A_106 : vector<16xf32> to vector<16xf32>
    %add3A_108 = arith.addf %add3A_104, %get3A_107 : vector<16xf32>
    %get3A_109 = arith.constant 416 : index
    %get3A_110 = tpu.vector_load %arg10[%get3A_109] {strides = array<i32>} : memref<512xf32, #tpu.memory_space<vmem>>, vector<16xf32>,
    %get3A_111 = vector.shape_cast %get3A_110 : vector<16xf32> to vector<16xf32>
    %add3A_112 = arith.addf %add3A_108, %get3A_111 : vector<16xf32>
    %get3A_113 = arith.constant 432 : index
    %get3A_114 = tpu.vector_load %arg10[%get3A_113] {strides = array<i32>} : memref<512xf32, #tpu.memory_space<vmem>>, vector<16xf32>,
    %get3A_115 = vector.shape_cast %get3A_114 : vector<16xf32> to vector<16xf32>
    %add3A_116 = arith.addf %add3A_112, %get3A_115 : vector<16xf32>
    %get3A_117 = arith.constant 448 : index
    %get3A_118 = tpu.vector_load %arg10[%get3A_117] {strides = array<i32>} : memref<512xf32, #tpu.memory_space<vmem>>, vector<16xf32>,
    %get3A_119 = vector.shape_cast %get3A_118 : vector<16xf32> to vector<16xf32>
    %add3A_120 = arith.addf %add3A_116, %get3A_119 : vector<16xf32>
    %get3A_121 = arith.constant 464 : index
    %get3A_122 = tpu.vector_load %arg10[%get3A_121] {strides = array<i32>} : memref<512xf32, #tpu.memory_space<vmem>>, vector<16xf32>,
    %get3A_123 = vector.shape_cast %get3A_122 : vector<16xf32> to vector<16xf32>
    %add3A_124 = arith.addf %add3A_120, %get3A_123 : vector<16xf32>
    %get3A_125 = arith.constant 480 : index
    %get3A_126 = tpu.vector_load %arg10[%get3A_125] {strides = array<i32>} : memref<512xf32, #tpu.memory_space<vmem>>, vector<16xf32>,
    %get3A_127 = vector.shape_cast %get3A_126 : vector<16xf32> to vector<16xf32>
    %add3A_128 = arith.addf %add3A_124, %get3A_127 : vector<16xf32>
    %get3A_129 = arith.constant 496 : index
    %get3A_130 = tpu.vector_load %arg10[%get3A_129] {strides = array<i32>} : memref<512xf32, #tpu.memory_space<vmem>>, vector<16xf32>,
    %get3A_131 = vector.shape_cast %get3A_130 : vector<16xf32> to vector<16xf32>
    %add3A_132 = arith.addf %add3A_128, %get3A_131 : vector<16xf32>
    %slice3A = vector.extract_strided_slice %add3A_132 {offsets = [0], sizes = [1], strides = [1]} : vector<16xf32> to vector<1xf32>
    %squeeze3A = vector.extract %slice3A[0] : f32 from vector<1xf32>
    %slice3A_133 = vector.extract_strided_slice %add3A_132 {offsets = [1], sizes = [1], strides = [1]} : vector<16xf32> to vector<1xf32>
    %squeeze3A_134 = vector.extract %slice3A_133[0] : f32 from vector<1xf32>
    %add3A_135 = arith.addf %squeeze3A, %squeeze3A_134 : f32
    %slice3A_136 = vector.extract_strided_slice %add3A_132 {offsets = [2], sizes = [1], strides = [1]} : vector<16xf32> to vector<1xf32>
    %squeeze3A_137 = vector.extract %slice3A_136[0] : f32 from vector<1xf32>
    %add3A_138 = arith.addf %add3A_135, %squeeze3A_137 : f32
    %slice3A_139 = vector.extract_strided_slice %add3A_132 {offsets = [3], sizes = [1], strides = [1]} : vector<16xf32> to vector<1xf32>
    %squeeze3A_140 = vector.extract %slice3A_139[0] : f32 from vector<1xf32>
    %add3A_141 = arith.addf %add3A_138, %squeeze3A_140 : f32
    %slice3A_142 = vector.extract_strided_slice %add3A_132 {offsets = [4], sizes = [1], strides = [1]} : vector<16xf32> to vector<1xf32>
    %squeeze3A_143 = vector.extract %slice3A_142[0] : f32 from vector<1xf32>
    %add3A_144 = arith.addf %add3A_141, %squeeze3A_143 : f32
    %slice3A_145 = vector.extract_strided_slice %add3A_132 {offsets = [5], sizes = [1], strides = [1]} : vector<16xf32> to vector<1xf32>
    %squeeze3A_146 = vector.extract %slice3A_145[0] : f32 from vector<1xf32>
    %add3A_147 = arith.addf %add3A_144, %squeeze3A_146 : f32
    %slice3A_148 = vector.extract_strided_slice %add3A_132 {offsets = [6], sizes = [1], strides = [1]} : vector<16xf32> to vector<1xf32>
    %squeeze3A_149 = vector.extract %slice3A_148[0] : f32 from vector<1xf32>
    %add3A_150 = arith.addf %add3A_147, %squeeze3A_149 : f32
    %slice3A_151 = vector.extract_strided_slice %add3A_132 {offsets = [7], sizes = [1], strides = [1]} : vector<16xf32> to vector<1xf32>
    %squeeze3A_152 = vector.extract %slice3A_151[0] : f32 from vector<1xf32>
    %add3A_153 = arith.addf %add3A_150, %squeeze3A_152 : f32
    %slice3A_154 = vector.extract_strided_slice %add3A_132 {offsets = [8], sizes = [1], strides = [1]} : vector<16xf32> to vector<1xf32>
    %squeeze3A_155 = vector.extract %slice3A_154[0] : f32 from vector<1xf32>
    %add3A_156 = arith.addf %add3A_153, %squeeze3A_155 : f32
    %slice3A_157 = vector.extract_strided_slice %add3A_132 {offsets = [9], sizes = [1], strides = [1]} : vector<16xf32> to vector<1xf32>
    %squeeze3A_158 = vector.extract %slice3A_157[0] : f32 from vector<1xf32>
    %add3A_159 = arith.addf %add3A_156, %squeeze3A_158 : f32
    %slice3A_160 = vector.extract_strided_slice %add3A_132 {offsets = [10], sizes = [1], strides = [1]} : vector<16xf32> to vector<1xf32>
    %squeeze3A_161 = vector.extract %slice3A_160[0] : f32 from vector<1xf32>
    %add3A_162 = arith.addf %add3A_159, %squeeze3A_161 : f32
    %slice3A_163 = vector.extract_strided_slice %add3A_132 {offsets = [11], sizes = [1], strides = [1]} : vector<16xf32> to vector<1xf32>
    %squeeze3A_164 = vector.extract %slice3A_163[0] : f32 from vector<1xf32>
    %add3A_165 = arith.addf %add3A_162, %squeeze3A_164 : f32
    %slice3A_166 = vector.extract_strided_slice %add3A_132 {offsets = [12], sizes = [1], strides = [1]} : vector<16xf32> to vector<1xf32>
    %squeeze3A_167 = vector.extract %slice3A_166[0] : f32 from vector<1xf32>
    %add3A_168 = arith.addf %add3A_165, %squeeze3A_167 : f32
    %slice3A_169 = vector.extract_strided_slice %add3A_132 {offsets = [13], sizes = [1], strides = [1]} : vector<16xf32> to vector<1xf32>
    %squeeze3A_170 = vector.extract %slice3A_169[0] : f32 from vector<1xf32>
    %add3A_171 = arith.addf %add3A_168, %squeeze3A_170 : f32
    %slice3A_172 = vector.extract_strided_slice %add3A_132 {offsets = [14], sizes = [1], strides = [1]} : vector<16xf32> to vector<1xf32>
    %squeeze3A_173 = vector.extract %slice3A_172[0] : f32 from vector<1xf32>
    %add3A_174 = arith.addf %add3A_171, %squeeze3A_173 : f32
    %slice3A_175 = vector.extract_strided_slice %add3A_132 {offsets = [15], sizes = [1], strides = [1]} : vector<16xf32> to vector<1xf32>
    %squeeze3A_176 = vector.extract %slice3A_175[0] : f32 from vector<1xf32>
    %add3A_177 = arith.addf %add3A_174, %squeeze3A_176 : f32
    %get3A_178 = arith.constant 0 : i32
    %get3A_179 = arith.index_cast %get3A_178 : i32 to index
    %get3A_180 = arith.constant 0 : index
    %get3A_181 = tpu.vector_load %arg13[%get3A_179, %get3A_180] {strides = array<i32>} : memref<2x16xf32, #tpu.memory_space<vmem>>, vector<1x16xf32>,
    %get3A_182 = vector.shape_cast %get3A_181 : vector<1x16xf32> to vector<16xf32>
    %get3A_183 = arith.constant 1 : i32
    %get3A_184 = arith.index_cast %get3A_183 : i32 to index
    %get3A_185 = arith.constant 0 : index
    %get3A_186 = tpu.vector_load %arg13[%get3A_184, %get3A_185] {strides = array<i32>} : memref<2x16xf32, #tpu.memory_space<vmem>>, vector<1x16xf32>,
    %get3A_187 = vector.shape_cast %get3A_186 : vector<1x16xf32> to vector<16xf32>
    %dma_wait3A = arith.constant 0 : i32
    %dma_wait3A_188 = tpu.memref_slice %arg4[%dma_wait3A] : memref<1000000xf32, #tpu.memory_space<hbm>> -> memref<1000000xf32, #tpu.memory_space<hbm>>
    tpu.wait_indirect_dma semaphore(%arg15 : memref<!tpu.dma_semaphore, #tpu.memory_space<semaphore_mem>>) src(%dma_wait3A_188 : memref<1000000xf32, #tpu.memory_space<hbm>>) dst(%arg11 : memref<512xf32, #tpu.memory_space<vmem>>)
    %dma_wait3A_189 = arith.constant 0 : i32
    %dma_wait3A_190 = tpu.memref_slice %arg5[%dma_wait3A_189] : memref<1000000xf32, #tpu.memory_space<hbm>> -> memref<1000000xf32, #tpu.memory_space<hbm>>
    tpu.wait_indirect_dma semaphore(%arg15 : memref<!tpu.dma_semaphore, #tpu.memory_space<semaphore_mem>>) src(%dma_wait3A_190 : memref<1000000xf32, #tpu.memory_space<hbm>>) dst(%arg12 : memref<512xf32, #tpu.memory_space<vmem>>)
    %scan3A = arith.constant 0 : i32
    %scan3A_191 = arith.constant 0 : i32
    %scan3A_192 = arith.constant 32 : i32
    %scan3A_193 = arith.addi %scan3A_191, %scan3A_192 : i32
    %scan3A_194 = arith.constant 1 : i32
    scf.for %scan3A_196 = %scan3A_191 to %scan3A_193 step %scan3A_194  : i32 {
      %mul3A_197 = arith.constant 16 : i32
      %mul3A_198 = arith.muli %scan3A_196, %mul3A_197 : i32
      %get3A_199 = arith.index_cast %mul3A_198 : i32 to index
      %get3A_200 = tpu.vector_load %arg11[%get3A_199] {strides = array<i32>} : memref<512xf32, #tpu.memory_space<vmem>>, vector<16xf32>,
      %get3A_201 = vector.shape_cast %get3A_200 : vector<16xf32> to vector<16xf32>
      %add3A_202 = vector.broadcast %add3A_177 : f32 to vector<16xf32>
      %add3A_203 = arith.addf %add3A_202, %get3A_201 : vector<16xf32>
      %get3A_204 = arith.index_cast %mul3A_198 : i32 to index
      %get3A_205 = tpu.vector_load %arg12[%get3A_204] {strides = array<i32>} : memref<512xf32, #tpu.memory_space<vmem>>, vector<16xf32>,
      %get3A_206 = vector.shape_cast %get3A_205 : vector<16xf32> to vector<16xf32>
      %add3A_207 = arith.addf %add3A_203, %get3A_206 : vector<16xf32>
      %mul3A_208 = arith.mulf %add3A_207, %get3A_182 : vector<16xf32>
      %add3A_209 = arith.addf %mul3A_208, %get3A_187 : vector<16xf32>
      %neg3A = arith.constant 0.000000e+00 : f32
      %neg3A_210 = vector.broadcast %neg3A : f32 to vector<16xf32>
      %neg3A_211 = arith.subf %neg3A_210, %add3A_209 : vector<16xf32>
      %exp3A = math.exp %neg3A_211 : vector<16xf32>
      %add3A_212 = arith.constant 1.000000e+00 : f32
      %add3A_213 = vector.broadcast %add3A_212 : f32 to vector<16xf32>
      %add3A_214 = arith.addf %add3A_213, %exp3A : vector<16xf32>
      %div3A = arith.constant 1.000000e+00 : f32
      %div3A_215 = vector.broadcast %div3A : f32 to vector<16xf32>
      %div3A_216 = arith.divf %div3A_215, %add3A_214 : vector<16xf32>
      %swap3A = arith.index_cast %mul3A_198 : i32 to index
      %swap3A_217 = tpu.vector_load %arg14[%swap3A] {strides = array<i32>} : memref<512xf32, #tpu.memory_space<vmem>>, vector<16xf32>,
      %swap3A_218 = vector.shape_cast %swap3A_217 : vector<16xf32> to vector<16xf32>
      %swap3A_219 = vector.shape_cast %div3A_216 : vector<16xf32> to vector<16xf32>
      tpu.vector_store %arg14[%swap3A], %swap3A_219 {strides = array<i32>} : memref<512xf32, #tpu.memory_space<vmem>>, vector<16xf32>,
    }
    %scan3A_195 = arith.constant 32 : i32
    "tpu.region"() ({
      %run_scoped3A_196 = tpu.sem_alloc : memref<!tpu.dma_semaphore, #tpu.memory_space<semaphore_mem>>
      %dma_start3A_197 = tpu.memref_slice %arg7[%mul3A_2] : memref<16384xf32, #tpu.memory_space<hbm>> -> memref<512xf32, #tpu.memory_space<hbm>>
      %dma_start3A_198 = tpu.memref_slice %arg7[%mul3A_2] : memref<16384xf32, #tpu.memory_space<hbm>> -> memref<512xf32, #tpu.memory_space<hbm>>
      tpu.enqueue_dma source(%arg14 : memref<512xf32, #tpu.memory_space<vmem>>) target(%dma_start3A_198 : memref<512xf32, #tpu.memory_space<hbm>>) target_semaphore(%run_scoped3A_196 : memref<!tpu.dma_semaphore, #tpu.memory_space<semaphore_mem>>)
      %dma_wait3A_199 = tpu.memref_slice %arg7[%mul3A_2] : memref<16384xf32, #tpu.memory_space<hbm>> -> memref<512xf32, #tpu.memory_space<hbm>>
      %dma_wait3A_200 = tpu.memref_slice %arg7[%mul3A_2] : memref<16384xf32, #tpu.memory_space<hbm>> -> memref<512xf32, #tpu.memory_space<hbm>>
      tpu.wait_dma2 semaphore(%run_scoped3A_196 : memref<!tpu.dma_semaphore, #tpu.memory_space<semaphore_mem>>) src(%arg14 : memref<512xf32, #tpu.memory_space<vmem>>) dst(%dma_wait3A_200 : memref<512xf32, #tpu.memory_space<hbm>>)
      tpu.yield
    }) : () -> ()
    return
  }
}

#map = affine_map<(d0, d1) -> (0, 0)>
#map1 = affine_map<(d0, d1) -> (0)>
module attributes {stable_mosaic.version = 14 : i64} {
  func.func @_gather_body(%arg0: i32, %arg1: i32, %arg2: memref<2x16384xi32, #tpu.memory_space<hbm>>, %arg3: memref<16x1000000xf32, #tpu.memory_space<hbm>>, %arg4: memref<16x1000000xf32, #tpu.memory_space<hbm>>, %arg5: memref<512xf32, #tpu.memory_space<hbm>>, %arg6: memref<512xi32, #tpu.memory_space<vmem>>, %arg7: memref<512xi32, #tpu.memory_space<vmem>>, %arg8: memref<8x16x128xf32, #tpu.memory_space<vmem>>, %arg9: memref<8x16x128xf32, #tpu.memory_space<vmem>>, %arg10: memref<8x16x128xf32, #tpu.memory_space<vmem>>, %arg11: memref<8x16x128xf32, #tpu.memory_space<vmem>>, %arg12: memref<16xf32, #tpu.memory_space<vmem>>, %arg13: memref<!tpu.dma_semaphore, #tpu.memory_space<semaphore_mem>>, %arg14: memref<!tpu.dma_semaphore, #tpu.memory_space<semaphore_mem>>, %arg15: memref<!tpu.dma_semaphore, #tpu.memory_space<semaphore_mem>>, %arg16: memref<!tpu.dma_semaphore, #tpu.memory_space<semaphore_mem>>) attributes {dimension_semantics = [#tpu.dimension_semantics<core_parallel>, #tpu.dimension_semantics<subcore_parallel>], iteration_bounds = array<i64: 2, 16>, scalar_prefetch = 0 : i64, scratch_operands = 11 : i64, tpu.core_type = #tpu.core_type<sc_vector_subcore>, window_params = [{transform_indices = #map}, {transform_indices = #map}, {transform_indices = #map}, {transform_indices = #map1}]} {
    %mul3A = arith.constant 2 : i32
    %mul3A_0 = arith.muli %arg1, %mul3A : i32
    %add3A = arith.addi %mul3A_0, %arg0 : i32
    %mul3A_1 = arith.constant 512 : i32
    %mul3A_2 = arith.muli %add3A, %mul3A_1 : i32
    %run_scoped3A = arith.constant 0 : i32
    "tpu.region"() ({
      %run_scoped3A_676 = tpu.sem_alloc : memref<!tpu.dma_semaphore, #tpu.memory_space<semaphore_mem>>
      %dma_start3A_677 = tpu.memref_slice %arg2[%run_scoped3A, %mul3A_2] : memref<2x16384xi32, #tpu.memory_space<hbm>> -> memref<1x512xi32, #tpu.memory_space<hbm>>
      %dma_start3A_678 = tpu.memref_squeeze %dma_start3A_677 : memref<1x512xi32, #tpu.memory_space<hbm>> -> memref<512xi32, #tpu.memory_space<hbm>>
      %dma_start3A_679 = tpu.memref_slice %arg2[%run_scoped3A, %mul3A_2] : memref<2x16384xi32, #tpu.memory_space<hbm>> -> memref<1x512xi32, #tpu.memory_space<hbm>>
      %dma_start3A_680 = tpu.memref_squeeze %dma_start3A_679 : memref<1x512xi32, #tpu.memory_space<hbm>> -> memref<512xi32, #tpu.memory_space<hbm>>
      tpu.enqueue_dma source(%dma_start3A_680 : memref<512xi32, #tpu.memory_space<hbm>>) target(%arg6 : memref<512xi32, #tpu.memory_space<vmem>>) target_semaphore(%run_scoped3A_676 : memref<!tpu.dma_semaphore, #tpu.memory_space<semaphore_mem>>)
      %dma_wait3A = tpu.memref_slice %arg2[%run_scoped3A, %mul3A_2] : memref<2x16384xi32, #tpu.memory_space<hbm>> -> memref<1x512xi32, #tpu.memory_space<hbm>>
      %dma_wait3A_681 = tpu.memref_squeeze %dma_wait3A : memref<1x512xi32, #tpu.memory_space<hbm>> -> memref<512xi32, #tpu.memory_space<hbm>>
      %dma_wait3A_682 = tpu.memref_slice %arg2[%run_scoped3A, %mul3A_2] : memref<2x16384xi32, #tpu.memory_space<hbm>> -> memref<1x512xi32, #tpu.memory_space<hbm>>
      %dma_wait3A_683 = tpu.memref_squeeze %dma_wait3A_682 : memref<1x512xi32, #tpu.memory_space<hbm>> -> memref<512xi32, #tpu.memory_space<hbm>>
      tpu.wait_dma2 semaphore(%run_scoped3A_676 : memref<!tpu.dma_semaphore, #tpu.memory_space<semaphore_mem>>) src(%dma_wait3A_683 : memref<512xi32, #tpu.memory_space<hbm>>) dst(%arg6 : memref<512xi32, #tpu.memory_space<vmem>>)
      tpu.yield
    }) : () -> ()
    %run_scoped3A_3 = arith.constant 1 : i32
    "tpu.region"() ({
      %run_scoped3A_676 = tpu.sem_alloc : memref<!tpu.dma_semaphore, #tpu.memory_space<semaphore_mem>>
      %dma_start3A_677 = tpu.memref_slice %arg2[%run_scoped3A_3, %mul3A_2] : memref<2x16384xi32, #tpu.memory_space<hbm>> -> memref<1x512xi32, #tpu.memory_space<hbm>>
      %dma_start3A_678 = tpu.memref_squeeze %dma_start3A_677 : memref<1x512xi32, #tpu.memory_space<hbm>> -> memref<512xi32, #tpu.memory_space<hbm>>
      %dma_start3A_679 = tpu.memref_slice %arg2[%run_scoped3A_3, %mul3A_2] : memref<2x16384xi32, #tpu.memory_space<hbm>> -> memref<1x512xi32, #tpu.memory_space<hbm>>
      %dma_start3A_680 = tpu.memref_squeeze %dma_start3A_679 : memref<1x512xi32, #tpu.memory_space<hbm>> -> memref<512xi32, #tpu.memory_space<hbm>>
      tpu.enqueue_dma source(%dma_start3A_680 : memref<512xi32, #tpu.memory_space<hbm>>) target(%arg7 : memref<512xi32, #tpu.memory_space<vmem>>) target_semaphore(%run_scoped3A_676 : memref<!tpu.dma_semaphore, #tpu.memory_space<semaphore_mem>>)
      %dma_wait3A = tpu.memref_slice %arg2[%run_scoped3A_3, %mul3A_2] : memref<2x16384xi32, #tpu.memory_space<hbm>> -> memref<1x512xi32, #tpu.memory_space<hbm>>
      %dma_wait3A_681 = tpu.memref_squeeze %dma_wait3A : memref<1x512xi32, #tpu.memory_space<hbm>> -> memref<512xi32, #tpu.memory_space<hbm>>
      %dma_wait3A_682 = tpu.memref_slice %arg2[%run_scoped3A_3, %mul3A_2] : memref<2x16384xi32, #tpu.memory_space<hbm>> -> memref<1x512xi32, #tpu.memory_space<hbm>>
      %dma_wait3A_683 = tpu.memref_squeeze %dma_wait3A_682 : memref<1x512xi32, #tpu.memory_space<hbm>> -> memref<512xi32, #tpu.memory_space<hbm>>
      tpu.wait_dma2 semaphore(%run_scoped3A_676 : memref<!tpu.dma_semaphore, #tpu.memory_space<semaphore_mem>>) src(%dma_wait3A_683 : memref<512xi32, #tpu.memory_space<hbm>>) dst(%arg7 : memref<512xi32, #tpu.memory_space<vmem>>)
      tpu.yield
    }) : () -> ()
    %iota3A = tpu.iota {dimensions = array<i32: 0>} : vector<16xi32>
    %get3A = arith.constant 0 : index
    %get3A_4 = tpu.vector_load %arg6[%get3A] {strides = array<i32>} : memref<512xi32, #tpu.memory_space<vmem>>, vector<16xi32>,
    %get3A_5 = arith.constant 0 : index
    %get3A_6 = tpu.vector_load %arg7[%get3A_5] {strides = array<i32>} : memref<512xi32, #tpu.memory_space<vmem>>, vector<16xi32>,
    %slice3A = vector.extract_strided_slice %get3A_4 {offsets = [0], sizes = [1], strides = [1]} : vector<16xi32> to vector<1xi32>
    %squeeze3A = vector.extract %slice3A[0] : i32 from vector<1xi32>
    %jit3A = arith.constant 128 : i32
    %div3A = arith.divsi %squeeze3A, %jit3A : i32
    %sign3A = arith.constant 0 : i32
    %sign3A_7 = arith.cmpi sgt, %squeeze3A, %sign3A : i32
    %sign3A_8 = arith.extui %sign3A_7 : i1 to i32
    %sign3A_9 = arith.constant 0 : i32
    %sign3A_10 = arith.cmpi slt, %squeeze3A, %sign3A_9 : i32
    %sign3A_11 = arith.extui %sign3A_10 : i1 to i32
    %sign3A_12 = arith.subi %sign3A_8, %sign3A_11 : i32
    %sign3A_13 = arith.constant 0 : i32
    %sign3A_14 = arith.cmpi sgt, %jit3A, %sign3A_13 : i32
    %sign3A_15 = arith.extui %sign3A_14 : i1 to i32
    %sign3A_16 = arith.constant 0 : i32
    %sign3A_17 = arith.cmpi slt, %jit3A, %sign3A_16 : i32
    %sign3A_18 = arith.extui %sign3A_17 : i1 to i32
    %sign3A_19 = arith.subi %sign3A_15, %sign3A_18 : i32
    %ne3A = arith.cmpi ne, %sign3A_12, %sign3A_19 : i32
    %rem3A = arith.remsi %squeeze3A, %jit3A : i32
    %ne3A_20 = arith.constant 0 : i32
    %ne3A_21 = arith.cmpi ne, %rem3A, %ne3A_20 : i32
    %and3A = arith.andi %ne3A, %ne3A_21 : i1
    %sub3A = arith.constant 1 : i32
    %sub3A_22 = arith.subi %div3A, %sub3A : i32
    %select_n3A = arith.select %and3A, %sub3A_22, %div3A : i32
    %mul3A_23 = arith.constant 128 : i32
    %mul3A_24 = arith.muli %select_n3A, %mul3A_23 : i32
    %multiple_of3A = tpu.assume_multiple %mul3A_24, 128 : i32
    %dma_start3A = arith.constant 0 : i32
    %dma_start3A_25 = arith.constant 0 : i32
    %dma_start3A_26 = arith.constant 0 : i32
    %dma_start3A_27 = tpu.memref_slice %arg8[%dma_start3A, %dma_start3A_25, %dma_start3A_26] : memref<8x16x128xf32, #tpu.memory_space<vmem>> -> memref<1x16x128xf32, #tpu.memory_space<vmem>>
    %dma_start3A_28 = tpu.memref_squeeze %dma_start3A_27 : memref<1x16x128xf32, #tpu.memory_space<vmem>> -> memref<16x128xf32, #tpu.memory_space<vmem>>
    %dma_start3A_29 = arith.constant 0 : i32
    %dma_start3A_30 = tpu.memref_slice %arg3[%dma_start3A_29, %multiple_of3A] : memref<16x1000000xf32, #tpu.memory_space<hbm>> -> memref<16x128xf32, #tpu.memory_space<hbm>>
    %dma_start3A_31 = arith.constant 0 : i32
    %dma_start3A_32 = arith.constant 0 : i32
    %dma_start3A_33 = tpu.memref_slice %arg8[%dma_start3A, %dma_start3A_31, %dma_start3A_32] : memref<8x16x128xf32, #tpu.memory_space<vmem>> -> memref<1x16x128xf32, #tpu.memory_space<vmem>>
    %dma_start3A_34 = tpu.memref_squeeze %dma_start3A_33 : memref<1x16x128xf32, #tpu.memory_space<vmem>> -> memref<16x128xf32, #tpu.memory_space<vmem>>
    %dma_start3A_35 = arith.constant 0 : i32
    %dma_start3A_36 = tpu.memref_slice %arg3[%dma_start3A_35, %multiple_of3A] : memref<16x1000000xf32, #tpu.memory_space<hbm>> -> memref<16x128xf32, #tpu.memory_space<hbm>>
    tpu.enqueue_dma source(%dma_start3A_36 : memref<16x128xf32, #tpu.memory_space<hbm>>) target(%dma_start3A_34 : memref<16x128xf32, #tpu.memory_space<vmem>>) target_semaphore(%arg13 : memref<!tpu.dma_semaphore, #tpu.memory_space<semaphore_mem>>)
    %slice3A_37 = vector.extract_strided_slice %get3A_4 {offsets = [1], sizes = [1], strides = [1]} : vector<16xi32> to vector<1xi32>
    %squeeze3A_38 = vector.extract %slice3A_37[0] : i32 from vector<1xi32>
    %jit3A_39 = arith.constant 128 : i32
    %div3A_40 = arith.divsi %squeeze3A_38, %jit3A_39 : i32
    %sign3A_41 = arith.constant 0 : i32
    %sign3A_42 = arith.cmpi sgt, %squeeze3A_38, %sign3A_41 : i32
    %sign3A_43 = arith.extui %sign3A_42 : i1 to i32
    %sign3A_44 = arith.constant 0 : i32
    %sign3A_45 = arith.cmpi slt, %squeeze3A_38, %sign3A_44 : i32
    %sign3A_46 = arith.extui %sign3A_45 : i1 to i32
    %sign3A_47 = arith.subi %sign3A_43, %sign3A_46 : i32
    %sign3A_48 = arith.constant 0 : i32
    %sign3A_49 = arith.cmpi sgt, %jit3A_39, %sign3A_48 : i32
    %sign3A_50 = arith.extui %sign3A_49 : i1 to i32
    %sign3A_51 = arith.constant 0 : i32
    %sign3A_52 = arith.cmpi slt, %jit3A_39, %sign3A_51 : i32
    %sign3A_53 = arith.extui %sign3A_52 : i1 to i32
    %sign3A_54 = arith.subi %sign3A_50, %sign3A_53 : i32
    %ne3A_55 = arith.cmpi ne, %sign3A_47, %sign3A_54 : i32
    %rem3A_56 = arith.remsi %squeeze3A_38, %jit3A_39 : i32
    %ne3A_57 = arith.constant 0 : i32
    %ne3A_58 = arith.cmpi ne, %rem3A_56, %ne3A_57 : i32
    %and3A_59 = arith.andi %ne3A_55, %ne3A_58 : i1
    %sub3A_60 = arith.constant 1 : i32
    %sub3A_61 = arith.subi %div3A_40, %sub3A_60 : i32
    %select_n3A_62 = arith.select %and3A_59, %sub3A_61, %div3A_40 : i32
    %mul3A_63 = arith.constant 128 : i32
    %mul3A_64 = arith.muli %select_n3A_62, %mul3A_63 : i32
    %multiple_of3A_65 = tpu.assume_multiple %mul3A_64, 128 : i32
    %dma_start3A_66 = arith.constant 1 : i32
    %dma_start3A_67 = arith.constant 0 : i32
    %dma_start3A_68 = arith.constant 0 : i32
    %dma_start3A_69 = tpu.memref_slice %arg8[%dma_start3A_66, %dma_start3A_67, %dma_start3A_68] : memref<8x16x128xf32, #tpu.memory_space<vmem>> -> memref<1x16x128xf32, #tpu.memory_space<vmem>>
    %dma_start3A_70 = tpu.memref_squeeze %dma_start3A_69 : memref<1x16x128xf32, #tpu.memory_space<vmem>> -> memref<16x128xf32, #tpu.memory_space<vmem>>
    %dma_start3A_71 = arith.constant 0 : i32
    %dma_start3A_72 = tpu.memref_slice %arg3[%dma_start3A_71, %multiple_of3A_65] : memref<16x1000000xf32, #tpu.memory_space<hbm>> -> memref<16x128xf32, #tpu.memory_space<hbm>>
    %dma_start3A_73 = arith.constant 0 : i32
    %dma_start3A_74 = arith.constant 0 : i32
    %dma_start3A_75 = tpu.memref_slice %arg8[%dma_start3A_66, %dma_start3A_73, %dma_start3A_74] : memref<8x16x128xf32, #tpu.memory_space<vmem>> -> memref<1x16x128xf32, #tpu.memory_space<vmem>>
    %dma_start3A_76 = tpu.memref_squeeze %dma_start3A_75 : memref<1x16x128xf32, #tpu.memory_space<vmem>> -> memref<16x128xf32, #tpu.memory_space<vmem>>
    %dma_start3A_77 = arith.constant 0 : i32
    %dma_start3A_78 = tpu.memref_slice %arg3[%dma_start3A_77, %multiple_of3A_65] : memref<16x1000000xf32, #tpu.memory_space<hbm>> -> memref<16x128xf32, #tpu.memory_space<hbm>>
    tpu.enqueue_dma source(%dma_start3A_78 : memref<16x128xf32, #tpu.memory_space<hbm>>) target(%dma_start3A_76 : memref<16x128xf32, #tpu.memory_space<vmem>>) target_semaphore(%arg13 : memref<!tpu.dma_semaphore, #tpu.memory_space<semaphore_mem>>)
    %slice3A_79 = vector.extract_strided_slice %get3A_4 {offsets = [2], sizes = [1], strides = [1]} : vector<16xi32> to vector<1xi32>
    %squeeze3A_80 = vector.extract %slice3A_79[0] : i32 from vector<1xi32>
    %jit3A_81 = arith.constant 128 : i32
    %div3A_82 = arith.divsi %squeeze3A_80, %jit3A_81 : i32
    %sign3A_83 = arith.constant 0 : i32
    %sign3A_84 = arith.cmpi sgt, %squeeze3A_80, %sign3A_83 : i32
    %sign3A_85 = arith.extui %sign3A_84 : i1 to i32
    %sign3A_86 = arith.constant 0 : i32
    %sign3A_87 = arith.cmpi slt, %squeeze3A_80, %sign3A_86 : i32
    %sign3A_88 = arith.extui %sign3A_87 : i1 to i32
    %sign3A_89 = arith.subi %sign3A_85, %sign3A_88 : i32
    %sign3A_90 = arith.constant 0 : i32
    %sign3A_91 = arith.cmpi sgt, %jit3A_81, %sign3A_90 : i32
    %sign3A_92 = arith.extui %sign3A_91 : i1 to i32
    %sign3A_93 = arith.constant 0 : i32
    %sign3A_94 = arith.cmpi slt, %jit3A_81, %sign3A_93 : i32
    %sign3A_95 = arith.extui %sign3A_94 : i1 to i32
    %sign3A_96 = arith.subi %sign3A_92, %sign3A_95 : i32
    %ne3A_97 = arith.cmpi ne, %sign3A_89, %sign3A_96 : i32
    %rem3A_98 = arith.remsi %squeeze3A_80, %jit3A_81 : i32
    %ne3A_99 = arith.constant 0 : i32
    %ne3A_100 = arith.cmpi ne, %rem3A_98, %ne3A_99 : i32
    %and3A_101 = arith.andi %ne3A_97, %ne3A_100 : i1
    %sub3A_102 = arith.constant 1 : i32
    %sub3A_103 = arith.subi %div3A_82, %sub3A_102 : i32
    %select_n3A_104 = arith.select %and3A_101, %sub3A_103, %div3A_82 : i32
    %mul3A_105 = arith.constant 128 : i32
    %mul3A_106 = arith.muli %select_n3A_104, %mul3A_105 : i32
    %multiple_of3A_107 = tpu.assume_multiple %mul3A_106, 128 : i32
    %dma_start3A_108 = arith.constant 2 : i32
    %dma_start3A_109 = arith.constant 0 : i32
    %dma_start3A_110 = arith.constant 0 : i32
    %dma_start3A_111 = tpu.memref_slice %arg8[%dma_start3A_108, %dma_start3A_109, %dma_start3A_110] : memref<8x16x128xf32, #tpu.memory_space<vmem>> -> memref<1x16x128xf32, #tpu.memory_space<vmem>>
    %dma_start3A_112 = tpu.memref_squeeze %dma_start3A_111 : memref<1x16x128xf32, #tpu.memory_space<vmem>> -> memref<16x128xf32, #tpu.memory_space<vmem>>
    %dma_start3A_113 = arith.constant 0 : i32
    %dma_start3A_114 = tpu.memref_slice %arg3[%dma_start3A_113, %multiple_of3A_107] : memref<16x1000000xf32, #tpu.memory_space<hbm>> -> memref<16x128xf32, #tpu.memory_space<hbm>>
    %dma_start3A_115 = arith.constant 0 : i32
    %dma_start3A_116 = arith.constant 0 : i32
    %dma_start3A_117 = tpu.memref_slice %arg8[%dma_start3A_108, %dma_start3A_115, %dma_start3A_116] : memref<8x16x128xf32, #tpu.memory_space<vmem>> -> memref<1x16x128xf32, #tpu.memory_space<vmem>>
    %dma_start3A_118 = tpu.memref_squeeze %dma_start3A_117 : memref<1x16x128xf32, #tpu.memory_space<vmem>> -> memref<16x128xf32, #tpu.memory_space<vmem>>
    %dma_start3A_119 = arith.constant 0 : i32
    %dma_start3A_120 = tpu.memref_slice %arg3[%dma_start3A_119, %multiple_of3A_107] : memref<16x1000000xf32, #tpu.memory_space<hbm>> -> memref<16x128xf32, #tpu.memory_space<hbm>>
    tpu.enqueue_dma source(%dma_start3A_120 : memref<16x128xf32, #tpu.memory_space<hbm>>) target(%dma_start3A_118 : memref<16x128xf32, #tpu.memory_space<vmem>>) target_semaphore(%arg13 : memref<!tpu.dma_semaphore, #tpu.memory_space<semaphore_mem>>)
    %slice3A_121 = vector.extract_strided_slice %get3A_4 {offsets = [3], sizes = [1], strides = [1]} : vector<16xi32> to vector<1xi32>
    %squeeze3A_122 = vector.extract %slice3A_121[0] : i32 from vector<1xi32>
    %jit3A_123 = arith.constant 128 : i32
    %div3A_124 = arith.divsi %squeeze3A_122, %jit3A_123 : i32
    %sign3A_125 = arith.constant 0 : i32
    %sign3A_126 = arith.cmpi sgt, %squeeze3A_122, %sign3A_125 : i32
    %sign3A_127 = arith.extui %sign3A_126 : i1 to i32
    %sign3A_128 = arith.constant 0 : i32
    %sign3A_129 = arith.cmpi slt, %squeeze3A_122, %sign3A_128 : i32
    %sign3A_130 = arith.extui %sign3A_129 : i1 to i32
    %sign3A_131 = arith.subi %sign3A_127, %sign3A_130 : i32
    %sign3A_132 = arith.constant 0 : i32
    %sign3A_133 = arith.cmpi sgt, %jit3A_123, %sign3A_132 : i32
    %sign3A_134 = arith.extui %sign3A_133 : i1 to i32
    %sign3A_135 = arith.constant 0 : i32
    %sign3A_136 = arith.cmpi slt, %jit3A_123, %sign3A_135 : i32
    %sign3A_137 = arith.extui %sign3A_136 : i1 to i32
    %sign3A_138 = arith.subi %sign3A_134, %sign3A_137 : i32
    %ne3A_139 = arith.cmpi ne, %sign3A_131, %sign3A_138 : i32
    %rem3A_140 = arith.remsi %squeeze3A_122, %jit3A_123 : i32
    %ne3A_141 = arith.constant 0 : i32
    %ne3A_142 = arith.cmpi ne, %rem3A_140, %ne3A_141 : i32
    %and3A_143 = arith.andi %ne3A_139, %ne3A_142 : i1
    %sub3A_144 = arith.constant 1 : i32
    %sub3A_145 = arith.subi %div3A_124, %sub3A_144 : i32
    %select_n3A_146 = arith.select %and3A_143, %sub3A_145, %div3A_124 : i32
    %mul3A_147 = arith.constant 128 : i32
    %mul3A_148 = arith.muli %select_n3A_146, %mul3A_147 : i32
    %multiple_of3A_149 = tpu.assume_multiple %mul3A_148, 128 : i32
    %dma_start3A_150 = arith.constant 3 : i32
    %dma_start3A_151 = arith.constant 0 : i32
    %dma_start3A_152 = arith.constant 0 : i32
    %dma_start3A_153 = tpu.memref_slice %arg8[%dma_start3A_150, %dma_start3A_151, %dma_start3A_152] : memref<8x16x128xf32, #tpu.memory_space<vmem>> -> memref<1x16x128xf32, #tpu.memory_space<vmem>>
    %dma_start3A_154 = tpu.memref_squeeze %dma_start3A_153 : memref<1x16x128xf32, #tpu.memory_space<vmem>> -> memref<16x128xf32, #tpu.memory_space<vmem>>
    %dma_start3A_155 = arith.constant 0 : i32
    %dma_start3A_156 = tpu.memref_slice %arg3[%dma_start3A_155, %multiple_of3A_149] : memref<16x1000000xf32, #tpu.memory_space<hbm>> -> memref<16x128xf32, #tpu.memory_space<hbm>>
    %dma_start3A_157 = arith.constant 0 : i32
    %dma_start3A_158 = arith.constant 0 : i32
    %dma_start3A_159 = tpu.memref_slice %arg8[%dma_start3A_150, %dma_start3A_157, %dma_start3A_158] : memref<8x16x128xf32, #tpu.memory_space<vmem>> -> memref<1x16x128xf32, #tpu.memory_space<vmem>>
    %dma_start3A_160 = tpu.memref_squeeze %dma_start3A_159 : memref<1x16x128xf32, #tpu.memory_space<vmem>> -> memref<16x128xf32, #tpu.memory_space<vmem>>
    %dma_start3A_161 = arith.constant 0 : i32
    %dma_start3A_162 = tpu.memref_slice %arg3[%dma_start3A_161, %multiple_of3A_149] : memref<16x1000000xf32, #tpu.memory_space<hbm>> -> memref<16x128xf32, #tpu.memory_space<hbm>>
    tpu.enqueue_dma source(%dma_start3A_162 : memref<16x128xf32, #tpu.memory_space<hbm>>) target(%dma_start3A_160 : memref<16x128xf32, #tpu.memory_space<vmem>>) target_semaphore(%arg13 : memref<!tpu.dma_semaphore, #tpu.memory_space<semaphore_mem>>)
    %slice3A_163 = vector.extract_strided_slice %get3A_4 {offsets = [4], sizes = [1], strides = [1]} : vector<16xi32> to vector<1xi32>
    %squeeze3A_164 = vector.extract %slice3A_163[0] : i32 from vector<1xi32>
    %jit3A_165 = arith.constant 128 : i32
    %div3A_166 = arith.divsi %squeeze3A_164, %jit3A_165 : i32
    %sign3A_167 = arith.constant 0 : i32
    %sign3A_168 = arith.cmpi sgt, %squeeze3A_164, %sign3A_167 : i32
    %sign3A_169 = arith.extui %sign3A_168 : i1 to i32
    %sign3A_170 = arith.constant 0 : i32
    %sign3A_171 = arith.cmpi slt, %squeeze3A_164, %sign3A_170 : i32
    %sign3A_172 = arith.extui %sign3A_171 : i1 to i32
    %sign3A_173 = arith.subi %sign3A_169, %sign3A_172 : i32
    %sign3A_174 = arith.constant 0 : i32
    %sign3A_175 = arith.cmpi sgt, %jit3A_165, %sign3A_174 : i32
    %sign3A_176 = arith.extui %sign3A_175 : i1 to i32
    %sign3A_177 = arith.constant 0 : i32
    %sign3A_178 = arith.cmpi slt, %jit3A_165, %sign3A_177 : i32
    %sign3A_179 = arith.extui %sign3A_178 : i1 to i32
    %sign3A_180 = arith.subi %sign3A_176, %sign3A_179 : i32
    %ne3A_181 = arith.cmpi ne, %sign3A_173, %sign3A_180 : i32
    %rem3A_182 = arith.remsi %squeeze3A_164, %jit3A_165 : i32
    %ne3A_183 = arith.constant 0 : i32
    %ne3A_184 = arith.cmpi ne, %rem3A_182, %ne3A_183 : i32
    %and3A_185 = arith.andi %ne3A_181, %ne3A_184 : i1
    %sub3A_186 = arith.constant 1 : i32
    %sub3A_187 = arith.subi %div3A_166, %sub3A_186 : i32
    %select_n3A_188 = arith.select %and3A_185, %sub3A_187, %div3A_166 : i32
    %mul3A_189 = arith.constant 128 : i32
    %mul3A_190 = arith.muli %select_n3A_188, %mul3A_189 : i32
    %multiple_of3A_191 = tpu.assume_multiple %mul3A_190, 128 : i32
    %dma_start3A_192 = arith.constant 4 : i32
    %dma_start3A_193 = arith.constant 0 : i32
    %dma_start3A_194 = arith.constant 0 : i32
    %dma_start3A_195 = tpu.memref_slice %arg8[%dma_start3A_192, %dma_start3A_193, %dma_start3A_194] : memref<8x16x128xf32, #tpu.memory_space<vmem>> -> memref<1x16x128xf32, #tpu.memory_space<vmem>>
    %dma_start3A_196 = tpu.memref_squeeze %dma_start3A_195 : memref<1x16x128xf32, #tpu.memory_space<vmem>> -> memref<16x128xf32, #tpu.memory_space<vmem>>
    %dma_start3A_197 = arith.constant 0 : i32
    %dma_start3A_198 = tpu.memref_slice %arg3[%dma_start3A_197, %multiple_of3A_191] : memref<16x1000000xf32, #tpu.memory_space<hbm>> -> memref<16x128xf32, #tpu.memory_space<hbm>>
    %dma_start3A_199 = arith.constant 0 : i32
    %dma_start3A_200 = arith.constant 0 : i32
    %dma_start3A_201 = tpu.memref_slice %arg8[%dma_start3A_192, %dma_start3A_199, %dma_start3A_200] : memref<8x16x128xf32, #tpu.memory_space<vmem>> -> memref<1x16x128xf32, #tpu.memory_space<vmem>>
    %dma_start3A_202 = tpu.memref_squeeze %dma_start3A_201 : memref<1x16x128xf32, #tpu.memory_space<vmem>> -> memref<16x128xf32, #tpu.memory_space<vmem>>
    %dma_start3A_203 = arith.constant 0 : i32
    %dma_start3A_204 = tpu.memref_slice %arg3[%dma_start3A_203, %multiple_of3A_191] : memref<16x1000000xf32, #tpu.memory_space<hbm>> -> memref<16x128xf32, #tpu.memory_space<hbm>>
    tpu.enqueue_dma source(%dma_start3A_204 : memref<16x128xf32, #tpu.memory_space<hbm>>) target(%dma_start3A_202 : memref<16x128xf32, #tpu.memory_space<vmem>>) target_semaphore(%arg13 : memref<!tpu.dma_semaphore, #tpu.memory_space<semaphore_mem>>)
    %slice3A_205 = vector.extract_strided_slice %get3A_4 {offsets = [5], sizes = [1], strides = [1]} : vector<16xi32> to vector<1xi32>
    %squeeze3A_206 = vector.extract %slice3A_205[0] : i32 from vector<1xi32>
    %jit3A_207 = arith.constant 128 : i32
    %div3A_208 = arith.divsi %squeeze3A_206, %jit3A_207 : i32
    %sign3A_209 = arith.constant 0 : i32
    %sign3A_210 = arith.cmpi sgt, %squeeze3A_206, %sign3A_209 : i32
    %sign3A_211 = arith.extui %sign3A_210 : i1 to i32
    %sign3A_212 = arith.constant 0 : i32
    %sign3A_213 = arith.cmpi slt, %squeeze3A_206, %sign3A_212 : i32
    %sign3A_214 = arith.extui %sign3A_213 : i1 to i32
    %sign3A_215 = arith.subi %sign3A_211, %sign3A_214 : i32
    %sign3A_216 = arith.constant 0 : i32
    %sign3A_217 = arith.cmpi sgt, %jit3A_207, %sign3A_216 : i32
    %sign3A_218 = arith.extui %sign3A_217 : i1 to i32
    %sign3A_219 = arith.constant 0 : i32
    %sign3A_220 = arith.cmpi slt, %jit3A_207, %sign3A_219 : i32
    %sign3A_221 = arith.extui %sign3A_220 : i1 to i32
    %sign3A_222 = arith.subi %sign3A_218, %sign3A_221 : i32
    %ne3A_223 = arith.cmpi ne, %sign3A_215, %sign3A_222 : i32
    %rem3A_224 = arith.remsi %squeeze3A_206, %jit3A_207 : i32
    %ne3A_225 = arith.constant 0 : i32
    %ne3A_226 = arith.cmpi ne, %rem3A_224, %ne3A_225 : i32
    %and3A_227 = arith.andi %ne3A_223, %ne3A_226 : i1
    %sub3A_228 = arith.constant 1 : i32
    %sub3A_229 = arith.subi %div3A_208, %sub3A_228 : i32
    %select_n3A_230 = arith.select %and3A_227, %sub3A_229, %div3A_208 : i32
    %mul3A_231 = arith.constant 128 : i32
    %mul3A_232 = arith.muli %select_n3A_230, %mul3A_231 : i32
    %multiple_of3A_233 = tpu.assume_multiple %mul3A_232, 128 : i32
    %dma_start3A_234 = arith.constant 5 : i32
    %dma_start3A_235 = arith.constant 0 : i32
    %dma_start3A_236 = arith.constant 0 : i32
    %dma_start3A_237 = tpu.memref_slice %arg8[%dma_start3A_234, %dma_start3A_235, %dma_start3A_236] : memref<8x16x128xf32, #tpu.memory_space<vmem>> -> memref<1x16x128xf32, #tpu.memory_space<vmem>>
    %dma_start3A_238 = tpu.memref_squeeze %dma_start3A_237 : memref<1x16x128xf32, #tpu.memory_space<vmem>> -> memref<16x128xf32, #tpu.memory_space<vmem>>
    %dma_start3A_239 = arith.constant 0 : i32
    %dma_start3A_240 = tpu.memref_slice %arg3[%dma_start3A_239, %multiple_of3A_233] : memref<16x1000000xf32, #tpu.memory_space<hbm>> -> memref<16x128xf32, #tpu.memory_space<hbm>>
    %dma_start3A_241 = arith.constant 0 : i32
    %dma_start3A_242 = arith.constant 0 : i32
    %dma_start3A_243 = tpu.memref_slice %arg8[%dma_start3A_234, %dma_start3A_241, %dma_start3A_242] : memref<8x16x128xf32, #tpu.memory_space<vmem>> -> memref<1x16x128xf32, #tpu.memory_space<vmem>>
    %dma_start3A_244 = tpu.memref_squeeze %dma_start3A_243 : memref<1x16x128xf32, #tpu.memory_space<vmem>> -> memref<16x128xf32, #tpu.memory_space<vmem>>
    %dma_start3A_245 = arith.constant 0 : i32
    %dma_start3A_246 = tpu.memref_slice %arg3[%dma_start3A_245, %multiple_of3A_233] : memref<16x1000000xf32, #tpu.memory_space<hbm>> -> memref<16x128xf32, #tpu.memory_space<hbm>>
    tpu.enqueue_dma source(%dma_start3A_246 : memref<16x128xf32, #tpu.memory_space<hbm>>) target(%dma_start3A_244 : memref<16x128xf32, #tpu.memory_space<vmem>>) target_semaphore(%arg13 : memref<!tpu.dma_semaphore, #tpu.memory_space<semaphore_mem>>)
    %slice3A_247 = vector.extract_strided_slice %get3A_4 {offsets = [6], sizes = [1], strides = [1]} : vector<16xi32> to vector<1xi32>
    %squeeze3A_248 = vector.extract %slice3A_247[0] : i32 from vector<1xi32>
    %jit3A_249 = arith.constant 128 : i32
    %div3A_250 = arith.divsi %squeeze3A_248, %jit3A_249 : i32
    %sign3A_251 = arith.constant 0 : i32
    %sign3A_252 = arith.cmpi sgt, %squeeze3A_248, %sign3A_251 : i32
    %sign3A_253 = arith.extui %sign3A_252 : i1 to i32
    %sign3A_254 = arith.constant 0 : i32
    %sign3A_255 = arith.cmpi slt, %squeeze3A_248, %sign3A_254 : i32
    %sign3A_256 = arith.extui %sign3A_255 : i1 to i32
    %sign3A_257 = arith.subi %sign3A_253, %sign3A_256 : i32
    %sign3A_258 = arith.constant 0 : i32
    %sign3A_259 = arith.cmpi sgt, %jit3A_249, %sign3A_258 : i32
    %sign3A_260 = arith.extui %sign3A_259 : i1 to i32
    %sign3A_261 = arith.constant 0 : i32
    %sign3A_262 = arith.cmpi slt, %jit3A_249, %sign3A_261 : i32
    %sign3A_263 = arith.extui %sign3A_262 : i1 to i32
    %sign3A_264 = arith.subi %sign3A_260, %sign3A_263 : i32
    %ne3A_265 = arith.cmpi ne, %sign3A_257, %sign3A_264 : i32
    %rem3A_266 = arith.remsi %squeeze3A_248, %jit3A_249 : i32
    %ne3A_267 = arith.constant 0 : i32
    %ne3A_268 = arith.cmpi ne, %rem3A_266, %ne3A_267 : i32
    %and3A_269 = arith.andi %ne3A_265, %ne3A_268 : i1
    %sub3A_270 = arith.constant 1 : i32
    %sub3A_271 = arith.subi %div3A_250, %sub3A_270 : i32
    %select_n3A_272 = arith.select %and3A_269, %sub3A_271, %div3A_250 : i32
    %mul3A_273 = arith.constant 128 : i32
    %mul3A_274 = arith.muli %select_n3A_272, %mul3A_273 : i32
    %multiple_of3A_275 = tpu.assume_multiple %mul3A_274, 128 : i32
    %dma_start3A_276 = arith.constant 6 : i32
    %dma_start3A_277 = arith.constant 0 : i32
    %dma_start3A_278 = arith.constant 0 : i32
    %dma_start3A_279 = tpu.memref_slice %arg8[%dma_start3A_276, %dma_start3A_277, %dma_start3A_278] : memref<8x16x128xf32, #tpu.memory_space<vmem>> -> memref<1x16x128xf32, #tpu.memory_space<vmem>>
    %dma_start3A_280 = tpu.memref_squeeze %dma_start3A_279 : memref<1x16x128xf32, #tpu.memory_space<vmem>> -> memref<16x128xf32, #tpu.memory_space<vmem>>
    %dma_start3A_281 = arith.constant 0 : i32
    %dma_start3A_282 = tpu.memref_slice %arg3[%dma_start3A_281, %multiple_of3A_275] : memref<16x1000000xf32, #tpu.memory_space<hbm>> -> memref<16x128xf32, #tpu.memory_space<hbm>>
    %dma_start3A_283 = arith.constant 0 : i32
    %dma_start3A_284 = arith.constant 0 : i32
    %dma_start3A_285 = tpu.memref_slice %arg8[%dma_start3A_276, %dma_start3A_283, %dma_start3A_284] : memref<8x16x128xf32, #tpu.memory_space<vmem>> -> memref<1x16x128xf32, #tpu.memory_space<vmem>>
    %dma_start3A_286 = tpu.memref_squeeze %dma_start3A_285 : memref<1x16x128xf32, #tpu.memory_space<vmem>> -> memref<16x128xf32, #tpu.memory_space<vmem>>
    %dma_start3A_287 = arith.constant 0 : i32
    %dma_start3A_288 = tpu.memref_slice %arg3[%dma_start3A_287, %multiple_of3A_275] : memref<16x1000000xf32, #tpu.memory_space<hbm>> -> memref<16x128xf32, #tpu.memory_space<hbm>>
    tpu.enqueue_dma source(%dma_start3A_288 : memref<16x128xf32, #tpu.memory_space<hbm>>) target(%dma_start3A_286 : memref<16x128xf32, #tpu.memory_space<vmem>>) target_semaphore(%arg13 : memref<!tpu.dma_semaphore, #tpu.memory_space<semaphore_mem>>)
    %slice3A_289 = vector.extract_strided_slice %get3A_4 {offsets = [7], sizes = [1], strides = [1]} : vector<16xi32> to vector<1xi32>
    %squeeze3A_290 = vector.extract %slice3A_289[0] : i32 from vector<1xi32>
    %jit3A_291 = arith.constant 128 : i32
    %div3A_292 = arith.divsi %squeeze3A_290, %jit3A_291 : i32
    %sign3A_293 = arith.constant 0 : i32
    %sign3A_294 = arith.cmpi sgt, %squeeze3A_290, %sign3A_293 : i32
    %sign3A_295 = arith.extui %sign3A_294 : i1 to i32
    %sign3A_296 = arith.constant 0 : i32
    %sign3A_297 = arith.cmpi slt, %squeeze3A_290, %sign3A_296 : i32
    %sign3A_298 = arith.extui %sign3A_297 : i1 to i32
    %sign3A_299 = arith.subi %sign3A_295, %sign3A_298 : i32
    %sign3A_300 = arith.constant 0 : i32
    %sign3A_301 = arith.cmpi sgt, %jit3A_291, %sign3A_300 : i32
    %sign3A_302 = arith.extui %sign3A_301 : i1 to i32
    %sign3A_303 = arith.constant 0 : i32
    %sign3A_304 = arith.cmpi slt, %jit3A_291, %sign3A_303 : i32
    %sign3A_305 = arith.extui %sign3A_304 : i1 to i32
    %sign3A_306 = arith.subi %sign3A_302, %sign3A_305 : i32
    %ne3A_307 = arith.cmpi ne, %sign3A_299, %sign3A_306 : i32
    %rem3A_308 = arith.remsi %squeeze3A_290, %jit3A_291 : i32
    %ne3A_309 = arith.constant 0 : i32
    %ne3A_310 = arith.cmpi ne, %rem3A_308, %ne3A_309 : i32
    %and3A_311 = arith.andi %ne3A_307, %ne3A_310 : i1
    %sub3A_312 = arith.constant 1 : i32
    %sub3A_313 = arith.subi %div3A_292, %sub3A_312 : i32
    %select_n3A_314 = arith.select %and3A_311, %sub3A_313, %div3A_292 : i32
    %mul3A_315 = arith.constant 128 : i32
    %mul3A_316 = arith.muli %select_n3A_314, %mul3A_315 : i32
    %multiple_of3A_317 = tpu.assume_multiple %mul3A_316, 128 : i32
    %dma_start3A_318 = arith.constant 7 : i32
    %dma_start3A_319 = arith.constant 0 : i32
    %dma_start3A_320 = arith.constant 0 : i32
    %dma_start3A_321 = tpu.memref_slice %arg8[%dma_start3A_318, %dma_start3A_319, %dma_start3A_320] : memref<8x16x128xf32, #tpu.memory_space<vmem>> -> memref<1x16x128xf32, #tpu.memory_space<vmem>>
    %dma_start3A_322 = tpu.memref_squeeze %dma_start3A_321 : memref<1x16x128xf32, #tpu.memory_space<vmem>> -> memref<16x128xf32, #tpu.memory_space<vmem>>
    %dma_start3A_323 = arith.constant 0 : i32
    %dma_start3A_324 = tpu.memref_slice %arg3[%dma_start3A_323, %multiple_of3A_317] : memref<16x1000000xf32, #tpu.memory_space<hbm>> -> memref<16x128xf32, #tpu.memory_space<hbm>>
    %dma_start3A_325 = arith.constant 0 : i32
    %dma_start3A_326 = arith.constant 0 : i32
    %dma_start3A_327 = tpu.memref_slice %arg8[%dma_start3A_318, %dma_start3A_325, %dma_start3A_326] : memref<8x16x128xf32, #tpu.memory_space<vmem>> -> memref<1x16x128xf32, #tpu.memory_space<vmem>>
    %dma_start3A_328 = tpu.memref_squeeze %dma_start3A_327 : memref<1x16x128xf32, #tpu.memory_space<vmem>> -> memref<16x128xf32, #tpu.memory_space<vmem>>
    %dma_start3A_329 = arith.constant 0 : i32
    %dma_start3A_330 = tpu.memref_slice %arg3[%dma_start3A_329, %multiple_of3A_317] : memref<16x1000000xf32, #tpu.memory_space<hbm>> -> memref<16x128xf32, #tpu.memory_space<hbm>>
    tpu.enqueue_dma source(%dma_start3A_330 : memref<16x128xf32, #tpu.memory_space<hbm>>) target(%dma_start3A_328 : memref<16x128xf32, #tpu.memory_space<vmem>>) target_semaphore(%arg13 : memref<!tpu.dma_semaphore, #tpu.memory_space<semaphore_mem>>)
    %slice3A_331 = vector.extract_strided_slice %get3A_6 {offsets = [0], sizes = [1], strides = [1]} : vector<16xi32> to vector<1xi32>
    %squeeze3A_332 = vector.extract %slice3A_331[0] : i32 from vector<1xi32>
    %jit3A_333 = arith.constant 128 : i32
    %div3A_334 = arith.divsi %squeeze3A_332, %jit3A_333 : i32
    %sign3A_335 = arith.constant 0 : i32
    %sign3A_336 = arith.cmpi sgt, %squeeze3A_332, %sign3A_335 : i32
    %sign3A_337 = arith.extui %sign3A_336 : i1 to i32
    %sign3A_338 = arith.constant 0 : i32
    %sign3A_339 = arith.cmpi slt, %squeeze3A_332, %sign3A_338 : i32
    %sign3A_340 = arith.extui %sign3A_339 : i1 to i32
    %sign3A_341 = arith.subi %sign3A_337, %sign3A_340 : i32
    %sign3A_342 = arith.constant 0 : i32
    %sign3A_343 = arith.cmpi sgt, %jit3A_333, %sign3A_342 : i32
    %sign3A_344 = arith.extui %sign3A_343 : i1 to i32
    %sign3A_345 = arith.constant 0 : i32
    %sign3A_346 = arith.cmpi slt, %jit3A_333, %sign3A_345 : i32
    %sign3A_347 = arith.extui %sign3A_346 : i1 to i32
    %sign3A_348 = arith.subi %sign3A_344, %sign3A_347 : i32
    %ne3A_349 = arith.cmpi ne, %sign3A_341, %sign3A_348 : i32
    %rem3A_350 = arith.remsi %squeeze3A_332, %jit3A_333 : i32
    %ne3A_351 = arith.constant 0 : i32
    %ne3A_352 = arith.cmpi ne, %rem3A_350, %ne3A_351 : i32
    %and3A_353 = arith.andi %ne3A_349, %ne3A_352 : i1
    %sub3A_354 = arith.constant 1 : i32
    %sub3A_355 = arith.subi %div3A_334, %sub3A_354 : i32
    %select_n3A_356 = arith.select %and3A_353, %sub3A_355, %div3A_334 : i32
    %mul3A_357 = arith.constant 128 : i32
    %mul3A_358 = arith.muli %select_n3A_356, %mul3A_357 : i32
    %multiple_of3A_359 = tpu.assume_multiple %mul3A_358, 128 : i32
    %dma_start3A_360 = arith.constant 0 : i32
    %dma_start3A_361 = arith.constant 0 : i32
    %dma_start3A_362 = arith.constant 0 : i32
    %dma_start3A_363 = tpu.memref_slice %arg10[%dma_start3A_360, %dma_start3A_361, %dma_start3A_362] : memref<8x16x128xf32, #tpu.memory_space<vmem>> -> memref<1x16x128xf32, #tpu.memory_space<vmem>>
    %dma_start3A_364 = tpu.memref_squeeze %dma_start3A_363 : memref<1x16x128xf32, #tpu.memory_space<vmem>> -> memref<16x128xf32, #tpu.memory_space<vmem>>
    %dma_start3A_365 = arith.constant 0 : i32
    %dma_start3A_366 = tpu.memref_slice %arg4[%dma_start3A_365, %multiple_of3A_359] : memref<16x1000000xf32, #tpu.memory_space<hbm>> -> memref<16x128xf32, #tpu.memory_space<hbm>>
    %dma_start3A_367 = arith.constant 0 : i32
    %dma_start3A_368 = arith.constant 0 : i32
    %dma_start3A_369 = tpu.memref_slice %arg10[%dma_start3A_360, %dma_start3A_367, %dma_start3A_368] : memref<8x16x128xf32, #tpu.memory_space<vmem>> -> memref<1x16x128xf32, #tpu.memory_space<vmem>>
    %dma_start3A_370 = tpu.memref_squeeze %dma_start3A_369 : memref<1x16x128xf32, #tpu.memory_space<vmem>> -> memref<16x128xf32, #tpu.memory_space<vmem>>
    %dma_start3A_371 = arith.constant 0 : i32
    %dma_start3A_372 = tpu.memref_slice %arg4[%dma_start3A_371, %multiple_of3A_359] : memref<16x1000000xf32, #tpu.memory_space<hbm>> -> memref<16x128xf32, #tpu.memory_space<hbm>>
    tpu.enqueue_dma source(%dma_start3A_372 : memref<16x128xf32, #tpu.memory_space<hbm>>) target(%dma_start3A_370 : memref<16x128xf32, #tpu.memory_space<vmem>>) target_semaphore(%arg15 : memref<!tpu.dma_semaphore, #tpu.memory_space<semaphore_mem>>)
    %slice3A_373 = vector.extract_strided_slice %get3A_6 {offsets = [1], sizes = [1], strides = [1]} : vector<16xi32> to vector<1xi32>
    %squeeze3A_374 = vector.extract %slice3A_373[0] : i32 from vector<1xi32>
    %jit3A_375 = arith.constant 128 : i32
    %div3A_376 = arith.divsi %squeeze3A_374, %jit3A_375 : i32
    %sign3A_377 = arith.constant 0 : i32
    %sign3A_378 = arith.cmpi sgt, %squeeze3A_374, %sign3A_377 : i32
    %sign3A_379 = arith.extui %sign3A_378 : i1 to i32
    %sign3A_380 = arith.constant 0 : i32
    %sign3A_381 = arith.cmpi slt, %squeeze3A_374, %sign3A_380 : i32
    %sign3A_382 = arith.extui %sign3A_381 : i1 to i32
    %sign3A_383 = arith.subi %sign3A_379, %sign3A_382 : i32
    %sign3A_384 = arith.constant 0 : i32
    %sign3A_385 = arith.cmpi sgt, %jit3A_375, %sign3A_384 : i32
    %sign3A_386 = arith.extui %sign3A_385 : i1 to i32
    %sign3A_387 = arith.constant 0 : i32
    %sign3A_388 = arith.cmpi slt, %jit3A_375, %sign3A_387 : i32
    %sign3A_389 = arith.extui %sign3A_388 : i1 to i32
    %sign3A_390 = arith.subi %sign3A_386, %sign3A_389 : i32
    %ne3A_391 = arith.cmpi ne, %sign3A_383, %sign3A_390 : i32
    %rem3A_392 = arith.remsi %squeeze3A_374, %jit3A_375 : i32
    %ne3A_393 = arith.constant 0 : i32
    %ne3A_394 = arith.cmpi ne, %rem3A_392, %ne3A_393 : i32
    %and3A_395 = arith.andi %ne3A_391, %ne3A_394 : i1
    %sub3A_396 = arith.constant 1 : i32
    %sub3A_397 = arith.subi %div3A_376, %sub3A_396 : i32
    %select_n3A_398 = arith.select %and3A_395, %sub3A_397, %div3A_376 : i32
    %mul3A_399 = arith.constant 128 : i32
    %mul3A_400 = arith.muli %select_n3A_398, %mul3A_399 : i32
    %multiple_of3A_401 = tpu.assume_multiple %mul3A_400, 128 : i32
    %dma_start3A_402 = arith.constant 1 : i32
    %dma_start3A_403 = arith.constant 0 : i32
    %dma_start3A_404 = arith.constant 0 : i32
    %dma_start3A_405 = tpu.memref_slice %arg10[%dma_start3A_402, %dma_start3A_403, %dma_start3A_404] : memref<8x16x128xf32, #tpu.memory_space<vmem>> -> memref<1x16x128xf32, #tpu.memory_space<vmem>>
    %dma_start3A_406 = tpu.memref_squeeze %dma_start3A_405 : memref<1x16x128xf32, #tpu.memory_space<vmem>> -> memref<16x128xf32, #tpu.memory_space<vmem>>
    %dma_start3A_407 = arith.constant 0 : i32
    %dma_start3A_408 = tpu.memref_slice %arg4[%dma_start3A_407, %multiple_of3A_401] : memref<16x1000000xf32, #tpu.memory_space<hbm>> -> memref<16x128xf32, #tpu.memory_space<hbm>>
    %dma_start3A_409 = arith.constant 0 : i32
    %dma_start3A_410 = arith.constant 0 : i32
    %dma_start3A_411 = tpu.memref_slice %arg10[%dma_start3A_402, %dma_start3A_409, %dma_start3A_410] : memref<8x16x128xf32, #tpu.memory_space<vmem>> -> memref<1x16x128xf32, #tpu.memory_space<vmem>>
    %dma_start3A_412 = tpu.memref_squeeze %dma_start3A_411 : memref<1x16x128xf32, #tpu.memory_space<vmem>> -> memref<16x128xf32, #tpu.memory_space<vmem>>
    %dma_start3A_413 = arith.constant 0 : i32
    %dma_start3A_414 = tpu.memref_slice %arg4[%dma_start3A_413, %multiple_of3A_401] : memref<16x1000000xf32, #tpu.memory_space<hbm>> -> memref<16x128xf32, #tpu.memory_space<hbm>>
    tpu.enqueue_dma source(%dma_start3A_414 : memref<16x128xf32, #tpu.memory_space<hbm>>) target(%dma_start3A_412 : memref<16x128xf32, #tpu.memory_space<vmem>>) target_semaphore(%arg15 : memref<!tpu.dma_semaphore, #tpu.memory_space<semaphore_mem>>)
    %slice3A_415 = vector.extract_strided_slice %get3A_6 {offsets = [2], sizes = [1], strides = [1]} : vector<16xi32> to vector<1xi32>
    %squeeze3A_416 = vector.extract %slice3A_415[0] : i32 from vector<1xi32>
    %jit3A_417 = arith.constant 128 : i32
    %div3A_418 = arith.divsi %squeeze3A_416, %jit3A_417 : i32
    %sign3A_419 = arith.constant 0 : i32
    %sign3A_420 = arith.cmpi sgt, %squeeze3A_416, %sign3A_419 : i32
    %sign3A_421 = arith.extui %sign3A_420 : i1 to i32
    %sign3A_422 = arith.constant 0 : i32
    %sign3A_423 = arith.cmpi slt, %squeeze3A_416, %sign3A_422 : i32
    %sign3A_424 = arith.extui %sign3A_423 : i1 to i32
    %sign3A_425 = arith.subi %sign3A_421, %sign3A_424 : i32
    %sign3A_426 = arith.constant 0 : i32
    %sign3A_427 = arith.cmpi sgt, %jit3A_417, %sign3A_426 : i32
    %sign3A_428 = arith.extui %sign3A_427 : i1 to i32
    %sign3A_429 = arith.constant 0 : i32
    %sign3A_430 = arith.cmpi slt, %jit3A_417, %sign3A_429 : i32
    %sign3A_431 = arith.extui %sign3A_430 : i1 to i32
    %sign3A_432 = arith.subi %sign3A_428, %sign3A_431 : i32
    %ne3A_433 = arith.cmpi ne, %sign3A_425, %sign3A_432 : i32
    %rem3A_434 = arith.remsi %squeeze3A_416, %jit3A_417 : i32
    %ne3A_435 = arith.constant 0 : i32
    %ne3A_436 = arith.cmpi ne, %rem3A_434, %ne3A_435 : i32
    %and3A_437 = arith.andi %ne3A_433, %ne3A_436 : i1
    %sub3A_438 = arith.constant 1 : i32
    %sub3A_439 = arith.subi %div3A_418, %sub3A_438 : i32
    %select_n3A_440 = arith.select %and3A_437, %sub3A_439, %div3A_418 : i32
    %mul3A_441 = arith.constant 128 : i32
    %mul3A_442 = arith.muli %select_n3A_440, %mul3A_441 : i32
    %multiple_of3A_443 = tpu.assume_multiple %mul3A_442, 128 : i32
    %dma_start3A_444 = arith.constant 2 : i32
    %dma_start3A_445 = arith.constant 0 : i32
    %dma_start3A_446 = arith.constant 0 : i32
    %dma_start3A_447 = tpu.memref_slice %arg10[%dma_start3A_444, %dma_start3A_445, %dma_start3A_446] : memref<8x16x128xf32, #tpu.memory_space<vmem>> -> memref<1x16x128xf32, #tpu.memory_space<vmem>>
    %dma_start3A_448 = tpu.memref_squeeze %dma_start3A_447 : memref<1x16x128xf32, #tpu.memory_space<vmem>> -> memref<16x128xf32, #tpu.memory_space<vmem>>
    %dma_start3A_449 = arith.constant 0 : i32
    %dma_start3A_450 = tpu.memref_slice %arg4[%dma_start3A_449, %multiple_of3A_443] : memref<16x1000000xf32, #tpu.memory_space<hbm>> -> memref<16x128xf32, #tpu.memory_space<hbm>>
    %dma_start3A_451 = arith.constant 0 : i32
    %dma_start3A_452 = arith.constant 0 : i32
    %dma_start3A_453 = tpu.memref_slice %arg10[%dma_start3A_444, %dma_start3A_451, %dma_start3A_452] : memref<8x16x128xf32, #tpu.memory_space<vmem>> -> memref<1x16x128xf32, #tpu.memory_space<vmem>>
    %dma_start3A_454 = tpu.memref_squeeze %dma_start3A_453 : memref<1x16x128xf32, #tpu.memory_space<vmem>> -> memref<16x128xf32, #tpu.memory_space<vmem>>
    %dma_start3A_455 = arith.constant 0 : i32
    %dma_start3A_456 = tpu.memref_slice %arg4[%dma_start3A_455, %multiple_of3A_443] : memref<16x1000000xf32, #tpu.memory_space<hbm>> -> memref<16x128xf32, #tpu.memory_space<hbm>>
    tpu.enqueue_dma source(%dma_start3A_456 : memref<16x128xf32, #tpu.memory_space<hbm>>) target(%dma_start3A_454 : memref<16x128xf32, #tpu.memory_space<vmem>>) target_semaphore(%arg15 : memref<!tpu.dma_semaphore, #tpu.memory_space<semaphore_mem>>)
    %slice3A_457 = vector.extract_strided_slice %get3A_6 {offsets = [3], sizes = [1], strides = [1]} : vector<16xi32> to vector<1xi32>
    %squeeze3A_458 = vector.extract %slice3A_457[0] : i32 from vector<1xi32>
    %jit3A_459 = arith.constant 128 : i32
    %div3A_460 = arith.divsi %squeeze3A_458, %jit3A_459 : i32
    %sign3A_461 = arith.constant 0 : i32
    %sign3A_462 = arith.cmpi sgt, %squeeze3A_458, %sign3A_461 : i32
    %sign3A_463 = arith.extui %sign3A_462 : i1 to i32
    %sign3A_464 = arith.constant 0 : i32
    %sign3A_465 = arith.cmpi slt, %squeeze3A_458, %sign3A_464 : i32
    %sign3A_466 = arith.extui %sign3A_465 : i1 to i32
    %sign3A_467 = arith.subi %sign3A_463, %sign3A_466 : i32
    %sign3A_468 = arith.constant 0 : i32
    %sign3A_469 = arith.cmpi sgt, %jit3A_459, %sign3A_468 : i32
    %sign3A_470 = arith.extui %sign3A_469 : i1 to i32
    %sign3A_471 = arith.constant 0 : i32
    %sign3A_472 = arith.cmpi slt, %jit3A_459, %sign3A_471 : i32
    %sign3A_473 = arith.extui %sign3A_472 : i1 to i32
    %sign3A_474 = arith.subi %sign3A_470, %sign3A_473 : i32
    %ne3A_475 = arith.cmpi ne, %sign3A_467, %sign3A_474 : i32
    %rem3A_476 = arith.remsi %squeeze3A_458, %jit3A_459 : i32
    %ne3A_477 = arith.constant 0 : i32
    %ne3A_478 = arith.cmpi ne, %rem3A_476, %ne3A_477 : i32
    %and3A_479 = arith.andi %ne3A_475, %ne3A_478 : i1
    %sub3A_480 = arith.constant 1 : i32
    %sub3A_481 = arith.subi %div3A_460, %sub3A_480 : i32
    %select_n3A_482 = arith.select %and3A_479, %sub3A_481, %div3A_460 : i32
    %mul3A_483 = arith.constant 128 : i32
    %mul3A_484 = arith.muli %select_n3A_482, %mul3A_483 : i32
    %multiple_of3A_485 = tpu.assume_multiple %mul3A_484, 128 : i32
    %dma_start3A_486 = arith.constant 3 : i32
    %dma_start3A_487 = arith.constant 0 : i32
    %dma_start3A_488 = arith.constant 0 : i32
    %dma_start3A_489 = tpu.memref_slice %arg10[%dma_start3A_486, %dma_start3A_487, %dma_start3A_488] : memref<8x16x128xf32, #tpu.memory_space<vmem>> -> memref<1x16x128xf32, #tpu.memory_space<vmem>>
    %dma_start3A_490 = tpu.memref_squeeze %dma_start3A_489 : memref<1x16x128xf32, #tpu.memory_space<vmem>> -> memref<16x128xf32, #tpu.memory_space<vmem>>
    %dma_start3A_491 = arith.constant 0 : i32
    %dma_start3A_492 = tpu.memref_slice %arg4[%dma_start3A_491, %multiple_of3A_485] : memref<16x1000000xf32, #tpu.memory_space<hbm>> -> memref<16x128xf32, #tpu.memory_space<hbm>>
    %dma_start3A_493 = arith.constant 0 : i32
    %dma_start3A_494 = arith.constant 0 : i32
    %dma_start3A_495 = tpu.memref_slice %arg10[%dma_start3A_486, %dma_start3A_493, %dma_start3A_494] : memref<8x16x128xf32, #tpu.memory_space<vmem>> -> memref<1x16x128xf32, #tpu.memory_space<vmem>>
    %dma_start3A_496 = tpu.memref_squeeze %dma_start3A_495 : memref<1x16x128xf32, #tpu.memory_space<vmem>> -> memref<16x128xf32, #tpu.memory_space<vmem>>
    %dma_start3A_497 = arith.constant 0 : i32
    %dma_start3A_498 = tpu.memref_slice %arg4[%dma_start3A_497, %multiple_of3A_485] : memref<16x1000000xf32, #tpu.memory_space<hbm>> -> memref<16x128xf32, #tpu.memory_space<hbm>>
    tpu.enqueue_dma source(%dma_start3A_498 : memref<16x128xf32, #tpu.memory_space<hbm>>) target(%dma_start3A_496 : memref<16x128xf32, #tpu.memory_space<vmem>>) target_semaphore(%arg15 : memref<!tpu.dma_semaphore, #tpu.memory_space<semaphore_mem>>)
    %slice3A_499 = vector.extract_strided_slice %get3A_6 {offsets = [4], sizes = [1], strides = [1]} : vector<16xi32> to vector<1xi32>
    %squeeze3A_500 = vector.extract %slice3A_499[0] : i32 from vector<1xi32>
    %jit3A_501 = arith.constant 128 : i32
    %div3A_502 = arith.divsi %squeeze3A_500, %jit3A_501 : i32
    %sign3A_503 = arith.constant 0 : i32
    %sign3A_504 = arith.cmpi sgt, %squeeze3A_500, %sign3A_503 : i32
    %sign3A_505 = arith.extui %sign3A_504 : i1 to i32
    %sign3A_506 = arith.constant 0 : i32
    %sign3A_507 = arith.cmpi slt, %squeeze3A_500, %sign3A_506 : i32
    %sign3A_508 = arith.extui %sign3A_507 : i1 to i32
    %sign3A_509 = arith.subi %sign3A_505, %sign3A_508 : i32
    %sign3A_510 = arith.constant 0 : i32
    %sign3A_511 = arith.cmpi sgt, %jit3A_501, %sign3A_510 : i32
    %sign3A_512 = arith.extui %sign3A_511 : i1 to i32
    %sign3A_513 = arith.constant 0 : i32
    %sign3A_514 = arith.cmpi slt, %jit3A_501, %sign3A_513 : i32
    %sign3A_515 = arith.extui %sign3A_514 : i1 to i32
    %sign3A_516 = arith.subi %sign3A_512, %sign3A_515 : i32
    %ne3A_517 = arith.cmpi ne, %sign3A_509, %sign3A_516 : i32
    %rem3A_518 = arith.remsi %squeeze3A_500, %jit3A_501 : i32
    %ne3A_519 = arith.constant 0 : i32
    %ne3A_520 = arith.cmpi ne, %rem3A_518, %ne3A_519 : i32
    %and3A_521 = arith.andi %ne3A_517, %ne3A_520 : i1
    %sub3A_522 = arith.constant 1 : i32
    %sub3A_523 = arith.subi %div3A_502, %sub3A_522 : i32
    %select_n3A_524 = arith.select %and3A_521, %sub3A_523, %div3A_502 : i32
    %mul3A_525 = arith.constant 128 : i32
    %mul3A_526 = arith.muli %select_n3A_524, %mul3A_525 : i32
    %multiple_of3A_527 = tpu.assume_multiple %mul3A_526, 128 : i32
    %dma_start3A_528 = arith.constant 4 : i32
    %dma_start3A_529 = arith.constant 0 : i32
    %dma_start3A_530 = arith.constant 0 : i32
    %dma_start3A_531 = tpu.memref_slice %arg10[%dma_start3A_528, %dma_start3A_529, %dma_start3A_530] : memref<8x16x128xf32, #tpu.memory_space<vmem>> -> memref<1x16x128xf32, #tpu.memory_space<vmem>>
    %dma_start3A_532 = tpu.memref_squeeze %dma_start3A_531 : memref<1x16x128xf32, #tpu.memory_space<vmem>> -> memref<16x128xf32, #tpu.memory_space<vmem>>
    %dma_start3A_533 = arith.constant 0 : i32
    %dma_start3A_534 = tpu.memref_slice %arg4[%dma_start3A_533, %multiple_of3A_527] : memref<16x1000000xf32, #tpu.memory_space<hbm>> -> memref<16x128xf32, #tpu.memory_space<hbm>>
    %dma_start3A_535 = arith.constant 0 : i32
    %dma_start3A_536 = arith.constant 0 : i32
    %dma_start3A_537 = tpu.memref_slice %arg10[%dma_start3A_528, %dma_start3A_535, %dma_start3A_536] : memref<8x16x128xf32, #tpu.memory_space<vmem>> -> memref<1x16x128xf32, #tpu.memory_space<vmem>>
    %dma_start3A_538 = tpu.memref_squeeze %dma_start3A_537 : memref<1x16x128xf32, #tpu.memory_space<vmem>> -> memref<16x128xf32, #tpu.memory_space<vmem>>
    %dma_start3A_539 = arith.constant 0 : i32
    %dma_start3A_540 = tpu.memref_slice %arg4[%dma_start3A_539, %multiple_of3A_527] : memref<16x1000000xf32, #tpu.memory_space<hbm>> -> memref<16x128xf32, #tpu.memory_space<hbm>>
    tpu.enqueue_dma source(%dma_start3A_540 : memref<16x128xf32, #tpu.memory_space<hbm>>) target(%dma_start3A_538 : memref<16x128xf32, #tpu.memory_space<vmem>>) target_semaphore(%arg15 : memref<!tpu.dma_semaphore, #tpu.memory_space<semaphore_mem>>)
    %slice3A_541 = vector.extract_strided_slice %get3A_6 {offsets = [5], sizes = [1], strides = [1]} : vector<16xi32> to vector<1xi32>
    %squeeze3A_542 = vector.extract %slice3A_541[0] : i32 from vector<1xi32>
    %jit3A_543 = arith.constant 128 : i32
    %div3A_544 = arith.divsi %squeeze3A_542, %jit3A_543 : i32
    %sign3A_545 = arith.constant 0 : i32
    %sign3A_546 = arith.cmpi sgt, %squeeze3A_542, %sign3A_545 : i32
    %sign3A_547 = arith.extui %sign3A_546 : i1 to i32
    %sign3A_548 = arith.constant 0 : i32
    %sign3A_549 = arith.cmpi slt, %squeeze3A_542, %sign3A_548 : i32
    %sign3A_550 = arith.extui %sign3A_549 : i1 to i32
    %sign3A_551 = arith.subi %sign3A_547, %sign3A_550 : i32
    %sign3A_552 = arith.constant 0 : i32
    %sign3A_553 = arith.cmpi sgt, %jit3A_543, %sign3A_552 : i32
    %sign3A_554 = arith.extui %sign3A_553 : i1 to i32
    %sign3A_555 = arith.constant 0 : i32
    %sign3A_556 = arith.cmpi slt, %jit3A_543, %sign3A_555 : i32
    %sign3A_557 = arith.extui %sign3A_556 : i1 to i32
    %sign3A_558 = arith.subi %sign3A_554, %sign3A_557 : i32
    %ne3A_559 = arith.cmpi ne, %sign3A_551, %sign3A_558 : i32
    %rem3A_560 = arith.remsi %squeeze3A_542, %jit3A_543 : i32
    %ne3A_561 = arith.constant 0 : i32
    %ne3A_562 = arith.cmpi ne, %rem3A_560, %ne3A_561 : i32
    %and3A_563 = arith.andi %ne3A_559, %ne3A_562 : i1
    %sub3A_564 = arith.constant 1 : i32
    %sub3A_565 = arith.subi %div3A_544, %sub3A_564 : i32
    %select_n3A_566 = arith.select %and3A_563, %sub3A_565, %div3A_544 : i32
    %mul3A_567 = arith.constant 128 : i32
    %mul3A_568 = arith.muli %select_n3A_566, %mul3A_567 : i32
    %multiple_of3A_569 = tpu.assume_multiple %mul3A_568, 128 : i32
    %dma_start3A_570 = arith.constant 5 : i32
    %dma_start3A_571 = arith.constant 0 : i32
    %dma_start3A_572 = arith.constant 0 : i32
    %dma_start3A_573 = tpu.memref_slice %arg10[%dma_start3A_570, %dma_start3A_571, %dma_start3A_572] : memref<8x16x128xf32, #tpu.memory_space<vmem>> -> memref<1x16x128xf32, #tpu.memory_space<vmem>>
    %dma_start3A_574 = tpu.memref_squeeze %dma_start3A_573 : memref<1x16x128xf32, #tpu.memory_space<vmem>> -> memref<16x128xf32, #tpu.memory_space<vmem>>
    %dma_start3A_575 = arith.constant 0 : i32
    %dma_start3A_576 = tpu.memref_slice %arg4[%dma_start3A_575, %multiple_of3A_569] : memref<16x1000000xf32, #tpu.memory_space<hbm>> -> memref<16x128xf32, #tpu.memory_space<hbm>>
    %dma_start3A_577 = arith.constant 0 : i32
    %dma_start3A_578 = arith.constant 0 : i32
    %dma_start3A_579 = tpu.memref_slice %arg10[%dma_start3A_570, %dma_start3A_577, %dma_start3A_578] : memref<8x16x128xf32, #tpu.memory_space<vmem>> -> memref<1x16x128xf32, #tpu.memory_space<vmem>>
    %dma_start3A_580 = tpu.memref_squeeze %dma_start3A_579 : memref<1x16x128xf32, #tpu.memory_space<vmem>> -> memref<16x128xf32, #tpu.memory_space<vmem>>
    %dma_start3A_581 = arith.constant 0 : i32
    %dma_start3A_582 = tpu.memref_slice %arg4[%dma_start3A_581, %multiple_of3A_569] : memref<16x1000000xf32, #tpu.memory_space<hbm>> -> memref<16x128xf32, #tpu.memory_space<hbm>>
    tpu.enqueue_dma source(%dma_start3A_582 : memref<16x128xf32, #tpu.memory_space<hbm>>) target(%dma_start3A_580 : memref<16x128xf32, #tpu.memory_space<vmem>>) target_semaphore(%arg15 : memref<!tpu.dma_semaphore, #tpu.memory_space<semaphore_mem>>)
    %slice3A_583 = vector.extract_strided_slice %get3A_6 {offsets = [6], sizes = [1], strides = [1]} : vector<16xi32> to vector<1xi32>
    %squeeze3A_584 = vector.extract %slice3A_583[0] : i32 from vector<1xi32>
    %jit3A_585 = arith.constant 128 : i32
    %div3A_586 = arith.divsi %squeeze3A_584, %jit3A_585 : i32
    %sign3A_587 = arith.constant 0 : i32
    %sign3A_588 = arith.cmpi sgt, %squeeze3A_584, %sign3A_587 : i32
    %sign3A_589 = arith.extui %sign3A_588 : i1 to i32
    %sign3A_590 = arith.constant 0 : i32
    %sign3A_591 = arith.cmpi slt, %squeeze3A_584, %sign3A_590 : i32
    %sign3A_592 = arith.extui %sign3A_591 : i1 to i32
    %sign3A_593 = arith.subi %sign3A_589, %sign3A_592 : i32
    %sign3A_594 = arith.constant 0 : i32
    %sign3A_595 = arith.cmpi sgt, %jit3A_585, %sign3A_594 : i32
    %sign3A_596 = arith.extui %sign3A_595 : i1 to i32
    %sign3A_597 = arith.constant 0 : i32
    %sign3A_598 = arith.cmpi slt, %jit3A_585, %sign3A_597 : i32
    %sign3A_599 = arith.extui %sign3A_598 : i1 to i32
    %sign3A_600 = arith.subi %sign3A_596, %sign3A_599 : i32
    %ne3A_601 = arith.cmpi ne, %sign3A_593, %sign3A_600 : i32
    %rem3A_602 = arith.remsi %squeeze3A_584, %jit3A_585 : i32
    %ne3A_603 = arith.constant 0 : i32
    %ne3A_604 = arith.cmpi ne, %rem3A_602, %ne3A_603 : i32
    %and3A_605 = arith.andi %ne3A_601, %ne3A_604 : i1
    %sub3A_606 = arith.constant 1 : i32
    %sub3A_607 = arith.subi %div3A_586, %sub3A_606 : i32
    %select_n3A_608 = arith.select %and3A_605, %sub3A_607, %div3A_586 : i32
    %mul3A_609 = arith.constant 128 : i32
    %mul3A_610 = arith.muli %select_n3A_608, %mul3A_609 : i32
    %multiple_of3A_611 = tpu.assume_multiple %mul3A_610, 128 : i32
    %dma_start3A_612 = arith.constant 6 : i32
    %dma_start3A_613 = arith.constant 0 : i32
    %dma_start3A_614 = arith.constant 0 : i32
    %dma_start3A_615 = tpu.memref_slice %arg10[%dma_start3A_612, %dma_start3A_613, %dma_start3A_614] : memref<8x16x128xf32, #tpu.memory_space<vmem>> -> memref<1x16x128xf32, #tpu.memory_space<vmem>>
    %dma_start3A_616 = tpu.memref_squeeze %dma_start3A_615 : memref<1x16x128xf32, #tpu.memory_space<vmem>> -> memref<16x128xf32, #tpu.memory_space<vmem>>
    %dma_start3A_617 = arith.constant 0 : i32
    %dma_start3A_618 = tpu.memref_slice %arg4[%dma_start3A_617, %multiple_of3A_611] : memref<16x1000000xf32, #tpu.memory_space<hbm>> -> memref<16x128xf32, #tpu.memory_space<hbm>>
    %dma_start3A_619 = arith.constant 0 : i32
    %dma_start3A_620 = arith.constant 0 : i32
    %dma_start3A_621 = tpu.memref_slice %arg10[%dma_start3A_612, %dma_start3A_619, %dma_start3A_620] : memref<8x16x128xf32, #tpu.memory_space<vmem>> -> memref<1x16x128xf32, #tpu.memory_space<vmem>>
    %dma_start3A_622 = tpu.memref_squeeze %dma_start3A_621 : memref<1x16x128xf32, #tpu.memory_space<vmem>> -> memref<16x128xf32, #tpu.memory_space<vmem>>
    %dma_start3A_623 = arith.constant 0 : i32
    %dma_start3A_624 = tpu.memref_slice %arg4[%dma_start3A_623, %multiple_of3A_611] : memref<16x1000000xf32, #tpu.memory_space<hbm>> -> memref<16x128xf32, #tpu.memory_space<hbm>>
    tpu.enqueue_dma source(%dma_start3A_624 : memref<16x128xf32, #tpu.memory_space<hbm>>) target(%dma_start3A_622 : memref<16x128xf32, #tpu.memory_space<vmem>>) target_semaphore(%arg15 : memref<!tpu.dma_semaphore, #tpu.memory_space<semaphore_mem>>)
    %slice3A_625 = vector.extract_strided_slice %get3A_6 {offsets = [7], sizes = [1], strides = [1]} : vector<16xi32> to vector<1xi32>
    %squeeze3A_626 = vector.extract %slice3A_625[0] : i32 from vector<1xi32>
    %jit3A_627 = arith.constant 128 : i32
    %div3A_628 = arith.divsi %squeeze3A_626, %jit3A_627 : i32
    %sign3A_629 = arith.constant 0 : i32
    %sign3A_630 = arith.cmpi sgt, %squeeze3A_626, %sign3A_629 : i32
    %sign3A_631 = arith.extui %sign3A_630 : i1 to i32
    %sign3A_632 = arith.constant 0 : i32
    %sign3A_633 = arith.cmpi slt, %squeeze3A_626, %sign3A_632 : i32
    %sign3A_634 = arith.extui %sign3A_633 : i1 to i32
    %sign3A_635 = arith.subi %sign3A_631, %sign3A_634 : i32
    %sign3A_636 = arith.constant 0 : i32
    %sign3A_637 = arith.cmpi sgt, %jit3A_627, %sign3A_636 : i32
    %sign3A_638 = arith.extui %sign3A_637 : i1 to i32
    %sign3A_639 = arith.constant 0 : i32
    %sign3A_640 = arith.cmpi slt, %jit3A_627, %sign3A_639 : i32
    %sign3A_641 = arith.extui %sign3A_640 : i1 to i32
    %sign3A_642 = arith.subi %sign3A_638, %sign3A_641 : i32
    %ne3A_643 = arith.cmpi ne, %sign3A_635, %sign3A_642 : i32
    %rem3A_644 = arith.remsi %squeeze3A_626, %jit3A_627 : i32
    %ne3A_645 = arith.constant 0 : i32
    %ne3A_646 = arith.cmpi ne, %rem3A_644, %ne3A_645 : i32
    %and3A_647 = arith.andi %ne3A_643, %ne3A_646 : i1
    %sub3A_648 = arith.constant 1 : i32
    %sub3A_649 = arith.subi %div3A_628, %sub3A_648 : i32
    %select_n3A_650 = arith.select %and3A_647, %sub3A_649, %div3A_628 : i32
    %mul3A_651 = arith.constant 128 : i32
    %mul3A_652 = arith.muli %select_n3A_650, %mul3A_651 : i32
    %multiple_of3A_653 = tpu.assume_multiple %mul3A_652, 128 : i32
    %dma_start3A_654 = arith.constant 7 : i32
    %dma_start3A_655 = arith.constant 0 : i32
    %dma_start3A_656 = arith.constant 0 : i32
    %dma_start3A_657 = tpu.memref_slice %arg10[%dma_start3A_654, %dma_start3A_655, %dma_start3A_656] : memref<8x16x128xf32, #tpu.memory_space<vmem>> -> memref<1x16x128xf32, #tpu.memory_space<vmem>>
    %dma_start3A_658 = tpu.memref_squeeze %dma_start3A_657 : memref<1x16x128xf32, #tpu.memory_space<vmem>> -> memref<16x128xf32, #tpu.memory_space<vmem>>
    %dma_start3A_659 = arith.constant 0 : i32
    %dma_start3A_660 = tpu.memref_slice %arg4[%dma_start3A_659, %multiple_of3A_653] : memref<16x1000000xf32, #tpu.memory_space<hbm>> -> memref<16x128xf32, #tpu.memory_space<hbm>>
    %dma_start3A_661 = arith.constant 0 : i32
    %dma_start3A_662 = arith.constant 0 : i32
    %dma_start3A_663 = tpu.memref_slice %arg10[%dma_start3A_654, %dma_start3A_661, %dma_start3A_662] : memref<8x16x128xf32, #tpu.memory_space<vmem>> -> memref<1x16x128xf32, #tpu.memory_space<vmem>>
    %dma_start3A_664 = tpu.memref_squeeze %dma_start3A_663 : memref<1x16x128xf32, #tpu.memory_space<vmem>> -> memref<16x128xf32, #tpu.memory_space<vmem>>
    %dma_start3A_665 = arith.constant 0 : i32
    %dma_start3A_666 = tpu.memref_slice %arg4[%dma_start3A_665, %multiple_of3A_653] : memref<16x1000000xf32, #tpu.memory_space<hbm>> -> memref<16x128xf32, #tpu.memory_space<hbm>>
    tpu.enqueue_dma source(%dma_start3A_666 : memref<16x128xf32, #tpu.memory_space<hbm>>) target(%dma_start3A_664 : memref<16x128xf32, #tpu.memory_space<vmem>>) target_semaphore(%arg15 : memref<!tpu.dma_semaphore, #tpu.memory_space<semaphore_mem>>)
    %broadcast_in_dim3A = arith.constant 0.000000e+00 : f32
    %broadcast_in_dim3A_667 = vector.broadcast %broadcast_in_dim3A : f32 to vector<16xf32>
    %scan3A = arith.constant 0 : i32
    %scan3A_668 = arith.constant 32 : i32
    %scan3A_669 = arith.addi %scan3A, %scan3A_668 : i32
    %scan3A_670 = arith.constant 1 : i32
    %scan3A_671:3 = scf.for %scan3A_676 = %scan3A to %scan3A_669 step %scan3A_670 iter_args(%scan3A_677 = %broadcast_in_dim3A_667, %scan3A_678 = %get3A_4, %scan3A_679 = %get3A_6) -> (vector<16xf32>, vector<16xi32>, vector<16xi32>)  : i32 {
      %slice3A_680 = vector.extract_strided_slice %scan3A_678 {offsets = [8], sizes = [1], strides = [1]} : vector<16xi32> to vector<1xi32>
      %squeeze3A_681 = vector.extract %slice3A_680[0] : i32 from vector<1xi32>
      %jit3A_682 = arith.constant 128 : i32
      %div3A_683 = arith.divsi %squeeze3A_681, %jit3A_682 : i32
      %sign3A_684 = arith.constant 0 : i32
      %sign3A_685 = arith.cmpi sgt, %squeeze3A_681, %sign3A_684 : i32
      %sign3A_686 = arith.extui %sign3A_685 : i1 to i32
      %sign3A_687 = arith.constant 0 : i32
      %sign3A_688 = arith.cmpi slt, %squeeze3A_681, %sign3A_687 : i32
      %sign3A_689 = arith.extui %sign3A_688 : i1 to i32
      %sign3A_690 = arith.subi %sign3A_686, %sign3A_689 : i32
      %sign3A_691 = arith.constant 0 : i32
      %sign3A_692 = arith.cmpi sgt, %jit3A_682, %sign3A_691 : i32
      %sign3A_693 = arith.extui %sign3A_692 : i1 to i32
      %sign3A_694 = arith.constant 0 : i32
      %sign3A_695 = arith.cmpi slt, %jit3A_682, %sign3A_694 : i32
      %sign3A_696 = arith.extui %sign3A_695 : i1 to i32
      %sign3A_697 = arith.subi %sign3A_693, %sign3A_696 : i32
      %ne3A_698 = arith.cmpi ne, %sign3A_690, %sign3A_697 : i32
      %rem3A_699 = arith.remsi %squeeze3A_681, %jit3A_682 : i32
      %ne3A_700 = arith.constant 0 : i32
      %ne3A_701 = arith.cmpi ne, %rem3A_699, %ne3A_700 : i32
      %and3A_702 = arith.andi %ne3A_698, %ne3A_701 : i1
      %sub3A_703 = arith.constant 1 : i32
      %sub3A_704 = arith.subi %div3A_683, %sub3A_703 : i32
      %select_n3A_705 = arith.select %and3A_702, %sub3A_704, %div3A_683 : i32
      %mul3A_706 = arith.constant 128 : i32
      %mul3A_707 = arith.muli %select_n3A_705, %mul3A_706 : i32
      %multiple_of3A_708 = tpu.assume_multiple %mul3A_707, 128 : i32
      %dma_start3A_709 = arith.constant 0 : i32
      %dma_start3A_710 = arith.constant 0 : i32
      %dma_start3A_711 = arith.constant 0 : i32
      %dma_start3A_712 = tpu.memref_slice %arg9[%dma_start3A_709, %dma_start3A_710, %dma_start3A_711] : memref<8x16x128xf32, #tpu.memory_space<vmem>> -> memref<1x16x128xf32, #tpu.memory_space<vmem>>
      %dma_start3A_713 = tpu.memref_squeeze %dma_start3A_712 : memref<1x16x128xf32, #tpu.memory_space<vmem>> -> memref<16x128xf32, #tpu.memory_space<vmem>>
      %dma_start3A_714 = arith.constant 0 : i32
      %dma_start3A_715 = tpu.memref_slice %arg3[%dma_start3A_714, %multiple_of3A_708] : memref<16x1000000xf32, #tpu.memory_space<hbm>> -> memref<16x128xf32, #tpu.memory_space<hbm>>
      %dma_start3A_716 = arith.constant 0 : i32
      %dma_start3A_717 = arith.constant 0 : i32
      %dma_start3A_718 = tpu.memref_slice %arg9[%dma_start3A_709, %dma_start3A_716, %dma_start3A_717] : memref<8x16x128xf32, #tpu.memory_space<vmem>> -> memref<1x16x128xf32, #tpu.memory_space<vmem>>
      %dma_start3A_719 = tpu.memref_squeeze %dma_start3A_718 : memref<1x16x128xf32, #tpu.memory_space<vmem>> -> memref<16x128xf32, #tpu.memory_space<vmem>>
      %dma_start3A_720 = arith.constant 0 : i32
      %dma_start3A_721 = tpu.memref_slice %arg3[%dma_start3A_720, %multiple_of3A_708] : memref<16x1000000xf32, #tpu.memory_space<hbm>> -> memref<16x128xf32, #tpu.memory_space<hbm>>
      tpu.enqueue_dma source(%dma_start3A_721 : memref<16x128xf32, #tpu.memory_space<hbm>>) target(%dma_start3A_719 : memref<16x128xf32, #tpu.memory_space<vmem>>) target_semaphore(%arg14 : memref<!tpu.dma_semaphore, #tpu.memory_space<semaphore_mem>>)
      %slice3A_722 = vector.extract_strided_slice %scan3A_678 {offsets = [9], sizes = [1], strides = [1]} : vector<16xi32> to vector<1xi32>
      %squeeze3A_723 = vector.extract %slice3A_722[0] : i32 from vector<1xi32>
      %jit3A_724 = arith.constant 128 : i32
      %div3A_725 = arith.divsi %squeeze3A_723, %jit3A_724 : i32
      %sign3A_726 = arith.constant 0 : i32
      %sign3A_727 = arith.cmpi sgt, %squeeze3A_723, %sign3A_726 : i32
      %sign3A_728 = arith.extui %sign3A_727 : i1 to i32
      %sign3A_729 = arith.constant 0 : i32
      %sign3A_730 = arith.cmpi slt, %squeeze3A_723, %sign3A_729 : i32
      %sign3A_731 = arith.extui %sign3A_730 : i1 to i32
      %sign3A_732 = arith.subi %sign3A_728, %sign3A_731 : i32
      %sign3A_733 = arith.constant 0 : i32
      %sign3A_734 = arith.cmpi sgt, %jit3A_724, %sign3A_733 : i32
      %sign3A_735 = arith.extui %sign3A_734 : i1 to i32
      %sign3A_736 = arith.constant 0 : i32
      %sign3A_737 = arith.cmpi slt, %jit3A_724, %sign3A_736 : i32
      %sign3A_738 = arith.extui %sign3A_737 : i1 to i32
      %sign3A_739 = arith.subi %sign3A_735, %sign3A_738 : i32
      %ne3A_740 = arith.cmpi ne, %sign3A_732, %sign3A_739 : i32
      %rem3A_741 = arith.remsi %squeeze3A_723, %jit3A_724 : i32
      %ne3A_742 = arith.constant 0 : i32
      %ne3A_743 = arith.cmpi ne, %rem3A_741, %ne3A_742 : i32
      %and3A_744 = arith.andi %ne3A_740, %ne3A_743 : i1
      %sub3A_745 = arith.constant 1 : i32
      %sub3A_746 = arith.subi %div3A_725, %sub3A_745 : i32
      %select_n3A_747 = arith.select %and3A_744, %sub3A_746, %div3A_725 : i32
      %mul3A_748 = arith.constant 128 : i32
      %mul3A_749 = arith.muli %select_n3A_747, %mul3A_748 : i32
      %multiple_of3A_750 = tpu.assume_multiple %mul3A_749, 128 : i32
      %dma_start3A_751 = arith.constant 1 : i32
      %dma_start3A_752 = arith.constant 0 : i32
      %dma_start3A_753 = arith.constant 0 : i32
      %dma_start3A_754 = tpu.memref_slice %arg9[%dma_start3A_751, %dma_start3A_752, %dma_start3A_753] : memref<8x16x128xf32, #tpu.memory_space<vmem>> -> memref<1x16x128xf32, #tpu.memory_space<vmem>>
      %dma_start3A_755 = tpu.memref_squeeze %dma_start3A_754 : memref<1x16x128xf32, #tpu.memory_space<vmem>> -> memref<16x128xf32, #tpu.memory_space<vmem>>
      %dma_start3A_756 = arith.constant 0 : i32
      %dma_start3A_757 = tpu.memref_slice %arg3[%dma_start3A_756, %multiple_of3A_750] : memref<16x1000000xf32, #tpu.memory_space<hbm>> -> memref<16x128xf32, #tpu.memory_space<hbm>>
      %dma_start3A_758 = arith.constant 0 : i32
      %dma_start3A_759 = arith.constant 0 : i32
      %dma_start3A_760 = tpu.memref_slice %arg9[%dma_start3A_751, %dma_start3A_758, %dma_start3A_759] : memref<8x16x128xf32, #tpu.memory_space<vmem>> -> memref<1x16x128xf32, #tpu.memory_space<vmem>>
      %dma_start3A_761 = tpu.memref_squeeze %dma_start3A_760 : memref<1x16x128xf32, #tpu.memory_space<vmem>> -> memref<16x128xf32, #tpu.memory_space<vmem>>
      %dma_start3A_762 = arith.constant 0 : i32
      %dma_start3A_763 = tpu.memref_slice %arg3[%dma_start3A_762, %multiple_of3A_750] : memref<16x1000000xf32, #tpu.memory_space<hbm>> -> memref<16x128xf32, #tpu.memory_space<hbm>>
      tpu.enqueue_dma source(%dma_start3A_763 : memref<16x128xf32, #tpu.memory_space<hbm>>) target(%dma_start3A_761 : memref<16x128xf32, #tpu.memory_space<vmem>>) target_semaphore(%arg14 : memref<!tpu.dma_semaphore, #tpu.memory_space<semaphore_mem>>)
      %slice3A_764 = vector.extract_strided_slice %scan3A_678 {offsets = [10], sizes = [1], strides = [1]} : vector<16xi32> to vector<1xi32>
      %squeeze3A_765 = vector.extract %slice3A_764[0] : i32 from vector<1xi32>
      %jit3A_766 = arith.constant 128 : i32
      %div3A_767 = arith.divsi %squeeze3A_765, %jit3A_766 : i32
      %sign3A_768 = arith.constant 0 : i32
      %sign3A_769 = arith.cmpi sgt, %squeeze3A_765, %sign3A_768 : i32
      %sign3A_770 = arith.extui %sign3A_769 : i1 to i32
      %sign3A_771 = arith.constant 0 : i32
      %sign3A_772 = arith.cmpi slt, %squeeze3A_765, %sign3A_771 : i32
      %sign3A_773 = arith.extui %sign3A_772 : i1 to i32
      %sign3A_774 = arith.subi %sign3A_770, %sign3A_773 : i32
      %sign3A_775 = arith.constant 0 : i32
      %sign3A_776 = arith.cmpi sgt, %jit3A_766, %sign3A_775 : i32
      %sign3A_777 = arith.extui %sign3A_776 : i1 to i32
      %sign3A_778 = arith.constant 0 : i32
      %sign3A_779 = arith.cmpi slt, %jit3A_766, %sign3A_778 : i32
      %sign3A_780 = arith.extui %sign3A_779 : i1 to i32
      %sign3A_781 = arith.subi %sign3A_777, %sign3A_780 : i32
      %ne3A_782 = arith.cmpi ne, %sign3A_774, %sign3A_781 : i32
      %rem3A_783 = arith.remsi %squeeze3A_765, %jit3A_766 : i32
      %ne3A_784 = arith.constant 0 : i32
      %ne3A_785 = arith.cmpi ne, %rem3A_783, %ne3A_784 : i32
      %and3A_786 = arith.andi %ne3A_782, %ne3A_785 : i1
      %sub3A_787 = arith.constant 1 : i32
      %sub3A_788 = arith.subi %div3A_767, %sub3A_787 : i32
      %select_n3A_789 = arith.select %and3A_786, %sub3A_788, %div3A_767 : i32
      %mul3A_790 = arith.constant 128 : i32
      %mul3A_791 = arith.muli %select_n3A_789, %mul3A_790 : i32
      %multiple_of3A_792 = tpu.assume_multiple %mul3A_791, 128 : i32
      %dma_start3A_793 = arith.constant 2 : i32
      %dma_start3A_794 = arith.constant 0 : i32
      %dma_start3A_795 = arith.constant 0 : i32
      %dma_start3A_796 = tpu.memref_slice %arg9[%dma_start3A_793, %dma_start3A_794, %dma_start3A_795] : memref<8x16x128xf32, #tpu.memory_space<vmem>> -> memref<1x16x128xf32, #tpu.memory_space<vmem>>
      %dma_start3A_797 = tpu.memref_squeeze %dma_start3A_796 : memref<1x16x128xf32, #tpu.memory_space<vmem>> -> memref<16x128xf32, #tpu.memory_space<vmem>>
      %dma_start3A_798 = arith.constant 0 : i32
      %dma_start3A_799 = tpu.memref_slice %arg3[%dma_start3A_798, %multiple_of3A_792] : memref<16x1000000xf32, #tpu.memory_space<hbm>> -> memref<16x128xf32, #tpu.memory_space<hbm>>
      %dma_start3A_800 = arith.constant 0 : i32
      %dma_start3A_801 = arith.constant 0 : i32
      %dma_start3A_802 = tpu.memref_slice %arg9[%dma_start3A_793, %dma_start3A_800, %dma_start3A_801] : memref<8x16x128xf32, #tpu.memory_space<vmem>> -> memref<1x16x128xf32, #tpu.memory_space<vmem>>
      %dma_start3A_803 = tpu.memref_squeeze %dma_start3A_802 : memref<1x16x128xf32, #tpu.memory_space<vmem>> -> memref<16x128xf32, #tpu.memory_space<vmem>>
      %dma_start3A_804 = arith.constant 0 : i32
      %dma_start3A_805 = tpu.memref_slice %arg3[%dma_start3A_804, %multiple_of3A_792] : memref<16x1000000xf32, #tpu.memory_space<hbm>> -> memref<16x128xf32, #tpu.memory_space<hbm>>
      tpu.enqueue_dma source(%dma_start3A_805 : memref<16x128xf32, #tpu.memory_space<hbm>>) target(%dma_start3A_803 : memref<16x128xf32, #tpu.memory_space<vmem>>) target_semaphore(%arg14 : memref<!tpu.dma_semaphore, #tpu.memory_space<semaphore_mem>>)
      %slice3A_806 = vector.extract_strided_slice %scan3A_678 {offsets = [11], sizes = [1], strides = [1]} : vector<16xi32> to vector<1xi32>
      %squeeze3A_807 = vector.extract %slice3A_806[0] : i32 from vector<1xi32>
      %jit3A_808 = arith.constant 128 : i32
      %div3A_809 = arith.divsi %squeeze3A_807, %jit3A_808 : i32
      %sign3A_810 = arith.constant 0 : i32
      %sign3A_811 = arith.cmpi sgt, %squeeze3A_807, %sign3A_810 : i32
      %sign3A_812 = arith.extui %sign3A_811 : i1 to i32
      %sign3A_813 = arith.constant 0 : i32
      %sign3A_814 = arith.cmpi slt, %squeeze3A_807, %sign3A_813 : i32
      %sign3A_815 = arith.extui %sign3A_814 : i1 to i32
      %sign3A_816 = arith.subi %sign3A_812, %sign3A_815 : i32
      %sign3A_817 = arith.constant 0 : i32
      %sign3A_818 = arith.cmpi sgt, %jit3A_808, %sign3A_817 : i32
      %sign3A_819 = arith.extui %sign3A_818 : i1 to i32
      %sign3A_820 = arith.constant 0 : i32
      %sign3A_821 = arith.cmpi slt, %jit3A_808, %sign3A_820 : i32
      %sign3A_822 = arith.extui %sign3A_821 : i1 to i32
      %sign3A_823 = arith.subi %sign3A_819, %sign3A_822 : i32
      %ne3A_824 = arith.cmpi ne, %sign3A_816, %sign3A_823 : i32
      %rem3A_825 = arith.remsi %squeeze3A_807, %jit3A_808 : i32
      %ne3A_826 = arith.constant 0 : i32
      %ne3A_827 = arith.cmpi ne, %rem3A_825, %ne3A_826 : i32
      %and3A_828 = arith.andi %ne3A_824, %ne3A_827 : i1
      %sub3A_829 = arith.constant 1 : i32
      %sub3A_830 = arith.subi %div3A_809, %sub3A_829 : i32
      %select_n3A_831 = arith.select %and3A_828, %sub3A_830, %div3A_809 : i32
      %mul3A_832 = arith.constant 128 : i32
      %mul3A_833 = arith.muli %select_n3A_831, %mul3A_832 : i32
      %multiple_of3A_834 = tpu.assume_multiple %mul3A_833, 128 : i32
      %dma_start3A_835 = arith.constant 3 : i32
      %dma_start3A_836 = arith.constant 0 : i32
      %dma_start3A_837 = arith.constant 0 : i32
      %dma_start3A_838 = tpu.memref_slice %arg9[%dma_start3A_835, %dma_start3A_836, %dma_start3A_837] : memref<8x16x128xf32, #tpu.memory_space<vmem>> -> memref<1x16x128xf32, #tpu.memory_space<vmem>>
      %dma_start3A_839 = tpu.memref_squeeze %dma_start3A_838 : memref<1x16x128xf32, #tpu.memory_space<vmem>> -> memref<16x128xf32, #tpu.memory_space<vmem>>
      %dma_start3A_840 = arith.constant 0 : i32
      %dma_start3A_841 = tpu.memref_slice %arg3[%dma_start3A_840, %multiple_of3A_834] : memref<16x1000000xf32, #tpu.memory_space<hbm>> -> memref<16x128xf32, #tpu.memory_space<hbm>>
      %dma_start3A_842 = arith.constant 0 : i32
      %dma_start3A_843 = arith.constant 0 : i32
      %dma_start3A_844 = tpu.memref_slice %arg9[%dma_start3A_835, %dma_start3A_842, %dma_start3A_843] : memref<8x16x128xf32, #tpu.memory_space<vmem>> -> memref<1x16x128xf32, #tpu.memory_space<vmem>>
      %dma_start3A_845 = tpu.memref_squeeze %dma_start3A_844 : memref<1x16x128xf32, #tpu.memory_space<vmem>> -> memref<16x128xf32, #tpu.memory_space<vmem>>
      %dma_start3A_846 = arith.constant 0 : i32
      %dma_start3A_847 = tpu.memref_slice %arg3[%dma_start3A_846, %multiple_of3A_834] : memref<16x1000000xf32, #tpu.memory_space<hbm>> -> memref<16x128xf32, #tpu.memory_space<hbm>>
      tpu.enqueue_dma source(%dma_start3A_847 : memref<16x128xf32, #tpu.memory_space<hbm>>) target(%dma_start3A_845 : memref<16x128xf32, #tpu.memory_space<vmem>>) target_semaphore(%arg14 : memref<!tpu.dma_semaphore, #tpu.memory_space<semaphore_mem>>)
      %slice3A_848 = vector.extract_strided_slice %scan3A_678 {offsets = [12], sizes = [1], strides = [1]} : vector<16xi32> to vector<1xi32>
      %squeeze3A_849 = vector.extract %slice3A_848[0] : i32 from vector<1xi32>
      %jit3A_850 = arith.constant 128 : i32
      %div3A_851 = arith.divsi %squeeze3A_849, %jit3A_850 : i32
      %sign3A_852 = arith.constant 0 : i32
      %sign3A_853 = arith.cmpi sgt, %squeeze3A_849, %sign3A_852 : i32
      %sign3A_854 = arith.extui %sign3A_853 : i1 to i32
      %sign3A_855 = arith.constant 0 : i32
      %sign3A_856 = arith.cmpi slt, %squeeze3A_849, %sign3A_855 : i32
      %sign3A_857 = arith.extui %sign3A_856 : i1 to i32
      %sign3A_858 = arith.subi %sign3A_854, %sign3A_857 : i32
      %sign3A_859 = arith.constant 0 : i32
      %sign3A_860 = arith.cmpi sgt, %jit3A_850, %sign3A_859 : i32
      %sign3A_861 = arith.extui %sign3A_860 : i1 to i32
      %sign3A_862 = arith.constant 0 : i32
      %sign3A_863 = arith.cmpi slt, %jit3A_850, %sign3A_862 : i32
      %sign3A_864 = arith.extui %sign3A_863 : i1 to i32
      %sign3A_865 = arith.subi %sign3A_861, %sign3A_864 : i32
      %ne3A_866 = arith.cmpi ne, %sign3A_858, %sign3A_865 : i32
      %rem3A_867 = arith.remsi %squeeze3A_849, %jit3A_850 : i32
      %ne3A_868 = arith.constant 0 : i32
      %ne3A_869 = arith.cmpi ne, %rem3A_867, %ne3A_868 : i32
      %and3A_870 = arith.andi %ne3A_866, %ne3A_869 : i1
      %sub3A_871 = arith.constant 1 : i32
      %sub3A_872 = arith.subi %div3A_851, %sub3A_871 : i32
      %select_n3A_873 = arith.select %and3A_870, %sub3A_872, %div3A_851 : i32
      %mul3A_874 = arith.constant 128 : i32
      %mul3A_875 = arith.muli %select_n3A_873, %mul3A_874 : i32
      %multiple_of3A_876 = tpu.assume_multiple %mul3A_875, 128 : i32
      %dma_start3A_877 = arith.constant 4 : i32
      %dma_start3A_878 = arith.constant 0 : i32
      %dma_start3A_879 = arith.constant 0 : i32
      %dma_start3A_880 = tpu.memref_slice %arg9[%dma_start3A_877, %dma_start3A_878, %dma_start3A_879] : memref<8x16x128xf32, #tpu.memory_space<vmem>> -> memref<1x16x128xf32, #tpu.memory_space<vmem>>
      %dma_start3A_881 = tpu.memref_squeeze %dma_start3A_880 : memref<1x16x128xf32, #tpu.memory_space<vmem>> -> memref<16x128xf32, #tpu.memory_space<vmem>>
      %dma_start3A_882 = arith.constant 0 : i32
      %dma_start3A_883 = tpu.memref_slice %arg3[%dma_start3A_882, %multiple_of3A_876] : memref<16x1000000xf32, #tpu.memory_space<hbm>> -> memref<16x128xf32, #tpu.memory_space<hbm>>
      %dma_start3A_884 = arith.constant 0 : i32
      %dma_start3A_885 = arith.constant 0 : i32
      %dma_start3A_886 = tpu.memref_slice %arg9[%dma_start3A_877, %dma_start3A_884, %dma_start3A_885] : memref<8x16x128xf32, #tpu.memory_space<vmem>> -> memref<1x16x128xf32, #tpu.memory_space<vmem>>
      %dma_start3A_887 = tpu.memref_squeeze %dma_start3A_886 : memref<1x16x128xf32, #tpu.memory_space<vmem>> -> memref<16x128xf32, #tpu.memory_space<vmem>>
      %dma_start3A_888 = arith.constant 0 : i32
      %dma_start3A_889 = tpu.memref_slice %arg3[%dma_start3A_888, %multiple_of3A_876] : memref<16x1000000xf32, #tpu.memory_space<hbm>> -> memref<16x128xf32, #tpu.memory_space<hbm>>
      tpu.enqueue_dma source(%dma_start3A_889 : memref<16x128xf32, #tpu.memory_space<hbm>>) target(%dma_start3A_887 : memref<16x128xf32, #tpu.memory_space<vmem>>) target_semaphore(%arg14 : memref<!tpu.dma_semaphore, #tpu.memory_space<semaphore_mem>>)
      %slice3A_890 = vector.extract_strided_slice %scan3A_678 {offsets = [13], sizes = [1], strides = [1]} : vector<16xi32> to vector<1xi32>
      %squeeze3A_891 = vector.extract %slice3A_890[0] : i32 from vector<1xi32>
      %jit3A_892 = arith.constant 128 : i32
      %div3A_893 = arith.divsi %squeeze3A_891, %jit3A_892 : i32
      %sign3A_894 = arith.constant 0 : i32
      %sign3A_895 = arith.cmpi sgt, %squeeze3A_891, %sign3A_894 : i32
      %sign3A_896 = arith.extui %sign3A_895 : i1 to i32
      %sign3A_897 = arith.constant 0 : i32
      %sign3A_898 = arith.cmpi slt, %squeeze3A_891, %sign3A_897 : i32
      %sign3A_899 = arith.extui %sign3A_898 : i1 to i32
      %sign3A_900 = arith.subi %sign3A_896, %sign3A_899 : i32
      %sign3A_901 = arith.constant 0 : i32
      %sign3A_902 = arith.cmpi sgt, %jit3A_892, %sign3A_901 : i32
      %sign3A_903 = arith.extui %sign3A_902 : i1 to i32
      %sign3A_904 = arith.constant 0 : i32
      %sign3A_905 = arith.cmpi slt, %jit3A_892, %sign3A_904 : i32
      %sign3A_906 = arith.extui %sign3A_905 : i1 to i32
      %sign3A_907 = arith.subi %sign3A_903, %sign3A_906 : i32
      %ne3A_908 = arith.cmpi ne, %sign3A_900, %sign3A_907 : i32
      %rem3A_909 = arith.remsi %squeeze3A_891, %jit3A_892 : i32
      %ne3A_910 = arith.constant 0 : i32
      %ne3A_911 = arith.cmpi ne, %rem3A_909, %ne3A_910 : i32
      %and3A_912 = arith.andi %ne3A_908, %ne3A_911 : i1
      %sub3A_913 = arith.constant 1 : i32
      %sub3A_914 = arith.subi %div3A_893, %sub3A_913 : i32
      %select_n3A_915 = arith.select %and3A_912, %sub3A_914, %div3A_893 : i32
      %mul3A_916 = arith.constant 128 : i32
      %mul3A_917 = arith.muli %select_n3A_915, %mul3A_916 : i32
      %multiple_of3A_918 = tpu.assume_multiple %mul3A_917, 128 : i32
      %dma_start3A_919 = arith.constant 5 : i32
      %dma_start3A_920 = arith.constant 0 : i32
      %dma_start3A_921 = arith.constant 0 : i32
      %dma_start3A_922 = tpu.memref_slice %arg9[%dma_start3A_919, %dma_start3A_920, %dma_start3A_921] : memref<8x16x128xf32, #tpu.memory_space<vmem>> -> memref<1x16x128xf32, #tpu.memory_space<vmem>>
      %dma_start3A_923 = tpu.memref_squeeze %dma_start3A_922 : memref<1x16x128xf32, #tpu.memory_space<vmem>> -> memref<16x128xf32, #tpu.memory_space<vmem>>
      %dma_start3A_924 = arith.constant 0 : i32
      %dma_start3A_925 = tpu.memref_slice %arg3[%dma_start3A_924, %multiple_of3A_918] : memref<16x1000000xf32, #tpu.memory_space<hbm>> -> memref<16x128xf32, #tpu.memory_space<hbm>>
      %dma_start3A_926 = arith.constant 0 : i32
      %dma_start3A_927 = arith.constant 0 : i32
      %dma_start3A_928 = tpu.memref_slice %arg9[%dma_start3A_919, %dma_start3A_926, %dma_start3A_927] : memref<8x16x128xf32, #tpu.memory_space<vmem>> -> memref<1x16x128xf32, #tpu.memory_space<vmem>>
      %dma_start3A_929 = tpu.memref_squeeze %dma_start3A_928 : memref<1x16x128xf32, #tpu.memory_space<vmem>> -> memref<16x128xf32, #tpu.memory_space<vmem>>
      %dma_start3A_930 = arith.constant 0 : i32
      %dma_start3A_931 = tpu.memref_slice %arg3[%dma_start3A_930, %multiple_of3A_918] : memref<16x1000000xf32, #tpu.memory_space<hbm>> -> memref<16x128xf32, #tpu.memory_space<hbm>>
      tpu.enqueue_dma source(%dma_start3A_931 : memref<16x128xf32, #tpu.memory_space<hbm>>) target(%dma_start3A_929 : memref<16x128xf32, #tpu.memory_space<vmem>>) target_semaphore(%arg14 : memref<!tpu.dma_semaphore, #tpu.memory_space<semaphore_mem>>)
      %slice3A_932 = vector.extract_strided_slice %scan3A_678 {offsets = [14], sizes = [1], strides = [1]} : vector<16xi32> to vector<1xi32>
      %squeeze3A_933 = vector.extract %slice3A_932[0] : i32 from vector<1xi32>
      %jit3A_934 = arith.constant 128 : i32
      %div3A_935 = arith.divsi %squeeze3A_933, %jit3A_934 : i32
      %sign3A_936 = arith.constant 0 : i32
      %sign3A_937 = arith.cmpi sgt, %squeeze3A_933, %sign3A_936 : i32
      %sign3A_938 = arith.extui %sign3A_937 : i1 to i32
      %sign3A_939 = arith.constant 0 : i32
      %sign3A_940 = arith.cmpi slt, %squeeze3A_933, %sign3A_939 : i32
      %sign3A_941 = arith.extui %sign3A_940 : i1 to i32
      %sign3A_942 = arith.subi %sign3A_938, %sign3A_941 : i32
      %sign3A_943 = arith.constant 0 : i32
      %sign3A_944 = arith.cmpi sgt, %jit3A_934, %sign3A_943 : i32
      %sign3A_945 = arith.extui %sign3A_944 : i1 to i32
      %sign3A_946 = arith.constant 0 : i32
      %sign3A_947 = arith.cmpi slt, %jit3A_934, %sign3A_946 : i32
      %sign3A_948 = arith.extui %sign3A_947 : i1 to i32
      %sign3A_949 = arith.subi %sign3A_945, %sign3A_948 : i32
      %ne3A_950 = arith.cmpi ne, %sign3A_942, %sign3A_949 : i32
      %rem3A_951 = arith.remsi %squeeze3A_933, %jit3A_934 : i32
      %ne3A_952 = arith.constant 0 : i32
      %ne3A_953 = arith.cmpi ne, %rem3A_951, %ne3A_952 : i32
      %and3A_954 = arith.andi %ne3A_950, %ne3A_953 : i1
      %sub3A_955 = arith.constant 1 : i32
      %sub3A_956 = arith.subi %div3A_935, %sub3A_955 : i32
      %select_n3A_957 = arith.select %and3A_954, %sub3A_956, %div3A_935 : i32
      %mul3A_958 = arith.constant 128 : i32
      %mul3A_959 = arith.muli %select_n3A_957, %mul3A_958 : i32
      %multiple_of3A_960 = tpu.assume_multiple %mul3A_959, 128 : i32
      %dma_start3A_961 = arith.constant 6 : i32
      %dma_start3A_962 = arith.constant 0 : i32
      %dma_start3A_963 = arith.constant 0 : i32
      %dma_start3A_964 = tpu.memref_slice %arg9[%dma_start3A_961, %dma_start3A_962, %dma_start3A_963] : memref<8x16x128xf32, #tpu.memory_space<vmem>> -> memref<1x16x128xf32, #tpu.memory_space<vmem>>
      %dma_start3A_965 = tpu.memref_squeeze %dma_start3A_964 : memref<1x16x128xf32, #tpu.memory_space<vmem>> -> memref<16x128xf32, #tpu.memory_space<vmem>>
      %dma_start3A_966 = arith.constant 0 : i32
      %dma_start3A_967 = tpu.memref_slice %arg3[%dma_start3A_966, %multiple_of3A_960] : memref<16x1000000xf32, #tpu.memory_space<hbm>> -> memref<16x128xf32, #tpu.memory_space<hbm>>
      %dma_start3A_968 = arith.constant 0 : i32
      %dma_start3A_969 = arith.constant 0 : i32
      %dma_start3A_970 = tpu.memref_slice %arg9[%dma_start3A_961, %dma_start3A_968, %dma_start3A_969] : memref<8x16x128xf32, #tpu.memory_space<vmem>> -> memref<1x16x128xf32, #tpu.memory_space<vmem>>
      %dma_start3A_971 = tpu.memref_squeeze %dma_start3A_970 : memref<1x16x128xf32, #tpu.memory_space<vmem>> -> memref<16x128xf32, #tpu.memory_space<vmem>>
      %dma_start3A_972 = arith.constant 0 : i32
      %dma_start3A_973 = tpu.memref_slice %arg3[%dma_start3A_972, %multiple_of3A_960] : memref<16x1000000xf32, #tpu.memory_space<hbm>> -> memref<16x128xf32, #tpu.memory_space<hbm>>
      tpu.enqueue_dma source(%dma_start3A_973 : memref<16x128xf32, #tpu.memory_space<hbm>>) target(%dma_start3A_971 : memref<16x128xf32, #tpu.memory_space<vmem>>) target_semaphore(%arg14 : memref<!tpu.dma_semaphore, #tpu.memory_space<semaphore_mem>>)
      %slice3A_974 = vector.extract_strided_slice %scan3A_678 {offsets = [15], sizes = [1], strides = [1]} : vector<16xi32> to vector<1xi32>
      %squeeze3A_975 = vector.extract %slice3A_974[0] : i32 from vector<1xi32>
      %jit3A_976 = arith.constant 128 : i32
      %div3A_977 = arith.divsi %squeeze3A_975, %jit3A_976 : i32
      %sign3A_978 = arith.constant 0 : i32
      %sign3A_979 = arith.cmpi sgt, %squeeze3A_975, %sign3A_978 : i32
      %sign3A_980 = arith.extui %sign3A_979 : i1 to i32
      %sign3A_981 = arith.constant 0 : i32
      %sign3A_982 = arith.cmpi slt, %squeeze3A_975, %sign3A_981 : i32
      %sign3A_983 = arith.extui %sign3A_982 : i1 to i32
      %sign3A_984 = arith.subi %sign3A_980, %sign3A_983 : i32
      %sign3A_985 = arith.constant 0 : i32
      %sign3A_986 = arith.cmpi sgt, %jit3A_976, %sign3A_985 : i32
      %sign3A_987 = arith.extui %sign3A_986 : i1 to i32
      %sign3A_988 = arith.constant 0 : i32
      %sign3A_989 = arith.cmpi slt, %jit3A_976, %sign3A_988 : i32
      %sign3A_990 = arith.extui %sign3A_989 : i1 to i32
      %sign3A_991 = arith.subi %sign3A_987, %sign3A_990 : i32
      %ne3A_992 = arith.cmpi ne, %sign3A_984, %sign3A_991 : i32
      %rem3A_993 = arith.remsi %squeeze3A_975, %jit3A_976 : i32
      %ne3A_994 = arith.constant 0 : i32
      %ne3A_995 = arith.cmpi ne, %rem3A_993, %ne3A_994 : i32
      %and3A_996 = arith.andi %ne3A_992, %ne3A_995 : i1
      %sub3A_997 = arith.constant 1 : i32
      %sub3A_998 = arith.subi %div3A_977, %sub3A_997 : i32
      %select_n3A_999 = arith.select %and3A_996, %sub3A_998, %div3A_977 : i32
      %mul3A_1000 = arith.constant 128 : i32
      %mul3A_1001 = arith.muli %select_n3A_999, %mul3A_1000 : i32
      %multiple_of3A_1002 = tpu.assume_multiple %mul3A_1001, 128 : i32
      %dma_start3A_1003 = arith.constant 7 : i32
      %dma_start3A_1004 = arith.constant 0 : i32
      %dma_start3A_1005 = arith.constant 0 : i32
      %dma_start3A_1006 = tpu.memref_slice %arg9[%dma_start3A_1003, %dma_start3A_1004, %dma_start3A_1005] : memref<8x16x128xf32, #tpu.memory_space<vmem>> -> memref<1x16x128xf32, #tpu.memory_space<vmem>>
      %dma_start3A_1007 = tpu.memref_squeeze %dma_start3A_1006 : memref<1x16x128xf32, #tpu.memory_space<vmem>> -> memref<16x128xf32, #tpu.memory_space<vmem>>
      %dma_start3A_1008 = arith.constant 0 : i32
      %dma_start3A_1009 = tpu.memref_slice %arg3[%dma_start3A_1008, %multiple_of3A_1002] : memref<16x1000000xf32, #tpu.memory_space<hbm>> -> memref<16x128xf32, #tpu.memory_space<hbm>>
      %dma_start3A_1010 = arith.constant 0 : i32
      %dma_start3A_1011 = arith.constant 0 : i32
      %dma_start3A_1012 = tpu.memref_slice %arg9[%dma_start3A_1003, %dma_start3A_1010, %dma_start3A_1011] : memref<8x16x128xf32, #tpu.memory_space<vmem>> -> memref<1x16x128xf32, #tpu.memory_space<vmem>>
      %dma_start3A_1013 = tpu.memref_squeeze %dma_start3A_1012 : memref<1x16x128xf32, #tpu.memory_space<vmem>> -> memref<16x128xf32, #tpu.memory_space<vmem>>
      %dma_start3A_1014 = arith.constant 0 : i32
      %dma_start3A_1015 = tpu.memref_slice %arg3[%dma_start3A_1014, %multiple_of3A_1002] : memref<16x1000000xf32, #tpu.memory_space<hbm>> -> memref<16x128xf32, #tpu.memory_space<hbm>>
      tpu.enqueue_dma source(%dma_start3A_1015 : memref<16x128xf32, #tpu.memory_space<hbm>>) target(%dma_start3A_1013 : memref<16x128xf32, #tpu.memory_space<vmem>>) target_semaphore(%arg14 : memref<!tpu.dma_semaphore, #tpu.memory_space<semaphore_mem>>)
      %slice3A_1016 = vector.extract_strided_slice %scan3A_679 {offsets = [8], sizes = [1], strides = [1]} : vector<16xi32> to vector<1xi32>
      %squeeze3A_1017 = vector.extract %slice3A_1016[0] : i32 from vector<1xi32>
      %jit3A_1018 = arith.constant 128 : i32
      %div3A_1019 = arith.divsi %squeeze3A_1017, %jit3A_1018 : i32
      %sign3A_1020 = arith.constant 0 : i32
      %sign3A_1021 = arith.cmpi sgt, %squeeze3A_1017, %sign3A_1020 : i32
      %sign3A_1022 = arith.extui %sign3A_1021 : i1 to i32
      %sign3A_1023 = arith.constant 0 : i32
      %sign3A_1024 = arith.cmpi slt, %squeeze3A_1017, %sign3A_1023 : i32
      %sign3A_1025 = arith.extui %sign3A_1024 : i1 to i32
      %sign3A_1026 = arith.subi %sign3A_1022, %sign3A_1025 : i32
      %sign3A_1027 = arith.constant 0 : i32
      %sign3A_1028 = arith.cmpi sgt, %jit3A_1018, %sign3A_1027 : i32
      %sign3A_1029 = arith.extui %sign3A_1028 : i1 to i32
      %sign3A_1030 = arith.constant 0 : i32
      %sign3A_1031 = arith.cmpi slt, %jit3A_1018, %sign3A_1030 : i32
      %sign3A_1032 = arith.extui %sign3A_1031 : i1 to i32
      %sign3A_1033 = arith.subi %sign3A_1029, %sign3A_1032 : i32
      %ne3A_1034 = arith.cmpi ne, %sign3A_1026, %sign3A_1033 : i32
      %rem3A_1035 = arith.remsi %squeeze3A_1017, %jit3A_1018 : i32
      %ne3A_1036 = arith.constant 0 : i32
      %ne3A_1037 = arith.cmpi ne, %rem3A_1035, %ne3A_1036 : i32
      %and3A_1038 = arith.andi %ne3A_1034, %ne3A_1037 : i1
      %sub3A_1039 = arith.constant 1 : i32
      %sub3A_1040 = arith.subi %div3A_1019, %sub3A_1039 : i32
      %select_n3A_1041 = arith.select %and3A_1038, %sub3A_1040, %div3A_1019 : i32
      %mul3A_1042 = arith.constant 128 : i32
      %mul3A_1043 = arith.muli %select_n3A_1041, %mul3A_1042 : i32
      %multiple_of3A_1044 = tpu.assume_multiple %mul3A_1043, 128 : i32
      %dma_start3A_1045 = arith.constant 0 : i32
      %dma_start3A_1046 = arith.constant 0 : i32
      %dma_start3A_1047 = arith.constant 0 : i32
      %dma_start3A_1048 = tpu.memref_slice %arg11[%dma_start3A_1045, %dma_start3A_1046, %dma_start3A_1047] : memref<8x16x128xf32, #tpu.memory_space<vmem>> -> memref<1x16x128xf32, #tpu.memory_space<vmem>>
      %dma_start3A_1049 = tpu.memref_squeeze %dma_start3A_1048 : memref<1x16x128xf32, #tpu.memory_space<vmem>> -> memref<16x128xf32, #tpu.memory_space<vmem>>
      %dma_start3A_1050 = arith.constant 0 : i32
      %dma_start3A_1051 = tpu.memref_slice %arg4[%dma_start3A_1050, %multiple_of3A_1044] : memref<16x1000000xf32, #tpu.memory_space<hbm>> -> memref<16x128xf32, #tpu.memory_space<hbm>>
      %dma_start3A_1052 = arith.constant 0 : i32
      %dma_start3A_1053 = arith.constant 0 : i32
      %dma_start3A_1054 = tpu.memref_slice %arg11[%dma_start3A_1045, %dma_start3A_1052, %dma_start3A_1053] : memref<8x16x128xf32, #tpu.memory_space<vmem>> -> memref<1x16x128xf32, #tpu.memory_space<vmem>>
      %dma_start3A_1055 = tpu.memref_squeeze %dma_start3A_1054 : memref<1x16x128xf32, #tpu.memory_space<vmem>> -> memref<16x128xf32, #tpu.memory_space<vmem>>
      %dma_start3A_1056 = arith.constant 0 : i32
      %dma_start3A_1057 = tpu.memref_slice %arg4[%dma_start3A_1056, %multiple_of3A_1044] : memref<16x1000000xf32, #tpu.memory_space<hbm>> -> memref<16x128xf32, #tpu.memory_space<hbm>>
      tpu.enqueue_dma source(%dma_start3A_1057 : memref<16x128xf32, #tpu.memory_space<hbm>>) target(%dma_start3A_1055 : memref<16x128xf32, #tpu.memory_space<vmem>>) target_semaphore(%arg16 : memref<!tpu.dma_semaphore, #tpu.memory_space<semaphore_mem>>)
      %slice3A_1058 = vector.extract_strided_slice %scan3A_679 {offsets = [9], sizes = [1], strides = [1]} : vector<16xi32> to vector<1xi32>
      %squeeze3A_1059 = vector.extract %slice3A_1058[0] : i32 from vector<1xi32>
      %jit3A_1060 = arith.constant 128 : i32
      %div3A_1061 = arith.divsi %squeeze3A_1059, %jit3A_1060 : i32
      %sign3A_1062 = arith.constant 0 : i32
      %sign3A_1063 = arith.cmpi sgt, %squeeze3A_1059, %sign3A_1062 : i32
      %sign3A_1064 = arith.extui %sign3A_1063 : i1 to i32
      %sign3A_1065 = arith.constant 0 : i32
      %sign3A_1066 = arith.cmpi slt, %squeeze3A_1059, %sign3A_1065 : i32
      %sign3A_1067 = arith.extui %sign3A_1066 : i1 to i32
      %sign3A_1068 = arith.subi %sign3A_1064, %sign3A_1067 : i32
      %sign3A_1069 = arith.constant 0 : i32
      %sign3A_1070 = arith.cmpi sgt, %jit3A_1060, %sign3A_1069 : i32
      %sign3A_1071 = arith.extui %sign3A_1070 : i1 to i32
      %sign3A_1072 = arith.constant 0 : i32
      %sign3A_1073 = arith.cmpi slt, %jit3A_1060, %sign3A_1072 : i32
      %sign3A_1074 = arith.extui %sign3A_1073 : i1 to i32
      %sign3A_1075 = arith.subi %sign3A_1071, %sign3A_1074 : i32
      %ne3A_1076 = arith.cmpi ne, %sign3A_1068, %sign3A_1075 : i32
      %rem3A_1077 = arith.remsi %squeeze3A_1059, %jit3A_1060 : i32
      %ne3A_1078 = arith.constant 0 : i32
      %ne3A_1079 = arith.cmpi ne, %rem3A_1077, %ne3A_1078 : i32
      %and3A_1080 = arith.andi %ne3A_1076, %ne3A_1079 : i1
      %sub3A_1081 = arith.constant 1 : i32
      %sub3A_1082 = arith.subi %div3A_1061, %sub3A_1081 : i32
      %select_n3A_1083 = arith.select %and3A_1080, %sub3A_1082, %div3A_1061 : i32
      %mul3A_1084 = arith.constant 128 : i32
      %mul3A_1085 = arith.muli %select_n3A_1083, %mul3A_1084 : i32
      %multiple_of3A_1086 = tpu.assume_multiple %mul3A_1085, 128 : i32
      %dma_start3A_1087 = arith.constant 1 : i32
      %dma_start3A_1088 = arith.constant 0 : i32
      %dma_start3A_1089 = arith.constant 0 : i32
      %dma_start3A_1090 = tpu.memref_slice %arg11[%dma_start3A_1087, %dma_start3A_1088, %dma_start3A_1089] : memref<8x16x128xf32, #tpu.memory_space<vmem>> -> memref<1x16x128xf32, #tpu.memory_space<vmem>>
      %dma_start3A_1091 = tpu.memref_squeeze %dma_start3A_1090 : memref<1x16x128xf32, #tpu.memory_space<vmem>> -> memref<16x128xf32, #tpu.memory_space<vmem>>
      %dma_start3A_1092 = arith.constant 0 : i32
      %dma_start3A_1093 = tpu.memref_slice %arg4[%dma_start3A_1092, %multiple_of3A_1086] : memref<16x1000000xf32, #tpu.memory_space<hbm>> -> memref<16x128xf32, #tpu.memory_space<hbm>>
      %dma_start3A_1094 = arith.constant 0 : i32
      %dma_start3A_1095 = arith.constant 0 : i32
      %dma_start3A_1096 = tpu.memref_slice %arg11[%dma_start3A_1087, %dma_start3A_1094, %dma_start3A_1095] : memref<8x16x128xf32, #tpu.memory_space<vmem>> -> memref<1x16x128xf32, #tpu.memory_space<vmem>>
      %dma_start3A_1097 = tpu.memref_squeeze %dma_start3A_1096 : memref<1x16x128xf32, #tpu.memory_space<vmem>> -> memref<16x128xf32, #tpu.memory_space<vmem>>
      %dma_start3A_1098 = arith.constant 0 : i32
      %dma_start3A_1099 = tpu.memref_slice %arg4[%dma_start3A_1098, %multiple_of3A_1086] : memref<16x1000000xf32, #tpu.memory_space<hbm>> -> memref<16x128xf32, #tpu.memory_space<hbm>>
      tpu.enqueue_dma source(%dma_start3A_1099 : memref<16x128xf32, #tpu.memory_space<hbm>>) target(%dma_start3A_1097 : memref<16x128xf32, #tpu.memory_space<vmem>>) target_semaphore(%arg16 : memref<!tpu.dma_semaphore, #tpu.memory_space<semaphore_mem>>)
      %slice3A_1100 = vector.extract_strided_slice %scan3A_679 {offsets = [10], sizes = [1], strides = [1]} : vector<16xi32> to vector<1xi32>
      %squeeze3A_1101 = vector.extract %slice3A_1100[0] : i32 from vector<1xi32>
      %jit3A_1102 = arith.constant 128 : i32
      %div3A_1103 = arith.divsi %squeeze3A_1101, %jit3A_1102 : i32
      %sign3A_1104 = arith.constant 0 : i32
      %sign3A_1105 = arith.cmpi sgt, %squeeze3A_1101, %sign3A_1104 : i32
      %sign3A_1106 = arith.extui %sign3A_1105 : i1 to i32
      %sign3A_1107 = arith.constant 0 : i32
      %sign3A_1108 = arith.cmpi slt, %squeeze3A_1101, %sign3A_1107 : i32
      %sign3A_1109 = arith.extui %sign3A_1108 : i1 to i32
      %sign3A_1110 = arith.subi %sign3A_1106, %sign3A_1109 : i32
      %sign3A_1111 = arith.constant 0 : i32
      %sign3A_1112 = arith.cmpi sgt, %jit3A_1102, %sign3A_1111 : i32
      %sign3A_1113 = arith.extui %sign3A_1112 : i1 to i32
      %sign3A_1114 = arith.constant 0 : i32
      %sign3A_1115 = arith.cmpi slt, %jit3A_1102, %sign3A_1114 : i32
      %sign3A_1116 = arith.extui %sign3A_1115 : i1 to i32
      %sign3A_1117 = arith.subi %sign3A_1113, %sign3A_1116 : i32
      %ne3A_1118 = arith.cmpi ne, %sign3A_1110, %sign3A_1117 : i32
      %rem3A_1119 = arith.remsi %squeeze3A_1101, %jit3A_1102 : i32
      %ne3A_1120 = arith.constant 0 : i32
      %ne3A_1121 = arith.cmpi ne, %rem3A_1119, %ne3A_1120 : i32
      %and3A_1122 = arith.andi %ne3A_1118, %ne3A_1121 : i1
      %sub3A_1123 = arith.constant 1 : i32
      %sub3A_1124 = arith.subi %div3A_1103, %sub3A_1123 : i32
      %select_n3A_1125 = arith.select %and3A_1122, %sub3A_1124, %div3A_1103 : i32
      %mul3A_1126 = arith.constant 128 : i32
      %mul3A_1127 = arith.muli %select_n3A_1125, %mul3A_1126 : i32
      %multiple_of3A_1128 = tpu.assume_multiple %mul3A_1127, 128 : i32
      %dma_start3A_1129 = arith.constant 2 : i32
      %dma_start3A_1130 = arith.constant 0 : i32
      %dma_start3A_1131 = arith.constant 0 : i32
      %dma_start3A_1132 = tpu.memref_slice %arg11[%dma_start3A_1129, %dma_start3A_1130, %dma_start3A_1131] : memref<8x16x128xf32, #tpu.memory_space<vmem>> -> memref<1x16x128xf32, #tpu.memory_space<vmem>>
      %dma_start3A_1133 = tpu.memref_squeeze %dma_start3A_1132 : memref<1x16x128xf32, #tpu.memory_space<vmem>> -> memref<16x128xf32, #tpu.memory_space<vmem>>
      %dma_start3A_1134 = arith.constant 0 : i32
      %dma_start3A_1135 = tpu.memref_slice %arg4[%dma_start3A_1134, %multiple_of3A_1128] : memref<16x1000000xf32, #tpu.memory_space<hbm>> -> memref<16x128xf32, #tpu.memory_space<hbm>>
      %dma_start3A_1136 = arith.constant 0 : i32
      %dma_start3A_1137 = arith.constant 0 : i32
      %dma_start3A_1138 = tpu.memref_slice %arg11[%dma_start3A_1129, %dma_start3A_1136, %dma_start3A_1137] : memref<8x16x128xf32, #tpu.memory_space<vmem>> -> memref<1x16x128xf32, #tpu.memory_space<vmem>>
      %dma_start3A_1139 = tpu.memref_squeeze %dma_start3A_1138 : memref<1x16x128xf32, #tpu.memory_space<vmem>> -> memref<16x128xf32, #tpu.memory_space<vmem>>
      %dma_start3A_1140 = arith.constant 0 : i32
      %dma_start3A_1141 = tpu.memref_slice %arg4[%dma_start3A_1140, %multiple_of3A_1128] : memref<16x1000000xf32, #tpu.memory_space<hbm>> -> memref<16x128xf32, #tpu.memory_space<hbm>>
      tpu.enqueue_dma source(%dma_start3A_1141 : memref<16x128xf32, #tpu.memory_space<hbm>>) target(%dma_start3A_1139 : memref<16x128xf32, #tpu.memory_space<vmem>>) target_semaphore(%arg16 : memref<!tpu.dma_semaphore, #tpu.memory_space<semaphore_mem>>)
      %slice3A_1142 = vector.extract_strided_slice %scan3A_679 {offsets = [11], sizes = [1], strides = [1]} : vector<16xi32> to vector<1xi32>
      %squeeze3A_1143 = vector.extract %slice3A_1142[0] : i32 from vector<1xi32>
      %jit3A_1144 = arith.constant 128 : i32
      %div3A_1145 = arith.divsi %squeeze3A_1143, %jit3A_1144 : i32
      %sign3A_1146 = arith.constant 0 : i32
      %sign3A_1147 = arith.cmpi sgt, %squeeze3A_1143, %sign3A_1146 : i32
      %sign3A_1148 = arith.extui %sign3A_1147 : i1 to i32
      %sign3A_1149 = arith.constant 0 : i32
      %sign3A_1150 = arith.cmpi slt, %squeeze3A_1143, %sign3A_1149 : i32
      %sign3A_1151 = arith.extui %sign3A_1150 : i1 to i32
      %sign3A_1152 = arith.subi %sign3A_1148, %sign3A_1151 : i32
      %sign3A_1153 = arith.constant 0 : i32
      %sign3A_1154 = arith.cmpi sgt, %jit3A_1144, %sign3A_1153 : i32
      %sign3A_1155 = arith.extui %sign3A_1154 : i1 to i32
      %sign3A_1156 = arith.constant 0 : i32
      %sign3A_1157 = arith.cmpi slt, %jit3A_1144, %sign3A_1156 : i32
      %sign3A_1158 = arith.extui %sign3A_1157 : i1 to i32
      %sign3A_1159 = arith.subi %sign3A_1155, %sign3A_1158 : i32
      %ne3A_1160 = arith.cmpi ne, %sign3A_1152, %sign3A_1159 : i32
      %rem3A_1161 = arith.remsi %squeeze3A_1143, %jit3A_1144 : i32
      %ne3A_1162 = arith.constant 0 : i32
      %ne3A_1163 = arith.cmpi ne, %rem3A_1161, %ne3A_1162 : i32
      %and3A_1164 = arith.andi %ne3A_1160, %ne3A_1163 : i1
      %sub3A_1165 = arith.constant 1 : i32
      %sub3A_1166 = arith.subi %div3A_1145, %sub3A_1165 : i32
      %select_n3A_1167 = arith.select %and3A_1164, %sub3A_1166, %div3A_1145 : i32
      %mul3A_1168 = arith.constant 128 : i32
      %mul3A_1169 = arith.muli %select_n3A_1167, %mul3A_1168 : i32
      %multiple_of3A_1170 = tpu.assume_multiple %mul3A_1169, 128 : i32
      %dma_start3A_1171 = arith.constant 3 : i32
      %dma_start3A_1172 = arith.constant 0 : i32
      %dma_start3A_1173 = arith.constant 0 : i32
      %dma_start3A_1174 = tpu.memref_slice %arg11[%dma_start3A_1171, %dma_start3A_1172, %dma_start3A_1173] : memref<8x16x128xf32, #tpu.memory_space<vmem>> -> memref<1x16x128xf32, #tpu.memory_space<vmem>>
      %dma_start3A_1175 = tpu.memref_squeeze %dma_start3A_1174 : memref<1x16x128xf32, #tpu.memory_space<vmem>> -> memref<16x128xf32, #tpu.memory_space<vmem>>
      %dma_start3A_1176 = arith.constant 0 : i32
      %dma_start3A_1177 = tpu.memref_slice %arg4[%dma_start3A_1176, %multiple_of3A_1170] : memref<16x1000000xf32, #tpu.memory_space<hbm>> -> memref<16x128xf32, #tpu.memory_space<hbm>>
      %dma_start3A_1178 = arith.constant 0 : i32
      %dma_start3A_1179 = arith.constant 0 : i32
      %dma_start3A_1180 = tpu.memref_slice %arg11[%dma_start3A_1171, %dma_start3A_1178, %dma_start3A_1179] : memref<8x16x128xf32, #tpu.memory_space<vmem>> -> memref<1x16x128xf32, #tpu.memory_space<vmem>>
      %dma_start3A_1181 = tpu.memref_squeeze %dma_start3A_1180 : memref<1x16x128xf32, #tpu.memory_space<vmem>> -> memref<16x128xf32, #tpu.memory_space<vmem>>
      %dma_start3A_1182 = arith.constant 0 : i32
      %dma_start3A_1183 = tpu.memref_slice %arg4[%dma_start3A_1182, %multiple_of3A_1170] : memref<16x1000000xf32, #tpu.memory_space<hbm>> -> memref<16x128xf32, #tpu.memory_space<hbm>>
      tpu.enqueue_dma source(%dma_start3A_1183 : memref<16x128xf32, #tpu.memory_space<hbm>>) target(%dma_start3A_1181 : memref<16x128xf32, #tpu.memory_space<vmem>>) target_semaphore(%arg16 : memref<!tpu.dma_semaphore, #tpu.memory_space<semaphore_mem>>)
      %slice3A_1184 = vector.extract_strided_slice %scan3A_679 {offsets = [12], sizes = [1], strides = [1]} : vector<16xi32> to vector<1xi32>
      %squeeze3A_1185 = vector.extract %slice3A_1184[0] : i32 from vector<1xi32>
      %jit3A_1186 = arith.constant 128 : i32
      %div3A_1187 = arith.divsi %squeeze3A_1185, %jit3A_1186 : i32
      %sign3A_1188 = arith.constant 0 : i32
      %sign3A_1189 = arith.cmpi sgt, %squeeze3A_1185, %sign3A_1188 : i32
      %sign3A_1190 = arith.extui %sign3A_1189 : i1 to i32
      %sign3A_1191 = arith.constant 0 : i32
      %sign3A_1192 = arith.cmpi slt, %squeeze3A_1185, %sign3A_1191 : i32
      %sign3A_1193 = arith.extui %sign3A_1192 : i1 to i32
      %sign3A_1194 = arith.subi %sign3A_1190, %sign3A_1193 : i32
      %sign3A_1195 = arith.constant 0 : i32
      %sign3A_1196 = arith.cmpi sgt, %jit3A_1186, %sign3A_1195 : i32
      %sign3A_1197 = arith.extui %sign3A_1196 : i1 to i32
      %sign3A_1198 = arith.constant 0 : i32
      %sign3A_1199 = arith.cmpi slt, %jit3A_1186, %sign3A_1198 : i32
      %sign3A_1200 = arith.extui %sign3A_1199 : i1 to i32
      %sign3A_1201 = arith.subi %sign3A_1197, %sign3A_1200 : i32
      %ne3A_1202 = arith.cmpi ne, %sign3A_1194, %sign3A_1201 : i32
      %rem3A_1203 = arith.remsi %squeeze3A_1185, %jit3A_1186 : i32
      %ne3A_1204 = arith.constant 0 : i32
      %ne3A_1205 = arith.cmpi ne, %rem3A_1203, %ne3A_1204 : i32
      %and3A_1206 = arith.andi %ne3A_1202, %ne3A_1205 : i1
      %sub3A_1207 = arith.constant 1 : i32
      %sub3A_1208 = arith.subi %div3A_1187, %sub3A_1207 : i32
      %select_n3A_1209 = arith.select %and3A_1206, %sub3A_1208, %div3A_1187 : i32
      %mul3A_1210 = arith.constant 128 : i32
      %mul3A_1211 = arith.muli %select_n3A_1209, %mul3A_1210 : i32
      %multiple_of3A_1212 = tpu.assume_multiple %mul3A_1211, 128 : i32
      %dma_start3A_1213 = arith.constant 4 : i32
      %dma_start3A_1214 = arith.constant 0 : i32
      %dma_start3A_1215 = arith.constant 0 : i32
      %dma_start3A_1216 = tpu.memref_slice %arg11[%dma_start3A_1213, %dma_start3A_1214, %dma_start3A_1215] : memref<8x16x128xf32, #tpu.memory_space<vmem>> -> memref<1x16x128xf32, #tpu.memory_space<vmem>>
      %dma_start3A_1217 = tpu.memref_squeeze %dma_start3A_1216 : memref<1x16x128xf32, #tpu.memory_space<vmem>> -> memref<16x128xf32, #tpu.memory_space<vmem>>
      %dma_start3A_1218 = arith.constant 0 : i32
      %dma_start3A_1219 = tpu.memref_slice %arg4[%dma_start3A_1218, %multiple_of3A_1212] : memref<16x1000000xf32, #tpu.memory_space<hbm>> -> memref<16x128xf32, #tpu.memory_space<hbm>>
      %dma_start3A_1220 = arith.constant 0 : i32
      %dma_start3A_1221 = arith.constant 0 : i32
      %dma_start3A_1222 = tpu.memref_slice %arg11[%dma_start3A_1213, %dma_start3A_1220, %dma_start3A_1221] : memref<8x16x128xf32, #tpu.memory_space<vmem>> -> memref<1x16x128xf32, #tpu.memory_space<vmem>>
      %dma_start3A_1223 = tpu.memref_squeeze %dma_start3A_1222 : memref<1x16x128xf32, #tpu.memory_space<vmem>> -> memref<16x128xf32, #tpu.memory_space<vmem>>
      %dma_start3A_1224 = arith.constant 0 : i32
      %dma_start3A_1225 = tpu.memref_slice %arg4[%dma_start3A_1224, %multiple_of3A_1212] : memref<16x1000000xf32, #tpu.memory_space<hbm>> -> memref<16x128xf32, #tpu.memory_space<hbm>>
      tpu.enqueue_dma source(%dma_start3A_1225 : memref<16x128xf32, #tpu.memory_space<hbm>>) target(%dma_start3A_1223 : memref<16x128xf32, #tpu.memory_space<vmem>>) target_semaphore(%arg16 : memref<!tpu.dma_semaphore, #tpu.memory_space<semaphore_mem>>)
      %slice3A_1226 = vector.extract_strided_slice %scan3A_679 {offsets = [13], sizes = [1], strides = [1]} : vector<16xi32> to vector<1xi32>
      %squeeze3A_1227 = vector.extract %slice3A_1226[0] : i32 from vector<1xi32>
      %jit3A_1228 = arith.constant 128 : i32
      %div3A_1229 = arith.divsi %squeeze3A_1227, %jit3A_1228 : i32
      %sign3A_1230 = arith.constant 0 : i32
      %sign3A_1231 = arith.cmpi sgt, %squeeze3A_1227, %sign3A_1230 : i32
      %sign3A_1232 = arith.extui %sign3A_1231 : i1 to i32
      %sign3A_1233 = arith.constant 0 : i32
      %sign3A_1234 = arith.cmpi slt, %squeeze3A_1227, %sign3A_1233 : i32
      %sign3A_1235 = arith.extui %sign3A_1234 : i1 to i32
      %sign3A_1236 = arith.subi %sign3A_1232, %sign3A_1235 : i32
      %sign3A_1237 = arith.constant 0 : i32
      %sign3A_1238 = arith.cmpi sgt, %jit3A_1228, %sign3A_1237 : i32
      %sign3A_1239 = arith.extui %sign3A_1238 : i1 to i32
      %sign3A_1240 = arith.constant 0 : i32
      %sign3A_1241 = arith.cmpi slt, %jit3A_1228, %sign3A_1240 : i32
      %sign3A_1242 = arith.extui %sign3A_1241 : i1 to i32
      %sign3A_1243 = arith.subi %sign3A_1239, %sign3A_1242 : i32
      %ne3A_1244 = arith.cmpi ne, %sign3A_1236, %sign3A_1243 : i32
      %rem3A_1245 = arith.remsi %squeeze3A_1227, %jit3A_1228 : i32
      %ne3A_1246 = arith.constant 0 : i32
      %ne3A_1247 = arith.cmpi ne, %rem3A_1245, %ne3A_1246 : i32
      %and3A_1248 = arith.andi %ne3A_1244, %ne3A_1247 : i1
      %sub3A_1249 = arith.constant 1 : i32
      %sub3A_1250 = arith.subi %div3A_1229, %sub3A_1249 : i32
      %select_n3A_1251 = arith.select %and3A_1248, %sub3A_1250, %div3A_1229 : i32
      %mul3A_1252 = arith.constant 128 : i32
      %mul3A_1253 = arith.muli %select_n3A_1251, %mul3A_1252 : i32
      %multiple_of3A_1254 = tpu.assume_multiple %mul3A_1253, 128 : i32
      %dma_start3A_1255 = arith.constant 5 : i32
      %dma_start3A_1256 = arith.constant 0 : i32
      %dma_start3A_1257 = arith.constant 0 : i32
      %dma_start3A_1258 = tpu.memref_slice %arg11[%dma_start3A_1255, %dma_start3A_1256, %dma_start3A_1257] : memref<8x16x128xf32, #tpu.memory_space<vmem>> -> memref<1x16x128xf32, #tpu.memory_space<vmem>>
      %dma_start3A_1259 = tpu.memref_squeeze %dma_start3A_1258 : memref<1x16x128xf32, #tpu.memory_space<vmem>> -> memref<16x128xf32, #tpu.memory_space<vmem>>
      %dma_start3A_1260 = arith.constant 0 : i32
      %dma_start3A_1261 = tpu.memref_slice %arg4[%dma_start3A_1260, %multiple_of3A_1254] : memref<16x1000000xf32, #tpu.memory_space<hbm>> -> memref<16x128xf32, #tpu.memory_space<hbm>>
      %dma_start3A_1262 = arith.constant 0 : i32
      %dma_start3A_1263 = arith.constant 0 : i32
      %dma_start3A_1264 = tpu.memref_slice %arg11[%dma_start3A_1255, %dma_start3A_1262, %dma_start3A_1263] : memref<8x16x128xf32, #tpu.memory_space<vmem>> -> memref<1x16x128xf32, #tpu.memory_space<vmem>>
      %dma_start3A_1265 = tpu.memref_squeeze %dma_start3A_1264 : memref<1x16x128xf32, #tpu.memory_space<vmem>> -> memref<16x128xf32, #tpu.memory_space<vmem>>
      %dma_start3A_1266 = arith.constant 0 : i32
      %dma_start3A_1267 = tpu.memref_slice %arg4[%dma_start3A_1266, %multiple_of3A_1254] : memref<16x1000000xf32, #tpu.memory_space<hbm>> -> memref<16x128xf32, #tpu.memory_space<hbm>>
      tpu.enqueue_dma source(%dma_start3A_1267 : memref<16x128xf32, #tpu.memory_space<hbm>>) target(%dma_start3A_1265 : memref<16x128xf32, #tpu.memory_space<vmem>>) target_semaphore(%arg16 : memref<!tpu.dma_semaphore, #tpu.memory_space<semaphore_mem>>)
      %slice3A_1268 = vector.extract_strided_slice %scan3A_679 {offsets = [14], sizes = [1], strides = [1]} : vector<16xi32> to vector<1xi32>
      %squeeze3A_1269 = vector.extract %slice3A_1268[0] : i32 from vector<1xi32>
      %jit3A_1270 = arith.constant 128 : i32
      %div3A_1271 = arith.divsi %squeeze3A_1269, %jit3A_1270 : i32
      %sign3A_1272 = arith.constant 0 : i32
      %sign3A_1273 = arith.cmpi sgt, %squeeze3A_1269, %sign3A_1272 : i32
      %sign3A_1274 = arith.extui %sign3A_1273 : i1 to i32
      %sign3A_1275 = arith.constant 0 : i32
      %sign3A_1276 = arith.cmpi slt, %squeeze3A_1269, %sign3A_1275 : i32
      %sign3A_1277 = arith.extui %sign3A_1276 : i1 to i32
      %sign3A_1278 = arith.subi %sign3A_1274, %sign3A_1277 : i32
      %sign3A_1279 = arith.constant 0 : i32
      %sign3A_1280 = arith.cmpi sgt, %jit3A_1270, %sign3A_1279 : i32
      %sign3A_1281 = arith.extui %sign3A_1280 : i1 to i32
      %sign3A_1282 = arith.constant 0 : i32
      %sign3A_1283 = arith.cmpi slt, %jit3A_1270, %sign3A_1282 : i32
      %sign3A_1284 = arith.extui %sign3A_1283 : i1 to i32
      %sign3A_1285 = arith.subi %sign3A_1281, %sign3A_1284 : i32
      %ne3A_1286 = arith.cmpi ne, %sign3A_1278, %sign3A_1285 : i32
      %rem3A_1287 = arith.remsi %squeeze3A_1269, %jit3A_1270 : i32
      %ne3A_1288 = arith.constant 0 : i32
      %ne3A_1289 = arith.cmpi ne, %rem3A_1287, %ne3A_1288 : i32
      %and3A_1290 = arith.andi %ne3A_1286, %ne3A_1289 : i1
      %sub3A_1291 = arith.constant 1 : i32
      %sub3A_1292 = arith.subi %div3A_1271, %sub3A_1291 : i32
      %select_n3A_1293 = arith.select %and3A_1290, %sub3A_1292, %div3A_1271 : i32
      %mul3A_1294 = arith.constant 128 : i32
      %mul3A_1295 = arith.muli %select_n3A_1293, %mul3A_1294 : i32
      %multiple_of3A_1296 = tpu.assume_multiple %mul3A_1295, 128 : i32
      %dma_start3A_1297 = arith.constant 6 : i32
      %dma_start3A_1298 = arith.constant 0 : i32
      %dma_start3A_1299 = arith.constant 0 : i32
      %dma_start3A_1300 = tpu.memref_slice %arg11[%dma_start3A_1297, %dma_start3A_1298, %dma_start3A_1299] : memref<8x16x128xf32, #tpu.memory_space<vmem>> -> memref<1x16x128xf32, #tpu.memory_space<vmem>>
      %dma_start3A_1301 = tpu.memref_squeeze %dma_start3A_1300 : memref<1x16x128xf32, #tpu.memory_space<vmem>> -> memref<16x128xf32, #tpu.memory_space<vmem>>
      %dma_start3A_1302 = arith.constant 0 : i32
      %dma_start3A_1303 = tpu.memref_slice %arg4[%dma_start3A_1302, %multiple_of3A_1296] : memref<16x1000000xf32, #tpu.memory_space<hbm>> -> memref<16x128xf32, #tpu.memory_space<hbm>>
      %dma_start3A_1304 = arith.constant 0 : i32
      %dma_start3A_1305 = arith.constant 0 : i32
      %dma_start3A_1306 = tpu.memref_slice %arg11[%dma_start3A_1297, %dma_start3A_1304, %dma_start3A_1305] : memref<8x16x128xf32, #tpu.memory_space<vmem>> -> memref<1x16x128xf32, #tpu.memory_space<vmem>>
      %dma_start3A_1307 = tpu.memref_squeeze %dma_start3A_1306 : memref<1x16x128xf32, #tpu.memory_space<vmem>> -> memref<16x128xf32, #tpu.memory_space<vmem>>
      %dma_start3A_1308 = arith.constant 0 : i32
      %dma_start3A_1309 = tpu.memref_slice %arg4[%dma_start3A_1308, %multiple_of3A_1296] : memref<16x1000000xf32, #tpu.memory_space<hbm>> -> memref<16x128xf32, #tpu.memory_space<hbm>>
      tpu.enqueue_dma source(%dma_start3A_1309 : memref<16x128xf32, #tpu.memory_space<hbm>>) target(%dma_start3A_1307 : memref<16x128xf32, #tpu.memory_space<vmem>>) target_semaphore(%arg16 : memref<!tpu.dma_semaphore, #tpu.memory_space<semaphore_mem>>)
      %slice3A_1310 = vector.extract_strided_slice %scan3A_679 {offsets = [15], sizes = [1], strides = [1]} : vector<16xi32> to vector<1xi32>
      %squeeze3A_1311 = vector.extract %slice3A_1310[0] : i32 from vector<1xi32>
      %jit3A_1312 = arith.constant 128 : i32
      %div3A_1313 = arith.divsi %squeeze3A_1311, %jit3A_1312 : i32
      %sign3A_1314 = arith.constant 0 : i32
      %sign3A_1315 = arith.cmpi sgt, %squeeze3A_1311, %sign3A_1314 : i32
      %sign3A_1316 = arith.extui %sign3A_1315 : i1 to i32
      %sign3A_1317 = arith.constant 0 : i32
      %sign3A_1318 = arith.cmpi slt, %squeeze3A_1311, %sign3A_1317 : i32
      %sign3A_1319 = arith.extui %sign3A_1318 : i1 to i32
      %sign3A_1320 = arith.subi %sign3A_1316, %sign3A_1319 : i32
      %sign3A_1321 = arith.constant 0 : i32
      %sign3A_1322 = arith.cmpi sgt, %jit3A_1312, %sign3A_1321 : i32
      %sign3A_1323 = arith.extui %sign3A_1322 : i1 to i32
      %sign3A_1324 = arith.constant 0 : i32
      %sign3A_1325 = arith.cmpi slt, %jit3A_1312, %sign3A_1324 : i32
      %sign3A_1326 = arith.extui %sign3A_1325 : i1 to i32
      %sign3A_1327 = arith.subi %sign3A_1323, %sign3A_1326 : i32
      %ne3A_1328 = arith.cmpi ne, %sign3A_1320, %sign3A_1327 : i32
      %rem3A_1329 = arith.remsi %squeeze3A_1311, %jit3A_1312 : i32
      %ne3A_1330 = arith.constant 0 : i32
      %ne3A_1331 = arith.cmpi ne, %rem3A_1329, %ne3A_1330 : i32
      %and3A_1332 = arith.andi %ne3A_1328, %ne3A_1331 : i1
      %sub3A_1333 = arith.constant 1 : i32
      %sub3A_1334 = arith.subi %div3A_1313, %sub3A_1333 : i32
      %select_n3A_1335 = arith.select %and3A_1332, %sub3A_1334, %div3A_1313 : i32
      %mul3A_1336 = arith.constant 128 : i32
      %mul3A_1337 = arith.muli %select_n3A_1335, %mul3A_1336 : i32
      %multiple_of3A_1338 = tpu.assume_multiple %mul3A_1337, 128 : i32
      %dma_start3A_1339 = arith.constant 7 : i32
      %dma_start3A_1340 = arith.constant 0 : i32
      %dma_start3A_1341 = arith.constant 0 : i32
      %dma_start3A_1342 = tpu.memref_slice %arg11[%dma_start3A_1339, %dma_start3A_1340, %dma_start3A_1341] : memref<8x16x128xf32, #tpu.memory_space<vmem>> -> memref<1x16x128xf32, #tpu.memory_space<vmem>>
      %dma_start3A_1343 = tpu.memref_squeeze %dma_start3A_1342 : memref<1x16x128xf32, #tpu.memory_space<vmem>> -> memref<16x128xf32, #tpu.memory_space<vmem>>
      %dma_start3A_1344 = arith.constant 0 : i32
      %dma_start3A_1345 = tpu.memref_slice %arg4[%dma_start3A_1344, %multiple_of3A_1338] : memref<16x1000000xf32, #tpu.memory_space<hbm>> -> memref<16x128xf32, #tpu.memory_space<hbm>>
      %dma_start3A_1346 = arith.constant 0 : i32
      %dma_start3A_1347 = arith.constant 0 : i32
      %dma_start3A_1348 = tpu.memref_slice %arg11[%dma_start3A_1339, %dma_start3A_1346, %dma_start3A_1347] : memref<8x16x128xf32, #tpu.memory_space<vmem>> -> memref<1x16x128xf32, #tpu.memory_space<vmem>>
      %dma_start3A_1349 = tpu.memref_squeeze %dma_start3A_1348 : memref<1x16x128xf32, #tpu.memory_space<vmem>> -> memref<16x128xf32, #tpu.memory_space<vmem>>
      %dma_start3A_1350 = arith.constant 0 : i32
      %dma_start3A_1351 = tpu.memref_slice %arg4[%dma_start3A_1350, %multiple_of3A_1338] : memref<16x1000000xf32, #tpu.memory_space<hbm>> -> memref<16x128xf32, #tpu.memory_space<hbm>>
      tpu.enqueue_dma source(%dma_start3A_1351 : memref<16x128xf32, #tpu.memory_space<hbm>>) target(%dma_start3A_1349 : memref<16x128xf32, #tpu.memory_space<vmem>>) target_semaphore(%arg16 : memref<!tpu.dma_semaphore, #tpu.memory_space<semaphore_mem>>)
      %dma_wait3A = arith.constant 0 : i32
      %dma_wait3A_1352 = arith.constant 0 : i32
      %dma_wait3A_1353 = arith.constant 0 : i32
      %dma_wait3A_1354 = tpu.memref_slice %arg8[%dma_wait3A, %dma_wait3A_1352, %dma_wait3A_1353] : memref<8x16x128xf32, #tpu.memory_space<vmem>> -> memref<1x16x128xf32, #tpu.memory_space<vmem>>
      %dma_wait3A_1355 = tpu.memref_squeeze %dma_wait3A_1354 : memref<1x16x128xf32, #tpu.memory_space<vmem>> -> memref<16x128xf32, #tpu.memory_space<vmem>>
      %dma_wait3A_1356 = arith.constant 0 : i32
      %dma_wait3A_1357 = arith.constant 0 : i32
      %dma_wait3A_1358 = tpu.memref_slice %arg3[%dma_wait3A_1356, %dma_wait3A_1357] : memref<16x1000000xf32, #tpu.memory_space<hbm>> -> memref<16x128xf32, #tpu.memory_space<hbm>>
      %dma_wait3A_1359 = arith.constant 0 : i32
      %dma_wait3A_1360 = arith.constant 0 : i32
      %dma_wait3A_1361 = tpu.memref_slice %arg8[%dma_wait3A, %dma_wait3A_1359, %dma_wait3A_1360] : memref<8x16x128xf32, #tpu.memory_space<vmem>> -> memref<1x16x128xf32, #tpu.memory_space<vmem>>
      %dma_wait3A_1362 = tpu.memref_squeeze %dma_wait3A_1361 : memref<1x16x128xf32, #tpu.memory_space<vmem>> -> memref<16x128xf32, #tpu.memory_space<vmem>>
      %dma_wait3A_1363 = arith.constant 0 : i32
      %dma_wait3A_1364 = arith.constant 0 : i32
      %dma_wait3A_1365 = tpu.memref_slice %arg3[%dma_wait3A_1363, %dma_wait3A_1364] : memref<16x1000000xf32, #tpu.memory_space<hbm>> -> memref<16x128xf32, #tpu.memory_space<hbm>>
      tpu.wait_dma2 semaphore(%arg13 : memref<!tpu.dma_semaphore, #tpu.memory_space<semaphore_mem>>) src(%dma_wait3A_1365 : memref<16x128xf32, #tpu.memory_space<hbm>>) dst(%dma_wait3A_1362 : memref<16x128xf32, #tpu.memory_space<vmem>>)
      %dma_wait3A_1366 = arith.constant 1 : i32
      %dma_wait3A_1367 = arith.constant 0 : i32
      %dma_wait3A_1368 = arith.constant 0 : i32
      %dma_wait3A_1369 = tpu.memref_slice %arg8[%dma_wait3A_1366, %dma_wait3A_1367, %dma_wait3A_1368] : memref<8x16x128xf32, #tpu.memory_space<vmem>> -> memref<1x16x128xf32, #tpu.memory_space<vmem>>
      %dma_wait3A_1370 = tpu.memref_squeeze %dma_wait3A_1369 : memref<1x16x128xf32, #tpu.memory_space<vmem>> -> memref<16x128xf32, #tpu.memory_space<vmem>>
      %dma_wait3A_1371 = arith.constant 0 : i32
      %dma_wait3A_1372 = arith.constant 0 : i32
      %dma_wait3A_1373 = tpu.memref_slice %arg3[%dma_wait3A_1371, %dma_wait3A_1372] : memref<16x1000000xf32, #tpu.memory_space<hbm>> -> memref<16x128xf32, #tpu.memory_space<hbm>>
      %dma_wait3A_1374 = arith.constant 0 : i32
      %dma_wait3A_1375 = arith.constant 0 : i32
      %dma_wait3A_1376 = tpu.memref_slice %arg8[%dma_wait3A_1366, %dma_wait3A_1374, %dma_wait3A_1375] : memref<8x16x128xf32, #tpu.memory_space<vmem>> -> memref<1x16x128xf32, #tpu.memory_space<vmem>>
      %dma_wait3A_1377 = tpu.memref_squeeze %dma_wait3A_1376 : memref<1x16x128xf32, #tpu.memory_space<vmem>> -> memref<16x128xf32, #tpu.memory_space<vmem>>
      %dma_wait3A_1378 = arith.constant 0 : i32
      %dma_wait3A_1379 = arith.constant 0 : i32
      %dma_wait3A_1380 = tpu.memref_slice %arg3[%dma_wait3A_1378, %dma_wait3A_1379] : memref<16x1000000xf32, #tpu.memory_space<hbm>> -> memref<16x128xf32, #tpu.memory_space<hbm>>
      tpu.wait_dma2 semaphore(%arg13 : memref<!tpu.dma_semaphore, #tpu.memory_space<semaphore_mem>>) src(%dma_wait3A_1380 : memref<16x128xf32, #tpu.memory_space<hbm>>) dst(%dma_wait3A_1377 : memref<16x128xf32, #tpu.memory_space<vmem>>)
      %dma_wait3A_1381 = arith.constant 2 : i32
      %dma_wait3A_1382 = arith.constant 0 : i32
      %dma_wait3A_1383 = arith.constant 0 : i32
      %dma_wait3A_1384 = tpu.memref_slice %arg8[%dma_wait3A_1381, %dma_wait3A_1382, %dma_wait3A_1383] : memref<8x16x128xf32, #tpu.memory_space<vmem>> -> memref<1x16x128xf32, #tpu.memory_space<vmem>>
      %dma_wait3A_1385 = tpu.memref_squeeze %dma_wait3A_1384 : memref<1x16x128xf32, #tpu.memory_space<vmem>> -> memref<16x128xf32, #tpu.memory_space<vmem>>
      %dma_wait3A_1386 = arith.constant 0 : i32
      %dma_wait3A_1387 = arith.constant 0 : i32
      %dma_wait3A_1388 = tpu.memref_slice %arg3[%dma_wait3A_1386, %dma_wait3A_1387] : memref<16x1000000xf32, #tpu.memory_space<hbm>> -> memref<16x128xf32, #tpu.memory_space<hbm>>
      %dma_wait3A_1389 = arith.constant 0 : i32
      %dma_wait3A_1390 = arith.constant 0 : i32
      %dma_wait3A_1391 = tpu.memref_slice %arg8[%dma_wait3A_1381, %dma_wait3A_1389, %dma_wait3A_1390] : memref<8x16x128xf32, #tpu.memory_space<vmem>> -> memref<1x16x128xf32, #tpu.memory_space<vmem>>
      %dma_wait3A_1392 = tpu.memref_squeeze %dma_wait3A_1391 : memref<1x16x128xf32, #tpu.memory_space<vmem>> -> memref<16x128xf32, #tpu.memory_space<vmem>>
      %dma_wait3A_1393 = arith.constant 0 : i32
      %dma_wait3A_1394 = arith.constant 0 : i32
      %dma_wait3A_1395 = tpu.memref_slice %arg3[%dma_wait3A_1393, %dma_wait3A_1394] : memref<16x1000000xf32, #tpu.memory_space<hbm>> -> memref<16x128xf32, #tpu.memory_space<hbm>>
      tpu.wait_dma2 semaphore(%arg13 : memref<!tpu.dma_semaphore, #tpu.memory_space<semaphore_mem>>) src(%dma_wait3A_1395 : memref<16x128xf32, #tpu.memory_space<hbm>>) dst(%dma_wait3A_1392 : memref<16x128xf32, #tpu.memory_space<vmem>>)
      %dma_wait3A_1396 = arith.constant 3 : i32
      %dma_wait3A_1397 = arith.constant 0 : i32
      %dma_wait3A_1398 = arith.constant 0 : i32
      %dma_wait3A_1399 = tpu.memref_slice %arg8[%dma_wait3A_1396, %dma_wait3A_1397, %dma_wait3A_1398] : memref<8x16x128xf32, #tpu.memory_space<vmem>> -> memref<1x16x128xf32, #tpu.memory_space<vmem>>
      %dma_wait3A_1400 = tpu.memref_squeeze %dma_wait3A_1399 : memref<1x16x128xf32, #tpu.memory_space<vmem>> -> memref<16x128xf32, #tpu.memory_space<vmem>>
      %dma_wait3A_1401 = arith.constant 0 : i32
      %dma_wait3A_1402 = arith.constant 0 : i32
      %dma_wait3A_1403 = tpu.memref_slice %arg3[%dma_wait3A_1401, %dma_wait3A_1402] : memref<16x1000000xf32, #tpu.memory_space<hbm>> -> memref<16x128xf32, #tpu.memory_space<hbm>>
      %dma_wait3A_1404 = arith.constant 0 : i32
      %dma_wait3A_1405 = arith.constant 0 : i32
      %dma_wait3A_1406 = tpu.memref_slice %arg8[%dma_wait3A_1396, %dma_wait3A_1404, %dma_wait3A_1405] : memref<8x16x128xf32, #tpu.memory_space<vmem>> -> memref<1x16x128xf32, #tpu.memory_space<vmem>>
      %dma_wait3A_1407 = tpu.memref_squeeze %dma_wait3A_1406 : memref<1x16x128xf32, #tpu.memory_space<vmem>> -> memref<16x128xf32, #tpu.memory_space<vmem>>
      %dma_wait3A_1408 = arith.constant 0 : i32
      %dma_wait3A_1409 = arith.constant 0 : i32
      %dma_wait3A_1410 = tpu.memref_slice %arg3[%dma_wait3A_1408, %dma_wait3A_1409] : memref<16x1000000xf32, #tpu.memory_space<hbm>> -> memref<16x128xf32, #tpu.memory_space<hbm>>
      tpu.wait_dma2 semaphore(%arg13 : memref<!tpu.dma_semaphore, #tpu.memory_space<semaphore_mem>>) src(%dma_wait3A_1410 : memref<16x128xf32, #tpu.memory_space<hbm>>) dst(%dma_wait3A_1407 : memref<16x128xf32, #tpu.memory_space<vmem>>)
      %dma_wait3A_1411 = arith.constant 4 : i32
      %dma_wait3A_1412 = arith.constant 0 : i32
      %dma_wait3A_1413 = arith.constant 0 : i32
      %dma_wait3A_1414 = tpu.memref_slice %arg8[%dma_wait3A_1411, %dma_wait3A_1412, %dma_wait3A_1413] : memref<8x16x128xf32, #tpu.memory_space<vmem>> -> memref<1x16x128xf32, #tpu.memory_space<vmem>>
      %dma_wait3A_1415 = tpu.memref_squeeze %dma_wait3A_1414 : memref<1x16x128xf32, #tpu.memory_space<vmem>> -> memref<16x128xf32, #tpu.memory_space<vmem>>
      %dma_wait3A_1416 = arith.constant 0 : i32
      %dma_wait3A_1417 = arith.constant 0 : i32
      %dma_wait3A_1418 = tpu.memref_slice %arg3[%dma_wait3A_1416, %dma_wait3A_1417] : memref<16x1000000xf32, #tpu.memory_space<hbm>> -> memref<16x128xf32, #tpu.memory_space<hbm>>
      %dma_wait3A_1419 = arith.constant 0 : i32
      %dma_wait3A_1420 = arith.constant 0 : i32
      %dma_wait3A_1421 = tpu.memref_slice %arg8[%dma_wait3A_1411, %dma_wait3A_1419, %dma_wait3A_1420] : memref<8x16x128xf32, #tpu.memory_space<vmem>> -> memref<1x16x128xf32, #tpu.memory_space<vmem>>
      %dma_wait3A_1422 = tpu.memref_squeeze %dma_wait3A_1421 : memref<1x16x128xf32, #tpu.memory_space<vmem>> -> memref<16x128xf32, #tpu.memory_space<vmem>>
      %dma_wait3A_1423 = arith.constant 0 : i32
      %dma_wait3A_1424 = arith.constant 0 : i32
      %dma_wait3A_1425 = tpu.memref_slice %arg3[%dma_wait3A_1423, %dma_wait3A_1424] : memref<16x1000000xf32, #tpu.memory_space<hbm>> -> memref<16x128xf32, #tpu.memory_space<hbm>>
      tpu.wait_dma2 semaphore(%arg13 : memref<!tpu.dma_semaphore, #tpu.memory_space<semaphore_mem>>) src(%dma_wait3A_1425 : memref<16x128xf32, #tpu.memory_space<hbm>>) dst(%dma_wait3A_1422 : memref<16x128xf32, #tpu.memory_space<vmem>>)
      %dma_wait3A_1426 = arith.constant 5 : i32
      %dma_wait3A_1427 = arith.constant 0 : i32
      %dma_wait3A_1428 = arith.constant 0 : i32
      %dma_wait3A_1429 = tpu.memref_slice %arg8[%dma_wait3A_1426, %dma_wait3A_1427, %dma_wait3A_1428] : memref<8x16x128xf32, #tpu.memory_space<vmem>> -> memref<1x16x128xf32, #tpu.memory_space<vmem>>
      %dma_wait3A_1430 = tpu.memref_squeeze %dma_wait3A_1429 : memref<1x16x128xf32, #tpu.memory_space<vmem>> -> memref<16x128xf32, #tpu.memory_space<vmem>>
      %dma_wait3A_1431 = arith.constant 0 : i32
      %dma_wait3A_1432 = arith.constant 0 : i32
      %dma_wait3A_1433 = tpu.memref_slice %arg3[%dma_wait3A_1431, %dma_wait3A_1432] : memref<16x1000000xf32, #tpu.memory_space<hbm>> -> memref<16x128xf32, #tpu.memory_space<hbm>>
      %dma_wait3A_1434 = arith.constant 0 : i32
      %dma_wait3A_1435 = arith.constant 0 : i32
      %dma_wait3A_1436 = tpu.memref_slice %arg8[%dma_wait3A_1426, %dma_wait3A_1434, %dma_wait3A_1435] : memref<8x16x128xf32, #tpu.memory_space<vmem>> -> memref<1x16x128xf32, #tpu.memory_space<vmem>>
      %dma_wait3A_1437 = tpu.memref_squeeze %dma_wait3A_1436 : memref<1x16x128xf32, #tpu.memory_space<vmem>> -> memref<16x128xf32, #tpu.memory_space<vmem>>
      %dma_wait3A_1438 = arith.constant 0 : i32
      %dma_wait3A_1439 = arith.constant 0 : i32
      %dma_wait3A_1440 = tpu.memref_slice %arg3[%dma_wait3A_1438, %dma_wait3A_1439] : memref<16x1000000xf32, #tpu.memory_space<hbm>> -> memref<16x128xf32, #tpu.memory_space<hbm>>
      tpu.wait_dma2 semaphore(%arg13 : memref<!tpu.dma_semaphore, #tpu.memory_space<semaphore_mem>>) src(%dma_wait3A_1440 : memref<16x128xf32, #tpu.memory_space<hbm>>) dst(%dma_wait3A_1437 : memref<16x128xf32, #tpu.memory_space<vmem>>)
      %dma_wait3A_1441 = arith.constant 6 : i32
      %dma_wait3A_1442 = arith.constant 0 : i32
      %dma_wait3A_1443 = arith.constant 0 : i32
      %dma_wait3A_1444 = tpu.memref_slice %arg8[%dma_wait3A_1441, %dma_wait3A_1442, %dma_wait3A_1443] : memref<8x16x128xf32, #tpu.memory_space<vmem>> -> memref<1x16x128xf32, #tpu.memory_space<vmem>>
      %dma_wait3A_1445 = tpu.memref_squeeze %dma_wait3A_1444 : memref<1x16x128xf32, #tpu.memory_space<vmem>> -> memref<16x128xf32, #tpu.memory_space<vmem>>
      %dma_wait3A_1446 = arith.constant 0 : i32
      %dma_wait3A_1447 = arith.constant 0 : i32
      %dma_wait3A_1448 = tpu.memref_slice %arg3[%dma_wait3A_1446, %dma_wait3A_1447] : memref<16x1000000xf32, #tpu.memory_space<hbm>> -> memref<16x128xf32, #tpu.memory_space<hbm>>
      %dma_wait3A_1449 = arith.constant 0 : i32
      %dma_wait3A_1450 = arith.constant 0 : i32
      %dma_wait3A_1451 = tpu.memref_slice %arg8[%dma_wait3A_1441, %dma_wait3A_1449, %dma_wait3A_1450] : memref<8x16x128xf32, #tpu.memory_space<vmem>> -> memref<1x16x128xf32, #tpu.memory_space<vmem>>
      %dma_wait3A_1452 = tpu.memref_squeeze %dma_wait3A_1451 : memref<1x16x128xf32, #tpu.memory_space<vmem>> -> memref<16x128xf32, #tpu.memory_space<vmem>>
      %dma_wait3A_1453 = arith.constant 0 : i32
      %dma_wait3A_1454 = arith.constant 0 : i32
      %dma_wait3A_1455 = tpu.memref_slice %arg3[%dma_wait3A_1453, %dma_wait3A_1454] : memref<16x1000000xf32, #tpu.memory_space<hbm>> -> memref<16x128xf32, #tpu.memory_space<hbm>>
      tpu.wait_dma2 semaphore(%arg13 : memref<!tpu.dma_semaphore, #tpu.memory_space<semaphore_mem>>) src(%dma_wait3A_1455 : memref<16x128xf32, #tpu.memory_space<hbm>>) dst(%dma_wait3A_1452 : memref<16x128xf32, #tpu.memory_space<vmem>>)
      %dma_wait3A_1456 = arith.constant 7 : i32
      %dma_wait3A_1457 = arith.constant 0 : i32
      %dma_wait3A_1458 = arith.constant 0 : i32
      %dma_wait3A_1459 = tpu.memref_slice %arg8[%dma_wait3A_1456, %dma_wait3A_1457, %dma_wait3A_1458] : memref<8x16x128xf32, #tpu.memory_space<vmem>> -> memref<1x16x128xf32, #tpu.memory_space<vmem>>
      %dma_wait3A_1460 = tpu.memref_squeeze %dma_wait3A_1459 : memref<1x16x128xf32, #tpu.memory_space<vmem>> -> memref<16x128xf32, #tpu.memory_space<vmem>>
      %dma_wait3A_1461 = arith.constant 0 : i32
      %dma_wait3A_1462 = arith.constant 0 : i32
      %dma_wait3A_1463 = tpu.memref_slice %arg3[%dma_wait3A_1461, %dma_wait3A_1462] : memref<16x1000000xf32, #tpu.memory_space<hbm>> -> memref<16x128xf32, #tpu.memory_space<hbm>>
      %dma_wait3A_1464 = arith.constant 0 : i32
      %dma_wait3A_1465 = arith.constant 0 : i32
      %dma_wait3A_1466 = tpu.memref_slice %arg8[%dma_wait3A_1456, %dma_wait3A_1464, %dma_wait3A_1465] : memref<8x16x128xf32, #tpu.memory_space<vmem>> -> memref<1x16x128xf32, #tpu.memory_space<vmem>>
      %dma_wait3A_1467 = tpu.memref_squeeze %dma_wait3A_1466 : memref<1x16x128xf32, #tpu.memory_space<vmem>> -> memref<16x128xf32, #tpu.memory_space<vmem>>
      %dma_wait3A_1468 = arith.constant 0 : i32
      %dma_wait3A_1469 = arith.constant 0 : i32
      %dma_wait3A_1470 = tpu.memref_slice %arg3[%dma_wait3A_1468, %dma_wait3A_1469] : memref<16x1000000xf32, #tpu.memory_space<hbm>> -> memref<16x128xf32, #tpu.memory_space<hbm>>
      tpu.wait_dma2 semaphore(%arg13 : memref<!tpu.dma_semaphore, #tpu.memory_space<semaphore_mem>>) src(%dma_wait3A_1470 : memref<16x128xf32, #tpu.memory_space<hbm>>) dst(%dma_wait3A_1467 : memref<16x128xf32, #tpu.memory_space<vmem>>)
      %dma_wait3A_1471 = arith.constant 0 : i32
      %dma_wait3A_1472 = arith.constant 0 : i32
      %dma_wait3A_1473 = arith.constant 0 : i32
      %dma_wait3A_1474 = tpu.memref_slice %arg10[%dma_wait3A_1471, %dma_wait3A_1472, %dma_wait3A_1473] : memref<8x16x128xf32, #tpu.memory_space<vmem>> -> memref<1x16x128xf32, #tpu.memory_space<vmem>>
      %dma_wait3A_1475 = tpu.memref_squeeze %dma_wait3A_1474 : memref<1x16x128xf32, #tpu.memory_space<vmem>> -> memref<16x128xf32, #tpu.memory_space<vmem>>
      %dma_wait3A_1476 = arith.constant 0 : i32
      %dma_wait3A_1477 = arith.constant 0 : i32
      %dma_wait3A_1478 = tpu.memref_slice %arg3[%dma_wait3A_1476, %dma_wait3A_1477] : memref<16x1000000xf32, #tpu.memory_space<hbm>> -> memref<16x128xf32, #tpu.memory_space<hbm>>
      %dma_wait3A_1479 = arith.constant 0 : i32
      %dma_wait3A_1480 = arith.constant 0 : i32
      %dma_wait3A_1481 = tpu.memref_slice %arg10[%dma_wait3A_1471, %dma_wait3A_1479, %dma_wait3A_1480] : memref<8x16x128xf32, #tpu.memory_space<vmem>> -> memref<1x16x128xf32, #tpu.memory_space<vmem>>
      %dma_wait3A_1482 = tpu.memref_squeeze %dma_wait3A_1481 : memref<1x16x128xf32, #tpu.memory_space<vmem>> -> memref<16x128xf32, #tpu.memory_space<vmem>>
      %dma_wait3A_1483 = arith.constant 0 : i32
      %dma_wait3A_1484 = arith.constant 0 : i32
      %dma_wait3A_1485 = tpu.memref_slice %arg3[%dma_wait3A_1483, %dma_wait3A_1484] : memref<16x1000000xf32, #tpu.memory_space<hbm>> -> memref<16x128xf32, #tpu.memory_space<hbm>>
      tpu.wait_dma2 semaphore(%arg15 : memref<!tpu.dma_semaphore, #tpu.memory_space<semaphore_mem>>) src(%dma_wait3A_1485 : memref<16x128xf32, #tpu.memory_space<hbm>>) dst(%dma_wait3A_1482 : memref<16x128xf32, #tpu.memory_space<vmem>>)
      %dma_wait3A_1486 = arith.constant 1 : i32
      %dma_wait3A_1487 = arith.constant 0 : i32
      %dma_wait3A_1488 = arith.constant 0 : i32
      %dma_wait3A_1489 = tpu.memref_slice %arg10[%dma_wait3A_1486, %dma_wait3A_1487, %dma_wait3A_1488] : memref<8x16x128xf32, #tpu.memory_space<vmem>> -> memref<1x16x128xf32, #tpu.memory_space<vmem>>
      %dma_wait3A_1490 = tpu.memref_squeeze %dma_wait3A_1489 : memref<1x16x128xf32, #tpu.memory_space<vmem>> -> memref<16x128xf32, #tpu.memory_space<vmem>>
      %dma_wait3A_1491 = arith.constant 0 : i32
      %dma_wait3A_1492 = arith.constant 0 : i32
      %dma_wait3A_1493 = tpu.memref_slice %arg3[%dma_wait3A_1491, %dma_wait3A_1492] : memref<16x1000000xf32, #tpu.memory_space<hbm>> -> memref<16x128xf32, #tpu.memory_space<hbm>>
      %dma_wait3A_1494 = arith.constant 0 : i32
      %dma_wait3A_1495 = arith.constant 0 : i32
      %dma_wait3A_1496 = tpu.memref_slice %arg10[%dma_wait3A_1486, %dma_wait3A_1494, %dma_wait3A_1495] : memref<8x16x128xf32, #tpu.memory_space<vmem>> -> memref<1x16x128xf32, #tpu.memory_space<vmem>>
      %dma_wait3A_1497 = tpu.memref_squeeze %dma_wait3A_1496 : memref<1x16x128xf32, #tpu.memory_space<vmem>> -> memref<16x128xf32, #tpu.memory_space<vmem>>
      %dma_wait3A_1498 = arith.constant 0 : i32
      %dma_wait3A_1499 = arith.constant 0 : i32
      %dma_wait3A_1500 = tpu.memref_slice %arg3[%dma_wait3A_1498, %dma_wait3A_1499] : memref<16x1000000xf32, #tpu.memory_space<hbm>> -> memref<16x128xf32, #tpu.memory_space<hbm>>
      tpu.wait_dma2 semaphore(%arg15 : memref<!tpu.dma_semaphore, #tpu.memory_space<semaphore_mem>>) src(%dma_wait3A_1500 : memref<16x128xf32, #tpu.memory_space<hbm>>) dst(%dma_wait3A_1497 : memref<16x128xf32, #tpu.memory_space<vmem>>)
      %dma_wait3A_1501 = arith.constant 2 : i32
      %dma_wait3A_1502 = arith.constant 0 : i32
      %dma_wait3A_1503 = arith.constant 0 : i32
      %dma_wait3A_1504 = tpu.memref_slice %arg10[%dma_wait3A_1501, %dma_wait3A_1502, %dma_wait3A_1503] : memref<8x16x128xf32, #tpu.memory_space<vmem>> -> memref<1x16x128xf32, #tpu.memory_space<vmem>>
      %dma_wait3A_1505 = tpu.memref_squeeze %dma_wait3A_1504 : memref<1x16x128xf32, #tpu.memory_space<vmem>> -> memref<16x128xf32, #tpu.memory_space<vmem>>
      %dma_wait3A_1506 = arith.constant 0 : i32
      %dma_wait3A_1507 = arith.constant 0 : i32
      %dma_wait3A_1508 = tpu.memref_slice %arg3[%dma_wait3A_1506, %dma_wait3A_1507] : memref<16x1000000xf32, #tpu.memory_space<hbm>> -> memref<16x128xf32, #tpu.memory_space<hbm>>
      %dma_wait3A_1509 = arith.constant 0 : i32
      %dma_wait3A_1510 = arith.constant 0 : i32
      %dma_wait3A_1511 = tpu.memref_slice %arg10[%dma_wait3A_1501, %dma_wait3A_1509, %dma_wait3A_1510] : memref<8x16x128xf32, #tpu.memory_space<vmem>> -> memref<1x16x128xf32, #tpu.memory_space<vmem>>
      %dma_wait3A_1512 = tpu.memref_squeeze %dma_wait3A_1511 : memref<1x16x128xf32, #tpu.memory_space<vmem>> -> memref<16x128xf32, #tpu.memory_space<vmem>>
      %dma_wait3A_1513 = arith.constant 0 : i32
      %dma_wait3A_1514 = arith.constant 0 : i32
      %dma_wait3A_1515 = tpu.memref_slice %arg3[%dma_wait3A_1513, %dma_wait3A_1514] : memref<16x1000000xf32, #tpu.memory_space<hbm>> -> memref<16x128xf32, #tpu.memory_space<hbm>>
      tpu.wait_dma2 semaphore(%arg15 : memref<!tpu.dma_semaphore, #tpu.memory_space<semaphore_mem>>) src(%dma_wait3A_1515 : memref<16x128xf32, #tpu.memory_space<hbm>>) dst(%dma_wait3A_1512 : memref<16x128xf32, #tpu.memory_space<vmem>>)
      %dma_wait3A_1516 = arith.constant 3 : i32
      %dma_wait3A_1517 = arith.constant 0 : i32
      %dma_wait3A_1518 = arith.constant 0 : i32
      %dma_wait3A_1519 = tpu.memref_slice %arg10[%dma_wait3A_1516, %dma_wait3A_1517, %dma_wait3A_1518] : memref<8x16x128xf32, #tpu.memory_space<vmem>> -> memref<1x16x128xf32, #tpu.memory_space<vmem>>
      %dma_wait3A_1520 = tpu.memref_squeeze %dma_wait3A_1519 : memref<1x16x128xf32, #tpu.memory_space<vmem>> -> memref<16x128xf32, #tpu.memory_space<vmem>>
      %dma_wait3A_1521 = arith.constant 0 : i32
      %dma_wait3A_1522 = arith.constant 0 : i32
      %dma_wait3A_1523 = tpu.memref_slice %arg3[%dma_wait3A_1521, %dma_wait3A_1522] : memref<16x1000000xf32, #tpu.memory_space<hbm>> -> memref<16x128xf32, #tpu.memory_space<hbm>>
      %dma_wait3A_1524 = arith.constant 0 : i32
      %dma_wait3A_1525 = arith.constant 0 : i32
      %dma_wait3A_1526 = tpu.memref_slice %arg10[%dma_wait3A_1516, %dma_wait3A_1524, %dma_wait3A_1525] : memref<8x16x128xf32, #tpu.memory_space<vmem>> -> memref<1x16x128xf32, #tpu.memory_space<vmem>>
      %dma_wait3A_1527 = tpu.memref_squeeze %dma_wait3A_1526 : memref<1x16x128xf32, #tpu.memory_space<vmem>> -> memref<16x128xf32, #tpu.memory_space<vmem>>
      %dma_wait3A_1528 = arith.constant 0 : i32
      %dma_wait3A_1529 = arith.constant 0 : i32
      %dma_wait3A_1530 = tpu.memref_slice %arg3[%dma_wait3A_1528, %dma_wait3A_1529] : memref<16x1000000xf32, #tpu.memory_space<hbm>> -> memref<16x128xf32, #tpu.memory_space<hbm>>
      tpu.wait_dma2 semaphore(%arg15 : memref<!tpu.dma_semaphore, #tpu.memory_space<semaphore_mem>>) src(%dma_wait3A_1530 : memref<16x128xf32, #tpu.memory_space<hbm>>) dst(%dma_wait3A_1527 : memref<16x128xf32, #tpu.memory_space<vmem>>)
      %dma_wait3A_1531 = arith.constant 4 : i32
      %dma_wait3A_1532 = arith.constant 0 : i32
      %dma_wait3A_1533 = arith.constant 0 : i32
      %dma_wait3A_1534 = tpu.memref_slice %arg10[%dma_wait3A_1531, %dma_wait3A_1532, %dma_wait3A_1533] : memref<8x16x128xf32, #tpu.memory_space<vmem>> -> memref<1x16x128xf32, #tpu.memory_space<vmem>>
      %dma_wait3A_1535 = tpu.memref_squeeze %dma_wait3A_1534 : memref<1x16x128xf32, #tpu.memory_space<vmem>> -> memref<16x128xf32, #tpu.memory_space<vmem>>
      %dma_wait3A_1536 = arith.constant 0 : i32
      %dma_wait3A_1537 = arith.constant 0 : i32
      %dma_wait3A_1538 = tpu.memref_slice %arg3[%dma_wait3A_1536, %dma_wait3A_1537] : memref<16x1000000xf32, #tpu.memory_space<hbm>> -> memref<16x128xf32, #tpu.memory_space<hbm>>
      %dma_wait3A_1539 = arith.constant 0 : i32
      %dma_wait3A_1540 = arith.constant 0 : i32
      %dma_wait3A_1541 = tpu.memref_slice %arg10[%dma_wait3A_1531, %dma_wait3A_1539, %dma_wait3A_1540] : memref<8x16x128xf32, #tpu.memory_space<vmem>> -> memref<1x16x128xf32, #tpu.memory_space<vmem>>
      %dma_wait3A_1542 = tpu.memref_squeeze %dma_wait3A_1541 : memref<1x16x128xf32, #tpu.memory_space<vmem>> -> memref<16x128xf32, #tpu.memory_space<vmem>>
      %dma_wait3A_1543 = arith.constant 0 : i32
      %dma_wait3A_1544 = arith.constant 0 : i32
      %dma_wait3A_1545 = tpu.memref_slice %arg3[%dma_wait3A_1543, %dma_wait3A_1544] : memref<16x1000000xf32, #tpu.memory_space<hbm>> -> memref<16x128xf32, #tpu.memory_space<hbm>>
      tpu.wait_dma2 semaphore(%arg15 : memref<!tpu.dma_semaphore, #tpu.memory_space<semaphore_mem>>) src(%dma_wait3A_1545 : memref<16x128xf32, #tpu.memory_space<hbm>>) dst(%dma_wait3A_1542 : memref<16x128xf32, #tpu.memory_space<vmem>>)
      %dma_wait3A_1546 = arith.constant 5 : i32
      %dma_wait3A_1547 = arith.constant 0 : i32
      %dma_wait3A_1548 = arith.constant 0 : i32
      %dma_wait3A_1549 = tpu.memref_slice %arg10[%dma_wait3A_1546, %dma_wait3A_1547, %dma_wait3A_1548] : memref<8x16x128xf32, #tpu.memory_space<vmem>> -> memref<1x16x128xf32, #tpu.memory_space<vmem>>
      %dma_wait3A_1550 = tpu.memref_squeeze %dma_wait3A_1549 : memref<1x16x128xf32, #tpu.memory_space<vmem>> -> memref<16x128xf32, #tpu.memory_space<vmem>>
      %dma_wait3A_1551 = arith.constant 0 : i32
      %dma_wait3A_1552 = arith.constant 0 : i32
      %dma_wait3A_1553 = tpu.memref_slice %arg3[%dma_wait3A_1551, %dma_wait3A_1552] : memref<16x1000000xf32, #tpu.memory_space<hbm>> -> memref<16x128xf32, #tpu.memory_space<hbm>>
      %dma_wait3A_1554 = arith.constant 0 : i32
      %dma_wait3A_1555 = arith.constant 0 : i32
      %dma_wait3A_1556 = tpu.memref_slice %arg10[%dma_wait3A_1546, %dma_wait3A_1554, %dma_wait3A_1555] : memref<8x16x128xf32, #tpu.memory_space<vmem>> -> memref<1x16x128xf32, #tpu.memory_space<vmem>>
      %dma_wait3A_1557 = tpu.memref_squeeze %dma_wait3A_1556 : memref<1x16x128xf32, #tpu.memory_space<vmem>> -> memref<16x128xf32, #tpu.memory_space<vmem>>
      %dma_wait3A_1558 = arith.constant 0 : i32
      %dma_wait3A_1559 = arith.constant 0 : i32
      %dma_wait3A_1560 = tpu.memref_slice %arg3[%dma_wait3A_1558, %dma_wait3A_1559] : memref<16x1000000xf32, #tpu.memory_space<hbm>> -> memref<16x128xf32, #tpu.memory_space<hbm>>
      tpu.wait_dma2 semaphore(%arg15 : memref<!tpu.dma_semaphore, #tpu.memory_space<semaphore_mem>>) src(%dma_wait3A_1560 : memref<16x128xf32, #tpu.memory_space<hbm>>) dst(%dma_wait3A_1557 : memref<16x128xf32, #tpu.memory_space<vmem>>)
      %dma_wait3A_1561 = arith.constant 6 : i32
      %dma_wait3A_1562 = arith.constant 0 : i32
      %dma_wait3A_1563 = arith.constant 0 : i32
      %dma_wait3A_1564 = tpu.memref_slice %arg10[%dma_wait3A_1561, %dma_wait3A_1562, %dma_wait3A_1563] : memref<8x16x128xf32, #tpu.memory_space<vmem>> -> memref<1x16x128xf32, #tpu.memory_space<vmem>>
      %dma_wait3A_1565 = tpu.memref_squeeze %dma_wait3A_1564 : memref<1x16x128xf32, #tpu.memory_space<vmem>> -> memref<16x128xf32, #tpu.memory_space<vmem>>
      %dma_wait3A_1566 = arith.constant 0 : i32
      %dma_wait3A_1567 = arith.constant 0 : i32
      %dma_wait3A_1568 = tpu.memref_slice %arg3[%dma_wait3A_1566, %dma_wait3A_1567] : memref<16x1000000xf32, #tpu.memory_space<hbm>> -> memref<16x128xf32, #tpu.memory_space<hbm>>
      %dma_wait3A_1569 = arith.constant 0 : i32
      %dma_wait3A_1570 = arith.constant 0 : i32
      %dma_wait3A_1571 = tpu.memref_slice %arg10[%dma_wait3A_1561, %dma_wait3A_1569, %dma_wait3A_1570] : memref<8x16x128xf32, #tpu.memory_space<vmem>> -> memref<1x16x128xf32, #tpu.memory_space<vmem>>
      %dma_wait3A_1572 = tpu.memref_squeeze %dma_wait3A_1571 : memref<1x16x128xf32, #tpu.memory_space<vmem>> -> memref<16x128xf32, #tpu.memory_space<vmem>>
      %dma_wait3A_1573 = arith.constant 0 : i32
      %dma_wait3A_1574 = arith.constant 0 : i32
      %dma_wait3A_1575 = tpu.memref_slice %arg3[%dma_wait3A_1573, %dma_wait3A_1574] : memref<16x1000000xf32, #tpu.memory_space<hbm>> -> memref<16x128xf32, #tpu.memory_space<hbm>>
      tpu.wait_dma2 semaphore(%arg15 : memref<!tpu.dma_semaphore, #tpu.memory_space<semaphore_mem>>) src(%dma_wait3A_1575 : memref<16x128xf32, #tpu.memory_space<hbm>>) dst(%dma_wait3A_1572 : memref<16x128xf32, #tpu.memory_space<vmem>>)
      %dma_wait3A_1576 = arith.constant 7 : i32
      %dma_wait3A_1577 = arith.constant 0 : i32
      %dma_wait3A_1578 = arith.constant 0 : i32
      %dma_wait3A_1579 = tpu.memref_slice %arg10[%dma_wait3A_1576, %dma_wait3A_1577, %dma_wait3A_1578] : memref<8x16x128xf32, #tpu.memory_space<vmem>> -> memref<1x16x128xf32, #tpu.memory_space<vmem>>
      %dma_wait3A_1580 = tpu.memref_squeeze %dma_wait3A_1579 : memref<1x16x128xf32, #tpu.memory_space<vmem>> -> memref<16x128xf32, #tpu.memory_space<vmem>>
      %dma_wait3A_1581 = arith.constant 0 : i32
      %dma_wait3A_1582 = arith.constant 0 : i32
      %dma_wait3A_1583 = tpu.memref_slice %arg3[%dma_wait3A_1581, %dma_wait3A_1582] : memref<16x1000000xf32, #tpu.memory_space<hbm>> -> memref<16x128xf32, #tpu.memory_space<hbm>>
      %dma_wait3A_1584 = arith.constant 0 : i32
      %dma_wait3A_1585 = arith.constant 0 : i32
      %dma_wait3A_1586 = tpu.memref_slice %arg10[%dma_wait3A_1576, %dma_wait3A_1584, %dma_wait3A_1585] : memref<8x16x128xf32, #tpu.memory_space<vmem>> -> memref<1x16x128xf32, #tpu.memory_space<vmem>>
      %dma_wait3A_1587 = tpu.memref_squeeze %dma_wait3A_1586 : memref<1x16x128xf32, #tpu.memory_space<vmem>> -> memref<16x128xf32, #tpu.memory_space<vmem>>
      %dma_wait3A_1588 = arith.constant 0 : i32
      %dma_wait3A_1589 = arith.constant 0 : i32
      %dma_wait3A_1590 = tpu.memref_slice %arg3[%dma_wait3A_1588, %dma_wait3A_1589] : memref<16x1000000xf32, #tpu.memory_space<hbm>> -> memref<16x128xf32, #tpu.memory_space<hbm>>
      tpu.wait_dma2 semaphore(%arg15 : memref<!tpu.dma_semaphore, #tpu.memory_space<semaphore_mem>>) src(%dma_wait3A_1590 : memref<16x128xf32, #tpu.memory_space<hbm>>) dst(%dma_wait3A_1587 : memref<16x128xf32, #tpu.memory_space<vmem>>)
      %slice3A_1591 = vector.extract_strided_slice %scan3A_678 {offsets = [0], sizes = [1], strides = [1]} : vector<16xi32> to vector<1xi32>
      %squeeze3A_1592 = vector.extract %slice3A_1591[0] : i32 from vector<1xi32>
      %jit3A_1593 = arith.constant 128 : i32
      %div3A_1594 = arith.divsi %squeeze3A_1592, %jit3A_1593 : i32
      %sign3A_1595 = arith.constant 0 : i32
      %sign3A_1596 = arith.cmpi sgt, %squeeze3A_1592, %sign3A_1595 : i32
      %sign3A_1597 = arith.extui %sign3A_1596 : i1 to i32
      %sign3A_1598 = arith.constant 0 : i32
      %sign3A_1599 = arith.cmpi slt, %squeeze3A_1592, %sign3A_1598 : i32
      %sign3A_1600 = arith.extui %sign3A_1599 : i1 to i32
      %sign3A_1601 = arith.subi %sign3A_1597, %sign3A_1600 : i32
      %sign3A_1602 = arith.constant 0 : i32
      %sign3A_1603 = arith.cmpi sgt, %jit3A_1593, %sign3A_1602 : i32
      %sign3A_1604 = arith.extui %sign3A_1603 : i1 to i32
      %sign3A_1605 = arith.constant 0 : i32
      %sign3A_1606 = arith.cmpi slt, %jit3A_1593, %sign3A_1605 : i32
      %sign3A_1607 = arith.extui %sign3A_1606 : i1 to i32
      %sign3A_1608 = arith.subi %sign3A_1604, %sign3A_1607 : i32
      %ne3A_1609 = arith.cmpi ne, %sign3A_1601, %sign3A_1608 : i32
      %rem3A_1610 = arith.remsi %squeeze3A_1592, %jit3A_1593 : i32
      %ne3A_1611 = arith.constant 0 : i32
      %ne3A_1612 = arith.cmpi ne, %rem3A_1610, %ne3A_1611 : i32
      %and3A_1613 = arith.andi %ne3A_1609, %ne3A_1612 : i1
      %sub3A_1614 = arith.constant 1 : i32
      %sub3A_1615 = arith.subi %div3A_1594, %sub3A_1614 : i32
      %select_n3A_1616 = arith.select %and3A_1613, %sub3A_1615, %div3A_1594 : i32
      %mul3A_1617 = arith.constant 128 : i32
      %mul3A_1618 = arith.muli %select_n3A_1616, %mul3A_1617 : i32
      %sub3A_1619 = arith.subi %squeeze3A_1592, %mul3A_1618 : i32
      %broadcast_in_dim3A_1620 = vector.broadcast %sub3A_1619 : i32 to vector<16xi32>
      %gather3A = arith.constant 0 : i32
      %gather3A_1621 = arith.constant 0 : i32
      %gather3A_1622 = arith.constant 0 : i32
      %gather3A_1623 = tpu.memref_slice %arg8[%gather3A, %gather3A_1621, %gather3A_1622] : memref<8x16x128xf32, #tpu.memory_space<vmem>> -> memref<1x16x128xf32, #tpu.memory_space<vmem>>
      %gather3A_1624 = tpu.memref_squeeze %gather3A_1623 : memref<1x16x128xf32, #tpu.memory_space<vmem>> -> memref<16x128xf32, #tpu.memory_space<vmem>>
      %gather3A_1625 = tpu.vector_load_idx %gather3A_1624[%iota3A, %broadcast_in_dim3A_1620] : memref<16x128xf32, #tpu.memory_space<vmem>>[vector<16xi32>, vector<16xi32>], vector<16xf32>,
      %slice3A_1626 = vector.extract_strided_slice %scan3A_678 {offsets = [1], sizes = [1], strides = [1]} : vector<16xi32> to vector<1xi32>
      %squeeze3A_1627 = vector.extract %slice3A_1626[0] : i32 from vector<1xi32>
      %jit3A_1628 = arith.constant 128 : i32
      %div3A_1629 = arith.divsi %squeeze3A_1627, %jit3A_1628 : i32
      %sign3A_1630 = arith.constant 0 : i32
      %sign3A_1631 = arith.cmpi sgt, %squeeze3A_1627, %sign3A_1630 : i32
      %sign3A_1632 = arith.extui %sign3A_1631 : i1 to i32
      %sign3A_1633 = arith.constant 0 : i32
      %sign3A_1634 = arith.cmpi slt, %squeeze3A_1627, %sign3A_1633 : i32
      %sign3A_1635 = arith.extui %sign3A_1634 : i1 to i32
      %sign3A_1636 = arith.subi %sign3A_1632, %sign3A_1635 : i32
      %sign3A_1637 = arith.constant 0 : i32
      %sign3A_1638 = arith.cmpi sgt, %jit3A_1628, %sign3A_1637 : i32
      %sign3A_1639 = arith.extui %sign3A_1638 : i1 to i32
      %sign3A_1640 = arith.constant 0 : i32
      %sign3A_1641 = arith.cmpi slt, %jit3A_1628, %sign3A_1640 : i32
      %sign3A_1642 = arith.extui %sign3A_1641 : i1 to i32
      %sign3A_1643 = arith.subi %sign3A_1639, %sign3A_1642 : i32
      %ne3A_1644 = arith.cmpi ne, %sign3A_1636, %sign3A_1643 : i32
      %rem3A_1645 = arith.remsi %squeeze3A_1627, %jit3A_1628 : i32
      %ne3A_1646 = arith.constant 0 : i32
      %ne3A_1647 = arith.cmpi ne, %rem3A_1645, %ne3A_1646 : i32
      %and3A_1648 = arith.andi %ne3A_1644, %ne3A_1647 : i1
      %sub3A_1649 = arith.constant 1 : i32
      %sub3A_1650 = arith.subi %div3A_1629, %sub3A_1649 : i32
      %select_n3A_1651 = arith.select %and3A_1648, %sub3A_1650, %div3A_1629 : i32
      %mul3A_1652 = arith.constant 128 : i32
      %mul3A_1653 = arith.muli %select_n3A_1651, %mul3A_1652 : i32
      %sub3A_1654 = arith.subi %squeeze3A_1627, %mul3A_1653 : i32
      %broadcast_in_dim3A_1655 = vector.broadcast %sub3A_1654 : i32 to vector<16xi32>
      %gather3A_1656 = arith.constant 1 : i32
      %gather3A_1657 = arith.constant 0 : i32
      %gather3A_1658 = arith.constant 0 : i32
      %gather3A_1659 = tpu.memref_slice %arg8[%gather3A_1656, %gather3A_1657, %gather3A_1658] : memref<8x16x128xf32, #tpu.memory_space<vmem>> -> memref<1x16x128xf32, #tpu.memory_space<vmem>>
      %gather3A_1660 = tpu.memref_squeeze %gather3A_1659 : memref<1x16x128xf32, #tpu.memory_space<vmem>> -> memref<16x128xf32, #tpu.memory_space<vmem>>
      %gather3A_1661 = tpu.vector_load_idx %gather3A_1660[%iota3A, %broadcast_in_dim3A_1655] : memref<16x128xf32, #tpu.memory_space<vmem>>[vector<16xi32>, vector<16xi32>], vector<16xf32>,
      %slice3A_1662 = vector.extract_strided_slice %scan3A_678 {offsets = [2], sizes = [1], strides = [1]} : vector<16xi32> to vector<1xi32>
      %squeeze3A_1663 = vector.extract %slice3A_1662[0] : i32 from vector<1xi32>
      %jit3A_1664 = arith.constant 128 : i32
      %div3A_1665 = arith.divsi %squeeze3A_1663, %jit3A_1664 : i32
      %sign3A_1666 = arith.constant 0 : i32
      %sign3A_1667 = arith.cmpi sgt, %squeeze3A_1663, %sign3A_1666 : i32
      %sign3A_1668 = arith.extui %sign3A_1667 : i1 to i32
      %sign3A_1669 = arith.constant 0 : i32
      %sign3A_1670 = arith.cmpi slt, %squeeze3A_1663, %sign3A_1669 : i32
      %sign3A_1671 = arith.extui %sign3A_1670 : i1 to i32
      %sign3A_1672 = arith.subi %sign3A_1668, %sign3A_1671 : i32
      %sign3A_1673 = arith.constant 0 : i32
      %sign3A_1674 = arith.cmpi sgt, %jit3A_1664, %sign3A_1673 : i32
      %sign3A_1675 = arith.extui %sign3A_1674 : i1 to i32
      %sign3A_1676 = arith.constant 0 : i32
      %sign3A_1677 = arith.cmpi slt, %jit3A_1664, %sign3A_1676 : i32
      %sign3A_1678 = arith.extui %sign3A_1677 : i1 to i32
      %sign3A_1679 = arith.subi %sign3A_1675, %sign3A_1678 : i32
      %ne3A_1680 = arith.cmpi ne, %sign3A_1672, %sign3A_1679 : i32
      %rem3A_1681 = arith.remsi %squeeze3A_1663, %jit3A_1664 : i32
      %ne3A_1682 = arith.constant 0 : i32
      %ne3A_1683 = arith.cmpi ne, %rem3A_1681, %ne3A_1682 : i32
      %and3A_1684 = arith.andi %ne3A_1680, %ne3A_1683 : i1
      %sub3A_1685 = arith.constant 1 : i32
      %sub3A_1686 = arith.subi %div3A_1665, %sub3A_1685 : i32
      %select_n3A_1687 = arith.select %and3A_1684, %sub3A_1686, %div3A_1665 : i32
      %mul3A_1688 = arith.constant 128 : i32
      %mul3A_1689 = arith.muli %select_n3A_1687, %mul3A_1688 : i32
      %sub3A_1690 = arith.subi %squeeze3A_1663, %mul3A_1689 : i32
      %broadcast_in_dim3A_1691 = vector.broadcast %sub3A_1690 : i32 to vector<16xi32>
      %gather3A_1692 = arith.constant 2 : i32
      %gather3A_1693 = arith.constant 0 : i32
      %gather3A_1694 = arith.constant 0 : i32
      %gather3A_1695 = tpu.memref_slice %arg8[%gather3A_1692, %gather3A_1693, %gather3A_1694] : memref<8x16x128xf32, #tpu.memory_space<vmem>> -> memref<1x16x128xf32, #tpu.memory_space<vmem>>
      %gather3A_1696 = tpu.memref_squeeze %gather3A_1695 : memref<1x16x128xf32, #tpu.memory_space<vmem>> -> memref<16x128xf32, #tpu.memory_space<vmem>>
      %gather3A_1697 = tpu.vector_load_idx %gather3A_1696[%iota3A, %broadcast_in_dim3A_1691] : memref<16x128xf32, #tpu.memory_space<vmem>>[vector<16xi32>, vector<16xi32>], vector<16xf32>,
      %slice3A_1698 = vector.extract_strided_slice %scan3A_678 {offsets = [3], sizes = [1], strides = [1]} : vector<16xi32> to vector<1xi32>
      %squeeze3A_1699 = vector.extract %slice3A_1698[0] : i32 from vector<1xi32>
      %jit3A_1700 = arith.constant 128 : i32
      %div3A_1701 = arith.divsi %squeeze3A_1699, %jit3A_1700 : i32
      %sign3A_1702 = arith.constant 0 : i32
      %sign3A_1703 = arith.cmpi sgt, %squeeze3A_1699, %sign3A_1702 : i32
      %sign3A_1704 = arith.extui %sign3A_1703 : i1 to i32
      %sign3A_1705 = arith.constant 0 : i32
      %sign3A_1706 = arith.cmpi slt, %squeeze3A_1699, %sign3A_1705 : i32
      %sign3A_1707 = arith.extui %sign3A_1706 : i1 to i32
      %sign3A_1708 = arith.subi %sign3A_1704, %sign3A_1707 : i32
      %sign3A_1709 = arith.constant 0 : i32
      %sign3A_1710 = arith.cmpi sgt, %jit3A_1700, %sign3A_1709 : i32
      %sign3A_1711 = arith.extui %sign3A_1710 : i1 to i32
      %sign3A_1712 = arith.constant 0 : i32
      %sign3A_1713 = arith.cmpi slt, %jit3A_1700, %sign3A_1712 : i32
      %sign3A_1714 = arith.extui %sign3A_1713 : i1 to i32
      %sign3A_1715 = arith.subi %sign3A_1711, %sign3A_1714 : i32
      %ne3A_1716 = arith.cmpi ne, %sign3A_1708, %sign3A_1715 : i32
      %rem3A_1717 = arith.remsi %squeeze3A_1699, %jit3A_1700 : i32
      %ne3A_1718 = arith.constant 0 : i32
      %ne3A_1719 = arith.cmpi ne, %rem3A_1717, %ne3A_1718 : i32
      %and3A_1720 = arith.andi %ne3A_1716, %ne3A_1719 : i1
      %sub3A_1721 = arith.constant 1 : i32
      %sub3A_1722 = arith.subi %div3A_1701, %sub3A_1721 : i32
      %select_n3A_1723 = arith.select %and3A_1720, %sub3A_1722, %div3A_1701 : i32
      %mul3A_1724 = arith.constant 128 : i32
      %mul3A_1725 = arith.muli %select_n3A_1723, %mul3A_1724 : i32
      %sub3A_1726 = arith.subi %squeeze3A_1699, %mul3A_1725 : i32
      %broadcast_in_dim3A_1727 = vector.broadcast %sub3A_1726 : i32 to vector<16xi32>
      %gather3A_1728 = arith.constant 3 : i32
      %gather3A_1729 = arith.constant 0 : i32
      %gather3A_1730 = arith.constant 0 : i32
      %gather3A_1731 = tpu.memref_slice %arg8[%gather3A_1728, %gather3A_1729, %gather3A_1730] : memref<8x16x128xf32, #tpu.memory_space<vmem>> -> memref<1x16x128xf32, #tpu.memory_space<vmem>>
      %gather3A_1732 = tpu.memref_squeeze %gather3A_1731 : memref<1x16x128xf32, #tpu.memory_space<vmem>> -> memref<16x128xf32, #tpu.memory_space<vmem>>
      %gather3A_1733 = tpu.vector_load_idx %gather3A_1732[%iota3A, %broadcast_in_dim3A_1727] : memref<16x128xf32, #tpu.memory_space<vmem>>[vector<16xi32>, vector<16xi32>], vector<16xf32>,
      %slice3A_1734 = vector.extract_strided_slice %scan3A_678 {offsets = [4], sizes = [1], strides = [1]} : vector<16xi32> to vector<1xi32>
      %squeeze3A_1735 = vector.extract %slice3A_1734[0] : i32 from vector<1xi32>
      %jit3A_1736 = arith.constant 128 : i32
      %div3A_1737 = arith.divsi %squeeze3A_1735, %jit3A_1736 : i32
      %sign3A_1738 = arith.constant 0 : i32
      %sign3A_1739 = arith.cmpi sgt, %squeeze3A_1735, %sign3A_1738 : i32
      %sign3A_1740 = arith.extui %sign3A_1739 : i1 to i32
      %sign3A_1741 = arith.constant 0 : i32
      %sign3A_1742 = arith.cmpi slt, %squeeze3A_1735, %sign3A_1741 : i32
      %sign3A_1743 = arith.extui %sign3A_1742 : i1 to i32
      %sign3A_1744 = arith.subi %sign3A_1740, %sign3A_1743 : i32
      %sign3A_1745 = arith.constant 0 : i32
      %sign3A_1746 = arith.cmpi sgt, %jit3A_1736, %sign3A_1745 : i32
      %sign3A_1747 = arith.extui %sign3A_1746 : i1 to i32
      %sign3A_1748 = arith.constant 0 : i32
      %sign3A_1749 = arith.cmpi slt, %jit3A_1736, %sign3A_1748 : i32
      %sign3A_1750 = arith.extui %sign3A_1749 : i1 to i32
      %sign3A_1751 = arith.subi %sign3A_1747, %sign3A_1750 : i32
      %ne3A_1752 = arith.cmpi ne, %sign3A_1744, %sign3A_1751 : i32
      %rem3A_1753 = arith.remsi %squeeze3A_1735, %jit3A_1736 : i32
      %ne3A_1754 = arith.constant 0 : i32
      %ne3A_1755 = arith.cmpi ne, %rem3A_1753, %ne3A_1754 : i32
      %and3A_1756 = arith.andi %ne3A_1752, %ne3A_1755 : i1
      %sub3A_1757 = arith.constant 1 : i32
      %sub3A_1758 = arith.subi %div3A_1737, %sub3A_1757 : i32
      %select_n3A_1759 = arith.select %and3A_1756, %sub3A_1758, %div3A_1737 : i32
      %mul3A_1760 = arith.constant 128 : i32
      %mul3A_1761 = arith.muli %select_n3A_1759, %mul3A_1760 : i32
      %sub3A_1762 = arith.subi %squeeze3A_1735, %mul3A_1761 : i32
      %broadcast_in_dim3A_1763 = vector.broadcast %sub3A_1762 : i32 to vector<16xi32>
      %gather3A_1764 = arith.constant 4 : i32
      %gather3A_1765 = arith.constant 0 : i32
      %gather3A_1766 = arith.constant 0 : i32
      %gather3A_1767 = tpu.memref_slice %arg8[%gather3A_1764, %gather3A_1765, %gather3A_1766] : memref<8x16x128xf32, #tpu.memory_space<vmem>> -> memref<1x16x128xf32, #tpu.memory_space<vmem>>
      %gather3A_1768 = tpu.memref_squeeze %gather3A_1767 : memref<1x16x128xf32, #tpu.memory_space<vmem>> -> memref<16x128xf32, #tpu.memory_space<vmem>>
      %gather3A_1769 = tpu.vector_load_idx %gather3A_1768[%iota3A, %broadcast_in_dim3A_1763] : memref<16x128xf32, #tpu.memory_space<vmem>>[vector<16xi32>, vector<16xi32>], vector<16xf32>,
      %slice3A_1770 = vector.extract_strided_slice %scan3A_678 {offsets = [5], sizes = [1], strides = [1]} : vector<16xi32> to vector<1xi32>
      %squeeze3A_1771 = vector.extract %slice3A_1770[0] : i32 from vector<1xi32>
      %jit3A_1772 = arith.constant 128 : i32
      %div3A_1773 = arith.divsi %squeeze3A_1771, %jit3A_1772 : i32
      %sign3A_1774 = arith.constant 0 : i32
      %sign3A_1775 = arith.cmpi sgt, %squeeze3A_1771, %sign3A_1774 : i32
      %sign3A_1776 = arith.extui %sign3A_1775 : i1 to i32
      %sign3A_1777 = arith.constant 0 : i32
      %sign3A_1778 = arith.cmpi slt, %squeeze3A_1771, %sign3A_1777 : i32
      %sign3A_1779 = arith.extui %sign3A_1778 : i1 to i32
      %sign3A_1780 = arith.subi %sign3A_1776, %sign3A_1779 : i32
      %sign3A_1781 = arith.constant 0 : i32
      %sign3A_1782 = arith.cmpi sgt, %jit3A_1772, %sign3A_1781 : i32
      %sign3A_1783 = arith.extui %sign3A_1782 : i1 to i32
      %sign3A_1784 = arith.constant 0 : i32
      %sign3A_1785 = arith.cmpi slt, %jit3A_1772, %sign3A_1784 : i32
      %sign3A_1786 = arith.extui %sign3A_1785 : i1 to i32
      %sign3A_1787 = arith.subi %sign3A_1783, %sign3A_1786 : i32
      %ne3A_1788 = arith.cmpi ne, %sign3A_1780, %sign3A_1787 : i32
      %rem3A_1789 = arith.remsi %squeeze3A_1771, %jit3A_1772 : i32
      %ne3A_1790 = arith.constant 0 : i32
      %ne3A_1791 = arith.cmpi ne, %rem3A_1789, %ne3A_1790 : i32
      %and3A_1792 = arith.andi %ne3A_1788, %ne3A_1791 : i1
      %sub3A_1793 = arith.constant 1 : i32
      %sub3A_1794 = arith.subi %div3A_1773, %sub3A_1793 : i32
      %select_n3A_1795 = arith.select %and3A_1792, %sub3A_1794, %div3A_1773 : i32
      %mul3A_1796 = arith.constant 128 : i32
      %mul3A_1797 = arith.muli %select_n3A_1795, %mul3A_1796 : i32
      %sub3A_1798 = arith.subi %squeeze3A_1771, %mul3A_1797 : i32
      %broadcast_in_dim3A_1799 = vector.broadcast %sub3A_1798 : i32 to vector<16xi32>
      %gather3A_1800 = arith.constant 5 : i32
      %gather3A_1801 = arith.constant 0 : i32
      %gather3A_1802 = arith.constant 0 : i32
      %gather3A_1803 = tpu.memref_slice %arg8[%gather3A_1800, %gather3A_1801, %gather3A_1802] : memref<8x16x128xf32, #tpu.memory_space<vmem>> -> memref<1x16x128xf32, #tpu.memory_space<vmem>>
      %gather3A_1804 = tpu.memref_squeeze %gather3A_1803 : memref<1x16x128xf32, #tpu.memory_space<vmem>> -> memref<16x128xf32, #tpu.memory_space<vmem>>
      %gather3A_1805 = tpu.vector_load_idx %gather3A_1804[%iota3A, %broadcast_in_dim3A_1799] : memref<16x128xf32, #tpu.memory_space<vmem>>[vector<16xi32>, vector<16xi32>], vector<16xf32>,
      %slice3A_1806 = vector.extract_strided_slice %scan3A_678 {offsets = [6], sizes = [1], strides = [1]} : vector<16xi32> to vector<1xi32>
      %squeeze3A_1807 = vector.extract %slice3A_1806[0] : i32 from vector<1xi32>
      %jit3A_1808 = arith.constant 128 : i32
      %div3A_1809 = arith.divsi %squeeze3A_1807, %jit3A_1808 : i32
      %sign3A_1810 = arith.constant 0 : i32
      %sign3A_1811 = arith.cmpi sgt, %squeeze3A_1807, %sign3A_1810 : i32
      %sign3A_1812 = arith.extui %sign3A_1811 : i1 to i32
      %sign3A_1813 = arith.constant 0 : i32
      %sign3A_1814 = arith.cmpi slt, %squeeze3A_1807, %sign3A_1813 : i32
      %sign3A_1815 = arith.extui %sign3A_1814 : i1 to i32
      %sign3A_1816 = arith.subi %sign3A_1812, %sign3A_1815 : i32
      %sign3A_1817 = arith.constant 0 : i32
      %sign3A_1818 = arith.cmpi sgt, %jit3A_1808, %sign3A_1817 : i32
      %sign3A_1819 = arith.extui %sign3A_1818 : i1 to i32
      %sign3A_1820 = arith.constant 0 : i32
      %sign3A_1821 = arith.cmpi slt, %jit3A_1808, %sign3A_1820 : i32
      %sign3A_1822 = arith.extui %sign3A_1821 : i1 to i32
      %sign3A_1823 = arith.subi %sign3A_1819, %sign3A_1822 : i32
      %ne3A_1824 = arith.cmpi ne, %sign3A_1816, %sign3A_1823 : i32
      %rem3A_1825 = arith.remsi %squeeze3A_1807, %jit3A_1808 : i32
      %ne3A_1826 = arith.constant 0 : i32
      %ne3A_1827 = arith.cmpi ne, %rem3A_1825, %ne3A_1826 : i32
      %and3A_1828 = arith.andi %ne3A_1824, %ne3A_1827 : i1
      %sub3A_1829 = arith.constant 1 : i32
      %sub3A_1830 = arith.subi %div3A_1809, %sub3A_1829 : i32
      %select_n3A_1831 = arith.select %and3A_1828, %sub3A_1830, %div3A_1809 : i32
      %mul3A_1832 = arith.constant 128 : i32
      %mul3A_1833 = arith.muli %select_n3A_1831, %mul3A_1832 : i32
      %sub3A_1834 = arith.subi %squeeze3A_1807, %mul3A_1833 : i32
      %broadcast_in_dim3A_1835 = vector.broadcast %sub3A_1834 : i32 to vector<16xi32>
      %gather3A_1836 = arith.constant 6 : i32
      %gather3A_1837 = arith.constant 0 : i32
      %gather3A_1838 = arith.constant 0 : i32
      %gather3A_1839 = tpu.memref_slice %arg8[%gather3A_1836, %gather3A_1837, %gather3A_1838] : memref<8x16x128xf32, #tpu.memory_space<vmem>> -> memref<1x16x128xf32, #tpu.memory_space<vmem>>
      %gather3A_1840 = tpu.memref_squeeze %gather3A_1839 : memref<1x16x128xf32, #tpu.memory_space<vmem>> -> memref<16x128xf32, #tpu.memory_space<vmem>>
      %gather3A_1841 = tpu.vector_load_idx %gather3A_1840[%iota3A, %broadcast_in_dim3A_1835] : memref<16x128xf32, #tpu.memory_space<vmem>>[vector<16xi32>, vector<16xi32>], vector<16xf32>,
      %slice3A_1842 = vector.extract_strided_slice %scan3A_678 {offsets = [7], sizes = [1], strides = [1]} : vector<16xi32> to vector<1xi32>
      %squeeze3A_1843 = vector.extract %slice3A_1842[0] : i32 from vector<1xi32>
      %jit3A_1844 = arith.constant 128 : i32
      %div3A_1845 = arith.divsi %squeeze3A_1843, %jit3A_1844 : i32
      %sign3A_1846 = arith.constant 0 : i32
      %sign3A_1847 = arith.cmpi sgt, %squeeze3A_1843, %sign3A_1846 : i32
      %sign3A_1848 = arith.extui %sign3A_1847 : i1 to i32
      %sign3A_1849 = arith.constant 0 : i32
      %sign3A_1850 = arith.cmpi slt, %squeeze3A_1843, %sign3A_1849 : i32
      %sign3A_1851 = arith.extui %sign3A_1850 : i1 to i32
      %sign3A_1852 = arith.subi %sign3A_1848, %sign3A_1851 : i32
      %sign3A_1853 = arith.constant 0 : i32
      %sign3A_1854 = arith.cmpi sgt, %jit3A_1844, %sign3A_1853 : i32
      %sign3A_1855 = arith.extui %sign3A_1854 : i1 to i32
      %sign3A_1856 = arith.constant 0 : i32
      %sign3A_1857 = arith.cmpi slt, %jit3A_1844, %sign3A_1856 : i32
      %sign3A_1858 = arith.extui %sign3A_1857 : i1 to i32
      %sign3A_1859 = arith.subi %sign3A_1855, %sign3A_1858 : i32
      %ne3A_1860 = arith.cmpi ne, %sign3A_1852, %sign3A_1859 : i32
      %rem3A_1861 = arith.remsi %squeeze3A_1843, %jit3A_1844 : i32
      %ne3A_1862 = arith.constant 0 : i32
      %ne3A_1863 = arith.cmpi ne, %rem3A_1861, %ne3A_1862 : i32
      %and3A_1864 = arith.andi %ne3A_1860, %ne3A_1863 : i1
      %sub3A_1865 = arith.constant 1 : i32
      %sub3A_1866 = arith.subi %div3A_1845, %sub3A_1865 : i32
      %select_n3A_1867 = arith.select %and3A_1864, %sub3A_1866, %div3A_1845 : i32
      %mul3A_1868 = arith.constant 128 : i32
      %mul3A_1869 = arith.muli %select_n3A_1867, %mul3A_1868 : i32
      %sub3A_1870 = arith.subi %squeeze3A_1843, %mul3A_1869 : i32
      %broadcast_in_dim3A_1871 = vector.broadcast %sub3A_1870 : i32 to vector<16xi32>
      %gather3A_1872 = arith.constant 7 : i32
      %gather3A_1873 = arith.constant 0 : i32
      %gather3A_1874 = arith.constant 0 : i32
      %gather3A_1875 = tpu.memref_slice %arg8[%gather3A_1872, %gather3A_1873, %gather3A_1874] : memref<8x16x128xf32, #tpu.memory_space<vmem>> -> memref<1x16x128xf32, #tpu.memory_space<vmem>>
      %gather3A_1876 = tpu.memref_squeeze %gather3A_1875 : memref<1x16x128xf32, #tpu.memory_space<vmem>> -> memref<16x128xf32, #tpu.memory_space<vmem>>
      %gather3A_1877 = tpu.vector_load_idx %gather3A_1876[%iota3A, %broadcast_in_dim3A_1871] : memref<16x128xf32, #tpu.memory_space<vmem>>[vector<16xi32>, vector<16xi32>], vector<16xf32>,
      %slice3A_1878 = vector.extract_strided_slice %scan3A_679 {offsets = [0], sizes = [1], strides = [1]} : vector<16xi32> to vector<1xi32>
      %squeeze3A_1879 = vector.extract %slice3A_1878[0] : i32 from vector<1xi32>
      %jit3A_1880 = arith.constant 128 : i32
      %div3A_1881 = arith.divsi %squeeze3A_1879, %jit3A_1880 : i32
      %sign3A_1882 = arith.constant 0 : i32
      %sign3A_1883 = arith.cmpi sgt, %squeeze3A_1879, %sign3A_1882 : i32
      %sign3A_1884 = arith.extui %sign3A_1883 : i1 to i32
      %sign3A_1885 = arith.constant 0 : i32
      %sign3A_1886 = arith.cmpi slt, %squeeze3A_1879, %sign3A_1885 : i32
      %sign3A_1887 = arith.extui %sign3A_1886 : i1 to i32
      %sign3A_1888 = arith.subi %sign3A_1884, %sign3A_1887 : i32
      %sign3A_1889 = arith.constant 0 : i32
      %sign3A_1890 = arith.cmpi sgt, %jit3A_1880, %sign3A_1889 : i32
      %sign3A_1891 = arith.extui %sign3A_1890 : i1 to i32
      %sign3A_1892 = arith.constant 0 : i32
      %sign3A_1893 = arith.cmpi slt, %jit3A_1880, %sign3A_1892 : i32
      %sign3A_1894 = arith.extui %sign3A_1893 : i1 to i32
      %sign3A_1895 = arith.subi %sign3A_1891, %sign3A_1894 : i32
      %ne3A_1896 = arith.cmpi ne, %sign3A_1888, %sign3A_1895 : i32
      %rem3A_1897 = arith.remsi %squeeze3A_1879, %jit3A_1880 : i32
      %ne3A_1898 = arith.constant 0 : i32
      %ne3A_1899 = arith.cmpi ne, %rem3A_1897, %ne3A_1898 : i32
      %and3A_1900 = arith.andi %ne3A_1896, %ne3A_1899 : i1
      %sub3A_1901 = arith.constant 1 : i32
      %sub3A_1902 = arith.subi %div3A_1881, %sub3A_1901 : i32
      %select_n3A_1903 = arith.select %and3A_1900, %sub3A_1902, %div3A_1881 : i32
      %mul3A_1904 = arith.constant 128 : i32
      %mul3A_1905 = arith.muli %select_n3A_1903, %mul3A_1904 : i32
      %sub3A_1906 = arith.subi %squeeze3A_1879, %mul3A_1905 : i32
      %broadcast_in_dim3A_1907 = vector.broadcast %sub3A_1906 : i32 to vector<16xi32>
      %gather3A_1908 = arith.constant 0 : i32
      %gather3A_1909 = arith.constant 0 : i32
      %gather3A_1910 = arith.constant 0 : i32
      %gather3A_1911 = tpu.memref_slice %arg10[%gather3A_1908, %gather3A_1909, %gather3A_1910] : memref<8x16x128xf32, #tpu.memory_space<vmem>> -> memref<1x16x128xf32, #tpu.memory_space<vmem>>
      %gather3A_1912 = tpu.memref_squeeze %gather3A_1911 : memref<1x16x128xf32, #tpu.memory_space<vmem>> -> memref<16x128xf32, #tpu.memory_space<vmem>>
      %gather3A_1913 = tpu.vector_load_idx %gather3A_1912[%iota3A, %broadcast_in_dim3A_1907] : memref<16x128xf32, #tpu.memory_space<vmem>>[vector<16xi32>, vector<16xi32>], vector<16xf32>,
      %mul3A_1914 = arith.mulf %gather3A_1625, %gather3A_1913 : vector<16xf32>
      %add3A_1915 = arith.addf %scan3A_677, %mul3A_1914 : vector<16xf32>
      %slice3A_1916 = vector.extract_strided_slice %scan3A_679 {offsets = [1], sizes = [1], strides = [1]} : vector<16xi32> to vector<1xi32>
      %squeeze3A_1917 = vector.extract %slice3A_1916[0] : i32 from vector<1xi32>
      %jit3A_1918 = arith.constant 128 : i32
      %div3A_1919 = arith.divsi %squeeze3A_1917, %jit3A_1918 : i32
      %sign3A_1920 = arith.constant 0 : i32
      %sign3A_1921 = arith.cmpi sgt, %squeeze3A_1917, %sign3A_1920 : i32
      %sign3A_1922 = arith.extui %sign3A_1921 : i1 to i32
      %sign3A_1923 = arith.constant 0 : i32
      %sign3A_1924 = arith.cmpi slt, %squeeze3A_1917, %sign3A_1923 : i32
      %sign3A_1925 = arith.extui %sign3A_1924 : i1 to i32
      %sign3A_1926 = arith.subi %sign3A_1922, %sign3A_1925 : i32
      %sign3A_1927 = arith.constant 0 : i32
      %sign3A_1928 = arith.cmpi sgt, %jit3A_1918, %sign3A_1927 : i32
      %sign3A_1929 = arith.extui %sign3A_1928 : i1 to i32
      %sign3A_1930 = arith.constant 0 : i32
      %sign3A_1931 = arith.cmpi slt, %jit3A_1918, %sign3A_1930 : i32
      %sign3A_1932 = arith.extui %sign3A_1931 : i1 to i32
      %sign3A_1933 = arith.subi %sign3A_1929, %sign3A_1932 : i32
      %ne3A_1934 = arith.cmpi ne, %sign3A_1926, %sign3A_1933 : i32
      %rem3A_1935 = arith.remsi %squeeze3A_1917, %jit3A_1918 : i32
      %ne3A_1936 = arith.constant 0 : i32
      %ne3A_1937 = arith.cmpi ne, %rem3A_1935, %ne3A_1936 : i32
      %and3A_1938 = arith.andi %ne3A_1934, %ne3A_1937 : i1
      %sub3A_1939 = arith.constant 1 : i32
      %sub3A_1940 = arith.subi %div3A_1919, %sub3A_1939 : i32
      %select_n3A_1941 = arith.select %and3A_1938, %sub3A_1940, %div3A_1919 : i32
      %mul3A_1942 = arith.constant 128 : i32
      %mul3A_1943 = arith.muli %select_n3A_1941, %mul3A_1942 : i32
      %sub3A_1944 = arith.subi %squeeze3A_1917, %mul3A_1943 : i32
      %broadcast_in_dim3A_1945 = vector.broadcast %sub3A_1944 : i32 to vector<16xi32>
      %gather3A_1946 = arith.constant 1 : i32
      %gather3A_1947 = arith.constant 0 : i32
      %gather3A_1948 = arith.constant 0 : i32
      %gather3A_1949 = tpu.memref_slice %arg10[%gather3A_1946, %gather3A_1947, %gather3A_1948] : memref<8x16x128xf32, #tpu.memory_space<vmem>> -> memref<1x16x128xf32, #tpu.memory_space<vmem>>
      %gather3A_1950 = tpu.memref_squeeze %gather3A_1949 : memref<1x16x128xf32, #tpu.memory_space<vmem>> -> memref<16x128xf32, #tpu.memory_space<vmem>>
      %gather3A_1951 = tpu.vector_load_idx %gather3A_1950[%iota3A, %broadcast_in_dim3A_1945] : memref<16x128xf32, #tpu.memory_space<vmem>>[vector<16xi32>, vector<16xi32>], vector<16xf32>,
      %mul3A_1952 = arith.mulf %gather3A_1661, %gather3A_1951 : vector<16xf32>
      %add3A_1953 = arith.addf %add3A_1915, %mul3A_1952 : vector<16xf32>
      %slice3A_1954 = vector.extract_strided_slice %scan3A_679 {offsets = [2], sizes = [1], strides = [1]} : vector<16xi32> to vector<1xi32>
      %squeeze3A_1955 = vector.extract %slice3A_1954[0] : i32 from vector<1xi32>
      %jit3A_1956 = arith.constant 128 : i32
      %div3A_1957 = arith.divsi %squeeze3A_1955, %jit3A_1956 : i32
      %sign3A_1958 = arith.constant 0 : i32
      %sign3A_1959 = arith.cmpi sgt, %squeeze3A_1955, %sign3A_1958 : i32
      %sign3A_1960 = arith.extui %sign3A_1959 : i1 to i32
      %sign3A_1961 = arith.constant 0 : i32
      %sign3A_1962 = arith.cmpi slt, %squeeze3A_1955, %sign3A_1961 : i32
      %sign3A_1963 = arith.extui %sign3A_1962 : i1 to i32
      %sign3A_1964 = arith.subi %sign3A_1960, %sign3A_1963 : i32
      %sign3A_1965 = arith.constant 0 : i32
      %sign3A_1966 = arith.cmpi sgt, %jit3A_1956, %sign3A_1965 : i32
      %sign3A_1967 = arith.extui %sign3A_1966 : i1 to i32
      %sign3A_1968 = arith.constant 0 : i32
      %sign3A_1969 = arith.cmpi slt, %jit3A_1956, %sign3A_1968 : i32
      %sign3A_1970 = arith.extui %sign3A_1969 : i1 to i32
      %sign3A_1971 = arith.subi %sign3A_1967, %sign3A_1970 : i32
      %ne3A_1972 = arith.cmpi ne, %sign3A_1964, %sign3A_1971 : i32
      %rem3A_1973 = arith.remsi %squeeze3A_1955, %jit3A_1956 : i32
      %ne3A_1974 = arith.constant 0 : i32
      %ne3A_1975 = arith.cmpi ne, %rem3A_1973, %ne3A_1974 : i32
      %and3A_1976 = arith.andi %ne3A_1972, %ne3A_1975 : i1
      %sub3A_1977 = arith.constant 1 : i32
      %sub3A_1978 = arith.subi %div3A_1957, %sub3A_1977 : i32
      %select_n3A_1979 = arith.select %and3A_1976, %sub3A_1978, %div3A_1957 : i32
      %mul3A_1980 = arith.constant 128 : i32
      %mul3A_1981 = arith.muli %select_n3A_1979, %mul3A_1980 : i32
      %sub3A_1982 = arith.subi %squeeze3A_1955, %mul3A_1981 : i32
      %broadcast_in_dim3A_1983 = vector.broadcast %sub3A_1982 : i32 to vector<16xi32>
      %gather3A_1984 = arith.constant 2 : i32
      %gather3A_1985 = arith.constant 0 : i32
      %gather3A_1986 = arith.constant 0 : i32
      %gather3A_1987 = tpu.memref_slice %arg10[%gather3A_1984, %gather3A_1985, %gather3A_1986] : memref<8x16x128xf32, #tpu.memory_space<vmem>> -> memref<1x16x128xf32, #tpu.memory_space<vmem>>
      %gather3A_1988 = tpu.memref_squeeze %gather3A_1987 : memref<1x16x128xf32, #tpu.memory_space<vmem>> -> memref<16x128xf32, #tpu.memory_space<vmem>>
      %gather3A_1989 = tpu.vector_load_idx %gather3A_1988[%iota3A, %broadcast_in_dim3A_1983] : memref<16x128xf32, #tpu.memory_space<vmem>>[vector<16xi32>, vector<16xi32>], vector<16xf32>,
      %mul3A_1990 = arith.mulf %gather3A_1697, %gather3A_1989 : vector<16xf32>
      %add3A_1991 = arith.addf %add3A_1953, %mul3A_1990 : vector<16xf32>
      %slice3A_1992 = vector.extract_strided_slice %scan3A_679 {offsets = [3], sizes = [1], strides = [1]} : vector<16xi32> to vector<1xi32>
      %squeeze3A_1993 = vector.extract %slice3A_1992[0] : i32 from vector<1xi32>
      %jit3A_1994 = arith.constant 128 : i32
      %div3A_1995 = arith.divsi %squeeze3A_1993, %jit3A_1994 : i32
      %sign3A_1996 = arith.constant 0 : i32
      %sign3A_1997 = arith.cmpi sgt, %squeeze3A_1993, %sign3A_1996 : i32
      %sign3A_1998 = arith.extui %sign3A_1997 : i1 to i32
      %sign3A_1999 = arith.constant 0 : i32
      %sign3A_2000 = arith.cmpi slt, %squeeze3A_1993, %sign3A_1999 : i32
      %sign3A_2001 = arith.extui %sign3A_2000 : i1 to i32
      %sign3A_2002 = arith.subi %sign3A_1998, %sign3A_2001 : i32
      %sign3A_2003 = arith.constant 0 : i32
      %sign3A_2004 = arith.cmpi sgt, %jit3A_1994, %sign3A_2003 : i32
      %sign3A_2005 = arith.extui %sign3A_2004 : i1 to i32
      %sign3A_2006 = arith.constant 0 : i32
      %sign3A_2007 = arith.cmpi slt, %jit3A_1994, %sign3A_2006 : i32
      %sign3A_2008 = arith.extui %sign3A_2007 : i1 to i32
      %sign3A_2009 = arith.subi %sign3A_2005, %sign3A_2008 : i32
      %ne3A_2010 = arith.cmpi ne, %sign3A_2002, %sign3A_2009 : i32
      %rem3A_2011 = arith.remsi %squeeze3A_1993, %jit3A_1994 : i32
      %ne3A_2012 = arith.constant 0 : i32
      %ne3A_2013 = arith.cmpi ne, %rem3A_2011, %ne3A_2012 : i32
      %and3A_2014 = arith.andi %ne3A_2010, %ne3A_2013 : i1
      %sub3A_2015 = arith.constant 1 : i32
      %sub3A_2016 = arith.subi %div3A_1995, %sub3A_2015 : i32
      %select_n3A_2017 = arith.select %and3A_2014, %sub3A_2016, %div3A_1995 : i32
      %mul3A_2018 = arith.constant 128 : i32
      %mul3A_2019 = arith.muli %select_n3A_2017, %mul3A_2018 : i32
      %sub3A_2020 = arith.subi %squeeze3A_1993, %mul3A_2019 : i32
      %broadcast_in_dim3A_2021 = vector.broadcast %sub3A_2020 : i32 to vector<16xi32>
      %gather3A_2022 = arith.constant 3 : i32
      %gather3A_2023 = arith.constant 0 : i32
      %gather3A_2024 = arith.constant 0 : i32
      %gather3A_2025 = tpu.memref_slice %arg10[%gather3A_2022, %gather3A_2023, %gather3A_2024] : memref<8x16x128xf32, #tpu.memory_space<vmem>> -> memref<1x16x128xf32, #tpu.memory_space<vmem>>
      %gather3A_2026 = tpu.memref_squeeze %gather3A_2025 : memref<1x16x128xf32, #tpu.memory_space<vmem>> -> memref<16x128xf32, #tpu.memory_space<vmem>>
      %gather3A_2027 = tpu.vector_load_idx %gather3A_2026[%iota3A, %broadcast_in_dim3A_2021] : memref<16x128xf32, #tpu.memory_space<vmem>>[vector<16xi32>, vector<16xi32>], vector<16xf32>,
      %mul3A_2028 = arith.mulf %gather3A_1733, %gather3A_2027 : vector<16xf32>
      %add3A_2029 = arith.addf %add3A_1991, %mul3A_2028 : vector<16xf32>
      %slice3A_2030 = vector.extract_strided_slice %scan3A_679 {offsets = [4], sizes = [1], strides = [1]} : vector<16xi32> to vector<1xi32>
      %squeeze3A_2031 = vector.extract %slice3A_2030[0] : i32 from vector<1xi32>
      %jit3A_2032 = arith.constant 128 : i32
      %div3A_2033 = arith.divsi %squeeze3A_2031, %jit3A_2032 : i32
      %sign3A_2034 = arith.constant 0 : i32
      %sign3A_2035 = arith.cmpi sgt, %squeeze3A_2031, %sign3A_2034 : i32
      %sign3A_2036 = arith.extui %sign3A_2035 : i1 to i32
      %sign3A_2037 = arith.constant 0 : i32
      %sign3A_2038 = arith.cmpi slt, %squeeze3A_2031, %sign3A_2037 : i32
      %sign3A_2039 = arith.extui %sign3A_2038 : i1 to i32
      %sign3A_2040 = arith.subi %sign3A_2036, %sign3A_2039 : i32
      %sign3A_2041 = arith.constant 0 : i32
      %sign3A_2042 = arith.cmpi sgt, %jit3A_2032, %sign3A_2041 : i32
      %sign3A_2043 = arith.extui %sign3A_2042 : i1 to i32
      %sign3A_2044 = arith.constant 0 : i32
      %sign3A_2045 = arith.cmpi slt, %jit3A_2032, %sign3A_2044 : i32
      %sign3A_2046 = arith.extui %sign3A_2045 : i1 to i32
      %sign3A_2047 = arith.subi %sign3A_2043, %sign3A_2046 : i32
      %ne3A_2048 = arith.cmpi ne, %sign3A_2040, %sign3A_2047 : i32
      %rem3A_2049 = arith.remsi %squeeze3A_2031, %jit3A_2032 : i32
      %ne3A_2050 = arith.constant 0 : i32
      %ne3A_2051 = arith.cmpi ne, %rem3A_2049, %ne3A_2050 : i32
      %and3A_2052 = arith.andi %ne3A_2048, %ne3A_2051 : i1
      %sub3A_2053 = arith.constant 1 : i32
      %sub3A_2054 = arith.subi %div3A_2033, %sub3A_2053 : i32
      %select_n3A_2055 = arith.select %and3A_2052, %sub3A_2054, %div3A_2033 : i32
      %mul3A_2056 = arith.constant 128 : i32
      %mul3A_2057 = arith.muli %select_n3A_2055, %mul3A_2056 : i32
      %sub3A_2058 = arith.subi %squeeze3A_2031, %mul3A_2057 : i32
      %broadcast_in_dim3A_2059 = vector.broadcast %sub3A_2058 : i32 to vector<16xi32>
      %gather3A_2060 = arith.constant 4 : i32
      %gather3A_2061 = arith.constant 0 : i32
      %gather3A_2062 = arith.constant 0 : i32
      %gather3A_2063 = tpu.memref_slice %arg10[%gather3A_2060, %gather3A_2061, %gather3A_2062] : memref<8x16x128xf32, #tpu.memory_space<vmem>> -> memref<1x16x128xf32, #tpu.memory_space<vmem>>
      %gather3A_2064 = tpu.memref_squeeze %gather3A_2063 : memref<1x16x128xf32, #tpu.memory_space<vmem>> -> memref<16x128xf32, #tpu.memory_space<vmem>>
      %gather3A_2065 = tpu.vector_load_idx %gather3A_2064[%iota3A, %broadcast_in_dim3A_2059] : memref<16x128xf32, #tpu.memory_space<vmem>>[vector<16xi32>, vector<16xi32>], vector<16xf32>,
      %mul3A_2066 = arith.mulf %gather3A_1769, %gather3A_2065 : vector<16xf32>
      %add3A_2067 = arith.addf %add3A_2029, %mul3A_2066 : vector<16xf32>
      %slice3A_2068 = vector.extract_strided_slice %scan3A_679 {offsets = [5], sizes = [1], strides = [1]} : vector<16xi32> to vector<1xi32>
      %squeeze3A_2069 = vector.extract %slice3A_2068[0] : i32 from vector<1xi32>
      %jit3A_2070 = arith.constant 128 : i32
      %div3A_2071 = arith.divsi %squeeze3A_2069, %jit3A_2070 : i32
      %sign3A_2072 = arith.constant 0 : i32
      %sign3A_2073 = arith.cmpi sgt, %squeeze3A_2069, %sign3A_2072 : i32
      %sign3A_2074 = arith.extui %sign3A_2073 : i1 to i32
      %sign3A_2075 = arith.constant 0 : i32
      %sign3A_2076 = arith.cmpi slt, %squeeze3A_2069, %sign3A_2075 : i32
      %sign3A_2077 = arith.extui %sign3A_2076 : i1 to i32
      %sign3A_2078 = arith.subi %sign3A_2074, %sign3A_2077 : i32
      %sign3A_2079 = arith.constant 0 : i32
      %sign3A_2080 = arith.cmpi sgt, %jit3A_2070, %sign3A_2079 : i32
      %sign3A_2081 = arith.extui %sign3A_2080 : i1 to i32
      %sign3A_2082 = arith.constant 0 : i32
      %sign3A_2083 = arith.cmpi slt, %jit3A_2070, %sign3A_2082 : i32
      %sign3A_2084 = arith.extui %sign3A_2083 : i1 to i32
      %sign3A_2085 = arith.subi %sign3A_2081, %sign3A_2084 : i32
      %ne3A_2086 = arith.cmpi ne, %sign3A_2078, %sign3A_2085 : i32
      %rem3A_2087 = arith.remsi %squeeze3A_2069, %jit3A_2070 : i32
      %ne3A_2088 = arith.constant 0 : i32
      %ne3A_2089 = arith.cmpi ne, %rem3A_2087, %ne3A_2088 : i32
      %and3A_2090 = arith.andi %ne3A_2086, %ne3A_2089 : i1
      %sub3A_2091 = arith.constant 1 : i32
      %sub3A_2092 = arith.subi %div3A_2071, %sub3A_2091 : i32
      %select_n3A_2093 = arith.select %and3A_2090, %sub3A_2092, %div3A_2071 : i32
      %mul3A_2094 = arith.constant 128 : i32
      %mul3A_2095 = arith.muli %select_n3A_2093, %mul3A_2094 : i32
      %sub3A_2096 = arith.subi %squeeze3A_2069, %mul3A_2095 : i32
      %broadcast_in_dim3A_2097 = vector.broadcast %sub3A_2096 : i32 to vector<16xi32>
      %gather3A_2098 = arith.constant 5 : i32
      %gather3A_2099 = arith.constant 0 : i32
      %gather3A_2100 = arith.constant 0 : i32
      %gather3A_2101 = tpu.memref_slice %arg10[%gather3A_2098, %gather3A_2099, %gather3A_2100] : memref<8x16x128xf32, #tpu.memory_space<vmem>> -> memref<1x16x128xf32, #tpu.memory_space<vmem>>
      %gather3A_2102 = tpu.memref_squeeze %gather3A_2101 : memref<1x16x128xf32, #tpu.memory_space<vmem>> -> memref<16x128xf32, #tpu.memory_space<vmem>>
      %gather3A_2103 = tpu.vector_load_idx %gather3A_2102[%iota3A, %broadcast_in_dim3A_2097] : memref<16x128xf32, #tpu.memory_space<vmem>>[vector<16xi32>, vector<16xi32>], vector<16xf32>,
      %mul3A_2104 = arith.mulf %gather3A_1805, %gather3A_2103 : vector<16xf32>
      %add3A_2105 = arith.addf %add3A_2067, %mul3A_2104 : vector<16xf32>
      %slice3A_2106 = vector.extract_strided_slice %scan3A_679 {offsets = [6], sizes = [1], strides = [1]} : vector<16xi32> to vector<1xi32>
      %squeeze3A_2107 = vector.extract %slice3A_2106[0] : i32 from vector<1xi32>
      %jit3A_2108 = arith.constant 128 : i32
      %div3A_2109 = arith.divsi %squeeze3A_2107, %jit3A_2108 : i32
      %sign3A_2110 = arith.constant 0 : i32
      %sign3A_2111 = arith.cmpi sgt, %squeeze3A_2107, %sign3A_2110 : i32
      %sign3A_2112 = arith.extui %sign3A_2111 : i1 to i32
      %sign3A_2113 = arith.constant 0 : i32
      %sign3A_2114 = arith.cmpi slt, %squeeze3A_2107, %sign3A_2113 : i32
      %sign3A_2115 = arith.extui %sign3A_2114 : i1 to i32
      %sign3A_2116 = arith.subi %sign3A_2112, %sign3A_2115 : i32
      %sign3A_2117 = arith.constant 0 : i32
      %sign3A_2118 = arith.cmpi sgt, %jit3A_2108, %sign3A_2117 : i32
      %sign3A_2119 = arith.extui %sign3A_2118 : i1 to i32
      %sign3A_2120 = arith.constant 0 : i32
      %sign3A_2121 = arith.cmpi slt, %jit3A_2108, %sign3A_2120 : i32
      %sign3A_2122 = arith.extui %sign3A_2121 : i1 to i32
      %sign3A_2123 = arith.subi %sign3A_2119, %sign3A_2122 : i32
      %ne3A_2124 = arith.cmpi ne, %sign3A_2116, %sign3A_2123 : i32
      %rem3A_2125 = arith.remsi %squeeze3A_2107, %jit3A_2108 : i32
      %ne3A_2126 = arith.constant 0 : i32
      %ne3A_2127 = arith.cmpi ne, %rem3A_2125, %ne3A_2126 : i32
      %and3A_2128 = arith.andi %ne3A_2124, %ne3A_2127 : i1
      %sub3A_2129 = arith.constant 1 : i32
      %sub3A_2130 = arith.subi %div3A_2109, %sub3A_2129 : i32
      %select_n3A_2131 = arith.select %and3A_2128, %sub3A_2130, %div3A_2109 : i32
      %mul3A_2132 = arith.constant 128 : i32
      %mul3A_2133 = arith.muli %select_n3A_2131, %mul3A_2132 : i32
      %sub3A_2134 = arith.subi %squeeze3A_2107, %mul3A_2133 : i32
      %broadcast_in_dim3A_2135 = vector.broadcast %sub3A_2134 : i32 to vector<16xi32>
      %gather3A_2136 = arith.constant 6 : i32
      %gather3A_2137 = arith.constant 0 : i32
      %gather3A_2138 = arith.constant 0 : i32
      %gather3A_2139 = tpu.memref_slice %arg10[%gather3A_2136, %gather3A_2137, %gather3A_2138] : memref<8x16x128xf32, #tpu.memory_space<vmem>> -> memref<1x16x128xf32, #tpu.memory_space<vmem>>
      %gather3A_2140 = tpu.memref_squeeze %gather3A_2139 : memref<1x16x128xf32, #tpu.memory_space<vmem>> -> memref<16x128xf32, #tpu.memory_space<vmem>>
      %gather3A_2141 = tpu.vector_load_idx %gather3A_2140[%iota3A, %broadcast_in_dim3A_2135] : memref<16x128xf32, #tpu.memory_space<vmem>>[vector<16xi32>, vector<16xi32>], vector<16xf32>,
      %mul3A_2142 = arith.mulf %gather3A_1841, %gather3A_2141 : vector<16xf32>
      %add3A_2143 = arith.addf %add3A_2105, %mul3A_2142 : vector<16xf32>
      %slice3A_2144 = vector.extract_strided_slice %scan3A_679 {offsets = [7], sizes = [1], strides = [1]} : vector<16xi32> to vector<1xi32>
      %squeeze3A_2145 = vector.extract %slice3A_2144[0] : i32 from vector<1xi32>
      %jit3A_2146 = arith.constant 128 : i32
      %div3A_2147 = arith.divsi %squeeze3A_2145, %jit3A_2146 : i32
      %sign3A_2148 = arith.constant 0 : i32
      %sign3A_2149 = arith.cmpi sgt, %squeeze3A_2145, %sign3A_2148 : i32
      %sign3A_2150 = arith.extui %sign3A_2149 : i1 to i32
      %sign3A_2151 = arith.constant 0 : i32
      %sign3A_2152 = arith.cmpi slt, %squeeze3A_2145, %sign3A_2151 : i32
      %sign3A_2153 = arith.extui %sign3A_2152 : i1 to i32
      %sign3A_2154 = arith.subi %sign3A_2150, %sign3A_2153 : i32
      %sign3A_2155 = arith.constant 0 : i32
      %sign3A_2156 = arith.cmpi sgt, %jit3A_2146, %sign3A_2155 : i32
      %sign3A_2157 = arith.extui %sign3A_2156 : i1 to i32
      %sign3A_2158 = arith.constant 0 : i32
      %sign3A_2159 = arith.cmpi slt, %jit3A_2146, %sign3A_2158 : i32
      %sign3A_2160 = arith.extui %sign3A_2159 : i1 to i32
      %sign3A_2161 = arith.subi %sign3A_2157, %sign3A_2160 : i32
      %ne3A_2162 = arith.cmpi ne, %sign3A_2154, %sign3A_2161 : i32
      %rem3A_2163 = arith.remsi %squeeze3A_2145, %jit3A_2146 : i32
      %ne3A_2164 = arith.constant 0 : i32
      %ne3A_2165 = arith.cmpi ne, %rem3A_2163, %ne3A_2164 : i32
      %and3A_2166 = arith.andi %ne3A_2162, %ne3A_2165 : i1
      %sub3A_2167 = arith.constant 1 : i32
      %sub3A_2168 = arith.subi %div3A_2147, %sub3A_2167 : i32
      %select_n3A_2169 = arith.select %and3A_2166, %sub3A_2168, %div3A_2147 : i32
      %mul3A_2170 = arith.constant 128 : i32
      %mul3A_2171 = arith.muli %select_n3A_2169, %mul3A_2170 : i32
      %sub3A_2172 = arith.subi %squeeze3A_2145, %mul3A_2171 : i32
      %broadcast_in_dim3A_2173 = vector.broadcast %sub3A_2172 : i32 to vector<16xi32>
      %gather3A_2174 = arith.constant 7 : i32
      %gather3A_2175 = arith.constant 0 : i32
      %gather3A_2176 = arith.constant 0 : i32
      %gather3A_2177 = tpu.memref_slice %arg10[%gather3A_2174, %gather3A_2175, %gather3A_2176] : memref<8x16x128xf32, #tpu.memory_space<vmem>> -> memref<1x16x128xf32, #tpu.memory_space<vmem>>
      %gather3A_2178 = tpu.memref_squeeze %gather3A_2177 : memref<1x16x128xf32, #tpu.memory_space<vmem>> -> memref<16x128xf32, #tpu.memory_space<vmem>>
      %gather3A_2179 = tpu.vector_load_idx %gather3A_2178[%iota3A, %broadcast_in_dim3A_2173] : memref<16x128xf32, #tpu.memory_space<vmem>>[vector<16xi32>, vector<16xi32>], vector<16xf32>,
      %mul3A_2180 = arith.mulf %gather3A_1877, %gather3A_2179 : vector<16xf32>
      %add3A_2181 = arith.addf %add3A_2143, %mul3A_2180 : vector<16xf32>
      %add3A_2182 = arith.constant 1 : i32
      %add3A_2183 = arith.addi %scan3A_676, %add3A_2182 : i32
      %min3A = arith.constant 31 : i32
      %min3A_2184 = arith.minsi %add3A_2183, %min3A : i32
      %mul3A_2185 = arith.constant 16 : i32
      %mul3A_2186 = arith.muli %min3A_2184, %mul3A_2185 : i32
      %get3A_2187 = arith.index_cast %mul3A_2186 : i32 to index
      %get3A_2188 = tpu.vector_load %arg6[%get3A_2187] {strides = array<i32>} : memref<512xi32, #tpu.memory_space<vmem>>, vector<16xi32>,
      %mul3A_2189 = arith.constant 16 : i32
      %mul3A_2190 = arith.muli %min3A_2184, %mul3A_2189 : i32
      %get3A_2191 = arith.index_cast %mul3A_2190 : i32 to index
      %get3A_2192 = tpu.vector_load %arg7[%get3A_2191] {strides = array<i32>} : memref<512xi32, #tpu.memory_space<vmem>>, vector<16xi32>,
      %add3A_2193 = arith.constant 1 : i32
      %add3A_2194 = arith.addi %scan3A_676, %add3A_2193 : i32
      %lt3A = arith.constant 32 : i32
      %lt3A_2195 = arith.cmpi slt, %add3A_2194, %lt3A : i32
      %convert_element_type3A = arith.extui %lt3A_2195 : i1 to i32
      %cond3A = arith.constant 0 : i32
      %cond3A_2196 = arith.cmpi ne, %convert_element_type3A, %cond3A : i32
      scf.if %cond3A_2196 {
        %slice3A_3029 = vector.extract_strided_slice %get3A_2188 {offsets = [0], sizes = [1], strides = [1]} : vector<16xi32> to vector<1xi32>
        %squeeze3A_3030 = vector.extract %slice3A_3029[0] : i32 from vector<1xi32>
        %jit3A_3031 = arith.constant 128 : i32
        %div3A_3032 = arith.divsi %squeeze3A_3030, %jit3A_3031 : i32
        %sign3A_3033 = arith.constant 0 : i32
        %sign3A_3034 = arith.cmpi sgt, %squeeze3A_3030, %sign3A_3033 : i32
        %sign3A_3035 = arith.extui %sign3A_3034 : i1 to i32
        %sign3A_3036 = arith.constant 0 : i32
        %sign3A_3037 = arith.cmpi slt, %squeeze3A_3030, %sign3A_3036 : i32
        %sign3A_3038 = arith.extui %sign3A_3037 : i1 to i32
        %sign3A_3039 = arith.subi %sign3A_3035, %sign3A_3038 : i32
        %sign3A_3040 = arith.constant 0 : i32
        %sign3A_3041 = arith.cmpi sgt, %jit3A_3031, %sign3A_3040 : i32
        %sign3A_3042 = arith.extui %sign3A_3041 : i1 to i32
        %sign3A_3043 = arith.constant 0 : i32
        %sign3A_3044 = arith.cmpi slt, %jit3A_3031, %sign3A_3043 : i32
        %sign3A_3045 = arith.extui %sign3A_3044 : i1 to i32
        %sign3A_3046 = arith.subi %sign3A_3042, %sign3A_3045 : i32
        %ne3A_3047 = arith.cmpi ne, %sign3A_3039, %sign3A_3046 : i32
        %rem3A_3048 = arith.remsi %squeeze3A_3030, %jit3A_3031 : i32
        %ne3A_3049 = arith.constant 0 : i32
        %ne3A_3050 = arith.cmpi ne, %rem3A_3048, %ne3A_3049 : i32
        %and3A_3051 = arith.andi %ne3A_3047, %ne3A_3050 : i1
        %sub3A_3052 = arith.constant 1 : i32
        %sub3A_3053 = arith.subi %div3A_3032, %sub3A_3052 : i32
        %select_n3A_3054 = arith.select %and3A_3051, %sub3A_3053, %div3A_3032 : i32
        %mul3A_3055 = arith.constant 128 : i32
        %mul3A_3056 = arith.muli %select_n3A_3054, %mul3A_3055 : i32
        %multiple_of3A_3057 = tpu.assume_multiple %mul3A_3056, 128 : i32
        %dma_start3A_3058 = arith.constant 0 : i32
        %dma_start3A_3059 = arith.constant 0 : i32
        %dma_start3A_3060 = arith.constant 0 : i32
        %dma_start3A_3061 = tpu.memref_slice %arg8[%dma_start3A_3058, %dma_start3A_3059, %dma_start3A_3060] : memref<8x16x128xf32, #tpu.memory_space<vmem>> -> memref<1x16x128xf32, #tpu.memory_space<vmem>>
        %dma_start3A_3062 = tpu.memref_squeeze %dma_start3A_3061 : memref<1x16x128xf32, #tpu.memory_space<vmem>> -> memref<16x128xf32, #tpu.memory_space<vmem>>
        %dma_start3A_3063 = arith.constant 0 : i32
        %dma_start3A_3064 = tpu.memref_slice %arg3[%dma_start3A_3063, %multiple_of3A_3057] : memref<16x1000000xf32, #tpu.memory_space<hbm>> -> memref<16x128xf32, #tpu.memory_space<hbm>>
        %dma_start3A_3065 = arith.constant 0 : i32
        %dma_start3A_3066 = arith.constant 0 : i32
        %dma_start3A_3067 = tpu.memref_slice %arg8[%dma_start3A_3058, %dma_start3A_3065, %dma_start3A_3066] : memref<8x16x128xf32, #tpu.memory_space<vmem>> -> memref<1x16x128xf32, #tpu.memory_space<vmem>>
        %dma_start3A_3068 = tpu.memref_squeeze %dma_start3A_3067 : memref<1x16x128xf32, #tpu.memory_space<vmem>> -> memref<16x128xf32, #tpu.memory_space<vmem>>
        %dma_start3A_3069 = arith.constant 0 : i32
        %dma_start3A_3070 = tpu.memref_slice %arg3[%dma_start3A_3069, %multiple_of3A_3057] : memref<16x1000000xf32, #tpu.memory_space<hbm>> -> memref<16x128xf32, #tpu.memory_space<hbm>>
        tpu.enqueue_dma source(%dma_start3A_3070 : memref<16x128xf32, #tpu.memory_space<hbm>>) target(%dma_start3A_3068 : memref<16x128xf32, #tpu.memory_space<vmem>>) target_semaphore(%arg13 : memref<!tpu.dma_semaphore, #tpu.memory_space<semaphore_mem>>)
        %slice3A_3071 = vector.extract_strided_slice %get3A_2188 {offsets = [1], sizes = [1], strides = [1]} : vector<16xi32> to vector<1xi32>
        %squeeze3A_3072 = vector.extract %slice3A_3071[0] : i32 from vector<1xi32>
        %jit3A_3073 = arith.constant 128 : i32
        %div3A_3074 = arith.divsi %squeeze3A_3072, %jit3A_3073 : i32
        %sign3A_3075 = arith.constant 0 : i32
        %sign3A_3076 = arith.cmpi sgt, %squeeze3A_3072, %sign3A_3075 : i32
        %sign3A_3077 = arith.extui %sign3A_3076 : i1 to i32
        %sign3A_3078 = arith.constant 0 : i32
        %sign3A_3079 = arith.cmpi slt, %squeeze3A_3072, %sign3A_3078 : i32
        %sign3A_3080 = arith.extui %sign3A_3079 : i1 to i32
        %sign3A_3081 = arith.subi %sign3A_3077, %sign3A_3080 : i32
        %sign3A_3082 = arith.constant 0 : i32
        %sign3A_3083 = arith.cmpi sgt, %jit3A_3073, %sign3A_3082 : i32
        %sign3A_3084 = arith.extui %sign3A_3083 : i1 to i32
        %sign3A_3085 = arith.constant 0 : i32
        %sign3A_3086 = arith.cmpi slt, %jit3A_3073, %sign3A_3085 : i32
        %sign3A_3087 = arith.extui %sign3A_3086 : i1 to i32
        %sign3A_3088 = arith.subi %sign3A_3084, %sign3A_3087 : i32
        %ne3A_3089 = arith.cmpi ne, %sign3A_3081, %sign3A_3088 : i32
        %rem3A_3090 = arith.remsi %squeeze3A_3072, %jit3A_3073 : i32
        %ne3A_3091 = arith.constant 0 : i32
        %ne3A_3092 = arith.cmpi ne, %rem3A_3090, %ne3A_3091 : i32
        %and3A_3093 = arith.andi %ne3A_3089, %ne3A_3092 : i1
        %sub3A_3094 = arith.constant 1 : i32
        %sub3A_3095 = arith.subi %div3A_3074, %sub3A_3094 : i32
        %select_n3A_3096 = arith.select %and3A_3093, %sub3A_3095, %div3A_3074 : i32
        %mul3A_3097 = arith.constant 128 : i32
        %mul3A_3098 = arith.muli %select_n3A_3096, %mul3A_3097 : i32
        %multiple_of3A_3099 = tpu.assume_multiple %mul3A_3098, 128 : i32
        %dma_start3A_3100 = arith.constant 1 : i32
        %dma_start3A_3101 = arith.constant 0 : i32
        %dma_start3A_3102 = arith.constant 0 : i32
        %dma_start3A_3103 = tpu.memref_slice %arg8[%dma_start3A_3100, %dma_start3A_3101, %dma_start3A_3102] : memref<8x16x128xf32, #tpu.memory_space<vmem>> -> memref<1x16x128xf32, #tpu.memory_space<vmem>>
        %dma_start3A_3104 = tpu.memref_squeeze %dma_start3A_3103 : memref<1x16x128xf32, #tpu.memory_space<vmem>> -> memref<16x128xf32, #tpu.memory_space<vmem>>
        %dma_start3A_3105 = arith.constant 0 : i32
        %dma_start3A_3106 = tpu.memref_slice %arg3[%dma_start3A_3105, %multiple_of3A_3099] : memref<16x1000000xf32, #tpu.memory_space<hbm>> -> memref<16x128xf32, #tpu.memory_space<hbm>>
        %dma_start3A_3107 = arith.constant 0 : i32
        %dma_start3A_3108 = arith.constant 0 : i32
        %dma_start3A_3109 = tpu.memref_slice %arg8[%dma_start3A_3100, %dma_start3A_3107, %dma_start3A_3108] : memref<8x16x128xf32, #tpu.memory_space<vmem>> -> memref<1x16x128xf32, #tpu.memory_space<vmem>>
        %dma_start3A_3110 = tpu.memref_squeeze %dma_start3A_3109 : memref<1x16x128xf32, #tpu.memory_space<vmem>> -> memref<16x128xf32, #tpu.memory_space<vmem>>
        %dma_start3A_3111 = arith.constant 0 : i32
        %dma_start3A_3112 = tpu.memref_slice %arg3[%dma_start3A_3111, %multiple_of3A_3099] : memref<16x1000000xf32, #tpu.memory_space<hbm>> -> memref<16x128xf32, #tpu.memory_space<hbm>>
        tpu.enqueue_dma source(%dma_start3A_3112 : memref<16x128xf32, #tpu.memory_space<hbm>>) target(%dma_start3A_3110 : memref<16x128xf32, #tpu.memory_space<vmem>>) target_semaphore(%arg13 : memref<!tpu.dma_semaphore, #tpu.memory_space<semaphore_mem>>)
        %slice3A_3113 = vector.extract_strided_slice %get3A_2188 {offsets = [2], sizes = [1], strides = [1]} : vector<16xi32> to vector<1xi32>
        %squeeze3A_3114 = vector.extract %slice3A_3113[0] : i32 from vector<1xi32>
        %jit3A_3115 = arith.constant 128 : i32
        %div3A_3116 = arith.divsi %squeeze3A_3114, %jit3A_3115 : i32
        %sign3A_3117 = arith.constant 0 : i32
        %sign3A_3118 = arith.cmpi sgt, %squeeze3A_3114, %sign3A_3117 : i32
        %sign3A_3119 = arith.extui %sign3A_3118 : i1 to i32
        %sign3A_3120 = arith.constant 0 : i32
        %sign3A_3121 = arith.cmpi slt, %squeeze3A_3114, %sign3A_3120 : i32
        %sign3A_3122 = arith.extui %sign3A_3121 : i1 to i32
        %sign3A_3123 = arith.subi %sign3A_3119, %sign3A_3122 : i32
        %sign3A_3124 = arith.constant 0 : i32
        %sign3A_3125 = arith.cmpi sgt, %jit3A_3115, %sign3A_3124 : i32
        %sign3A_3126 = arith.extui %sign3A_3125 : i1 to i32
        %sign3A_3127 = arith.constant 0 : i32
        %sign3A_3128 = arith.cmpi slt, %jit3A_3115, %sign3A_3127 : i32
        %sign3A_3129 = arith.extui %sign3A_3128 : i1 to i32
        %sign3A_3130 = arith.subi %sign3A_3126, %sign3A_3129 : i32
        %ne3A_3131 = arith.cmpi ne, %sign3A_3123, %sign3A_3130 : i32
        %rem3A_3132 = arith.remsi %squeeze3A_3114, %jit3A_3115 : i32
        %ne3A_3133 = arith.constant 0 : i32
        %ne3A_3134 = arith.cmpi ne, %rem3A_3132, %ne3A_3133 : i32
        %and3A_3135 = arith.andi %ne3A_3131, %ne3A_3134 : i1
        %sub3A_3136 = arith.constant 1 : i32
        %sub3A_3137 = arith.subi %div3A_3116, %sub3A_3136 : i32
        %select_n3A_3138 = arith.select %and3A_3135, %sub3A_3137, %div3A_3116 : i32
        %mul3A_3139 = arith.constant 128 : i32
        %mul3A_3140 = arith.muli %select_n3A_3138, %mul3A_3139 : i32
        %multiple_of3A_3141 = tpu.assume_multiple %mul3A_3140, 128 : i32
        %dma_start3A_3142 = arith.constant 2 : i32
        %dma_start3A_3143 = arith.constant 0 : i32
        %dma_start3A_3144 = arith.constant 0 : i32
        %dma_start3A_3145 = tpu.memref_slice %arg8[%dma_start3A_3142, %dma_start3A_3143, %dma_start3A_3144] : memref<8x16x128xf32, #tpu.memory_space<vmem>> -> memref<1x16x128xf32, #tpu.memory_space<vmem>>
        %dma_start3A_3146 = tpu.memref_squeeze %dma_start3A_3145 : memref<1x16x128xf32, #tpu.memory_space<vmem>> -> memref<16x128xf32, #tpu.memory_space<vmem>>
        %dma_start3A_3147 = arith.constant 0 : i32
        %dma_start3A_3148 = tpu.memref_slice %arg3[%dma_start3A_3147, %multiple_of3A_3141] : memref<16x1000000xf32, #tpu.memory_space<hbm>> -> memref<16x128xf32, #tpu.memory_space<hbm>>
        %dma_start3A_3149 = arith.constant 0 : i32
        %dma_start3A_3150 = arith.constant 0 : i32
        %dma_start3A_3151 = tpu.memref_slice %arg8[%dma_start3A_3142, %dma_start3A_3149, %dma_start3A_3150] : memref<8x16x128xf32, #tpu.memory_space<vmem>> -> memref<1x16x128xf32, #tpu.memory_space<vmem>>
        %dma_start3A_3152 = tpu.memref_squeeze %dma_start3A_3151 : memref<1x16x128xf32, #tpu.memory_space<vmem>> -> memref<16x128xf32, #tpu.memory_space<vmem>>
        %dma_start3A_3153 = arith.constant 0 : i32
        %dma_start3A_3154 = tpu.memref_slice %arg3[%dma_start3A_3153, %multiple_of3A_3141] : memref<16x1000000xf32, #tpu.memory_space<hbm>> -> memref<16x128xf32, #tpu.memory_space<hbm>>
        tpu.enqueue_dma source(%dma_start3A_3154 : memref<16x128xf32, #tpu.memory_space<hbm>>) target(%dma_start3A_3152 : memref<16x128xf32, #tpu.memory_space<vmem>>) target_semaphore(%arg13 : memref<!tpu.dma_semaphore, #tpu.memory_space<semaphore_mem>>)
        %slice3A_3155 = vector.extract_strided_slice %get3A_2188 {offsets = [3], sizes = [1], strides = [1]} : vector<16xi32> to vector<1xi32>
        %squeeze3A_3156 = vector.extract %slice3A_3155[0] : i32 from vector<1xi32>
        %jit3A_3157 = arith.constant 128 : i32
        %div3A_3158 = arith.divsi %squeeze3A_3156, %jit3A_3157 : i32
        %sign3A_3159 = arith.constant 0 : i32
        %sign3A_3160 = arith.cmpi sgt, %squeeze3A_3156, %sign3A_3159 : i32
        %sign3A_3161 = arith.extui %sign3A_3160 : i1 to i32
        %sign3A_3162 = arith.constant 0 : i32
        %sign3A_3163 = arith.cmpi slt, %squeeze3A_3156, %sign3A_3162 : i32
        %sign3A_3164 = arith.extui %sign3A_3163 : i1 to i32
        %sign3A_3165 = arith.subi %sign3A_3161, %sign3A_3164 : i32
        %sign3A_3166 = arith.constant 0 : i32
        %sign3A_3167 = arith.cmpi sgt, %jit3A_3157, %sign3A_3166 : i32
        %sign3A_3168 = arith.extui %sign3A_3167 : i1 to i32
        %sign3A_3169 = arith.constant 0 : i32
        %sign3A_3170 = arith.cmpi slt, %jit3A_3157, %sign3A_3169 : i32
        %sign3A_3171 = arith.extui %sign3A_3170 : i1 to i32
        %sign3A_3172 = arith.subi %sign3A_3168, %sign3A_3171 : i32
        %ne3A_3173 = arith.cmpi ne, %sign3A_3165, %sign3A_3172 : i32
        %rem3A_3174 = arith.remsi %squeeze3A_3156, %jit3A_3157 : i32
        %ne3A_3175 = arith.constant 0 : i32
        %ne3A_3176 = arith.cmpi ne, %rem3A_3174, %ne3A_3175 : i32
        %and3A_3177 = arith.andi %ne3A_3173, %ne3A_3176 : i1
        %sub3A_3178 = arith.constant 1 : i32
        %sub3A_3179 = arith.subi %div3A_3158, %sub3A_3178 : i32
        %select_n3A_3180 = arith.select %and3A_3177, %sub3A_3179, %div3A_3158 : i32
        %mul3A_3181 = arith.constant 128 : i32
        %mul3A_3182 = arith.muli %select_n3A_3180, %mul3A_3181 : i32
        %multiple_of3A_3183 = tpu.assume_multiple %mul3A_3182, 128 : i32
        %dma_start3A_3184 = arith.constant 3 : i32
        %dma_start3A_3185 = arith.constant 0 : i32
        %dma_start3A_3186 = arith.constant 0 : i32
        %dma_start3A_3187 = tpu.memref_slice %arg8[%dma_start3A_3184, %dma_start3A_3185, %dma_start3A_3186] : memref<8x16x128xf32, #tpu.memory_space<vmem>> -> memref<1x16x128xf32, #tpu.memory_space<vmem>>
        %dma_start3A_3188 = tpu.memref_squeeze %dma_start3A_3187 : memref<1x16x128xf32, #tpu.memory_space<vmem>> -> memref<16x128xf32, #tpu.memory_space<vmem>>
        %dma_start3A_3189 = arith.constant 0 : i32
        %dma_start3A_3190 = tpu.memref_slice %arg3[%dma_start3A_3189, %multiple_of3A_3183] : memref<16x1000000xf32, #tpu.memory_space<hbm>> -> memref<16x128xf32, #tpu.memory_space<hbm>>
        %dma_start3A_3191 = arith.constant 0 : i32
        %dma_start3A_3192 = arith.constant 0 : i32
        %dma_start3A_3193 = tpu.memref_slice %arg8[%dma_start3A_3184, %dma_start3A_3191, %dma_start3A_3192] : memref<8x16x128xf32, #tpu.memory_space<vmem>> -> memref<1x16x128xf32, #tpu.memory_space<vmem>>
        %dma_start3A_3194 = tpu.memref_squeeze %dma_start3A_3193 : memref<1x16x128xf32, #tpu.memory_space<vmem>> -> memref<16x128xf32, #tpu.memory_space<vmem>>
        %dma_start3A_3195 = arith.constant 0 : i32
        %dma_start3A_3196 = tpu.memref_slice %arg3[%dma_start3A_3195, %multiple_of3A_3183] : memref<16x1000000xf32, #tpu.memory_space<hbm>> -> memref<16x128xf32, #tpu.memory_space<hbm>>
        tpu.enqueue_dma source(%dma_start3A_3196 : memref<16x128xf32, #tpu.memory_space<hbm>>) target(%dma_start3A_3194 : memref<16x128xf32, #tpu.memory_space<vmem>>) target_semaphore(%arg13 : memref<!tpu.dma_semaphore, #tpu.memory_space<semaphore_mem>>)
        %slice3A_3197 = vector.extract_strided_slice %get3A_2188 {offsets = [4], sizes = [1], strides = [1]} : vector<16xi32> to vector<1xi32>
        %squeeze3A_3198 = vector.extract %slice3A_3197[0] : i32 from vector<1xi32>
        %jit3A_3199 = arith.constant 128 : i32
        %div3A_3200 = arith.divsi %squeeze3A_3198, %jit3A_3199 : i32
        %sign3A_3201 = arith.constant 0 : i32
        %sign3A_3202 = arith.cmpi sgt, %squeeze3A_3198, %sign3A_3201 : i32
        %sign3A_3203 = arith.extui %sign3A_3202 : i1 to i32
        %sign3A_3204 = arith.constant 0 : i32
        %sign3A_3205 = arith.cmpi slt, %squeeze3A_3198, %sign3A_3204 : i32
        %sign3A_3206 = arith.extui %sign3A_3205 : i1 to i32
        %sign3A_3207 = arith.subi %sign3A_3203, %sign3A_3206 : i32
        %sign3A_3208 = arith.constant 0 : i32
        %sign3A_3209 = arith.cmpi sgt, %jit3A_3199, %sign3A_3208 : i32
        %sign3A_3210 = arith.extui %sign3A_3209 : i1 to i32
        %sign3A_3211 = arith.constant 0 : i32
        %sign3A_3212 = arith.cmpi slt, %jit3A_3199, %sign3A_3211 : i32
        %sign3A_3213 = arith.extui %sign3A_3212 : i1 to i32
        %sign3A_3214 = arith.subi %sign3A_3210, %sign3A_3213 : i32
        %ne3A_3215 = arith.cmpi ne, %sign3A_3207, %sign3A_3214 : i32
        %rem3A_3216 = arith.remsi %squeeze3A_3198, %jit3A_3199 : i32
        %ne3A_3217 = arith.constant 0 : i32
        %ne3A_3218 = arith.cmpi ne, %rem3A_3216, %ne3A_3217 : i32
        %and3A_3219 = arith.andi %ne3A_3215, %ne3A_3218 : i1
        %sub3A_3220 = arith.constant 1 : i32
        %sub3A_3221 = arith.subi %div3A_3200, %sub3A_3220 : i32
        %select_n3A_3222 = arith.select %and3A_3219, %sub3A_3221, %div3A_3200 : i32
        %mul3A_3223 = arith.constant 128 : i32
        %mul3A_3224 = arith.muli %select_n3A_3222, %mul3A_3223 : i32
        %multiple_of3A_3225 = tpu.assume_multiple %mul3A_3224, 128 : i32
        %dma_start3A_3226 = arith.constant 4 : i32
        %dma_start3A_3227 = arith.constant 0 : i32
        %dma_start3A_3228 = arith.constant 0 : i32
        %dma_start3A_3229 = tpu.memref_slice %arg8[%dma_start3A_3226, %dma_start3A_3227, %dma_start3A_3228] : memref<8x16x128xf32, #tpu.memory_space<vmem>> -> memref<1x16x128xf32, #tpu.memory_space<vmem>>
        %dma_start3A_3230 = tpu.memref_squeeze %dma_start3A_3229 : memref<1x16x128xf32, #tpu.memory_space<vmem>> -> memref<16x128xf32, #tpu.memory_space<vmem>>
        %dma_start3A_3231 = arith.constant 0 : i32
        %dma_start3A_3232 = tpu.memref_slice %arg3[%dma_start3A_3231, %multiple_of3A_3225] : memref<16x1000000xf32, #tpu.memory_space<hbm>> -> memref<16x128xf32, #tpu.memory_space<hbm>>
        %dma_start3A_3233 = arith.constant 0 : i32
        %dma_start3A_3234 = arith.constant 0 : i32
        %dma_start3A_3235 = tpu.memref_slice %arg8[%dma_start3A_3226, %dma_start3A_3233, %dma_start3A_3234] : memref<8x16x128xf32, #tpu.memory_space<vmem>> -> memref<1x16x128xf32, #tpu.memory_space<vmem>>
        %dma_start3A_3236 = tpu.memref_squeeze %dma_start3A_3235 : memref<1x16x128xf32, #tpu.memory_space<vmem>> -> memref<16x128xf32, #tpu.memory_space<vmem>>
        %dma_start3A_3237 = arith.constant 0 : i32
        %dma_start3A_3238 = tpu.memref_slice %arg3[%dma_start3A_3237, %multiple_of3A_3225] : memref<16x1000000xf32, #tpu.memory_space<hbm>> -> memref<16x128xf32, #tpu.memory_space<hbm>>
        tpu.enqueue_dma source(%dma_start3A_3238 : memref<16x128xf32, #tpu.memory_space<hbm>>) target(%dma_start3A_3236 : memref<16x128xf32, #tpu.memory_space<vmem>>) target_semaphore(%arg13 : memref<!tpu.dma_semaphore, #tpu.memory_space<semaphore_mem>>)
        %slice3A_3239 = vector.extract_strided_slice %get3A_2188 {offsets = [5], sizes = [1], strides = [1]} : vector<16xi32> to vector<1xi32>
        %squeeze3A_3240 = vector.extract %slice3A_3239[0] : i32 from vector<1xi32>
        %jit3A_3241 = arith.constant 128 : i32
        %div3A_3242 = arith.divsi %squeeze3A_3240, %jit3A_3241 : i32
        %sign3A_3243 = arith.constant 0 : i32
        %sign3A_3244 = arith.cmpi sgt, %squeeze3A_3240, %sign3A_3243 : i32
        %sign3A_3245 = arith.extui %sign3A_3244 : i1 to i32
        %sign3A_3246 = arith.constant 0 : i32
        %sign3A_3247 = arith.cmpi slt, %squeeze3A_3240, %sign3A_3246 : i32
        %sign3A_3248 = arith.extui %sign3A_3247 : i1 to i32
        %sign3A_3249 = arith.subi %sign3A_3245, %sign3A_3248 : i32
        %sign3A_3250 = arith.constant 0 : i32
        %sign3A_3251 = arith.cmpi sgt, %jit3A_3241, %sign3A_3250 : i32
        %sign3A_3252 = arith.extui %sign3A_3251 : i1 to i32
        %sign3A_3253 = arith.constant 0 : i32
        %sign3A_3254 = arith.cmpi slt, %jit3A_3241, %sign3A_3253 : i32
        %sign3A_3255 = arith.extui %sign3A_3254 : i1 to i32
        %sign3A_3256 = arith.subi %sign3A_3252, %sign3A_3255 : i32
        %ne3A_3257 = arith.cmpi ne, %sign3A_3249, %sign3A_3256 : i32
        %rem3A_3258 = arith.remsi %squeeze3A_3240, %jit3A_3241 : i32
        %ne3A_3259 = arith.constant 0 : i32
        %ne3A_3260 = arith.cmpi ne, %rem3A_3258, %ne3A_3259 : i32
        %and3A_3261 = arith.andi %ne3A_3257, %ne3A_3260 : i1
        %sub3A_3262 = arith.constant 1 : i32
        %sub3A_3263 = arith.subi %div3A_3242, %sub3A_3262 : i32
        %select_n3A_3264 = arith.select %and3A_3261, %sub3A_3263, %div3A_3242 : i32
        %mul3A_3265 = arith.constant 128 : i32
        %mul3A_3266 = arith.muli %select_n3A_3264, %mul3A_3265 : i32
        %multiple_of3A_3267 = tpu.assume_multiple %mul3A_3266, 128 : i32
        %dma_start3A_3268 = arith.constant 5 : i32
        %dma_start3A_3269 = arith.constant 0 : i32
        %dma_start3A_3270 = arith.constant 0 : i32
        %dma_start3A_3271 = tpu.memref_slice %arg8[%dma_start3A_3268, %dma_start3A_3269, %dma_start3A_3270] : memref<8x16x128xf32, #tpu.memory_space<vmem>> -> memref<1x16x128xf32, #tpu.memory_space<vmem>>
        %dma_start3A_3272 = tpu.memref_squeeze %dma_start3A_3271 : memref<1x16x128xf32, #tpu.memory_space<vmem>> -> memref<16x128xf32, #tpu.memory_space<vmem>>
        %dma_start3A_3273 = arith.constant 0 : i32
        %dma_start3A_3274 = tpu.memref_slice %arg3[%dma_start3A_3273, %multiple_of3A_3267] : memref<16x1000000xf32, #tpu.memory_space<hbm>> -> memref<16x128xf32, #tpu.memory_space<hbm>>
        %dma_start3A_3275 = arith.constant 0 : i32
        %dma_start3A_3276 = arith.constant 0 : i32
        %dma_start3A_3277 = tpu.memref_slice %arg8[%dma_start3A_3268, %dma_start3A_3275, %dma_start3A_3276] : memref<8x16x128xf32, #tpu.memory_space<vmem>> -> memref<1x16x128xf32, #tpu.memory_space<vmem>>
        %dma_start3A_3278 = tpu.memref_squeeze %dma_start3A_3277 : memref<1x16x128xf32, #tpu.memory_space<vmem>> -> memref<16x128xf32, #tpu.memory_space<vmem>>
        %dma_start3A_3279 = arith.constant 0 : i32
        %dma_start3A_3280 = tpu.memref_slice %arg3[%dma_start3A_3279, %multiple_of3A_3267] : memref<16x1000000xf32, #tpu.memory_space<hbm>> -> memref<16x128xf32, #tpu.memory_space<hbm>>
        tpu.enqueue_dma source(%dma_start3A_3280 : memref<16x128xf32, #tpu.memory_space<hbm>>) target(%dma_start3A_3278 : memref<16x128xf32, #tpu.memory_space<vmem>>) target_semaphore(%arg13 : memref<!tpu.dma_semaphore, #tpu.memory_space<semaphore_mem>>)
        %slice3A_3281 = vector.extract_strided_slice %get3A_2188 {offsets = [6], sizes = [1], strides = [1]} : vector<16xi32> to vector<1xi32>
        %squeeze3A_3282 = vector.extract %slice3A_3281[0] : i32 from vector<1xi32>
        %jit3A_3283 = arith.constant 128 : i32
        %div3A_3284 = arith.divsi %squeeze3A_3282, %jit3A_3283 : i32
        %sign3A_3285 = arith.constant 0 : i32
        %sign3A_3286 = arith.cmpi sgt, %squeeze3A_3282, %sign3A_3285 : i32
        %sign3A_3287 = arith.extui %sign3A_3286 : i1 to i32
        %sign3A_3288 = arith.constant 0 : i32
        %sign3A_3289 = arith.cmpi slt, %squeeze3A_3282, %sign3A_3288 : i32
        %sign3A_3290 = arith.extui %sign3A_3289 : i1 to i32
        %sign3A_3291 = arith.subi %sign3A_3287, %sign3A_3290 : i32
        %sign3A_3292 = arith.constant 0 : i32
        %sign3A_3293 = arith.cmpi sgt, %jit3A_3283, %sign3A_3292 : i32
        %sign3A_3294 = arith.extui %sign3A_3293 : i1 to i32
        %sign3A_3295 = arith.constant 0 : i32
        %sign3A_3296 = arith.cmpi slt, %jit3A_3283, %sign3A_3295 : i32
        %sign3A_3297 = arith.extui %sign3A_3296 : i1 to i32
        %sign3A_3298 = arith.subi %sign3A_3294, %sign3A_3297 : i32
        %ne3A_3299 = arith.cmpi ne, %sign3A_3291, %sign3A_3298 : i32
        %rem3A_3300 = arith.remsi %squeeze3A_3282, %jit3A_3283 : i32
        %ne3A_3301 = arith.constant 0 : i32
        %ne3A_3302 = arith.cmpi ne, %rem3A_3300, %ne3A_3301 : i32
        %and3A_3303 = arith.andi %ne3A_3299, %ne3A_3302 : i1
        %sub3A_3304 = arith.constant 1 : i32
        %sub3A_3305 = arith.subi %div3A_3284, %sub3A_3304 : i32
        %select_n3A_3306 = arith.select %and3A_3303, %sub3A_3305, %div3A_3284 : i32
        %mul3A_3307 = arith.constant 128 : i32
        %mul3A_3308 = arith.muli %select_n3A_3306, %mul3A_3307 : i32
        %multiple_of3A_3309 = tpu.assume_multiple %mul3A_3308, 128 : i32
        %dma_start3A_3310 = arith.constant 6 : i32
        %dma_start3A_3311 = arith.constant 0 : i32
        %dma_start3A_3312 = arith.constant 0 : i32
        %dma_start3A_3313 = tpu.memref_slice %arg8[%dma_start3A_3310, %dma_start3A_3311, %dma_start3A_3312] : memref<8x16x128xf32, #tpu.memory_space<vmem>> -> memref<1x16x128xf32, #tpu.memory_space<vmem>>
        %dma_start3A_3314 = tpu.memref_squeeze %dma_start3A_3313 : memref<1x16x128xf32, #tpu.memory_space<vmem>> -> memref<16x128xf32, #tpu.memory_space<vmem>>
        %dma_start3A_3315 = arith.constant 0 : i32
        %dma_start3A_3316 = tpu.memref_slice %arg3[%dma_start3A_3315, %multiple_of3A_3309] : memref<16x1000000xf32, #tpu.memory_space<hbm>> -> memref<16x128xf32, #tpu.memory_space<hbm>>
        %dma_start3A_3317 = arith.constant 0 : i32
        %dma_start3A_3318 = arith.constant 0 : i32
        %dma_start3A_3319 = tpu.memref_slice %arg8[%dma_start3A_3310, %dma_start3A_3317, %dma_start3A_3318] : memref<8x16x128xf32, #tpu.memory_space<vmem>> -> memref<1x16x128xf32, #tpu.memory_space<vmem>>
        %dma_start3A_3320 = tpu.memref_squeeze %dma_start3A_3319 : memref<1x16x128xf32, #tpu.memory_space<vmem>> -> memref<16x128xf32, #tpu.memory_space<vmem>>
        %dma_start3A_3321 = arith.constant 0 : i32
        %dma_start3A_3322 = tpu.memref_slice %arg3[%dma_start3A_3321, %multiple_of3A_3309] : memref<16x1000000xf32, #tpu.memory_space<hbm>> -> memref<16x128xf32, #tpu.memory_space<hbm>>
        tpu.enqueue_dma source(%dma_start3A_3322 : memref<16x128xf32, #tpu.memory_space<hbm>>) target(%dma_start3A_3320 : memref<16x128xf32, #tpu.memory_space<vmem>>) target_semaphore(%arg13 : memref<!tpu.dma_semaphore, #tpu.memory_space<semaphore_mem>>)
        %slice3A_3323 = vector.extract_strided_slice %get3A_2188 {offsets = [7], sizes = [1], strides = [1]} : vector<16xi32> to vector<1xi32>
        %squeeze3A_3324 = vector.extract %slice3A_3323[0] : i32 from vector<1xi32>
        %jit3A_3325 = arith.constant 128 : i32
        %div3A_3326 = arith.divsi %squeeze3A_3324, %jit3A_3325 : i32
        %sign3A_3327 = arith.constant 0 : i32
        %sign3A_3328 = arith.cmpi sgt, %squeeze3A_3324, %sign3A_3327 : i32
        %sign3A_3329 = arith.extui %sign3A_3328 : i1 to i32
        %sign3A_3330 = arith.constant 0 : i32
        %sign3A_3331 = arith.cmpi slt, %squeeze3A_3324, %sign3A_3330 : i32
        %sign3A_3332 = arith.extui %sign3A_3331 : i1 to i32
        %sign3A_3333 = arith.subi %sign3A_3329, %sign3A_3332 : i32
        %sign3A_3334 = arith.constant 0 : i32
        %sign3A_3335 = arith.cmpi sgt, %jit3A_3325, %sign3A_3334 : i32
        %sign3A_3336 = arith.extui %sign3A_3335 : i1 to i32
        %sign3A_3337 = arith.constant 0 : i32
        %sign3A_3338 = arith.cmpi slt, %jit3A_3325, %sign3A_3337 : i32
        %sign3A_3339 = arith.extui %sign3A_3338 : i1 to i32
        %sign3A_3340 = arith.subi %sign3A_3336, %sign3A_3339 : i32
        %ne3A_3341 = arith.cmpi ne, %sign3A_3333, %sign3A_3340 : i32
        %rem3A_3342 = arith.remsi %squeeze3A_3324, %jit3A_3325 : i32
        %ne3A_3343 = arith.constant 0 : i32
        %ne3A_3344 = arith.cmpi ne, %rem3A_3342, %ne3A_3343 : i32
        %and3A_3345 = arith.andi %ne3A_3341, %ne3A_3344 : i1
        %sub3A_3346 = arith.constant 1 : i32
        %sub3A_3347 = arith.subi %div3A_3326, %sub3A_3346 : i32
        %select_n3A_3348 = arith.select %and3A_3345, %sub3A_3347, %div3A_3326 : i32
        %mul3A_3349 = arith.constant 128 : i32
        %mul3A_3350 = arith.muli %select_n3A_3348, %mul3A_3349 : i32
        %multiple_of3A_3351 = tpu.assume_multiple %mul3A_3350, 128 : i32
        %dma_start3A_3352 = arith.constant 7 : i32
        %dma_start3A_3353 = arith.constant 0 : i32
        %dma_start3A_3354 = arith.constant 0 : i32
        %dma_start3A_3355 = tpu.memref_slice %arg8[%dma_start3A_3352, %dma_start3A_3353, %dma_start3A_3354] : memref<8x16x128xf32, #tpu.memory_space<vmem>> -> memref<1x16x128xf32, #tpu.memory_space<vmem>>
        %dma_start3A_3356 = tpu.memref_squeeze %dma_start3A_3355 : memref<1x16x128xf32, #tpu.memory_space<vmem>> -> memref<16x128xf32, #tpu.memory_space<vmem>>
        %dma_start3A_3357 = arith.constant 0 : i32
        %dma_start3A_3358 = tpu.memref_slice %arg3[%dma_start3A_3357, %multiple_of3A_3351] : memref<16x1000000xf32, #tpu.memory_space<hbm>> -> memref<16x128xf32, #tpu.memory_space<hbm>>
        %dma_start3A_3359 = arith.constant 0 : i32
        %dma_start3A_3360 = arith.constant 0 : i32
        %dma_start3A_3361 = tpu.memref_slice %arg8[%dma_start3A_3352, %dma_start3A_3359, %dma_start3A_3360] : memref<8x16x128xf32, #tpu.memory_space<vmem>> -> memref<1x16x128xf32, #tpu.memory_space<vmem>>
        %dma_start3A_3362 = tpu.memref_squeeze %dma_start3A_3361 : memref<1x16x128xf32, #tpu.memory_space<vmem>> -> memref<16x128xf32, #tpu.memory_space<vmem>>
        %dma_start3A_3363 = arith.constant 0 : i32
        %dma_start3A_3364 = tpu.memref_slice %arg3[%dma_start3A_3363, %multiple_of3A_3351] : memref<16x1000000xf32, #tpu.memory_space<hbm>> -> memref<16x128xf32, #tpu.memory_space<hbm>>
        tpu.enqueue_dma source(%dma_start3A_3364 : memref<16x128xf32, #tpu.memory_space<hbm>>) target(%dma_start3A_3362 : memref<16x128xf32, #tpu.memory_space<vmem>>) target_semaphore(%arg13 : memref<!tpu.dma_semaphore, #tpu.memory_space<semaphore_mem>>)
        %slice3A_3365 = vector.extract_strided_slice %get3A_2192 {offsets = [0], sizes = [1], strides = [1]} : vector<16xi32> to vector<1xi32>
        %squeeze3A_3366 = vector.extract %slice3A_3365[0] : i32 from vector<1xi32>
        %jit3A_3367 = arith.constant 128 : i32
        %div3A_3368 = arith.divsi %squeeze3A_3366, %jit3A_3367 : i32
        %sign3A_3369 = arith.constant 0 : i32
        %sign3A_3370 = arith.cmpi sgt, %squeeze3A_3366, %sign3A_3369 : i32
        %sign3A_3371 = arith.extui %sign3A_3370 : i1 to i32
        %sign3A_3372 = arith.constant 0 : i32
        %sign3A_3373 = arith.cmpi slt, %squeeze3A_3366, %sign3A_3372 : i32
        %sign3A_3374 = arith.extui %sign3A_3373 : i1 to i32
        %sign3A_3375 = arith.subi %sign3A_3371, %sign3A_3374 : i32
        %sign3A_3376 = arith.constant 0 : i32
        %sign3A_3377 = arith.cmpi sgt, %jit3A_3367, %sign3A_3376 : i32
        %sign3A_3378 = arith.extui %sign3A_3377 : i1 to i32
        %sign3A_3379 = arith.constant 0 : i32
        %sign3A_3380 = arith.cmpi slt, %jit3A_3367, %sign3A_3379 : i32
        %sign3A_3381 = arith.extui %sign3A_3380 : i1 to i32
        %sign3A_3382 = arith.subi %sign3A_3378, %sign3A_3381 : i32
        %ne3A_3383 = arith.cmpi ne, %sign3A_3375, %sign3A_3382 : i32
        %rem3A_3384 = arith.remsi %squeeze3A_3366, %jit3A_3367 : i32
        %ne3A_3385 = arith.constant 0 : i32
        %ne3A_3386 = arith.cmpi ne, %rem3A_3384, %ne3A_3385 : i32
        %and3A_3387 = arith.andi %ne3A_3383, %ne3A_3386 : i1
        %sub3A_3388 = arith.constant 1 : i32
        %sub3A_3389 = arith.subi %div3A_3368, %sub3A_3388 : i32
        %select_n3A_3390 = arith.select %and3A_3387, %sub3A_3389, %div3A_3368 : i32
        %mul3A_3391 = arith.constant 128 : i32
        %mul3A_3392 = arith.muli %select_n3A_3390, %mul3A_3391 : i32
        %multiple_of3A_3393 = tpu.assume_multiple %mul3A_3392, 128 : i32
        %dma_start3A_3394 = arith.constant 0 : i32
        %dma_start3A_3395 = arith.constant 0 : i32
        %dma_start3A_3396 = arith.constant 0 : i32
        %dma_start3A_3397 = tpu.memref_slice %arg10[%dma_start3A_3394, %dma_start3A_3395, %dma_start3A_3396] : memref<8x16x128xf32, #tpu.memory_space<vmem>> -> memref<1x16x128xf32, #tpu.memory_space<vmem>>
        %dma_start3A_3398 = tpu.memref_squeeze %dma_start3A_3397 : memref<1x16x128xf32, #tpu.memory_space<vmem>> -> memref<16x128xf32, #tpu.memory_space<vmem>>
        %dma_start3A_3399 = arith.constant 0 : i32
        %dma_start3A_3400 = tpu.memref_slice %arg4[%dma_start3A_3399, %multiple_of3A_3393] : memref<16x1000000xf32, #tpu.memory_space<hbm>> -> memref<16x128xf32, #tpu.memory_space<hbm>>
        %dma_start3A_3401 = arith.constant 0 : i32
        %dma_start3A_3402 = arith.constant 0 : i32
        %dma_start3A_3403 = tpu.memref_slice %arg10[%dma_start3A_3394, %dma_start3A_3401, %dma_start3A_3402] : memref<8x16x128xf32, #tpu.memory_space<vmem>> -> memref<1x16x128xf32, #tpu.memory_space<vmem>>
        %dma_start3A_3404 = tpu.memref_squeeze %dma_start3A_3403 : memref<1x16x128xf32, #tpu.memory_space<vmem>> -> memref<16x128xf32, #tpu.memory_space<vmem>>
        %dma_start3A_3405 = arith.constant 0 : i32
        %dma_start3A_3406 = tpu.memref_slice %arg4[%dma_start3A_3405, %multiple_of3A_3393] : memref<16x1000000xf32, #tpu.memory_space<hbm>> -> memref<16x128xf32, #tpu.memory_space<hbm>>
        tpu.enqueue_dma source(%dma_start3A_3406 : memref<16x128xf32, #tpu.memory_space<hbm>>) target(%dma_start3A_3404 : memref<16x128xf32, #tpu.memory_space<vmem>>) target_semaphore(%arg15 : memref<!tpu.dma_semaphore, #tpu.memory_space<semaphore_mem>>)
        %slice3A_3407 = vector.extract_strided_slice %get3A_2192 {offsets = [1], sizes = [1], strides = [1]} : vector<16xi32> to vector<1xi32>
        %squeeze3A_3408 = vector.extract %slice3A_3407[0] : i32 from vector<1xi32>
        %jit3A_3409 = arith.constant 128 : i32
        %div3A_3410 = arith.divsi %squeeze3A_3408, %jit3A_3409 : i32
        %sign3A_3411 = arith.constant 0 : i32
        %sign3A_3412 = arith.cmpi sgt, %squeeze3A_3408, %sign3A_3411 : i32
        %sign3A_3413 = arith.extui %sign3A_3412 : i1 to i32
        %sign3A_3414 = arith.constant 0 : i32
        %sign3A_3415 = arith.cmpi slt, %squeeze3A_3408, %sign3A_3414 : i32
        %sign3A_3416 = arith.extui %sign3A_3415 : i1 to i32
        %sign3A_3417 = arith.subi %sign3A_3413, %sign3A_3416 : i32
        %sign3A_3418 = arith.constant 0 : i32
        %sign3A_3419 = arith.cmpi sgt, %jit3A_3409, %sign3A_3418 : i32
        %sign3A_3420 = arith.extui %sign3A_3419 : i1 to i32
        %sign3A_3421 = arith.constant 0 : i32
        %sign3A_3422 = arith.cmpi slt, %jit3A_3409, %sign3A_3421 : i32
        %sign3A_3423 = arith.extui %sign3A_3422 : i1 to i32
        %sign3A_3424 = arith.subi %sign3A_3420, %sign3A_3423 : i32
        %ne3A_3425 = arith.cmpi ne, %sign3A_3417, %sign3A_3424 : i32
        %rem3A_3426 = arith.remsi %squeeze3A_3408, %jit3A_3409 : i32
        %ne3A_3427 = arith.constant 0 : i32
        %ne3A_3428 = arith.cmpi ne, %rem3A_3426, %ne3A_3427 : i32
        %and3A_3429 = arith.andi %ne3A_3425, %ne3A_3428 : i1
        %sub3A_3430 = arith.constant 1 : i32
        %sub3A_3431 = arith.subi %div3A_3410, %sub3A_3430 : i32
        %select_n3A_3432 = arith.select %and3A_3429, %sub3A_3431, %div3A_3410 : i32
        %mul3A_3433 = arith.constant 128 : i32
        %mul3A_3434 = arith.muli %select_n3A_3432, %mul3A_3433 : i32
        %multiple_of3A_3435 = tpu.assume_multiple %mul3A_3434, 128 : i32
        %dma_start3A_3436 = arith.constant 1 : i32
        %dma_start3A_3437 = arith.constant 0 : i32
        %dma_start3A_3438 = arith.constant 0 : i32
        %dma_start3A_3439 = tpu.memref_slice %arg10[%dma_start3A_3436, %dma_start3A_3437, %dma_start3A_3438] : memref<8x16x128xf32, #tpu.memory_space<vmem>> -> memref<1x16x128xf32, #tpu.memory_space<vmem>>
        %dma_start3A_3440 = tpu.memref_squeeze %dma_start3A_3439 : memref<1x16x128xf32, #tpu.memory_space<vmem>> -> memref<16x128xf32, #tpu.memory_space<vmem>>
        %dma_start3A_3441 = arith.constant 0 : i32
        %dma_start3A_3442 = tpu.memref_slice %arg4[%dma_start3A_3441, %multiple_of3A_3435] : memref<16x1000000xf32, #tpu.memory_space<hbm>> -> memref<16x128xf32, #tpu.memory_space<hbm>>
        %dma_start3A_3443 = arith.constant 0 : i32
        %dma_start3A_3444 = arith.constant 0 : i32
        %dma_start3A_3445 = tpu.memref_slice %arg10[%dma_start3A_3436, %dma_start3A_3443, %dma_start3A_3444] : memref<8x16x128xf32, #tpu.memory_space<vmem>> -> memref<1x16x128xf32, #tpu.memory_space<vmem>>
        %dma_start3A_3446 = tpu.memref_squeeze %dma_start3A_3445 : memref<1x16x128xf32, #tpu.memory_space<vmem>> -> memref<16x128xf32, #tpu.memory_space<vmem>>
        %dma_start3A_3447 = arith.constant 0 : i32
        %dma_start3A_3448 = tpu.memref_slice %arg4[%dma_start3A_3447, %multiple_of3A_3435] : memref<16x1000000xf32, #tpu.memory_space<hbm>> -> memref<16x128xf32, #tpu.memory_space<hbm>>
        tpu.enqueue_dma source(%dma_start3A_3448 : memref<16x128xf32, #tpu.memory_space<hbm>>) target(%dma_start3A_3446 : memref<16x128xf32, #tpu.memory_space<vmem>>) target_semaphore(%arg15 : memref<!tpu.dma_semaphore, #tpu.memory_space<semaphore_mem>>)
        %slice3A_3449 = vector.extract_strided_slice %get3A_2192 {offsets = [2], sizes = [1], strides = [1]} : vector<16xi32> to vector<1xi32>
        %squeeze3A_3450 = vector.extract %slice3A_3449[0] : i32 from vector<1xi32>
        %jit3A_3451 = arith.constant 128 : i32
        %div3A_3452 = arith.divsi %squeeze3A_3450, %jit3A_3451 : i32
        %sign3A_3453 = arith.constant 0 : i32
        %sign3A_3454 = arith.cmpi sgt, %squeeze3A_3450, %sign3A_3453 : i32
        %sign3A_3455 = arith.extui %sign3A_3454 : i1 to i32
        %sign3A_3456 = arith.constant 0 : i32
        %sign3A_3457 = arith.cmpi slt, %squeeze3A_3450, %sign3A_3456 : i32
        %sign3A_3458 = arith.extui %sign3A_3457 : i1 to i32
        %sign3A_3459 = arith.subi %sign3A_3455, %sign3A_3458 : i32
        %sign3A_3460 = arith.constant 0 : i32
        %sign3A_3461 = arith.cmpi sgt, %jit3A_3451, %sign3A_3460 : i32
        %sign3A_3462 = arith.extui %sign3A_3461 : i1 to i32
        %sign3A_3463 = arith.constant 0 : i32
        %sign3A_3464 = arith.cmpi slt, %jit3A_3451, %sign3A_3463 : i32
        %sign3A_3465 = arith.extui %sign3A_3464 : i1 to i32
        %sign3A_3466 = arith.subi %sign3A_3462, %sign3A_3465 : i32
        %ne3A_3467 = arith.cmpi ne, %sign3A_3459, %sign3A_3466 : i32
        %rem3A_3468 = arith.remsi %squeeze3A_3450, %jit3A_3451 : i32
        %ne3A_3469 = arith.constant 0 : i32
        %ne3A_3470 = arith.cmpi ne, %rem3A_3468, %ne3A_3469 : i32
        %and3A_3471 = arith.andi %ne3A_3467, %ne3A_3470 : i1
        %sub3A_3472 = arith.constant 1 : i32
        %sub3A_3473 = arith.subi %div3A_3452, %sub3A_3472 : i32
        %select_n3A_3474 = arith.select %and3A_3471, %sub3A_3473, %div3A_3452 : i32
        %mul3A_3475 = arith.constant 128 : i32
        %mul3A_3476 = arith.muli %select_n3A_3474, %mul3A_3475 : i32
        %multiple_of3A_3477 = tpu.assume_multiple %mul3A_3476, 128 : i32
        %dma_start3A_3478 = arith.constant 2 : i32
        %dma_start3A_3479 = arith.constant 0 : i32
        %dma_start3A_3480 = arith.constant 0 : i32
        %dma_start3A_3481 = tpu.memref_slice %arg10[%dma_start3A_3478, %dma_start3A_3479, %dma_start3A_3480] : memref<8x16x128xf32, #tpu.memory_space<vmem>> -> memref<1x16x128xf32, #tpu.memory_space<vmem>>
        %dma_start3A_3482 = tpu.memref_squeeze %dma_start3A_3481 : memref<1x16x128xf32, #tpu.memory_space<vmem>> -> memref<16x128xf32, #tpu.memory_space<vmem>>
        %dma_start3A_3483 = arith.constant 0 : i32
        %dma_start3A_3484 = tpu.memref_slice %arg4[%dma_start3A_3483, %multiple_of3A_3477] : memref<16x1000000xf32, #tpu.memory_space<hbm>> -> memref<16x128xf32, #tpu.memory_space<hbm>>
        %dma_start3A_3485 = arith.constant 0 : i32
        %dma_start3A_3486 = arith.constant 0 : i32
        %dma_start3A_3487 = tpu.memref_slice %arg10[%dma_start3A_3478, %dma_start3A_3485, %dma_start3A_3486] : memref<8x16x128xf32, #tpu.memory_space<vmem>> -> memref<1x16x128xf32, #tpu.memory_space<vmem>>
        %dma_start3A_3488 = tpu.memref_squeeze %dma_start3A_3487 : memref<1x16x128xf32, #tpu.memory_space<vmem>> -> memref<16x128xf32, #tpu.memory_space<vmem>>
        %dma_start3A_3489 = arith.constant 0 : i32
        %dma_start3A_3490 = tpu.memref_slice %arg4[%dma_start3A_3489, %multiple_of3A_3477] : memref<16x1000000xf32, #tpu.memory_space<hbm>> -> memref<16x128xf32, #tpu.memory_space<hbm>>
        tpu.enqueue_dma source(%dma_start3A_3490 : memref<16x128xf32, #tpu.memory_space<hbm>>) target(%dma_start3A_3488 : memref<16x128xf32, #tpu.memory_space<vmem>>) target_semaphore(%arg15 : memref<!tpu.dma_semaphore, #tpu.memory_space<semaphore_mem>>)
        %slice3A_3491 = vector.extract_strided_slice %get3A_2192 {offsets = [3], sizes = [1], strides = [1]} : vector<16xi32> to vector<1xi32>
        %squeeze3A_3492 = vector.extract %slice3A_3491[0] : i32 from vector<1xi32>
        %jit3A_3493 = arith.constant 128 : i32
        %div3A_3494 = arith.divsi %squeeze3A_3492, %jit3A_3493 : i32
        %sign3A_3495 = arith.constant 0 : i32
        %sign3A_3496 = arith.cmpi sgt, %squeeze3A_3492, %sign3A_3495 : i32
        %sign3A_3497 = arith.extui %sign3A_3496 : i1 to i32
        %sign3A_3498 = arith.constant 0 : i32
        %sign3A_3499 = arith.cmpi slt, %squeeze3A_3492, %sign3A_3498 : i32
        %sign3A_3500 = arith.extui %sign3A_3499 : i1 to i32
        %sign3A_3501 = arith.subi %sign3A_3497, %sign3A_3500 : i32
        %sign3A_3502 = arith.constant 0 : i32
        %sign3A_3503 = arith.cmpi sgt, %jit3A_3493, %sign3A_3502 : i32
        %sign3A_3504 = arith.extui %sign3A_3503 : i1 to i32
        %sign3A_3505 = arith.constant 0 : i32
        %sign3A_3506 = arith.cmpi slt, %jit3A_3493, %sign3A_3505 : i32
        %sign3A_3507 = arith.extui %sign3A_3506 : i1 to i32
        %sign3A_3508 = arith.subi %sign3A_3504, %sign3A_3507 : i32
        %ne3A_3509 = arith.cmpi ne, %sign3A_3501, %sign3A_3508 : i32
        %rem3A_3510 = arith.remsi %squeeze3A_3492, %jit3A_3493 : i32
        %ne3A_3511 = arith.constant 0 : i32
        %ne3A_3512 = arith.cmpi ne, %rem3A_3510, %ne3A_3511 : i32
        %and3A_3513 = arith.andi %ne3A_3509, %ne3A_3512 : i1
        %sub3A_3514 = arith.constant 1 : i32
        %sub3A_3515 = arith.subi %div3A_3494, %sub3A_3514 : i32
        %select_n3A_3516 = arith.select %and3A_3513, %sub3A_3515, %div3A_3494 : i32
        %mul3A_3517 = arith.constant 128 : i32
        %mul3A_3518 = arith.muli %select_n3A_3516, %mul3A_3517 : i32
        %multiple_of3A_3519 = tpu.assume_multiple %mul3A_3518, 128 : i32
        %dma_start3A_3520 = arith.constant 3 : i32
        %dma_start3A_3521 = arith.constant 0 : i32
        %dma_start3A_3522 = arith.constant 0 : i32
        %dma_start3A_3523 = tpu.memref_slice %arg10[%dma_start3A_3520, %dma_start3A_3521, %dma_start3A_3522] : memref<8x16x128xf32, #tpu.memory_space<vmem>> -> memref<1x16x128xf32, #tpu.memory_space<vmem>>
        %dma_start3A_3524 = tpu.memref_squeeze %dma_start3A_3523 : memref<1x16x128xf32, #tpu.memory_space<vmem>> -> memref<16x128xf32, #tpu.memory_space<vmem>>
        %dma_start3A_3525 = arith.constant 0 : i32
        %dma_start3A_3526 = tpu.memref_slice %arg4[%dma_start3A_3525, %multiple_of3A_3519] : memref<16x1000000xf32, #tpu.memory_space<hbm>> -> memref<16x128xf32, #tpu.memory_space<hbm>>
        %dma_start3A_3527 = arith.constant 0 : i32
        %dma_start3A_3528 = arith.constant 0 : i32
        %dma_start3A_3529 = tpu.memref_slice %arg10[%dma_start3A_3520, %dma_start3A_3527, %dma_start3A_3528] : memref<8x16x128xf32, #tpu.memory_space<vmem>> -> memref<1x16x128xf32, #tpu.memory_space<vmem>>
        %dma_start3A_3530 = tpu.memref_squeeze %dma_start3A_3529 : memref<1x16x128xf32, #tpu.memory_space<vmem>> -> memref<16x128xf32, #tpu.memory_space<vmem>>
        %dma_start3A_3531 = arith.constant 0 : i32
        %dma_start3A_3532 = tpu.memref_slice %arg4[%dma_start3A_3531, %multiple_of3A_3519] : memref<16x1000000xf32, #tpu.memory_space<hbm>> -> memref<16x128xf32, #tpu.memory_space<hbm>>
        tpu.enqueue_dma source(%dma_start3A_3532 : memref<16x128xf32, #tpu.memory_space<hbm>>) target(%dma_start3A_3530 : memref<16x128xf32, #tpu.memory_space<vmem>>) target_semaphore(%arg15 : memref<!tpu.dma_semaphore, #tpu.memory_space<semaphore_mem>>)
        %slice3A_3533 = vector.extract_strided_slice %get3A_2192 {offsets = [4], sizes = [1], strides = [1]} : vector<16xi32> to vector<1xi32>
        %squeeze3A_3534 = vector.extract %slice3A_3533[0] : i32 from vector<1xi32>
        %jit3A_3535 = arith.constant 128 : i32
        %div3A_3536 = arith.divsi %squeeze3A_3534, %jit3A_3535 : i32
        %sign3A_3537 = arith.constant 0 : i32
        %sign3A_3538 = arith.cmpi sgt, %squeeze3A_3534, %sign3A_3537 : i32
        %sign3A_3539 = arith.extui %sign3A_3538 : i1 to i32
        %sign3A_3540 = arith.constant 0 : i32
        %sign3A_3541 = arith.cmpi slt, %squeeze3A_3534, %sign3A_3540 : i32
        %sign3A_3542 = arith.extui %sign3A_3541 : i1 to i32
        %sign3A_3543 = arith.subi %sign3A_3539, %sign3A_3542 : i32
        %sign3A_3544 = arith.constant 0 : i32
        %sign3A_3545 = arith.cmpi sgt, %jit3A_3535, %sign3A_3544 : i32
        %sign3A_3546 = arith.extui %sign3A_3545 : i1 to i32
        %sign3A_3547 = arith.constant 0 : i32
        %sign3A_3548 = arith.cmpi slt, %jit3A_3535, %sign3A_3547 : i32
        %sign3A_3549 = arith.extui %sign3A_3548 : i1 to i32
        %sign3A_3550 = arith.subi %sign3A_3546, %sign3A_3549 : i32
        %ne3A_3551 = arith.cmpi ne, %sign3A_3543, %sign3A_3550 : i32
        %rem3A_3552 = arith.remsi %squeeze3A_3534, %jit3A_3535 : i32
        %ne3A_3553 = arith.constant 0 : i32
        %ne3A_3554 = arith.cmpi ne, %rem3A_3552, %ne3A_3553 : i32
        %and3A_3555 = arith.andi %ne3A_3551, %ne3A_3554 : i1
        %sub3A_3556 = arith.constant 1 : i32
        %sub3A_3557 = arith.subi %div3A_3536, %sub3A_3556 : i32
        %select_n3A_3558 = arith.select %and3A_3555, %sub3A_3557, %div3A_3536 : i32
        %mul3A_3559 = arith.constant 128 : i32
        %mul3A_3560 = arith.muli %select_n3A_3558, %mul3A_3559 : i32
        %multiple_of3A_3561 = tpu.assume_multiple %mul3A_3560, 128 : i32
        %dma_start3A_3562 = arith.constant 4 : i32
        %dma_start3A_3563 = arith.constant 0 : i32
        %dma_start3A_3564 = arith.constant 0 : i32
        %dma_start3A_3565 = tpu.memref_slice %arg10[%dma_start3A_3562, %dma_start3A_3563, %dma_start3A_3564] : memref<8x16x128xf32, #tpu.memory_space<vmem>> -> memref<1x16x128xf32, #tpu.memory_space<vmem>>
        %dma_start3A_3566 = tpu.memref_squeeze %dma_start3A_3565 : memref<1x16x128xf32, #tpu.memory_space<vmem>> -> memref<16x128xf32, #tpu.memory_space<vmem>>
        %dma_start3A_3567 = arith.constant 0 : i32
        %dma_start3A_3568 = tpu.memref_slice %arg4[%dma_start3A_3567, %multiple_of3A_3561] : memref<16x1000000xf32, #tpu.memory_space<hbm>> -> memref<16x128xf32, #tpu.memory_space<hbm>>
        %dma_start3A_3569 = arith.constant 0 : i32
        %dma_start3A_3570 = arith.constant 0 : i32
        %dma_start3A_3571 = tpu.memref_slice %arg10[%dma_start3A_3562, %dma_start3A_3569, %dma_start3A_3570] : memref<8x16x128xf32, #tpu.memory_space<vmem>> -> memref<1x16x128xf32, #tpu.memory_space<vmem>>
        %dma_start3A_3572 = tpu.memref_squeeze %dma_start3A_3571 : memref<1x16x128xf32, #tpu.memory_space<vmem>> -> memref<16x128xf32, #tpu.memory_space<vmem>>
        %dma_start3A_3573 = arith.constant 0 : i32
        %dma_start3A_3574 = tpu.memref_slice %arg4[%dma_start3A_3573, %multiple_of3A_3561] : memref<16x1000000xf32, #tpu.memory_space<hbm>> -> memref<16x128xf32, #tpu.memory_space<hbm>>
        tpu.enqueue_dma source(%dma_start3A_3574 : memref<16x128xf32, #tpu.memory_space<hbm>>) target(%dma_start3A_3572 : memref<16x128xf32, #tpu.memory_space<vmem>>) target_semaphore(%arg15 : memref<!tpu.dma_semaphore, #tpu.memory_space<semaphore_mem>>)
        %slice3A_3575 = vector.extract_strided_slice %get3A_2192 {offsets = [5], sizes = [1], strides = [1]} : vector<16xi32> to vector<1xi32>
        %squeeze3A_3576 = vector.extract %slice3A_3575[0] : i32 from vector<1xi32>
        %jit3A_3577 = arith.constant 128 : i32
        %div3A_3578 = arith.divsi %squeeze3A_3576, %jit3A_3577 : i32
        %sign3A_3579 = arith.constant 0 : i32
        %sign3A_3580 = arith.cmpi sgt, %squeeze3A_3576, %sign3A_3579 : i32
        %sign3A_3581 = arith.extui %sign3A_3580 : i1 to i32
        %sign3A_3582 = arith.constant 0 : i32
        %sign3A_3583 = arith.cmpi slt, %squeeze3A_3576, %sign3A_3582 : i32
        %sign3A_3584 = arith.extui %sign3A_3583 : i1 to i32
        %sign3A_3585 = arith.subi %sign3A_3581, %sign3A_3584 : i32
        %sign3A_3586 = arith.constant 0 : i32
        %sign3A_3587 = arith.cmpi sgt, %jit3A_3577, %sign3A_3586 : i32
        %sign3A_3588 = arith.extui %sign3A_3587 : i1 to i32
        %sign3A_3589 = arith.constant 0 : i32
        %sign3A_3590 = arith.cmpi slt, %jit3A_3577, %sign3A_3589 : i32
        %sign3A_3591 = arith.extui %sign3A_3590 : i1 to i32
        %sign3A_3592 = arith.subi %sign3A_3588, %sign3A_3591 : i32
        %ne3A_3593 = arith.cmpi ne, %sign3A_3585, %sign3A_3592 : i32
        %rem3A_3594 = arith.remsi %squeeze3A_3576, %jit3A_3577 : i32
        %ne3A_3595 = arith.constant 0 : i32
        %ne3A_3596 = arith.cmpi ne, %rem3A_3594, %ne3A_3595 : i32
        %and3A_3597 = arith.andi %ne3A_3593, %ne3A_3596 : i1
        %sub3A_3598 = arith.constant 1 : i32
        %sub3A_3599 = arith.subi %div3A_3578, %sub3A_3598 : i32
        %select_n3A_3600 = arith.select %and3A_3597, %sub3A_3599, %div3A_3578 : i32
        %mul3A_3601 = arith.constant 128 : i32
        %mul3A_3602 = arith.muli %select_n3A_3600, %mul3A_3601 : i32
        %multiple_of3A_3603 = tpu.assume_multiple %mul3A_3602, 128 : i32
        %dma_start3A_3604 = arith.constant 5 : i32
        %dma_start3A_3605 = arith.constant 0 : i32
        %dma_start3A_3606 = arith.constant 0 : i32
        %dma_start3A_3607 = tpu.memref_slice %arg10[%dma_start3A_3604, %dma_start3A_3605, %dma_start3A_3606] : memref<8x16x128xf32, #tpu.memory_space<vmem>> -> memref<1x16x128xf32, #tpu.memory_space<vmem>>
        %dma_start3A_3608 = tpu.memref_squeeze %dma_start3A_3607 : memref<1x16x128xf32, #tpu.memory_space<vmem>> -> memref<16x128xf32, #tpu.memory_space<vmem>>
        %dma_start3A_3609 = arith.constant 0 : i32
        %dma_start3A_3610 = tpu.memref_slice %arg4[%dma_start3A_3609, %multiple_of3A_3603] : memref<16x1000000xf32, #tpu.memory_space<hbm>> -> memref<16x128xf32, #tpu.memory_space<hbm>>
        %dma_start3A_3611 = arith.constant 0 : i32
        %dma_start3A_3612 = arith.constant 0 : i32
        %dma_start3A_3613 = tpu.memref_slice %arg10[%dma_start3A_3604, %dma_start3A_3611, %dma_start3A_3612] : memref<8x16x128xf32, #tpu.memory_space<vmem>> -> memref<1x16x128xf32, #tpu.memory_space<vmem>>
        %dma_start3A_3614 = tpu.memref_squeeze %dma_start3A_3613 : memref<1x16x128xf32, #tpu.memory_space<vmem>> -> memref<16x128xf32, #tpu.memory_space<vmem>>
        %dma_start3A_3615 = arith.constant 0 : i32
        %dma_start3A_3616 = tpu.memref_slice %arg4[%dma_start3A_3615, %multiple_of3A_3603] : memref<16x1000000xf32, #tpu.memory_space<hbm>> -> memref<16x128xf32, #tpu.memory_space<hbm>>
        tpu.enqueue_dma source(%dma_start3A_3616 : memref<16x128xf32, #tpu.memory_space<hbm>>) target(%dma_start3A_3614 : memref<16x128xf32, #tpu.memory_space<vmem>>) target_semaphore(%arg15 : memref<!tpu.dma_semaphore, #tpu.memory_space<semaphore_mem>>)
        %slice3A_3617 = vector.extract_strided_slice %get3A_2192 {offsets = [6], sizes = [1], strides = [1]} : vector<16xi32> to vector<1xi32>
        %squeeze3A_3618 = vector.extract %slice3A_3617[0] : i32 from vector<1xi32>
        %jit3A_3619 = arith.constant 128 : i32
        %div3A_3620 = arith.divsi %squeeze3A_3618, %jit3A_3619 : i32
        %sign3A_3621 = arith.constant 0 : i32
        %sign3A_3622 = arith.cmpi sgt, %squeeze3A_3618, %sign3A_3621 : i32
        %sign3A_3623 = arith.extui %sign3A_3622 : i1 to i32
        %sign3A_3624 = arith.constant 0 : i32
        %sign3A_3625 = arith.cmpi slt, %squeeze3A_3618, %sign3A_3624 : i32
        %sign3A_3626 = arith.extui %sign3A_3625 : i1 to i32
        %sign3A_3627 = arith.subi %sign3A_3623, %sign3A_3626 : i32
        %sign3A_3628 = arith.constant 0 : i32
        %sign3A_3629 = arith.cmpi sgt, %jit3A_3619, %sign3A_3628 : i32
        %sign3A_3630 = arith.extui %sign3A_3629 : i1 to i32
        %sign3A_3631 = arith.constant 0 : i32
        %sign3A_3632 = arith.cmpi slt, %jit3A_3619, %sign3A_3631 : i32
        %sign3A_3633 = arith.extui %sign3A_3632 : i1 to i32
        %sign3A_3634 = arith.subi %sign3A_3630, %sign3A_3633 : i32
        %ne3A_3635 = arith.cmpi ne, %sign3A_3627, %sign3A_3634 : i32
        %rem3A_3636 = arith.remsi %squeeze3A_3618, %jit3A_3619 : i32
        %ne3A_3637 = arith.constant 0 : i32
        %ne3A_3638 = arith.cmpi ne, %rem3A_3636, %ne3A_3637 : i32
        %and3A_3639 = arith.andi %ne3A_3635, %ne3A_3638 : i1
        %sub3A_3640 = arith.constant 1 : i32
        %sub3A_3641 = arith.subi %div3A_3620, %sub3A_3640 : i32
        %select_n3A_3642 = arith.select %and3A_3639, %sub3A_3641, %div3A_3620 : i32
        %mul3A_3643 = arith.constant 128 : i32
        %mul3A_3644 = arith.muli %select_n3A_3642, %mul3A_3643 : i32
        %multiple_of3A_3645 = tpu.assume_multiple %mul3A_3644, 128 : i32
        %dma_start3A_3646 = arith.constant 6 : i32
        %dma_start3A_3647 = arith.constant 0 : i32
        %dma_start3A_3648 = arith.constant 0 : i32
        %dma_start3A_3649 = tpu.memref_slice %arg10[%dma_start3A_3646, %dma_start3A_3647, %dma_start3A_3648] : memref<8x16x128xf32, #tpu.memory_space<vmem>> -> memref<1x16x128xf32, #tpu.memory_space<vmem>>
        %dma_start3A_3650 = tpu.memref_squeeze %dma_start3A_3649 : memref<1x16x128xf32, #tpu.memory_space<vmem>> -> memref<16x128xf32, #tpu.memory_space<vmem>>
        %dma_start3A_3651 = arith.constant 0 : i32
        %dma_start3A_3652 = tpu.memref_slice %arg4[%dma_start3A_3651, %multiple_of3A_3645] : memref<16x1000000xf32, #tpu.memory_space<hbm>> -> memref<16x128xf32, #tpu.memory_space<hbm>>
        %dma_start3A_3653 = arith.constant 0 : i32
        %dma_start3A_3654 = arith.constant 0 : i32
        %dma_start3A_3655 = tpu.memref_slice %arg10[%dma_start3A_3646, %dma_start3A_3653, %dma_start3A_3654] : memref<8x16x128xf32, #tpu.memory_space<vmem>> -> memref<1x16x128xf32, #tpu.memory_space<vmem>>
        %dma_start3A_3656 = tpu.memref_squeeze %dma_start3A_3655 : memref<1x16x128xf32, #tpu.memory_space<vmem>> -> memref<16x128xf32, #tpu.memory_space<vmem>>
        %dma_start3A_3657 = arith.constant 0 : i32
        %dma_start3A_3658 = tpu.memref_slice %arg4[%dma_start3A_3657, %multiple_of3A_3645] : memref<16x1000000xf32, #tpu.memory_space<hbm>> -> memref<16x128xf32, #tpu.memory_space<hbm>>
        tpu.enqueue_dma source(%dma_start3A_3658 : memref<16x128xf32, #tpu.memory_space<hbm>>) target(%dma_start3A_3656 : memref<16x128xf32, #tpu.memory_space<vmem>>) target_semaphore(%arg15 : memref<!tpu.dma_semaphore, #tpu.memory_space<semaphore_mem>>)
        %slice3A_3659 = vector.extract_strided_slice %get3A_2192 {offsets = [7], sizes = [1], strides = [1]} : vector<16xi32> to vector<1xi32>
        %squeeze3A_3660 = vector.extract %slice3A_3659[0] : i32 from vector<1xi32>
        %jit3A_3661 = arith.constant 128 : i32
        %div3A_3662 = arith.divsi %squeeze3A_3660, %jit3A_3661 : i32
        %sign3A_3663 = arith.constant 0 : i32
        %sign3A_3664 = arith.cmpi sgt, %squeeze3A_3660, %sign3A_3663 : i32
        %sign3A_3665 = arith.extui %sign3A_3664 : i1 to i32
        %sign3A_3666 = arith.constant 0 : i32
        %sign3A_3667 = arith.cmpi slt, %squeeze3A_3660, %sign3A_3666 : i32
        %sign3A_3668 = arith.extui %sign3A_3667 : i1 to i32
        %sign3A_3669 = arith.subi %sign3A_3665, %sign3A_3668 : i32
        %sign3A_3670 = arith.constant 0 : i32
        %sign3A_3671 = arith.cmpi sgt, %jit3A_3661, %sign3A_3670 : i32
        %sign3A_3672 = arith.extui %sign3A_3671 : i1 to i32
        %sign3A_3673 = arith.constant 0 : i32
        %sign3A_3674 = arith.cmpi slt, %jit3A_3661, %sign3A_3673 : i32
        %sign3A_3675 = arith.extui %sign3A_3674 : i1 to i32
        %sign3A_3676 = arith.subi %sign3A_3672, %sign3A_3675 : i32
        %ne3A_3677 = arith.cmpi ne, %sign3A_3669, %sign3A_3676 : i32
        %rem3A_3678 = arith.remsi %squeeze3A_3660, %jit3A_3661 : i32
        %ne3A_3679 = arith.constant 0 : i32
        %ne3A_3680 = arith.cmpi ne, %rem3A_3678, %ne3A_3679 : i32
        %and3A_3681 = arith.andi %ne3A_3677, %ne3A_3680 : i1
        %sub3A_3682 = arith.constant 1 : i32
        %sub3A_3683 = arith.subi %div3A_3662, %sub3A_3682 : i32
        %select_n3A_3684 = arith.select %and3A_3681, %sub3A_3683, %div3A_3662 : i32
        %mul3A_3685 = arith.constant 128 : i32
        %mul3A_3686 = arith.muli %select_n3A_3684, %mul3A_3685 : i32
        %multiple_of3A_3687 = tpu.assume_multiple %mul3A_3686, 128 : i32
        %dma_start3A_3688 = arith.constant 7 : i32
        %dma_start3A_3689 = arith.constant 0 : i32
        %dma_start3A_3690 = arith.constant 0 : i32
        %dma_start3A_3691 = tpu.memref_slice %arg10[%dma_start3A_3688, %dma_start3A_3689, %dma_start3A_3690] : memref<8x16x128xf32, #tpu.memory_space<vmem>> -> memref<1x16x128xf32, #tpu.memory_space<vmem>>
        %dma_start3A_3692 = tpu.memref_squeeze %dma_start3A_3691 : memref<1x16x128xf32, #tpu.memory_space<vmem>> -> memref<16x128xf32, #tpu.memory_space<vmem>>
        %dma_start3A_3693 = arith.constant 0 : i32
        %dma_start3A_3694 = tpu.memref_slice %arg4[%dma_start3A_3693, %multiple_of3A_3687] : memref<16x1000000xf32, #tpu.memory_space<hbm>> -> memref<16x128xf32, #tpu.memory_space<hbm>>
        %dma_start3A_3695 = arith.constant 0 : i32
        %dma_start3A_3696 = arith.constant 0 : i32
        %dma_start3A_3697 = tpu.memref_slice %arg10[%dma_start3A_3688, %dma_start3A_3695, %dma_start3A_3696] : memref<8x16x128xf32, #tpu.memory_space<vmem>> -> memref<1x16x128xf32, #tpu.memory_space<vmem>>
        %dma_start3A_3698 = tpu.memref_squeeze %dma_start3A_3697 : memref<1x16x128xf32, #tpu.memory_space<vmem>> -> memref<16x128xf32, #tpu.memory_space<vmem>>
        %dma_start3A_3699 = arith.constant 0 : i32
        %dma_start3A_3700 = tpu.memref_slice %arg4[%dma_start3A_3699, %multiple_of3A_3687] : memref<16x1000000xf32, #tpu.memory_space<hbm>> -> memref<16x128xf32, #tpu.memory_space<hbm>>
        tpu.enqueue_dma source(%dma_start3A_3700 : memref<16x128xf32, #tpu.memory_space<hbm>>) target(%dma_start3A_3698 : memref<16x128xf32, #tpu.memory_space<vmem>>) target_semaphore(%arg15 : memref<!tpu.dma_semaphore, #tpu.memory_space<semaphore_mem>>)
      } else {
      }
      %dma_wait3A_2197 = arith.constant 0 : i32
      %dma_wait3A_2198 = arith.constant 0 : i32
      %dma_wait3A_2199 = arith.constant 0 : i32
      %dma_wait3A_2200 = tpu.memref_slice %arg9[%dma_wait3A_2197, %dma_wait3A_2198, %dma_wait3A_2199] : memref<8x16x128xf32, #tpu.memory_space<vmem>> -> memref<1x16x128xf32, #tpu.memory_space<vmem>>
      %dma_wait3A_2201 = tpu.memref_squeeze %dma_wait3A_2200 : memref<1x16x128xf32, #tpu.memory_space<vmem>> -> memref<16x128xf32, #tpu.memory_space<vmem>>
      %dma_wait3A_2202 = arith.constant 0 : i32
      %dma_wait3A_2203 = arith.constant 0 : i32
      %dma_wait3A_2204 = tpu.memref_slice %arg3[%dma_wait3A_2202, %dma_wait3A_2203] : memref<16x1000000xf32, #tpu.memory_space<hbm>> -> memref<16x128xf32, #tpu.memory_space<hbm>>
      %dma_wait3A_2205 = arith.constant 0 : i32
      %dma_wait3A_2206 = arith.constant 0 : i32
      %dma_wait3A_2207 = tpu.memref_slice %arg9[%dma_wait3A_2197, %dma_wait3A_2205, %dma_wait3A_2206] : memref<8x16x128xf32, #tpu.memory_space<vmem>> -> memref<1x16x128xf32, #tpu.memory_space<vmem>>
      %dma_wait3A_2208 = tpu.memref_squeeze %dma_wait3A_2207 : memref<1x16x128xf32, #tpu.memory_space<vmem>> -> memref<16x128xf32, #tpu.memory_space<vmem>>
      %dma_wait3A_2209 = arith.constant 0 : i32
      %dma_wait3A_2210 = arith.constant 0 : i32
      %dma_wait3A_2211 = tpu.memref_slice %arg3[%dma_wait3A_2209, %dma_wait3A_2210] : memref<16x1000000xf32, #tpu.memory_space<hbm>> -> memref<16x128xf32, #tpu.memory_space<hbm>>
      tpu.wait_dma2 semaphore(%arg14 : memref<!tpu.dma_semaphore, #tpu.memory_space<semaphore_mem>>) src(%dma_wait3A_2211 : memref<16x128xf32, #tpu.memory_space<hbm>>) dst(%dma_wait3A_2208 : memref<16x128xf32, #tpu.memory_space<vmem>>)
      %dma_wait3A_2212 = arith.constant 1 : i32
      %dma_wait3A_2213 = arith.constant 0 : i32
      %dma_wait3A_2214 = arith.constant 0 : i32
      %dma_wait3A_2215 = tpu.memref_slice %arg9[%dma_wait3A_2212, %dma_wait3A_2213, %dma_wait3A_2214] : memref<8x16x128xf32, #tpu.memory_space<vmem>> -> memref<1x16x128xf32, #tpu.memory_space<vmem>>
      %dma_wait3A_2216 = tpu.memref_squeeze %dma_wait3A_2215 : memref<1x16x128xf32, #tpu.memory_space<vmem>> -> memref<16x128xf32, #tpu.memory_space<vmem>>
      %dma_wait3A_2217 = arith.constant 0 : i32
      %dma_wait3A_2218 = arith.constant 0 : i32
      %dma_wait3A_2219 = tpu.memref_slice %arg3[%dma_wait3A_2217, %dma_wait3A_2218] : memref<16x1000000xf32, #tpu.memory_space<hbm>> -> memref<16x128xf32, #tpu.memory_space<hbm>>
      %dma_wait3A_2220 = arith.constant 0 : i32
      %dma_wait3A_2221 = arith.constant 0 : i32
      %dma_wait3A_2222 = tpu.memref_slice %arg9[%dma_wait3A_2212, %dma_wait3A_2220, %dma_wait3A_2221] : memref<8x16x128xf32, #tpu.memory_space<vmem>> -> memref<1x16x128xf32, #tpu.memory_space<vmem>>
      %dma_wait3A_2223 = tpu.memref_squeeze %dma_wait3A_2222 : memref<1x16x128xf32, #tpu.memory_space<vmem>> -> memref<16x128xf32, #tpu.memory_space<vmem>>
      %dma_wait3A_2224 = arith.constant 0 : i32
      %dma_wait3A_2225 = arith.constant 0 : i32
      %dma_wait3A_2226 = tpu.memref_slice %arg3[%dma_wait3A_2224, %dma_wait3A_2225] : memref<16x1000000xf32, #tpu.memory_space<hbm>> -> memref<16x128xf32, #tpu.memory_space<hbm>>
      tpu.wait_dma2 semaphore(%arg14 : memref<!tpu.dma_semaphore, #tpu.memory_space<semaphore_mem>>) src(%dma_wait3A_2226 : memref<16x128xf32, #tpu.memory_space<hbm>>) dst(%dma_wait3A_2223 : memref<16x128xf32, #tpu.memory_space<vmem>>)
      %dma_wait3A_2227 = arith.constant 2 : i32
      %dma_wait3A_2228 = arith.constant 0 : i32
      %dma_wait3A_2229 = arith.constant 0 : i32
      %dma_wait3A_2230 = tpu.memref_slice %arg9[%dma_wait3A_2227, %dma_wait3A_2228, %dma_wait3A_2229] : memref<8x16x128xf32, #tpu.memory_space<vmem>> -> memref<1x16x128xf32, #tpu.memory_space<vmem>>
      %dma_wait3A_2231 = tpu.memref_squeeze %dma_wait3A_2230 : memref<1x16x128xf32, #tpu.memory_space<vmem>> -> memref<16x128xf32, #tpu.memory_space<vmem>>
      %dma_wait3A_2232 = arith.constant 0 : i32
      %dma_wait3A_2233 = arith.constant 0 : i32
      %dma_wait3A_2234 = tpu.memref_slice %arg3[%dma_wait3A_2232, %dma_wait3A_2233] : memref<16x1000000xf32, #tpu.memory_space<hbm>> -> memref<16x128xf32, #tpu.memory_space<hbm>>
      %dma_wait3A_2235 = arith.constant 0 : i32
      %dma_wait3A_2236 = arith.constant 0 : i32
      %dma_wait3A_2237 = tpu.memref_slice %arg9[%dma_wait3A_2227, %dma_wait3A_2235, %dma_wait3A_2236] : memref<8x16x128xf32, #tpu.memory_space<vmem>> -> memref<1x16x128xf32, #tpu.memory_space<vmem>>
      %dma_wait3A_2238 = tpu.memref_squeeze %dma_wait3A_2237 : memref<1x16x128xf32, #tpu.memory_space<vmem>> -> memref<16x128xf32, #tpu.memory_space<vmem>>
      %dma_wait3A_2239 = arith.constant 0 : i32
      %dma_wait3A_2240 = arith.constant 0 : i32
      %dma_wait3A_2241 = tpu.memref_slice %arg3[%dma_wait3A_2239, %dma_wait3A_2240] : memref<16x1000000xf32, #tpu.memory_space<hbm>> -> memref<16x128xf32, #tpu.memory_space<hbm>>
      tpu.wait_dma2 semaphore(%arg14 : memref<!tpu.dma_semaphore, #tpu.memory_space<semaphore_mem>>) src(%dma_wait3A_2241 : memref<16x128xf32, #tpu.memory_space<hbm>>) dst(%dma_wait3A_2238 : memref<16x128xf32, #tpu.memory_space<vmem>>)
      %dma_wait3A_2242 = arith.constant 3 : i32
      %dma_wait3A_2243 = arith.constant 0 : i32
      %dma_wait3A_2244 = arith.constant 0 : i32
      %dma_wait3A_2245 = tpu.memref_slice %arg9[%dma_wait3A_2242, %dma_wait3A_2243, %dma_wait3A_2244] : memref<8x16x128xf32, #tpu.memory_space<vmem>> -> memref<1x16x128xf32, #tpu.memory_space<vmem>>
      %dma_wait3A_2246 = tpu.memref_squeeze %dma_wait3A_2245 : memref<1x16x128xf32, #tpu.memory_space<vmem>> -> memref<16x128xf32, #tpu.memory_space<vmem>>
      %dma_wait3A_2247 = arith.constant 0 : i32
      %dma_wait3A_2248 = arith.constant 0 : i32
      %dma_wait3A_2249 = tpu.memref_slice %arg3[%dma_wait3A_2247, %dma_wait3A_2248] : memref<16x1000000xf32, #tpu.memory_space<hbm>> -> memref<16x128xf32, #tpu.memory_space<hbm>>
      %dma_wait3A_2250 = arith.constant 0 : i32
      %dma_wait3A_2251 = arith.constant 0 : i32
      %dma_wait3A_2252 = tpu.memref_slice %arg9[%dma_wait3A_2242, %dma_wait3A_2250, %dma_wait3A_2251] : memref<8x16x128xf32, #tpu.memory_space<vmem>> -> memref<1x16x128xf32, #tpu.memory_space<vmem>>
      %dma_wait3A_2253 = tpu.memref_squeeze %dma_wait3A_2252 : memref<1x16x128xf32, #tpu.memory_space<vmem>> -> memref<16x128xf32, #tpu.memory_space<vmem>>
      %dma_wait3A_2254 = arith.constant 0 : i32
      %dma_wait3A_2255 = arith.constant 0 : i32
      %dma_wait3A_2256 = tpu.memref_slice %arg3[%dma_wait3A_2254, %dma_wait3A_2255] : memref<16x1000000xf32, #tpu.memory_space<hbm>> -> memref<16x128xf32, #tpu.memory_space<hbm>>
      tpu.wait_dma2 semaphore(%arg14 : memref<!tpu.dma_semaphore, #tpu.memory_space<semaphore_mem>>) src(%dma_wait3A_2256 : memref<16x128xf32, #tpu.memory_space<hbm>>) dst(%dma_wait3A_2253 : memref<16x128xf32, #tpu.memory_space<vmem>>)
      %dma_wait3A_2257 = arith.constant 4 : i32
      %dma_wait3A_2258 = arith.constant 0 : i32
      %dma_wait3A_2259 = arith.constant 0 : i32
      %dma_wait3A_2260 = tpu.memref_slice %arg9[%dma_wait3A_2257, %dma_wait3A_2258, %dma_wait3A_2259] : memref<8x16x128xf32, #tpu.memory_space<vmem>> -> memref<1x16x128xf32, #tpu.memory_space<vmem>>
      %dma_wait3A_2261 = tpu.memref_squeeze %dma_wait3A_2260 : memref<1x16x128xf32, #tpu.memory_space<vmem>> -> memref<16x128xf32, #tpu.memory_space<vmem>>
      %dma_wait3A_2262 = arith.constant 0 : i32
      %dma_wait3A_2263 = arith.constant 0 : i32
      %dma_wait3A_2264 = tpu.memref_slice %arg3[%dma_wait3A_2262, %dma_wait3A_2263] : memref<16x1000000xf32, #tpu.memory_space<hbm>> -> memref<16x128xf32, #tpu.memory_space<hbm>>
      %dma_wait3A_2265 = arith.constant 0 : i32
      %dma_wait3A_2266 = arith.constant 0 : i32
      %dma_wait3A_2267 = tpu.memref_slice %arg9[%dma_wait3A_2257, %dma_wait3A_2265, %dma_wait3A_2266] : memref<8x16x128xf32, #tpu.memory_space<vmem>> -> memref<1x16x128xf32, #tpu.memory_space<vmem>>
      %dma_wait3A_2268 = tpu.memref_squeeze %dma_wait3A_2267 : memref<1x16x128xf32, #tpu.memory_space<vmem>> -> memref<16x128xf32, #tpu.memory_space<vmem>>
      %dma_wait3A_2269 = arith.constant 0 : i32
      %dma_wait3A_2270 = arith.constant 0 : i32
      %dma_wait3A_2271 = tpu.memref_slice %arg3[%dma_wait3A_2269, %dma_wait3A_2270] : memref<16x1000000xf32, #tpu.memory_space<hbm>> -> memref<16x128xf32, #tpu.memory_space<hbm>>
      tpu.wait_dma2 semaphore(%arg14 : memref<!tpu.dma_semaphore, #tpu.memory_space<semaphore_mem>>) src(%dma_wait3A_2271 : memref<16x128xf32, #tpu.memory_space<hbm>>) dst(%dma_wait3A_2268 : memref<16x128xf32, #tpu.memory_space<vmem>>)
      %dma_wait3A_2272 = arith.constant 5 : i32
      %dma_wait3A_2273 = arith.constant 0 : i32
      %dma_wait3A_2274 = arith.constant 0 : i32
      %dma_wait3A_2275 = tpu.memref_slice %arg9[%dma_wait3A_2272, %dma_wait3A_2273, %dma_wait3A_2274] : memref<8x16x128xf32, #tpu.memory_space<vmem>> -> memref<1x16x128xf32, #tpu.memory_space<vmem>>
      %dma_wait3A_2276 = tpu.memref_squeeze %dma_wait3A_2275 : memref<1x16x128xf32, #tpu.memory_space<vmem>> -> memref<16x128xf32, #tpu.memory_space<vmem>>
      %dma_wait3A_2277 = arith.constant 0 : i32
      %dma_wait3A_2278 = arith.constant 0 : i32
      %dma_wait3A_2279 = tpu.memref_slice %arg3[%dma_wait3A_2277, %dma_wait3A_2278] : memref<16x1000000xf32, #tpu.memory_space<hbm>> -> memref<16x128xf32, #tpu.memory_space<hbm>>
      %dma_wait3A_2280 = arith.constant 0 : i32
      %dma_wait3A_2281 = arith.constant 0 : i32
      %dma_wait3A_2282 = tpu.memref_slice %arg9[%dma_wait3A_2272, %dma_wait3A_2280, %dma_wait3A_2281] : memref<8x16x128xf32, #tpu.memory_space<vmem>> -> memref<1x16x128xf32, #tpu.memory_space<vmem>>
      %dma_wait3A_2283 = tpu.memref_squeeze %dma_wait3A_2282 : memref<1x16x128xf32, #tpu.memory_space<vmem>> -> memref<16x128xf32, #tpu.memory_space<vmem>>
      %dma_wait3A_2284 = arith.constant 0 : i32
      %dma_wait3A_2285 = arith.constant 0 : i32
      %dma_wait3A_2286 = tpu.memref_slice %arg3[%dma_wait3A_2284, %dma_wait3A_2285] : memref<16x1000000xf32, #tpu.memory_space<hbm>> -> memref<16x128xf32, #tpu.memory_space<hbm>>
      tpu.wait_dma2 semaphore(%arg14 : memref<!tpu.dma_semaphore, #tpu.memory_space<semaphore_mem>>) src(%dma_wait3A_2286 : memref<16x128xf32, #tpu.memory_space<hbm>>) dst(%dma_wait3A_2283 : memref<16x128xf32, #tpu.memory_space<vmem>>)
      %dma_wait3A_2287 = arith.constant 6 : i32
      %dma_wait3A_2288 = arith.constant 0 : i32
      %dma_wait3A_2289 = arith.constant 0 : i32
      %dma_wait3A_2290 = tpu.memref_slice %arg9[%dma_wait3A_2287, %dma_wait3A_2288, %dma_wait3A_2289] : memref<8x16x128xf32, #tpu.memory_space<vmem>> -> memref<1x16x128xf32, #tpu.memory_space<vmem>>
      %dma_wait3A_2291 = tpu.memref_squeeze %dma_wait3A_2290 : memref<1x16x128xf32, #tpu.memory_space<vmem>> -> memref<16x128xf32, #tpu.memory_space<vmem>>
      %dma_wait3A_2292 = arith.constant 0 : i32
      %dma_wait3A_2293 = arith.constant 0 : i32
      %dma_wait3A_2294 = tpu.memref_slice %arg3[%dma_wait3A_2292, %dma_wait3A_2293] : memref<16x1000000xf32, #tpu.memory_space<hbm>> -> memref<16x128xf32, #tpu.memory_space<hbm>>
      %dma_wait3A_2295 = arith.constant 0 : i32
      %dma_wait3A_2296 = arith.constant 0 : i32
      %dma_wait3A_2297 = tpu.memref_slice %arg9[%dma_wait3A_2287, %dma_wait3A_2295, %dma_wait3A_2296] : memref<8x16x128xf32, #tpu.memory_space<vmem>> -> memref<1x16x128xf32, #tpu.memory_space<vmem>>
      %dma_wait3A_2298 = tpu.memref_squeeze %dma_wait3A_2297 : memref<1x16x128xf32, #tpu.memory_space<vmem>> -> memref<16x128xf32, #tpu.memory_space<vmem>>
      %dma_wait3A_2299 = arith.constant 0 : i32
      %dma_wait3A_2300 = arith.constant 0 : i32
      %dma_wait3A_2301 = tpu.memref_slice %arg3[%dma_wait3A_2299, %dma_wait3A_2300] : memref<16x1000000xf32, #tpu.memory_space<hbm>> -> memref<16x128xf32, #tpu.memory_space<hbm>>
      tpu.wait_dma2 semaphore(%arg14 : memref<!tpu.dma_semaphore, #tpu.memory_space<semaphore_mem>>) src(%dma_wait3A_2301 : memref<16x128xf32, #tpu.memory_space<hbm>>) dst(%dma_wait3A_2298 : memref<16x128xf32, #tpu.memory_space<vmem>>)
      %dma_wait3A_2302 = arith.constant 7 : i32
      %dma_wait3A_2303 = arith.constant 0 : i32
      %dma_wait3A_2304 = arith.constant 0 : i32
      %dma_wait3A_2305 = tpu.memref_slice %arg9[%dma_wait3A_2302, %dma_wait3A_2303, %dma_wait3A_2304] : memref<8x16x128xf32, #tpu.memory_space<vmem>> -> memref<1x16x128xf32, #tpu.memory_space<vmem>>
      %dma_wait3A_2306 = tpu.memref_squeeze %dma_wait3A_2305 : memref<1x16x128xf32, #tpu.memory_space<vmem>> -> memref<16x128xf32, #tpu.memory_space<vmem>>
      %dma_wait3A_2307 = arith.constant 0 : i32
      %dma_wait3A_2308 = arith.constant 0 : i32
      %dma_wait3A_2309 = tpu.memref_slice %arg3[%dma_wait3A_2307, %dma_wait3A_2308] : memref<16x1000000xf32, #tpu.memory_space<hbm>> -> memref<16x128xf32, #tpu.memory_space<hbm>>
      %dma_wait3A_2310 = arith.constant 0 : i32
      %dma_wait3A_2311 = arith.constant 0 : i32
      %dma_wait3A_2312 = tpu.memref_slice %arg9[%dma_wait3A_2302, %dma_wait3A_2310, %dma_wait3A_2311] : memref<8x16x128xf32, #tpu.memory_space<vmem>> -> memref<1x16x128xf32, #tpu.memory_space<vmem>>
      %dma_wait3A_2313 = tpu.memref_squeeze %dma_wait3A_2312 : memref<1x16x128xf32, #tpu.memory_space<vmem>> -> memref<16x128xf32, #tpu.memory_space<vmem>>
      %dma_wait3A_2314 = arith.constant 0 : i32
      %dma_wait3A_2315 = arith.constant 0 : i32
      %dma_wait3A_2316 = tpu.memref_slice %arg3[%dma_wait3A_2314, %dma_wait3A_2315] : memref<16x1000000xf32, #tpu.memory_space<hbm>> -> memref<16x128xf32, #tpu.memory_space<hbm>>
      tpu.wait_dma2 semaphore(%arg14 : memref<!tpu.dma_semaphore, #tpu.memory_space<semaphore_mem>>) src(%dma_wait3A_2316 : memref<16x128xf32, #tpu.memory_space<hbm>>) dst(%dma_wait3A_2313 : memref<16x128xf32, #tpu.memory_space<vmem>>)
      %dma_wait3A_2317 = arith.constant 0 : i32
      %dma_wait3A_2318 = arith.constant 0 : i32
      %dma_wait3A_2319 = arith.constant 0 : i32
      %dma_wait3A_2320 = tpu.memref_slice %arg11[%dma_wait3A_2317, %dma_wait3A_2318, %dma_wait3A_2319] : memref<8x16x128xf32, #tpu.memory_space<vmem>> -> memref<1x16x128xf32, #tpu.memory_space<vmem>>
      %dma_wait3A_2321 = tpu.memref_squeeze %dma_wait3A_2320 : memref<1x16x128xf32, #tpu.memory_space<vmem>> -> memref<16x128xf32, #tpu.memory_space<vmem>>
      %dma_wait3A_2322 = arith.constant 0 : i32
      %dma_wait3A_2323 = arith.constant 0 : i32
      %dma_wait3A_2324 = tpu.memref_slice %arg3[%dma_wait3A_2322, %dma_wait3A_2323] : memref<16x1000000xf32, #tpu.memory_space<hbm>> -> memref<16x128xf32, #tpu.memory_space<hbm>>
      %dma_wait3A_2325 = arith.constant 0 : i32
      %dma_wait3A_2326 = arith.constant 0 : i32
      %dma_wait3A_2327 = tpu.memref_slice %arg11[%dma_wait3A_2317, %dma_wait3A_2325, %dma_wait3A_2326] : memref<8x16x128xf32, #tpu.memory_space<vmem>> -> memref<1x16x128xf32, #tpu.memory_space<vmem>>
      %dma_wait3A_2328 = tpu.memref_squeeze %dma_wait3A_2327 : memref<1x16x128xf32, #tpu.memory_space<vmem>> -> memref<16x128xf32, #tpu.memory_space<vmem>>
      %dma_wait3A_2329 = arith.constant 0 : i32
      %dma_wait3A_2330 = arith.constant 0 : i32
      %dma_wait3A_2331 = tpu.memref_slice %arg3[%dma_wait3A_2329, %dma_wait3A_2330] : memref<16x1000000xf32, #tpu.memory_space<hbm>> -> memref<16x128xf32, #tpu.memory_space<hbm>>
      tpu.wait_dma2 semaphore(%arg16 : memref<!tpu.dma_semaphore, #tpu.memory_space<semaphore_mem>>) src(%dma_wait3A_2331 : memref<16x128xf32, #tpu.memory_space<hbm>>) dst(%dma_wait3A_2328 : memref<16x128xf32, #tpu.memory_space<vmem>>)
      %dma_wait3A_2332 = arith.constant 1 : i32
      %dma_wait3A_2333 = arith.constant 0 : i32
      %dma_wait3A_2334 = arith.constant 0 : i32
      %dma_wait3A_2335 = tpu.memref_slice %arg11[%dma_wait3A_2332, %dma_wait3A_2333, %dma_wait3A_2334] : memref<8x16x128xf32, #tpu.memory_space<vmem>> -> memref<1x16x128xf32, #tpu.memory_space<vmem>>
      %dma_wait3A_2336 = tpu.memref_squeeze %dma_wait3A_2335 : memref<1x16x128xf32, #tpu.memory_space<vmem>> -> memref<16x128xf32, #tpu.memory_space<vmem>>
      %dma_wait3A_2337 = arith.constant 0 : i32
      %dma_wait3A_2338 = arith.constant 0 : i32
      %dma_wait3A_2339 = tpu.memref_slice %arg3[%dma_wait3A_2337, %dma_wait3A_2338] : memref<16x1000000xf32, #tpu.memory_space<hbm>> -> memref<16x128xf32, #tpu.memory_space<hbm>>
      %dma_wait3A_2340 = arith.constant 0 : i32
      %dma_wait3A_2341 = arith.constant 0 : i32
      %dma_wait3A_2342 = tpu.memref_slice %arg11[%dma_wait3A_2332, %dma_wait3A_2340, %dma_wait3A_2341] : memref<8x16x128xf32, #tpu.memory_space<vmem>> -> memref<1x16x128xf32, #tpu.memory_space<vmem>>
      %dma_wait3A_2343 = tpu.memref_squeeze %dma_wait3A_2342 : memref<1x16x128xf32, #tpu.memory_space<vmem>> -> memref<16x128xf32, #tpu.memory_space<vmem>>
      %dma_wait3A_2344 = arith.constant 0 : i32
      %dma_wait3A_2345 = arith.constant 0 : i32
      %dma_wait3A_2346 = tpu.memref_slice %arg3[%dma_wait3A_2344, %dma_wait3A_2345] : memref<16x1000000xf32, #tpu.memory_space<hbm>> -> memref<16x128xf32, #tpu.memory_space<hbm>>
      tpu.wait_dma2 semaphore(%arg16 : memref<!tpu.dma_semaphore, #tpu.memory_space<semaphore_mem>>) src(%dma_wait3A_2346 : memref<16x128xf32, #tpu.memory_space<hbm>>) dst(%dma_wait3A_2343 : memref<16x128xf32, #tpu.memory_space<vmem>>)
      %dma_wait3A_2347 = arith.constant 2 : i32
      %dma_wait3A_2348 = arith.constant 0 : i32
      %dma_wait3A_2349 = arith.constant 0 : i32
      %dma_wait3A_2350 = tpu.memref_slice %arg11[%dma_wait3A_2347, %dma_wait3A_2348, %dma_wait3A_2349] : memref<8x16x128xf32, #tpu.memory_space<vmem>> -> memref<1x16x128xf32, #tpu.memory_space<vmem>>
      %dma_wait3A_2351 = tpu.memref_squeeze %dma_wait3A_2350 : memref<1x16x128xf32, #tpu.memory_space<vmem>> -> memref<16x128xf32, #tpu.memory_space<vmem>>
      %dma_wait3A_2352 = arith.constant 0 : i32
      %dma_wait3A_2353 = arith.constant 0 : i32
      %dma_wait3A_2354 = tpu.memref_slice %arg3[%dma_wait3A_2352, %dma_wait3A_2353] : memref<16x1000000xf32, #tpu.memory_space<hbm>> -> memref<16x128xf32, #tpu.memory_space<hbm>>
      %dma_wait3A_2355 = arith.constant 0 : i32
      %dma_wait3A_2356 = arith.constant 0 : i32
      %dma_wait3A_2357 = tpu.memref_slice %arg11[%dma_wait3A_2347, %dma_wait3A_2355, %dma_wait3A_2356] : memref<8x16x128xf32, #tpu.memory_space<vmem>> -> memref<1x16x128xf32, #tpu.memory_space<vmem>>
      %dma_wait3A_2358 = tpu.memref_squeeze %dma_wait3A_2357 : memref<1x16x128xf32, #tpu.memory_space<vmem>> -> memref<16x128xf32, #tpu.memory_space<vmem>>
      %dma_wait3A_2359 = arith.constant 0 : i32
      %dma_wait3A_2360 = arith.constant 0 : i32
      %dma_wait3A_2361 = tpu.memref_slice %arg3[%dma_wait3A_2359, %dma_wait3A_2360] : memref<16x1000000xf32, #tpu.memory_space<hbm>> -> memref<16x128xf32, #tpu.memory_space<hbm>>
      tpu.wait_dma2 semaphore(%arg16 : memref<!tpu.dma_semaphore, #tpu.memory_space<semaphore_mem>>) src(%dma_wait3A_2361 : memref<16x128xf32, #tpu.memory_space<hbm>>) dst(%dma_wait3A_2358 : memref<16x128xf32, #tpu.memory_space<vmem>>)
      %dma_wait3A_2362 = arith.constant 3 : i32
      %dma_wait3A_2363 = arith.constant 0 : i32
      %dma_wait3A_2364 = arith.constant 0 : i32
      %dma_wait3A_2365 = tpu.memref_slice %arg11[%dma_wait3A_2362, %dma_wait3A_2363, %dma_wait3A_2364] : memref<8x16x128xf32, #tpu.memory_space<vmem>> -> memref<1x16x128xf32, #tpu.memory_space<vmem>>
      %dma_wait3A_2366 = tpu.memref_squeeze %dma_wait3A_2365 : memref<1x16x128xf32, #tpu.memory_space<vmem>> -> memref<16x128xf32, #tpu.memory_space<vmem>>
      %dma_wait3A_2367 = arith.constant 0 : i32
      %dma_wait3A_2368 = arith.constant 0 : i32
      %dma_wait3A_2369 = tpu.memref_slice %arg3[%dma_wait3A_2367, %dma_wait3A_2368] : memref<16x1000000xf32, #tpu.memory_space<hbm>> -> memref<16x128xf32, #tpu.memory_space<hbm>>
      %dma_wait3A_2370 = arith.constant 0 : i32
      %dma_wait3A_2371 = arith.constant 0 : i32
      %dma_wait3A_2372 = tpu.memref_slice %arg11[%dma_wait3A_2362, %dma_wait3A_2370, %dma_wait3A_2371] : memref<8x16x128xf32, #tpu.memory_space<vmem>> -> memref<1x16x128xf32, #tpu.memory_space<vmem>>
      %dma_wait3A_2373 = tpu.memref_squeeze %dma_wait3A_2372 : memref<1x16x128xf32, #tpu.memory_space<vmem>> -> memref<16x128xf32, #tpu.memory_space<vmem>>
      %dma_wait3A_2374 = arith.constant 0 : i32
      %dma_wait3A_2375 = arith.constant 0 : i32
      %dma_wait3A_2376 = tpu.memref_slice %arg3[%dma_wait3A_2374, %dma_wait3A_2375] : memref<16x1000000xf32, #tpu.memory_space<hbm>> -> memref<16x128xf32, #tpu.memory_space<hbm>>
      tpu.wait_dma2 semaphore(%arg16 : memref<!tpu.dma_semaphore, #tpu.memory_space<semaphore_mem>>) src(%dma_wait3A_2376 : memref<16x128xf32, #tpu.memory_space<hbm>>) dst(%dma_wait3A_2373 : memref<16x128xf32, #tpu.memory_space<vmem>>)
      %dma_wait3A_2377 = arith.constant 4 : i32
      %dma_wait3A_2378 = arith.constant 0 : i32
      %dma_wait3A_2379 = arith.constant 0 : i32
      %dma_wait3A_2380 = tpu.memref_slice %arg11[%dma_wait3A_2377, %dma_wait3A_2378, %dma_wait3A_2379] : memref<8x16x128xf32, #tpu.memory_space<vmem>> -> memref<1x16x128xf32, #tpu.memory_space<vmem>>
      %dma_wait3A_2381 = tpu.memref_squeeze %dma_wait3A_2380 : memref<1x16x128xf32, #tpu.memory_space<vmem>> -> memref<16x128xf32, #tpu.memory_space<vmem>>
      %dma_wait3A_2382 = arith.constant 0 : i32
      %dma_wait3A_2383 = arith.constant 0 : i32
      %dma_wait3A_2384 = tpu.memref_slice %arg3[%dma_wait3A_2382, %dma_wait3A_2383] : memref<16x1000000xf32, #tpu.memory_space<hbm>> -> memref<16x128xf32, #tpu.memory_space<hbm>>
      %dma_wait3A_2385 = arith.constant 0 : i32
      %dma_wait3A_2386 = arith.constant 0 : i32
      %dma_wait3A_2387 = tpu.memref_slice %arg11[%dma_wait3A_2377, %dma_wait3A_2385, %dma_wait3A_2386] : memref<8x16x128xf32, #tpu.memory_space<vmem>> -> memref<1x16x128xf32, #tpu.memory_space<vmem>>
      %dma_wait3A_2388 = tpu.memref_squeeze %dma_wait3A_2387 : memref<1x16x128xf32, #tpu.memory_space<vmem>> -> memref<16x128xf32, #tpu.memory_space<vmem>>
      %dma_wait3A_2389 = arith.constant 0 : i32
      %dma_wait3A_2390 = arith.constant 0 : i32
      %dma_wait3A_2391 = tpu.memref_slice %arg3[%dma_wait3A_2389, %dma_wait3A_2390] : memref<16x1000000xf32, #tpu.memory_space<hbm>> -> memref<16x128xf32, #tpu.memory_space<hbm>>
      tpu.wait_dma2 semaphore(%arg16 : memref<!tpu.dma_semaphore, #tpu.memory_space<semaphore_mem>>) src(%dma_wait3A_2391 : memref<16x128xf32, #tpu.memory_space<hbm>>) dst(%dma_wait3A_2388 : memref<16x128xf32, #tpu.memory_space<vmem>>)
      %dma_wait3A_2392 = arith.constant 5 : i32
      %dma_wait3A_2393 = arith.constant 0 : i32
      %dma_wait3A_2394 = arith.constant 0 : i32
      %dma_wait3A_2395 = tpu.memref_slice %arg11[%dma_wait3A_2392, %dma_wait3A_2393, %dma_wait3A_2394] : memref<8x16x128xf32, #tpu.memory_space<vmem>> -> memref<1x16x128xf32, #tpu.memory_space<vmem>>
      %dma_wait3A_2396 = tpu.memref_squeeze %dma_wait3A_2395 : memref<1x16x128xf32, #tpu.memory_space<vmem>> -> memref<16x128xf32, #tpu.memory_space<vmem>>
      %dma_wait3A_2397 = arith.constant 0 : i32
      %dma_wait3A_2398 = arith.constant 0 : i32
      %dma_wait3A_2399 = tpu.memref_slice %arg3[%dma_wait3A_2397, %dma_wait3A_2398] : memref<16x1000000xf32, #tpu.memory_space<hbm>> -> memref<16x128xf32, #tpu.memory_space<hbm>>
      %dma_wait3A_2400 = arith.constant 0 : i32
      %dma_wait3A_2401 = arith.constant 0 : i32
      %dma_wait3A_2402 = tpu.memref_slice %arg11[%dma_wait3A_2392, %dma_wait3A_2400, %dma_wait3A_2401] : memref<8x16x128xf32, #tpu.memory_space<vmem>> -> memref<1x16x128xf32, #tpu.memory_space<vmem>>
      %dma_wait3A_2403 = tpu.memref_squeeze %dma_wait3A_2402 : memref<1x16x128xf32, #tpu.memory_space<vmem>> -> memref<16x128xf32, #tpu.memory_space<vmem>>
      %dma_wait3A_2404 = arith.constant 0 : i32
      %dma_wait3A_2405 = arith.constant 0 : i32
      %dma_wait3A_2406 = tpu.memref_slice %arg3[%dma_wait3A_2404, %dma_wait3A_2405] : memref<16x1000000xf32, #tpu.memory_space<hbm>> -> memref<16x128xf32, #tpu.memory_space<hbm>>
      tpu.wait_dma2 semaphore(%arg16 : memref<!tpu.dma_semaphore, #tpu.memory_space<semaphore_mem>>) src(%dma_wait3A_2406 : memref<16x128xf32, #tpu.memory_space<hbm>>) dst(%dma_wait3A_2403 : memref<16x128xf32, #tpu.memory_space<vmem>>)
      %dma_wait3A_2407 = arith.constant 6 : i32
      %dma_wait3A_2408 = arith.constant 0 : i32
      %dma_wait3A_2409 = arith.constant 0 : i32
      %dma_wait3A_2410 = tpu.memref_slice %arg11[%dma_wait3A_2407, %dma_wait3A_2408, %dma_wait3A_2409] : memref<8x16x128xf32, #tpu.memory_space<vmem>> -> memref<1x16x128xf32, #tpu.memory_space<vmem>>
      %dma_wait3A_2411 = tpu.memref_squeeze %dma_wait3A_2410 : memref<1x16x128xf32, #tpu.memory_space<vmem>> -> memref<16x128xf32, #tpu.memory_space<vmem>>
      %dma_wait3A_2412 = arith.constant 0 : i32
      %dma_wait3A_2413 = arith.constant 0 : i32
      %dma_wait3A_2414 = tpu.memref_slice %arg3[%dma_wait3A_2412, %dma_wait3A_2413] : memref<16x1000000xf32, #tpu.memory_space<hbm>> -> memref<16x128xf32, #tpu.memory_space<hbm>>
      %dma_wait3A_2415 = arith.constant 0 : i32
      %dma_wait3A_2416 = arith.constant 0 : i32
      %dma_wait3A_2417 = tpu.memref_slice %arg11[%dma_wait3A_2407, %dma_wait3A_2415, %dma_wait3A_2416] : memref<8x16x128xf32, #tpu.memory_space<vmem>> -> memref<1x16x128xf32, #tpu.memory_space<vmem>>
      %dma_wait3A_2418 = tpu.memref_squeeze %dma_wait3A_2417 : memref<1x16x128xf32, #tpu.memory_space<vmem>> -> memref<16x128xf32, #tpu.memory_space<vmem>>
      %dma_wait3A_2419 = arith.constant 0 : i32
      %dma_wait3A_2420 = arith.constant 0 : i32
      %dma_wait3A_2421 = tpu.memref_slice %arg3[%dma_wait3A_2419, %dma_wait3A_2420] : memref<16x1000000xf32, #tpu.memory_space<hbm>> -> memref<16x128xf32, #tpu.memory_space<hbm>>
      tpu.wait_dma2 semaphore(%arg16 : memref<!tpu.dma_semaphore, #tpu.memory_space<semaphore_mem>>) src(%dma_wait3A_2421 : memref<16x128xf32, #tpu.memory_space<hbm>>) dst(%dma_wait3A_2418 : memref<16x128xf32, #tpu.memory_space<vmem>>)
      %dma_wait3A_2422 = arith.constant 7 : i32
      %dma_wait3A_2423 = arith.constant 0 : i32
      %dma_wait3A_2424 = arith.constant 0 : i32
      %dma_wait3A_2425 = tpu.memref_slice %arg11[%dma_wait3A_2422, %dma_wait3A_2423, %dma_wait3A_2424] : memref<8x16x128xf32, #tpu.memory_space<vmem>> -> memref<1x16x128xf32, #tpu.memory_space<vmem>>
      %dma_wait3A_2426 = tpu.memref_squeeze %dma_wait3A_2425 : memref<1x16x128xf32, #tpu.memory_space<vmem>> -> memref<16x128xf32, #tpu.memory_space<vmem>>
      %dma_wait3A_2427 = arith.constant 0 : i32
      %dma_wait3A_2428 = arith.constant 0 : i32
      %dma_wait3A_2429 = tpu.memref_slice %arg3[%dma_wait3A_2427, %dma_wait3A_2428] : memref<16x1000000xf32, #tpu.memory_space<hbm>> -> memref<16x128xf32, #tpu.memory_space<hbm>>
      %dma_wait3A_2430 = arith.constant 0 : i32
      %dma_wait3A_2431 = arith.constant 0 : i32
      %dma_wait3A_2432 = tpu.memref_slice %arg11[%dma_wait3A_2422, %dma_wait3A_2430, %dma_wait3A_2431] : memref<8x16x128xf32, #tpu.memory_space<vmem>> -> memref<1x16x128xf32, #tpu.memory_space<vmem>>
      %dma_wait3A_2433 = tpu.memref_squeeze %dma_wait3A_2432 : memref<1x16x128xf32, #tpu.memory_space<vmem>> -> memref<16x128xf32, #tpu.memory_space<vmem>>
      %dma_wait3A_2434 = arith.constant 0 : i32
      %dma_wait3A_2435 = arith.constant 0 : i32
      %dma_wait3A_2436 = tpu.memref_slice %arg3[%dma_wait3A_2434, %dma_wait3A_2435] : memref<16x1000000xf32, #tpu.memory_space<hbm>> -> memref<16x128xf32, #tpu.memory_space<hbm>>
      tpu.wait_dma2 semaphore(%arg16 : memref<!tpu.dma_semaphore, #tpu.memory_space<semaphore_mem>>) src(%dma_wait3A_2436 : memref<16x128xf32, #tpu.memory_space<hbm>>) dst(%dma_wait3A_2433 : memref<16x128xf32, #tpu.memory_space<vmem>>)
      %slice3A_2437 = vector.extract_strided_slice %scan3A_678 {offsets = [8], sizes = [1], strides = [1]} : vector<16xi32> to vector<1xi32>
      %squeeze3A_2438 = vector.extract %slice3A_2437[0] : i32 from vector<1xi32>
      %jit3A_2439 = arith.constant 128 : i32
      %div3A_2440 = arith.divsi %squeeze3A_2438, %jit3A_2439 : i32
      %sign3A_2441 = arith.constant 0 : i32
      %sign3A_2442 = arith.cmpi sgt, %squeeze3A_2438, %sign3A_2441 : i32
      %sign3A_2443 = arith.extui %sign3A_2442 : i1 to i32
      %sign3A_2444 = arith.constant 0 : i32
      %sign3A_2445 = arith.cmpi slt, %squeeze3A_2438, %sign3A_2444 : i32
      %sign3A_2446 = arith.extui %sign3A_2445 : i1 to i32
      %sign3A_2447 = arith.subi %sign3A_2443, %sign3A_2446 : i32
      %sign3A_2448 = arith.constant 0 : i32
      %sign3A_2449 = arith.cmpi sgt, %jit3A_2439, %sign3A_2448 : i32
      %sign3A_2450 = arith.extui %sign3A_2449 : i1 to i32
      %sign3A_2451 = arith.constant 0 : i32
      %sign3A_2452 = arith.cmpi slt, %jit3A_2439, %sign3A_2451 : i32
      %sign3A_2453 = arith.extui %sign3A_2452 : i1 to i32
      %sign3A_2454 = arith.subi %sign3A_2450, %sign3A_2453 : i32
      %ne3A_2455 = arith.cmpi ne, %sign3A_2447, %sign3A_2454 : i32
      %rem3A_2456 = arith.remsi %squeeze3A_2438, %jit3A_2439 : i32
      %ne3A_2457 = arith.constant 0 : i32
      %ne3A_2458 = arith.cmpi ne, %rem3A_2456, %ne3A_2457 : i32
      %and3A_2459 = arith.andi %ne3A_2455, %ne3A_2458 : i1
      %sub3A_2460 = arith.constant 1 : i32
      %sub3A_2461 = arith.subi %div3A_2440, %sub3A_2460 : i32
      %select_n3A_2462 = arith.select %and3A_2459, %sub3A_2461, %div3A_2440 : i32
      %mul3A_2463 = arith.constant 128 : i32
      %mul3A_2464 = arith.muli %select_n3A_2462, %mul3A_2463 : i32
      %sub3A_2465 = arith.subi %squeeze3A_2438, %mul3A_2464 : i32
      %broadcast_in_dim3A_2466 = vector.broadcast %sub3A_2465 : i32 to vector<16xi32>
      %gather3A_2467 = arith.constant 0 : i32
      %gather3A_2468 = arith.constant 0 : i32
      %gather3A_2469 = arith.constant 0 : i32
      %gather3A_2470 = tpu.memref_slice %arg9[%gather3A_2467, %gather3A_2468, %gather3A_2469] : memref<8x16x128xf32, #tpu.memory_space<vmem>> -> memref<1x16x128xf32, #tpu.memory_space<vmem>>
      %gather3A_2471 = tpu.memref_squeeze %gather3A_2470 : memref<1x16x128xf32, #tpu.memory_space<vmem>> -> memref<16x128xf32, #tpu.memory_space<vmem>>
      %gather3A_2472 = tpu.vector_load_idx %gather3A_2471[%iota3A, %broadcast_in_dim3A_2466] : memref<16x128xf32, #tpu.memory_space<vmem>>[vector<16xi32>, vector<16xi32>], vector<16xf32>,
      %slice3A_2473 = vector.extract_strided_slice %scan3A_678 {offsets = [9], sizes = [1], strides = [1]} : vector<16xi32> to vector<1xi32>
      %squeeze3A_2474 = vector.extract %slice3A_2473[0] : i32 from vector<1xi32>
      %jit3A_2475 = arith.constant 128 : i32
      %div3A_2476 = arith.divsi %squeeze3A_2474, %jit3A_2475 : i32
      %sign3A_2477 = arith.constant 0 : i32
      %sign3A_2478 = arith.cmpi sgt, %squeeze3A_2474, %sign3A_2477 : i32
      %sign3A_2479 = arith.extui %sign3A_2478 : i1 to i32
      %sign3A_2480 = arith.constant 0 : i32
      %sign3A_2481 = arith.cmpi slt, %squeeze3A_2474, %sign3A_2480 : i32
      %sign3A_2482 = arith.extui %sign3A_2481 : i1 to i32
      %sign3A_2483 = arith.subi %sign3A_2479, %sign3A_2482 : i32
      %sign3A_2484 = arith.constant 0 : i32
      %sign3A_2485 = arith.cmpi sgt, %jit3A_2475, %sign3A_2484 : i32
      %sign3A_2486 = arith.extui %sign3A_2485 : i1 to i32
      %sign3A_2487 = arith.constant 0 : i32
      %sign3A_2488 = arith.cmpi slt, %jit3A_2475, %sign3A_2487 : i32
      %sign3A_2489 = arith.extui %sign3A_2488 : i1 to i32
      %sign3A_2490 = arith.subi %sign3A_2486, %sign3A_2489 : i32
      %ne3A_2491 = arith.cmpi ne, %sign3A_2483, %sign3A_2490 : i32
      %rem3A_2492 = arith.remsi %squeeze3A_2474, %jit3A_2475 : i32
      %ne3A_2493 = arith.constant 0 : i32
      %ne3A_2494 = arith.cmpi ne, %rem3A_2492, %ne3A_2493 : i32
      %and3A_2495 = arith.andi %ne3A_2491, %ne3A_2494 : i1
      %sub3A_2496 = arith.constant 1 : i32
      %sub3A_2497 = arith.subi %div3A_2476, %sub3A_2496 : i32
      %select_n3A_2498 = arith.select %and3A_2495, %sub3A_2497, %div3A_2476 : i32
      %mul3A_2499 = arith.constant 128 : i32
      %mul3A_2500 = arith.muli %select_n3A_2498, %mul3A_2499 : i32
      %sub3A_2501 = arith.subi %squeeze3A_2474, %mul3A_2500 : i32
      %broadcast_in_dim3A_2502 = vector.broadcast %sub3A_2501 : i32 to vector<16xi32>
      %gather3A_2503 = arith.constant 1 : i32
      %gather3A_2504 = arith.constant 0 : i32
      %gather3A_2505 = arith.constant 0 : i32
      %gather3A_2506 = tpu.memref_slice %arg9[%gather3A_2503, %gather3A_2504, %gather3A_2505] : memref<8x16x128xf32, #tpu.memory_space<vmem>> -> memref<1x16x128xf32, #tpu.memory_space<vmem>>
      %gather3A_2507 = tpu.memref_squeeze %gather3A_2506 : memref<1x16x128xf32, #tpu.memory_space<vmem>> -> memref<16x128xf32, #tpu.memory_space<vmem>>
      %gather3A_2508 = tpu.vector_load_idx %gather3A_2507[%iota3A, %broadcast_in_dim3A_2502] : memref<16x128xf32, #tpu.memory_space<vmem>>[vector<16xi32>, vector<16xi32>], vector<16xf32>,
      %slice3A_2509 = vector.extract_strided_slice %scan3A_678 {offsets = [10], sizes = [1], strides = [1]} : vector<16xi32> to vector<1xi32>
      %squeeze3A_2510 = vector.extract %slice3A_2509[0] : i32 from vector<1xi32>
      %jit3A_2511 = arith.constant 128 : i32
      %div3A_2512 = arith.divsi %squeeze3A_2510, %jit3A_2511 : i32
      %sign3A_2513 = arith.constant 0 : i32
      %sign3A_2514 = arith.cmpi sgt, %squeeze3A_2510, %sign3A_2513 : i32
      %sign3A_2515 = arith.extui %sign3A_2514 : i1 to i32
      %sign3A_2516 = arith.constant 0 : i32
      %sign3A_2517 = arith.cmpi slt, %squeeze3A_2510, %sign3A_2516 : i32
      %sign3A_2518 = arith.extui %sign3A_2517 : i1 to i32
      %sign3A_2519 = arith.subi %sign3A_2515, %sign3A_2518 : i32
      %sign3A_2520 = arith.constant 0 : i32
      %sign3A_2521 = arith.cmpi sgt, %jit3A_2511, %sign3A_2520 : i32
      %sign3A_2522 = arith.extui %sign3A_2521 : i1 to i32
      %sign3A_2523 = arith.constant 0 : i32
      %sign3A_2524 = arith.cmpi slt, %jit3A_2511, %sign3A_2523 : i32
      %sign3A_2525 = arith.extui %sign3A_2524 : i1 to i32
      %sign3A_2526 = arith.subi %sign3A_2522, %sign3A_2525 : i32
      %ne3A_2527 = arith.cmpi ne, %sign3A_2519, %sign3A_2526 : i32
      %rem3A_2528 = arith.remsi %squeeze3A_2510, %jit3A_2511 : i32
      %ne3A_2529 = arith.constant 0 : i32
      %ne3A_2530 = arith.cmpi ne, %rem3A_2528, %ne3A_2529 : i32
      %and3A_2531 = arith.andi %ne3A_2527, %ne3A_2530 : i1
      %sub3A_2532 = arith.constant 1 : i32
      %sub3A_2533 = arith.subi %div3A_2512, %sub3A_2532 : i32
      %select_n3A_2534 = arith.select %and3A_2531, %sub3A_2533, %div3A_2512 : i32
      %mul3A_2535 = arith.constant 128 : i32
      %mul3A_2536 = arith.muli %select_n3A_2534, %mul3A_2535 : i32
      %sub3A_2537 = arith.subi %squeeze3A_2510, %mul3A_2536 : i32
      %broadcast_in_dim3A_2538 = vector.broadcast %sub3A_2537 : i32 to vector<16xi32>
      %gather3A_2539 = arith.constant 2 : i32
      %gather3A_2540 = arith.constant 0 : i32
      %gather3A_2541 = arith.constant 0 : i32
      %gather3A_2542 = tpu.memref_slice %arg9[%gather3A_2539, %gather3A_2540, %gather3A_2541] : memref<8x16x128xf32, #tpu.memory_space<vmem>> -> memref<1x16x128xf32, #tpu.memory_space<vmem>>
      %gather3A_2543 = tpu.memref_squeeze %gather3A_2542 : memref<1x16x128xf32, #tpu.memory_space<vmem>> -> memref<16x128xf32, #tpu.memory_space<vmem>>
      %gather3A_2544 = tpu.vector_load_idx %gather3A_2543[%iota3A, %broadcast_in_dim3A_2538] : memref<16x128xf32, #tpu.memory_space<vmem>>[vector<16xi32>, vector<16xi32>], vector<16xf32>,
      %slice3A_2545 = vector.extract_strided_slice %scan3A_678 {offsets = [11], sizes = [1], strides = [1]} : vector<16xi32> to vector<1xi32>
      %squeeze3A_2546 = vector.extract %slice3A_2545[0] : i32 from vector<1xi32>
      %jit3A_2547 = arith.constant 128 : i32
      %div3A_2548 = arith.divsi %squeeze3A_2546, %jit3A_2547 : i32
      %sign3A_2549 = arith.constant 0 : i32
      %sign3A_2550 = arith.cmpi sgt, %squeeze3A_2546, %sign3A_2549 : i32
      %sign3A_2551 = arith.extui %sign3A_2550 : i1 to i32
      %sign3A_2552 = arith.constant 0 : i32
      %sign3A_2553 = arith.cmpi slt, %squeeze3A_2546, %sign3A_2552 : i32
      %sign3A_2554 = arith.extui %sign3A_2553 : i1 to i32
      %sign3A_2555 = arith.subi %sign3A_2551, %sign3A_2554 : i32
      %sign3A_2556 = arith.constant 0 : i32
      %sign3A_2557 = arith.cmpi sgt, %jit3A_2547, %sign3A_2556 : i32
      %sign3A_2558 = arith.extui %sign3A_2557 : i1 to i32
      %sign3A_2559 = arith.constant 0 : i32
      %sign3A_2560 = arith.cmpi slt, %jit3A_2547, %sign3A_2559 : i32
      %sign3A_2561 = arith.extui %sign3A_2560 : i1 to i32
      %sign3A_2562 = arith.subi %sign3A_2558, %sign3A_2561 : i32
      %ne3A_2563 = arith.cmpi ne, %sign3A_2555, %sign3A_2562 : i32
      %rem3A_2564 = arith.remsi %squeeze3A_2546, %jit3A_2547 : i32
      %ne3A_2565 = arith.constant 0 : i32
      %ne3A_2566 = arith.cmpi ne, %rem3A_2564, %ne3A_2565 : i32
      %and3A_2567 = arith.andi %ne3A_2563, %ne3A_2566 : i1
      %sub3A_2568 = arith.constant 1 : i32
      %sub3A_2569 = arith.subi %div3A_2548, %sub3A_2568 : i32
      %select_n3A_2570 = arith.select %and3A_2567, %sub3A_2569, %div3A_2548 : i32
      %mul3A_2571 = arith.constant 128 : i32
      %mul3A_2572 = arith.muli %select_n3A_2570, %mul3A_2571 : i32
      %sub3A_2573 = arith.subi %squeeze3A_2546, %mul3A_2572 : i32
      %broadcast_in_dim3A_2574 = vector.broadcast %sub3A_2573 : i32 to vector<16xi32>
      %gather3A_2575 = arith.constant 3 : i32
      %gather3A_2576 = arith.constant 0 : i32
      %gather3A_2577 = arith.constant 0 : i32
      %gather3A_2578 = tpu.memref_slice %arg9[%gather3A_2575, %gather3A_2576, %gather3A_2577] : memref<8x16x128xf32, #tpu.memory_space<vmem>> -> memref<1x16x128xf32, #tpu.memory_space<vmem>>
      %gather3A_2579 = tpu.memref_squeeze %gather3A_2578 : memref<1x16x128xf32, #tpu.memory_space<vmem>> -> memref<16x128xf32, #tpu.memory_space<vmem>>
      %gather3A_2580 = tpu.vector_load_idx %gather3A_2579[%iota3A, %broadcast_in_dim3A_2574] : memref<16x128xf32, #tpu.memory_space<vmem>>[vector<16xi32>, vector<16xi32>], vector<16xf32>,
      %slice3A_2581 = vector.extract_strided_slice %scan3A_678 {offsets = [12], sizes = [1], strides = [1]} : vector<16xi32> to vector<1xi32>
      %squeeze3A_2582 = vector.extract %slice3A_2581[0] : i32 from vector<1xi32>
      %jit3A_2583 = arith.constant 128 : i32
      %div3A_2584 = arith.divsi %squeeze3A_2582, %jit3A_2583 : i32
      %sign3A_2585 = arith.constant 0 : i32
      %sign3A_2586 = arith.cmpi sgt, %squeeze3A_2582, %sign3A_2585 : i32
      %sign3A_2587 = arith.extui %sign3A_2586 : i1 to i32
      %sign3A_2588 = arith.constant 0 : i32
      %sign3A_2589 = arith.cmpi slt, %squeeze3A_2582, %sign3A_2588 : i32
      %sign3A_2590 = arith.extui %sign3A_2589 : i1 to i32
      %sign3A_2591 = arith.subi %sign3A_2587, %sign3A_2590 : i32
      %sign3A_2592 = arith.constant 0 : i32
      %sign3A_2593 = arith.cmpi sgt, %jit3A_2583, %sign3A_2592 : i32
      %sign3A_2594 = arith.extui %sign3A_2593 : i1 to i32
      %sign3A_2595 = arith.constant 0 : i32
      %sign3A_2596 = arith.cmpi slt, %jit3A_2583, %sign3A_2595 : i32
      %sign3A_2597 = arith.extui %sign3A_2596 : i1 to i32
      %sign3A_2598 = arith.subi %sign3A_2594, %sign3A_2597 : i32
      %ne3A_2599 = arith.cmpi ne, %sign3A_2591, %sign3A_2598 : i32
      %rem3A_2600 = arith.remsi %squeeze3A_2582, %jit3A_2583 : i32
      %ne3A_2601 = arith.constant 0 : i32
      %ne3A_2602 = arith.cmpi ne, %rem3A_2600, %ne3A_2601 : i32
      %and3A_2603 = arith.andi %ne3A_2599, %ne3A_2602 : i1
      %sub3A_2604 = arith.constant 1 : i32
      %sub3A_2605 = arith.subi %div3A_2584, %sub3A_2604 : i32
      %select_n3A_2606 = arith.select %and3A_2603, %sub3A_2605, %div3A_2584 : i32
      %mul3A_2607 = arith.constant 128 : i32
      %mul3A_2608 = arith.muli %select_n3A_2606, %mul3A_2607 : i32
      %sub3A_2609 = arith.subi %squeeze3A_2582, %mul3A_2608 : i32
      %broadcast_in_dim3A_2610 = vector.broadcast %sub3A_2609 : i32 to vector<16xi32>
      %gather3A_2611 = arith.constant 4 : i32
      %gather3A_2612 = arith.constant 0 : i32
      %gather3A_2613 = arith.constant 0 : i32
      %gather3A_2614 = tpu.memref_slice %arg9[%gather3A_2611, %gather3A_2612, %gather3A_2613] : memref<8x16x128xf32, #tpu.memory_space<vmem>> -> memref<1x16x128xf32, #tpu.memory_space<vmem>>
      %gather3A_2615 = tpu.memref_squeeze %gather3A_2614 : memref<1x16x128xf32, #tpu.memory_space<vmem>> -> memref<16x128xf32, #tpu.memory_space<vmem>>
      %gather3A_2616 = tpu.vector_load_idx %gather3A_2615[%iota3A, %broadcast_in_dim3A_2610] : memref<16x128xf32, #tpu.memory_space<vmem>>[vector<16xi32>, vector<16xi32>], vector<16xf32>,
      %slice3A_2617 = vector.extract_strided_slice %scan3A_678 {offsets = [13], sizes = [1], strides = [1]} : vector<16xi32> to vector<1xi32>
      %squeeze3A_2618 = vector.extract %slice3A_2617[0] : i32 from vector<1xi32>
      %jit3A_2619 = arith.constant 128 : i32
      %div3A_2620 = arith.divsi %squeeze3A_2618, %jit3A_2619 : i32
      %sign3A_2621 = arith.constant 0 : i32
      %sign3A_2622 = arith.cmpi sgt, %squeeze3A_2618, %sign3A_2621 : i32
      %sign3A_2623 = arith.extui %sign3A_2622 : i1 to i32
      %sign3A_2624 = arith.constant 0 : i32
      %sign3A_2625 = arith.cmpi slt, %squeeze3A_2618, %sign3A_2624 : i32
      %sign3A_2626 = arith.extui %sign3A_2625 : i1 to i32
      %sign3A_2627 = arith.subi %sign3A_2623, %sign3A_2626 : i32
      %sign3A_2628 = arith.constant 0 : i32
      %sign3A_2629 = arith.cmpi sgt, %jit3A_2619, %sign3A_2628 : i32
      %sign3A_2630 = arith.extui %sign3A_2629 : i1 to i32
      %sign3A_2631 = arith.constant 0 : i32
      %sign3A_2632 = arith.cmpi slt, %jit3A_2619, %sign3A_2631 : i32
      %sign3A_2633 = arith.extui %sign3A_2632 : i1 to i32
      %sign3A_2634 = arith.subi %sign3A_2630, %sign3A_2633 : i32
      %ne3A_2635 = arith.cmpi ne, %sign3A_2627, %sign3A_2634 : i32
      %rem3A_2636 = arith.remsi %squeeze3A_2618, %jit3A_2619 : i32
      %ne3A_2637 = arith.constant 0 : i32
      %ne3A_2638 = arith.cmpi ne, %rem3A_2636, %ne3A_2637 : i32
      %and3A_2639 = arith.andi %ne3A_2635, %ne3A_2638 : i1
      %sub3A_2640 = arith.constant 1 : i32
      %sub3A_2641 = arith.subi %div3A_2620, %sub3A_2640 : i32
      %select_n3A_2642 = arith.select %and3A_2639, %sub3A_2641, %div3A_2620 : i32
      %mul3A_2643 = arith.constant 128 : i32
      %mul3A_2644 = arith.muli %select_n3A_2642, %mul3A_2643 : i32
      %sub3A_2645 = arith.subi %squeeze3A_2618, %mul3A_2644 : i32
      %broadcast_in_dim3A_2646 = vector.broadcast %sub3A_2645 : i32 to vector<16xi32>
      %gather3A_2647 = arith.constant 5 : i32
      %gather3A_2648 = arith.constant 0 : i32
      %gather3A_2649 = arith.constant 0 : i32
      %gather3A_2650 = tpu.memref_slice %arg9[%gather3A_2647, %gather3A_2648, %gather3A_2649] : memref<8x16x128xf32, #tpu.memory_space<vmem>> -> memref<1x16x128xf32, #tpu.memory_space<vmem>>
      %gather3A_2651 = tpu.memref_squeeze %gather3A_2650 : memref<1x16x128xf32, #tpu.memory_space<vmem>> -> memref<16x128xf32, #tpu.memory_space<vmem>>
      %gather3A_2652 = tpu.vector_load_idx %gather3A_2651[%iota3A, %broadcast_in_dim3A_2646] : memref<16x128xf32, #tpu.memory_space<vmem>>[vector<16xi32>, vector<16xi32>], vector<16xf32>,
      %slice3A_2653 = vector.extract_strided_slice %scan3A_678 {offsets = [14], sizes = [1], strides = [1]} : vector<16xi32> to vector<1xi32>
      %squeeze3A_2654 = vector.extract %slice3A_2653[0] : i32 from vector<1xi32>
      %jit3A_2655 = arith.constant 128 : i32
      %div3A_2656 = arith.divsi %squeeze3A_2654, %jit3A_2655 : i32
      %sign3A_2657 = arith.constant 0 : i32
      %sign3A_2658 = arith.cmpi sgt, %squeeze3A_2654, %sign3A_2657 : i32
      %sign3A_2659 = arith.extui %sign3A_2658 : i1 to i32
      %sign3A_2660 = arith.constant 0 : i32
      %sign3A_2661 = arith.cmpi slt, %squeeze3A_2654, %sign3A_2660 : i32
      %sign3A_2662 = arith.extui %sign3A_2661 : i1 to i32
      %sign3A_2663 = arith.subi %sign3A_2659, %sign3A_2662 : i32
      %sign3A_2664 = arith.constant 0 : i32
      %sign3A_2665 = arith.cmpi sgt, %jit3A_2655, %sign3A_2664 : i32
      %sign3A_2666 = arith.extui %sign3A_2665 : i1 to i32
      %sign3A_2667 = arith.constant 0 : i32
      %sign3A_2668 = arith.cmpi slt, %jit3A_2655, %sign3A_2667 : i32
      %sign3A_2669 = arith.extui %sign3A_2668 : i1 to i32
      %sign3A_2670 = arith.subi %sign3A_2666, %sign3A_2669 : i32
      %ne3A_2671 = arith.cmpi ne, %sign3A_2663, %sign3A_2670 : i32
      %rem3A_2672 = arith.remsi %squeeze3A_2654, %jit3A_2655 : i32
      %ne3A_2673 = arith.constant 0 : i32
      %ne3A_2674 = arith.cmpi ne, %rem3A_2672, %ne3A_2673 : i32
      %and3A_2675 = arith.andi %ne3A_2671, %ne3A_2674 : i1
      %sub3A_2676 = arith.constant 1 : i32
      %sub3A_2677 = arith.subi %div3A_2656, %sub3A_2676 : i32
      %select_n3A_2678 = arith.select %and3A_2675, %sub3A_2677, %div3A_2656 : i32
      %mul3A_2679 = arith.constant 128 : i32
      %mul3A_2680 = arith.muli %select_n3A_2678, %mul3A_2679 : i32
      %sub3A_2681 = arith.subi %squeeze3A_2654, %mul3A_2680 : i32
      %broadcast_in_dim3A_2682 = vector.broadcast %sub3A_2681 : i32 to vector<16xi32>
      %gather3A_2683 = arith.constant 6 : i32
      %gather3A_2684 = arith.constant 0 : i32
      %gather3A_2685 = arith.constant 0 : i32
      %gather3A_2686 = tpu.memref_slice %arg9[%gather3A_2683, %gather3A_2684, %gather3A_2685] : memref<8x16x128xf32, #tpu.memory_space<vmem>> -> memref<1x16x128xf32, #tpu.memory_space<vmem>>
      %gather3A_2687 = tpu.memref_squeeze %gather3A_2686 : memref<1x16x128xf32, #tpu.memory_space<vmem>> -> memref<16x128xf32, #tpu.memory_space<vmem>>
      %gather3A_2688 = tpu.vector_load_idx %gather3A_2687[%iota3A, %broadcast_in_dim3A_2682] : memref<16x128xf32, #tpu.memory_space<vmem>>[vector<16xi32>, vector<16xi32>], vector<16xf32>,
      %slice3A_2689 = vector.extract_strided_slice %scan3A_678 {offsets = [15], sizes = [1], strides = [1]} : vector<16xi32> to vector<1xi32>
      %squeeze3A_2690 = vector.extract %slice3A_2689[0] : i32 from vector<1xi32>
      %jit3A_2691 = arith.constant 128 : i32
      %div3A_2692 = arith.divsi %squeeze3A_2690, %jit3A_2691 : i32
      %sign3A_2693 = arith.constant 0 : i32
      %sign3A_2694 = arith.cmpi sgt, %squeeze3A_2690, %sign3A_2693 : i32
      %sign3A_2695 = arith.extui %sign3A_2694 : i1 to i32
      %sign3A_2696 = arith.constant 0 : i32
      %sign3A_2697 = arith.cmpi slt, %squeeze3A_2690, %sign3A_2696 : i32
      %sign3A_2698 = arith.extui %sign3A_2697 : i1 to i32
      %sign3A_2699 = arith.subi %sign3A_2695, %sign3A_2698 : i32
      %sign3A_2700 = arith.constant 0 : i32
      %sign3A_2701 = arith.cmpi sgt, %jit3A_2691, %sign3A_2700 : i32
      %sign3A_2702 = arith.extui %sign3A_2701 : i1 to i32
      %sign3A_2703 = arith.constant 0 : i32
      %sign3A_2704 = arith.cmpi slt, %jit3A_2691, %sign3A_2703 : i32
      %sign3A_2705 = arith.extui %sign3A_2704 : i1 to i32
      %sign3A_2706 = arith.subi %sign3A_2702, %sign3A_2705 : i32
      %ne3A_2707 = arith.cmpi ne, %sign3A_2699, %sign3A_2706 : i32
      %rem3A_2708 = arith.remsi %squeeze3A_2690, %jit3A_2691 : i32
      %ne3A_2709 = arith.constant 0 : i32
      %ne3A_2710 = arith.cmpi ne, %rem3A_2708, %ne3A_2709 : i32
      %and3A_2711 = arith.andi %ne3A_2707, %ne3A_2710 : i1
      %sub3A_2712 = arith.constant 1 : i32
      %sub3A_2713 = arith.subi %div3A_2692, %sub3A_2712 : i32
      %select_n3A_2714 = arith.select %and3A_2711, %sub3A_2713, %div3A_2692 : i32
      %mul3A_2715 = arith.constant 128 : i32
      %mul3A_2716 = arith.muli %select_n3A_2714, %mul3A_2715 : i32
      %sub3A_2717 = arith.subi %squeeze3A_2690, %mul3A_2716 : i32
      %broadcast_in_dim3A_2718 = vector.broadcast %sub3A_2717 : i32 to vector<16xi32>
      %gather3A_2719 = arith.constant 7 : i32
      %gather3A_2720 = arith.constant 0 : i32
      %gather3A_2721 = arith.constant 0 : i32
      %gather3A_2722 = tpu.memref_slice %arg9[%gather3A_2719, %gather3A_2720, %gather3A_2721] : memref<8x16x128xf32, #tpu.memory_space<vmem>> -> memref<1x16x128xf32, #tpu.memory_space<vmem>>
      %gather3A_2723 = tpu.memref_squeeze %gather3A_2722 : memref<1x16x128xf32, #tpu.memory_space<vmem>> -> memref<16x128xf32, #tpu.memory_space<vmem>>
      %gather3A_2724 = tpu.vector_load_idx %gather3A_2723[%iota3A, %broadcast_in_dim3A_2718] : memref<16x128xf32, #tpu.memory_space<vmem>>[vector<16xi32>, vector<16xi32>], vector<16xf32>,
      %slice3A_2725 = vector.extract_strided_slice %scan3A_679 {offsets = [8], sizes = [1], strides = [1]} : vector<16xi32> to vector<1xi32>
      %squeeze3A_2726 = vector.extract %slice3A_2725[0] : i32 from vector<1xi32>
      %jit3A_2727 = arith.constant 128 : i32
      %div3A_2728 = arith.divsi %squeeze3A_2726, %jit3A_2727 : i32
      %sign3A_2729 = arith.constant 0 : i32
      %sign3A_2730 = arith.cmpi sgt, %squeeze3A_2726, %sign3A_2729 : i32
      %sign3A_2731 = arith.extui %sign3A_2730 : i1 to i32
      %sign3A_2732 = arith.constant 0 : i32
      %sign3A_2733 = arith.cmpi slt, %squeeze3A_2726, %sign3A_2732 : i32
      %sign3A_2734 = arith.extui %sign3A_2733 : i1 to i32
      %sign3A_2735 = arith.subi %sign3A_2731, %sign3A_2734 : i32
      %sign3A_2736 = arith.constant 0 : i32
      %sign3A_2737 = arith.cmpi sgt, %jit3A_2727, %sign3A_2736 : i32
      %sign3A_2738 = arith.extui %sign3A_2737 : i1 to i32
      %sign3A_2739 = arith.constant 0 : i32
      %sign3A_2740 = arith.cmpi slt, %jit3A_2727, %sign3A_2739 : i32
      %sign3A_2741 = arith.extui %sign3A_2740 : i1 to i32
      %sign3A_2742 = arith.subi %sign3A_2738, %sign3A_2741 : i32
      %ne3A_2743 = arith.cmpi ne, %sign3A_2735, %sign3A_2742 : i32
      %rem3A_2744 = arith.remsi %squeeze3A_2726, %jit3A_2727 : i32
      %ne3A_2745 = arith.constant 0 : i32
      %ne3A_2746 = arith.cmpi ne, %rem3A_2744, %ne3A_2745 : i32
      %and3A_2747 = arith.andi %ne3A_2743, %ne3A_2746 : i1
      %sub3A_2748 = arith.constant 1 : i32
      %sub3A_2749 = arith.subi %div3A_2728, %sub3A_2748 : i32
      %select_n3A_2750 = arith.select %and3A_2747, %sub3A_2749, %div3A_2728 : i32
      %mul3A_2751 = arith.constant 128 : i32
      %mul3A_2752 = arith.muli %select_n3A_2750, %mul3A_2751 : i32
      %sub3A_2753 = arith.subi %squeeze3A_2726, %mul3A_2752 : i32
      %broadcast_in_dim3A_2754 = vector.broadcast %sub3A_2753 : i32 to vector<16xi32>
      %gather3A_2755 = arith.constant 0 : i32
      %gather3A_2756 = arith.constant 0 : i32
      %gather3A_2757 = arith.constant 0 : i32
      %gather3A_2758 = tpu.memref_slice %arg11[%gather3A_2755, %gather3A_2756, %gather3A_2757] : memref<8x16x128xf32, #tpu.memory_space<vmem>> -> memref<1x16x128xf32, #tpu.memory_space<vmem>>
      %gather3A_2759 = tpu.memref_squeeze %gather3A_2758 : memref<1x16x128xf32, #tpu.memory_space<vmem>> -> memref<16x128xf32, #tpu.memory_space<vmem>>
      %gather3A_2760 = tpu.vector_load_idx %gather3A_2759[%iota3A, %broadcast_in_dim3A_2754] : memref<16x128xf32, #tpu.memory_space<vmem>>[vector<16xi32>, vector<16xi32>], vector<16xf32>,
      %mul3A_2761 = arith.mulf %gather3A_2472, %gather3A_2760 : vector<16xf32>
      %add3A_2762 = arith.addf %add3A_2181, %mul3A_2761 : vector<16xf32>
      %slice3A_2763 = vector.extract_strided_slice %scan3A_679 {offsets = [9], sizes = [1], strides = [1]} : vector<16xi32> to vector<1xi32>
      %squeeze3A_2764 = vector.extract %slice3A_2763[0] : i32 from vector<1xi32>
      %jit3A_2765 = arith.constant 128 : i32
      %div3A_2766 = arith.divsi %squeeze3A_2764, %jit3A_2765 : i32
      %sign3A_2767 = arith.constant 0 : i32
      %sign3A_2768 = arith.cmpi sgt, %squeeze3A_2764, %sign3A_2767 : i32
      %sign3A_2769 = arith.extui %sign3A_2768 : i1 to i32
      %sign3A_2770 = arith.constant 0 : i32
      %sign3A_2771 = arith.cmpi slt, %squeeze3A_2764, %sign3A_2770 : i32
      %sign3A_2772 = arith.extui %sign3A_2771 : i1 to i32
      %sign3A_2773 = arith.subi %sign3A_2769, %sign3A_2772 : i32
      %sign3A_2774 = arith.constant 0 : i32
      %sign3A_2775 = arith.cmpi sgt, %jit3A_2765, %sign3A_2774 : i32
      %sign3A_2776 = arith.extui %sign3A_2775 : i1 to i32
      %sign3A_2777 = arith.constant 0 : i32
      %sign3A_2778 = arith.cmpi slt, %jit3A_2765, %sign3A_2777 : i32
      %sign3A_2779 = arith.extui %sign3A_2778 : i1 to i32
      %sign3A_2780 = arith.subi %sign3A_2776, %sign3A_2779 : i32
      %ne3A_2781 = arith.cmpi ne, %sign3A_2773, %sign3A_2780 : i32
      %rem3A_2782 = arith.remsi %squeeze3A_2764, %jit3A_2765 : i32
      %ne3A_2783 = arith.constant 0 : i32
      %ne3A_2784 = arith.cmpi ne, %rem3A_2782, %ne3A_2783 : i32
      %and3A_2785 = arith.andi %ne3A_2781, %ne3A_2784 : i1
      %sub3A_2786 = arith.constant 1 : i32
      %sub3A_2787 = arith.subi %div3A_2766, %sub3A_2786 : i32
      %select_n3A_2788 = arith.select %and3A_2785, %sub3A_2787, %div3A_2766 : i32
      %mul3A_2789 = arith.constant 128 : i32
      %mul3A_2790 = arith.muli %select_n3A_2788, %mul3A_2789 : i32
      %sub3A_2791 = arith.subi %squeeze3A_2764, %mul3A_2790 : i32
      %broadcast_in_dim3A_2792 = vector.broadcast %sub3A_2791 : i32 to vector<16xi32>
      %gather3A_2793 = arith.constant 1 : i32
      %gather3A_2794 = arith.constant 0 : i32
      %gather3A_2795 = arith.constant 0 : i32
      %gather3A_2796 = tpu.memref_slice %arg11[%gather3A_2793, %gather3A_2794, %gather3A_2795] : memref<8x16x128xf32, #tpu.memory_space<vmem>> -> memref<1x16x128xf32, #tpu.memory_space<vmem>>
      %gather3A_2797 = tpu.memref_squeeze %gather3A_2796 : memref<1x16x128xf32, #tpu.memory_space<vmem>> -> memref<16x128xf32, #tpu.memory_space<vmem>>
      %gather3A_2798 = tpu.vector_load_idx %gather3A_2797[%iota3A, %broadcast_in_dim3A_2792] : memref<16x128xf32, #tpu.memory_space<vmem>>[vector<16xi32>, vector<16xi32>], vector<16xf32>,
      %mul3A_2799 = arith.mulf %gather3A_2508, %gather3A_2798 : vector<16xf32>
      %add3A_2800 = arith.addf %add3A_2762, %mul3A_2799 : vector<16xf32>
      %slice3A_2801 = vector.extract_strided_slice %scan3A_679 {offsets = [10], sizes = [1], strides = [1]} : vector<16xi32> to vector<1xi32>
      %squeeze3A_2802 = vector.extract %slice3A_2801[0] : i32 from vector<1xi32>
      %jit3A_2803 = arith.constant 128 : i32
      %div3A_2804 = arith.divsi %squeeze3A_2802, %jit3A_2803 : i32
      %sign3A_2805 = arith.constant 0 : i32
      %sign3A_2806 = arith.cmpi sgt, %squeeze3A_2802, %sign3A_2805 : i32
      %sign3A_2807 = arith.extui %sign3A_2806 : i1 to i32
      %sign3A_2808 = arith.constant 0 : i32
      %sign3A_2809 = arith.cmpi slt, %squeeze3A_2802, %sign3A_2808 : i32
      %sign3A_2810 = arith.extui %sign3A_2809 : i1 to i32
      %sign3A_2811 = arith.subi %sign3A_2807, %sign3A_2810 : i32
      %sign3A_2812 = arith.constant 0 : i32
      %sign3A_2813 = arith.cmpi sgt, %jit3A_2803, %sign3A_2812 : i32
      %sign3A_2814 = arith.extui %sign3A_2813 : i1 to i32
      %sign3A_2815 = arith.constant 0 : i32
      %sign3A_2816 = arith.cmpi slt, %jit3A_2803, %sign3A_2815 : i32
      %sign3A_2817 = arith.extui %sign3A_2816 : i1 to i32
      %sign3A_2818 = arith.subi %sign3A_2814, %sign3A_2817 : i32
      %ne3A_2819 = arith.cmpi ne, %sign3A_2811, %sign3A_2818 : i32
      %rem3A_2820 = arith.remsi %squeeze3A_2802, %jit3A_2803 : i32
      %ne3A_2821 = arith.constant 0 : i32
      %ne3A_2822 = arith.cmpi ne, %rem3A_2820, %ne3A_2821 : i32
      %and3A_2823 = arith.andi %ne3A_2819, %ne3A_2822 : i1
      %sub3A_2824 = arith.constant 1 : i32
      %sub3A_2825 = arith.subi %div3A_2804, %sub3A_2824 : i32
      %select_n3A_2826 = arith.select %and3A_2823, %sub3A_2825, %div3A_2804 : i32
      %mul3A_2827 = arith.constant 128 : i32
      %mul3A_2828 = arith.muli %select_n3A_2826, %mul3A_2827 : i32
      %sub3A_2829 = arith.subi %squeeze3A_2802, %mul3A_2828 : i32
      %broadcast_in_dim3A_2830 = vector.broadcast %sub3A_2829 : i32 to vector<16xi32>
      %gather3A_2831 = arith.constant 2 : i32
      %gather3A_2832 = arith.constant 0 : i32
      %gather3A_2833 = arith.constant 0 : i32
      %gather3A_2834 = tpu.memref_slice %arg11[%gather3A_2831, %gather3A_2832, %gather3A_2833] : memref<8x16x128xf32, #tpu.memory_space<vmem>> -> memref<1x16x128xf32, #tpu.memory_space<vmem>>
      %gather3A_2835 = tpu.memref_squeeze %gather3A_2834 : memref<1x16x128xf32, #tpu.memory_space<vmem>> -> memref<16x128xf32, #tpu.memory_space<vmem>>
      %gather3A_2836 = tpu.vector_load_idx %gather3A_2835[%iota3A, %broadcast_in_dim3A_2830] : memref<16x128xf32, #tpu.memory_space<vmem>>[vector<16xi32>, vector<16xi32>], vector<16xf32>,
      %mul3A_2837 = arith.mulf %gather3A_2544, %gather3A_2836 : vector<16xf32>
      %add3A_2838 = arith.addf %add3A_2800, %mul3A_2837 : vector<16xf32>
      %slice3A_2839 = vector.extract_strided_slice %scan3A_679 {offsets = [11], sizes = [1], strides = [1]} : vector<16xi32> to vector<1xi32>
      %squeeze3A_2840 = vector.extract %slice3A_2839[0] : i32 from vector<1xi32>
      %jit3A_2841 = arith.constant 128 : i32
      %div3A_2842 = arith.divsi %squeeze3A_2840, %jit3A_2841 : i32
      %sign3A_2843 = arith.constant 0 : i32
      %sign3A_2844 = arith.cmpi sgt, %squeeze3A_2840, %sign3A_2843 : i32
      %sign3A_2845 = arith.extui %sign3A_2844 : i1 to i32
      %sign3A_2846 = arith.constant 0 : i32
      %sign3A_2847 = arith.cmpi slt, %squeeze3A_2840, %sign3A_2846 : i32
      %sign3A_2848 = arith.extui %sign3A_2847 : i1 to i32
      %sign3A_2849 = arith.subi %sign3A_2845, %sign3A_2848 : i32
      %sign3A_2850 = arith.constant 0 : i32
      %sign3A_2851 = arith.cmpi sgt, %jit3A_2841, %sign3A_2850 : i32
      %sign3A_2852 = arith.extui %sign3A_2851 : i1 to i32
      %sign3A_2853 = arith.constant 0 : i32
      %sign3A_2854 = arith.cmpi slt, %jit3A_2841, %sign3A_2853 : i32
      %sign3A_2855 = arith.extui %sign3A_2854 : i1 to i32
      %sign3A_2856 = arith.subi %sign3A_2852, %sign3A_2855 : i32
      %ne3A_2857 = arith.cmpi ne, %sign3A_2849, %sign3A_2856 : i32
      %rem3A_2858 = arith.remsi %squeeze3A_2840, %jit3A_2841 : i32
      %ne3A_2859 = arith.constant 0 : i32
      %ne3A_2860 = arith.cmpi ne, %rem3A_2858, %ne3A_2859 : i32
      %and3A_2861 = arith.andi %ne3A_2857, %ne3A_2860 : i1
      %sub3A_2862 = arith.constant 1 : i32
      %sub3A_2863 = arith.subi %div3A_2842, %sub3A_2862 : i32
      %select_n3A_2864 = arith.select %and3A_2861, %sub3A_2863, %div3A_2842 : i32
      %mul3A_2865 = arith.constant 128 : i32
      %mul3A_2866 = arith.muli %select_n3A_2864, %mul3A_2865 : i32
      %sub3A_2867 = arith.subi %squeeze3A_2840, %mul3A_2866 : i32
      %broadcast_in_dim3A_2868 = vector.broadcast %sub3A_2867 : i32 to vector<16xi32>
      %gather3A_2869 = arith.constant 3 : i32
      %gather3A_2870 = arith.constant 0 : i32
      %gather3A_2871 = arith.constant 0 : i32
      %gather3A_2872 = tpu.memref_slice %arg11[%gather3A_2869, %gather3A_2870, %gather3A_2871] : memref<8x16x128xf32, #tpu.memory_space<vmem>> -> memref<1x16x128xf32, #tpu.memory_space<vmem>>
      %gather3A_2873 = tpu.memref_squeeze %gather3A_2872 : memref<1x16x128xf32, #tpu.memory_space<vmem>> -> memref<16x128xf32, #tpu.memory_space<vmem>>
      %gather3A_2874 = tpu.vector_load_idx %gather3A_2873[%iota3A, %broadcast_in_dim3A_2868] : memref<16x128xf32, #tpu.memory_space<vmem>>[vector<16xi32>, vector<16xi32>], vector<16xf32>,
      %mul3A_2875 = arith.mulf %gather3A_2580, %gather3A_2874 : vector<16xf32>
      %add3A_2876 = arith.addf %add3A_2838, %mul3A_2875 : vector<16xf32>
      %slice3A_2877 = vector.extract_strided_slice %scan3A_679 {offsets = [12], sizes = [1], strides = [1]} : vector<16xi32> to vector<1xi32>
      %squeeze3A_2878 = vector.extract %slice3A_2877[0] : i32 from vector<1xi32>
      %jit3A_2879 = arith.constant 128 : i32
      %div3A_2880 = arith.divsi %squeeze3A_2878, %jit3A_2879 : i32
      %sign3A_2881 = arith.constant 0 : i32
      %sign3A_2882 = arith.cmpi sgt, %squeeze3A_2878, %sign3A_2881 : i32
      %sign3A_2883 = arith.extui %sign3A_2882 : i1 to i32
      %sign3A_2884 = arith.constant 0 : i32
      %sign3A_2885 = arith.cmpi slt, %squeeze3A_2878, %sign3A_2884 : i32
      %sign3A_2886 = arith.extui %sign3A_2885 : i1 to i32
      %sign3A_2887 = arith.subi %sign3A_2883, %sign3A_2886 : i32
      %sign3A_2888 = arith.constant 0 : i32
      %sign3A_2889 = arith.cmpi sgt, %jit3A_2879, %sign3A_2888 : i32
      %sign3A_2890 = arith.extui %sign3A_2889 : i1 to i32
      %sign3A_2891 = arith.constant 0 : i32
      %sign3A_2892 = arith.cmpi slt, %jit3A_2879, %sign3A_2891 : i32
      %sign3A_2893 = arith.extui %sign3A_2892 : i1 to i32
      %sign3A_2894 = arith.subi %sign3A_2890, %sign3A_2893 : i32
      %ne3A_2895 = arith.cmpi ne, %sign3A_2887, %sign3A_2894 : i32
      %rem3A_2896 = arith.remsi %squeeze3A_2878, %jit3A_2879 : i32
      %ne3A_2897 = arith.constant 0 : i32
      %ne3A_2898 = arith.cmpi ne, %rem3A_2896, %ne3A_2897 : i32
      %and3A_2899 = arith.andi %ne3A_2895, %ne3A_2898 : i1
      %sub3A_2900 = arith.constant 1 : i32
      %sub3A_2901 = arith.subi %div3A_2880, %sub3A_2900 : i32
      %select_n3A_2902 = arith.select %and3A_2899, %sub3A_2901, %div3A_2880 : i32
      %mul3A_2903 = arith.constant 128 : i32
      %mul3A_2904 = arith.muli %select_n3A_2902, %mul3A_2903 : i32
      %sub3A_2905 = arith.subi %squeeze3A_2878, %mul3A_2904 : i32
      %broadcast_in_dim3A_2906 = vector.broadcast %sub3A_2905 : i32 to vector<16xi32>
      %gather3A_2907 = arith.constant 4 : i32
      %gather3A_2908 = arith.constant 0 : i32
      %gather3A_2909 = arith.constant 0 : i32
      %gather3A_2910 = tpu.memref_slice %arg11[%gather3A_2907, %gather3A_2908, %gather3A_2909] : memref<8x16x128xf32, #tpu.memory_space<vmem>> -> memref<1x16x128xf32, #tpu.memory_space<vmem>>
      %gather3A_2911 = tpu.memref_squeeze %gather3A_2910 : memref<1x16x128xf32, #tpu.memory_space<vmem>> -> memref<16x128xf32, #tpu.memory_space<vmem>>
      %gather3A_2912 = tpu.vector_load_idx %gather3A_2911[%iota3A, %broadcast_in_dim3A_2906] : memref<16x128xf32, #tpu.memory_space<vmem>>[vector<16xi32>, vector<16xi32>], vector<16xf32>,
      %mul3A_2913 = arith.mulf %gather3A_2616, %gather3A_2912 : vector<16xf32>
      %add3A_2914 = arith.addf %add3A_2876, %mul3A_2913 : vector<16xf32>
      %slice3A_2915 = vector.extract_strided_slice %scan3A_679 {offsets = [13], sizes = [1], strides = [1]} : vector<16xi32> to vector<1xi32>
      %squeeze3A_2916 = vector.extract %slice3A_2915[0] : i32 from vector<1xi32>
      %jit3A_2917 = arith.constant 128 : i32
      %div3A_2918 = arith.divsi %squeeze3A_2916, %jit3A_2917 : i32
      %sign3A_2919 = arith.constant 0 : i32
      %sign3A_2920 = arith.cmpi sgt, %squeeze3A_2916, %sign3A_2919 : i32
      %sign3A_2921 = arith.extui %sign3A_2920 : i1 to i32
      %sign3A_2922 = arith.constant 0 : i32
      %sign3A_2923 = arith.cmpi slt, %squeeze3A_2916, %sign3A_2922 : i32
      %sign3A_2924 = arith.extui %sign3A_2923 : i1 to i32
      %sign3A_2925 = arith.subi %sign3A_2921, %sign3A_2924 : i32
      %sign3A_2926 = arith.constant 0 : i32
      %sign3A_2927 = arith.cmpi sgt, %jit3A_2917, %sign3A_2926 : i32
      %sign3A_2928 = arith.extui %sign3A_2927 : i1 to i32
      %sign3A_2929 = arith.constant 0 : i32
      %sign3A_2930 = arith.cmpi slt, %jit3A_2917, %sign3A_2929 : i32
      %sign3A_2931 = arith.extui %sign3A_2930 : i1 to i32
      %sign3A_2932 = arith.subi %sign3A_2928, %sign3A_2931 : i32
      %ne3A_2933 = arith.cmpi ne, %sign3A_2925, %sign3A_2932 : i32
      %rem3A_2934 = arith.remsi %squeeze3A_2916, %jit3A_2917 : i32
      %ne3A_2935 = arith.constant 0 : i32
      %ne3A_2936 = arith.cmpi ne, %rem3A_2934, %ne3A_2935 : i32
      %and3A_2937 = arith.andi %ne3A_2933, %ne3A_2936 : i1
      %sub3A_2938 = arith.constant 1 : i32
      %sub3A_2939 = arith.subi %div3A_2918, %sub3A_2938 : i32
      %select_n3A_2940 = arith.select %and3A_2937, %sub3A_2939, %div3A_2918 : i32
      %mul3A_2941 = arith.constant 128 : i32
      %mul3A_2942 = arith.muli %select_n3A_2940, %mul3A_2941 : i32
      %sub3A_2943 = arith.subi %squeeze3A_2916, %mul3A_2942 : i32
      %broadcast_in_dim3A_2944 = vector.broadcast %sub3A_2943 : i32 to vector<16xi32>
      %gather3A_2945 = arith.constant 5 : i32
      %gather3A_2946 = arith.constant 0 : i32
      %gather3A_2947 = arith.constant 0 : i32
      %gather3A_2948 = tpu.memref_slice %arg11[%gather3A_2945, %gather3A_2946, %gather3A_2947] : memref<8x16x128xf32, #tpu.memory_space<vmem>> -> memref<1x16x128xf32, #tpu.memory_space<vmem>>
      %gather3A_2949 = tpu.memref_squeeze %gather3A_2948 : memref<1x16x128xf32, #tpu.memory_space<vmem>> -> memref<16x128xf32, #tpu.memory_space<vmem>>
      %gather3A_2950 = tpu.vector_load_idx %gather3A_2949[%iota3A, %broadcast_in_dim3A_2944] : memref<16x128xf32, #tpu.memory_space<vmem>>[vector<16xi32>, vector<16xi32>], vector<16xf32>,
      %mul3A_2951 = arith.mulf %gather3A_2652, %gather3A_2950 : vector<16xf32>
      %add3A_2952 = arith.addf %add3A_2914, %mul3A_2951 : vector<16xf32>
      %slice3A_2953 = vector.extract_strided_slice %scan3A_679 {offsets = [14], sizes = [1], strides = [1]} : vector<16xi32> to vector<1xi32>
      %squeeze3A_2954 = vector.extract %slice3A_2953[0] : i32 from vector<1xi32>
      %jit3A_2955 = arith.constant 128 : i32
      %div3A_2956 = arith.divsi %squeeze3A_2954, %jit3A_2955 : i32
      %sign3A_2957 = arith.constant 0 : i32
      %sign3A_2958 = arith.cmpi sgt, %squeeze3A_2954, %sign3A_2957 : i32
      %sign3A_2959 = arith.extui %sign3A_2958 : i1 to i32
      %sign3A_2960 = arith.constant 0 : i32
      %sign3A_2961 = arith.cmpi slt, %squeeze3A_2954, %sign3A_2960 : i32
      %sign3A_2962 = arith.extui %sign3A_2961 : i1 to i32
      %sign3A_2963 = arith.subi %sign3A_2959, %sign3A_2962 : i32
      %sign3A_2964 = arith.constant 0 : i32
      %sign3A_2965 = arith.cmpi sgt, %jit3A_2955, %sign3A_2964 : i32
      %sign3A_2966 = arith.extui %sign3A_2965 : i1 to i32
      %sign3A_2967 = arith.constant 0 : i32
      %sign3A_2968 = arith.cmpi slt, %jit3A_2955, %sign3A_2967 : i32
      %sign3A_2969 = arith.extui %sign3A_2968 : i1 to i32
      %sign3A_2970 = arith.subi %sign3A_2966, %sign3A_2969 : i32
      %ne3A_2971 = arith.cmpi ne, %sign3A_2963, %sign3A_2970 : i32
      %rem3A_2972 = arith.remsi %squeeze3A_2954, %jit3A_2955 : i32
      %ne3A_2973 = arith.constant 0 : i32
      %ne3A_2974 = arith.cmpi ne, %rem3A_2972, %ne3A_2973 : i32
      %and3A_2975 = arith.andi %ne3A_2971, %ne3A_2974 : i1
      %sub3A_2976 = arith.constant 1 : i32
      %sub3A_2977 = arith.subi %div3A_2956, %sub3A_2976 : i32
      %select_n3A_2978 = arith.select %and3A_2975, %sub3A_2977, %div3A_2956 : i32
      %mul3A_2979 = arith.constant 128 : i32
      %mul3A_2980 = arith.muli %select_n3A_2978, %mul3A_2979 : i32
      %sub3A_2981 = arith.subi %squeeze3A_2954, %mul3A_2980 : i32
      %broadcast_in_dim3A_2982 = vector.broadcast %sub3A_2981 : i32 to vector<16xi32>
      %gather3A_2983 = arith.constant 6 : i32
      %gather3A_2984 = arith.constant 0 : i32
      %gather3A_2985 = arith.constant 0 : i32
      %gather3A_2986 = tpu.memref_slice %arg11[%gather3A_2983, %gather3A_2984, %gather3A_2985] : memref<8x16x128xf32, #tpu.memory_space<vmem>> -> memref<1x16x128xf32, #tpu.memory_space<vmem>>
      %gather3A_2987 = tpu.memref_squeeze %gather3A_2986 : memref<1x16x128xf32, #tpu.memory_space<vmem>> -> memref<16x128xf32, #tpu.memory_space<vmem>>
      %gather3A_2988 = tpu.vector_load_idx %gather3A_2987[%iota3A, %broadcast_in_dim3A_2982] : memref<16x128xf32, #tpu.memory_space<vmem>>[vector<16xi32>, vector<16xi32>], vector<16xf32>,
      %mul3A_2989 = arith.mulf %gather3A_2688, %gather3A_2988 : vector<16xf32>
      %add3A_2990 = arith.addf %add3A_2952, %mul3A_2989 : vector<16xf32>
      %slice3A_2991 = vector.extract_strided_slice %scan3A_679 {offsets = [15], sizes = [1], strides = [1]} : vector<16xi32> to vector<1xi32>
      %squeeze3A_2992 = vector.extract %slice3A_2991[0] : i32 from vector<1xi32>
      %jit3A_2993 = arith.constant 128 : i32
      %div3A_2994 = arith.divsi %squeeze3A_2992, %jit3A_2993 : i32
      %sign3A_2995 = arith.constant 0 : i32
      %sign3A_2996 = arith.cmpi sgt, %squeeze3A_2992, %sign3A_2995 : i32
      %sign3A_2997 = arith.extui %sign3A_2996 : i1 to i32
      %sign3A_2998 = arith.constant 0 : i32
      %sign3A_2999 = arith.cmpi slt, %squeeze3A_2992, %sign3A_2998 : i32
      %sign3A_3000 = arith.extui %sign3A_2999 : i1 to i32
      %sign3A_3001 = arith.subi %sign3A_2997, %sign3A_3000 : i32
      %sign3A_3002 = arith.constant 0 : i32
      %sign3A_3003 = arith.cmpi sgt, %jit3A_2993, %sign3A_3002 : i32
      %sign3A_3004 = arith.extui %sign3A_3003 : i1 to i32
      %sign3A_3005 = arith.constant 0 : i32
      %sign3A_3006 = arith.cmpi slt, %jit3A_2993, %sign3A_3005 : i32
      %sign3A_3007 = arith.extui %sign3A_3006 : i1 to i32
      %sign3A_3008 = arith.subi %sign3A_3004, %sign3A_3007 : i32
      %ne3A_3009 = arith.cmpi ne, %sign3A_3001, %sign3A_3008 : i32
      %rem3A_3010 = arith.remsi %squeeze3A_2992, %jit3A_2993 : i32
      %ne3A_3011 = arith.constant 0 : i32
      %ne3A_3012 = arith.cmpi ne, %rem3A_3010, %ne3A_3011 : i32
      %and3A_3013 = arith.andi %ne3A_3009, %ne3A_3012 : i1
      %sub3A_3014 = arith.constant 1 : i32
      %sub3A_3015 = arith.subi %div3A_2994, %sub3A_3014 : i32
      %select_n3A_3016 = arith.select %and3A_3013, %sub3A_3015, %div3A_2994 : i32
      %mul3A_3017 = arith.constant 128 : i32
      %mul3A_3018 = arith.muli %select_n3A_3016, %mul3A_3017 : i32
      %sub3A_3019 = arith.subi %squeeze3A_2992, %mul3A_3018 : i32
      %broadcast_in_dim3A_3020 = vector.broadcast %sub3A_3019 : i32 to vector<16xi32>
      %gather3A_3021 = arith.constant 7 : i32
      %gather3A_3022 = arith.constant 0 : i32
      %gather3A_3023 = arith.constant 0 : i32
      %gather3A_3024 = tpu.memref_slice %arg11[%gather3A_3021, %gather3A_3022, %gather3A_3023] : memref<8x16x128xf32, #tpu.memory_space<vmem>> -> memref<1x16x128xf32, #tpu.memory_space<vmem>>
      %gather3A_3025 = tpu.memref_squeeze %gather3A_3024 : memref<1x16x128xf32, #tpu.memory_space<vmem>> -> memref<16x128xf32, #tpu.memory_space<vmem>>
      %gather3A_3026 = tpu.vector_load_idx %gather3A_3025[%iota3A, %broadcast_in_dim3A_3020] : memref<16x128xf32, #tpu.memory_space<vmem>>[vector<16xi32>, vector<16xi32>], vector<16xf32>,
      %mul3A_3027 = arith.mulf %gather3A_2724, %gather3A_3026 : vector<16xf32>
      %add3A_3028 = arith.addf %add3A_2990, %mul3A_3027 : vector<16xf32>
      scf.yield %add3A_3028, %get3A_2188, %get3A_2192 : vector<16xf32>, vector<16xi32>, vector<16xi32>
    }
    %scan3A_672 = arith.constant 32 : i32
    %swap3A = arith.constant 0 : index
    %swap3A_673 = tpu.vector_load %arg12[%swap3A] {strides = array<i32>} : memref<16xf32, #tpu.memory_space<vmem>>, vector<16xf32>,
    tpu.vector_store %arg12[%swap3A], %scan3A_671#0 {strides = array<i32>} : memref<16xf32, #tpu.memory_space<vmem>>, vector<16xf32>,
    %mul3A_674 = arith.constant 16 : i32
    %mul3A_675 = arith.muli %add3A, %mul3A_674 : i32
    "tpu.region"() ({
      %run_scoped3A_676 = tpu.sem_alloc : memref<!tpu.dma_semaphore, #tpu.memory_space<semaphore_mem>>
      %dma_start3A_677 = tpu.memref_slice %arg5[%mul3A_675] : memref<512xf32, #tpu.memory_space<hbm>> -> memref<16xf32, #tpu.memory_space<hbm>>
      %dma_start3A_678 = tpu.memref_slice %arg5[%mul3A_675] : memref<512xf32, #tpu.memory_space<hbm>> -> memref<16xf32, #tpu.memory_space<hbm>>
      tpu.enqueue_dma source(%arg12 : memref<16xf32, #tpu.memory_space<vmem>>) target(%dma_start3A_678 : memref<16xf32, #tpu.memory_space<hbm>>) target_semaphore(%run_scoped3A_676 : memref<!tpu.dma_semaphore, #tpu.memory_space<semaphore_mem>>)
      %dma_wait3A = tpu.memref_slice %arg5[%mul3A_675] : memref<512xf32, #tpu.memory_space<hbm>> -> memref<16xf32, #tpu.memory_space<hbm>>
      %dma_wait3A_679 = tpu.memref_slice %arg5[%mul3A_675] : memref<512xf32, #tpu.memory_space<hbm>> -> memref<16xf32, #tpu.memory_space<hbm>>
      tpu.wait_dma2 semaphore(%run_scoped3A_676 : memref<!tpu.dma_semaphore, #tpu.memory_space<semaphore_mem>>) src(%arg12 : memref<16xf32, #tpu.memory_space<vmem>>) dst(%dma_wait3A_679 : memref<16xf32, #tpu.memory_space<hbm>>)
      tpu.yield
    }) : () -> ()
    return
  }
}

</mosaic_0001>

<sc_bundles>
// kernel: _sc_call.4.cloned.1.call-start
scs
__scs_entry_jumppad:
0x0: {  	(pc) =	sbr.rel $0x88, $3  }
0x1: {  	(tag) =	ssettag $0x0;
	lr =	simm.s32 $0x1  }
0x2: {  	[smem:$0x3F9B] =	sst lr;
	_ =	strace $0xD0000000  }
0x3: {  	_ = 	snop  }
0x4: {  	_ = 	snop  }
0x5: {  	_ = 	snop  }
0x6: {  	_ = 	snop  }
0x7: {  	_ = 	snop  }
__scs_overlays_trampoline_lowered:
0x8: {  	[smem:$0x3FAA] =	sst s0  }
0x9: {  	[smem:$0x3FAB] =	sst s1  }
0xa: {  	[smem:$0x3FAC] =	sst s2  }
0xb: {  	[smem:$0x3FAD] =	sst s3  }
0xc: {  	[smem:$0x3FAE] =	sst s4  }
0xd: {  	[smem:$0x3FAF] =	sst s5  }
0xe: {  	[smem:$0x3FB0] =	sst s6  }
0xf: {  	[smem:$0x3FB1] =	sst s7  }
0x10: {  	[smem:$0x3FB2] =	sst s8  }
0x11: {  	[smem:$0x3FB3] =	sst s9;
	s0 =	simm.s32 @!p0 $0x0  }
0x12: {  	s1 =	sld [smem:$0x3F99];
	s0 =	simm.s32 @p0 $0x1  }
0x13: {  	[smem:$0x3FB4] =	sst s0;
	s0 =	simm.s32 @!p1 $0x0  }
0x14: {  	s2 =	sld [smem:$0x3F98];
	s0 =	simm.s32 @p1 $0x1  }
0x15: {  	[smem:$0x3FB5] =	sst s0;
	s0 =	simm.s32 @!p2 $0x0  }
0x16: {  	s3 =	sld [smem:$0x3FDB];
	s0 =	simm.s32 @p2 $0x1  }
0x17: {  	s4 =	simm.s32 $0x1BF5;
	[smem:$0x3FB7] =	sst s0  }
0x18: {  	s0 =	sld [smem:$0x3F9A];
	_ =	swait.ge [sflag:s4], $0x0  }
0x19: {  	s7 =	sld [smem:$0x3F9B]  }
0x1a: {  	s8 =	sadd.s32 $0xFFFFE003, lr  }
0x1b: {  	s9 =	sadd.s32 $0xFFFFFEF7, lr;
	s5 =	simm.s32 $0xFFFFFFFF;
	p2 =	slt.u32 s8, $0xFFFFF086  }
0x1c: {  	p1 =	slt.u32 s9, $0xF7A;
	s5 =	simm.s32 @!p2 $0x0  }
0x1d: {  	s5 =	simm.s32 @p1 $0x1;
	p0 =	seq.s32 s7, s2  }
0x1e: {  	s7 =	smul.u32 @!p0 $0xF7A, s2;
	p2 =	seq.s32 @!p0 s5, $0x0  }
0x1f: {  	s9 =	smul.u32 $0xF7A, s1;
	s8 =	simm.s32 @!p0 $0x1BF5;
	p2 =	por !p2, p0  }
0x20: {  	[sflag:s8] =	ssyncset.s32 @!p0 $0xFFFFF086;
	s6 =	sadd.s32 @!p0 s3, s7;
	s7 =	simm.s32 @!p0 $0x108  }
0x21: {  	s3 =	sadd.s32 s3, s9;
	s6 =	sadd.s32 @!p0 $0x88, s6;
	s7 =	simm.s32 @p2 $0x1082  }
0x22: {  	[simem:s7], [sflag:s8] =	dma.local @!p0 [hbm:s6], $0xF7A  }
0x23: {  	s9 =	sor.u32 $0xD0000000, s2;
	s6 =	simm.s32 $0x108;
	_ =	swait.ge @!p0 [sflag:s8], $0x0  }
0x24: {  	s3 =	sadd.s32 $0x88, s3;
	s6 =	simm.s32 @!p1 $0x1082;
	[sflag:s4] =	ssyncset.s32 $0xFFFFF086  }
0x25: {  	[simem:s6], [sflag:s4] =	dma.local [hbm:s3], $0xF7A  }
0x26: {  	[smem:$0x3F9B] =	sst s1;
	(tag) =	ssettag s2;
	_ =	strace s9  }
0x27: {  	s1 =	sld [smem:$0x3FAB]  }
0x28: {  	s2 =	sld [smem:$0x3FAC]  }
0x29: {  	s4 =	sld [smem:$0x3FAE]  }
0x2a: {  	p0 =	seq.s32 s5, $0x0;
	s5 =	sld [smem:$0x3FAF]  }
0x2b: {  	s6 =	sld [smem:$0x3FB0]  }
0x2c: {  	s7 =	sld [smem:$0x3FB1]  }
0x2d: {  	s3 =	simm.s32 $0x108;
	s8 =	sld [smem:$0x3FB2]  }
0x2e: {  	s3 =	simm.s32 @!p0 $0x1082;
	s9 =	sld [smem:$0x3FB3]  }
0x2f: {  	lr =	sadd.s32 s0, s3;
	s0 =	sld [smem:$0x3FAA]  }
0x30: {  	s3 =	sld [smem:$0x3FAD]  }
0x31: {  	[smem:$0x3FB6] =	sst s10  }
0x32: {  	s10 =	sld [smem:$0x3FB4];
	_ =	sdelay $0x3  }
0x33: {  	p0 =	seq.s32 s10, $0x1;
	s10 =	sld [smem:$0x3FB6];
	_ =	sdelay $0x3  }
0x34: {  	[smem:$0x3FB6] =	sst s10  }
0x35: {  	s10 =	sld [smem:$0x3FB5];
	_ =	sdelay $0x3  }
0x36: {  	p1 =	seq.s32 s10, $0x1;
	s10 =	sld [smem:$0x3FB6];
	_ =	sdelay $0x3  }
0x37: {  	[smem:$0x3FB6] =	sst s10  }
0x38: {  	s10 =	sld [smem:$0x3FB7]  }
0x39: {  	_ = 	snop;
	(pc) =	sbr.ind lr, $3  }
0x3a: {  	_ = 	snop  }
0x3b: {  	_ = 	snop  }
0x3c: {  	p2 =	seq.s32 s10, $0x1;
	s10 =	sld [smem:$0x3FB6]  }
0x3d: {  	_ =	shalt  }
0x3e: {  	_ =	shalt  }
0x3f: {  	_ =	shalt  }
0x40: {  	_ =	shalt  }
0x41: {  	_ =	shalt  }
0x42: {  	_ =	shalt  }
0x43: {  	_ =	shalt  }
0x44: {  	_ =	shalt  }
0x45: {  	_ =	shalt  }
0x46: {  	_ =	shalt  }
0x47: {  	_ =	shalt  }
0x48: {  	_ =	shalt  }
0x49: {  	_ =	shalt  }
0x4a: {  	_ =	shalt  }
0x4b: {  	_ =	shalt  }
0x4c: {  	_ =	shalt  }
0x4d: {  	_ =	shalt  }
0x4e: {  	_ =	shalt  }
0x4f: {  	_ =	shalt  }
0x50: {  	_ =	shalt  }
0x51: {  	_ =	shalt  }
0x52: {  	_ =	shalt  }
0x53: {  	_ =	shalt  }
0x54: {  	_ =	shalt  }
0x55: {  	_ =	shalt  }
0x56: {  	_ =	shalt  }
0x57: {  	_ =	shalt  }
0x58: {  	_ =	shalt  }
0x59: {  	_ =	shalt  }
0x5a: {  	_ =	shalt  }
0x5b: {  	_ =	shalt  }
0x5c: {  	_ =	shalt  }
0x5d: {  	_ =	shalt  }
0x5e: {  	_ =	shalt  }
0x5f: {  	_ =	shalt  }
0x60: {  	_ =	shalt  }
0x61: {  	_ =	shalt  }
0x62: {  	_ =	shalt  }
0x63: {  	_ =	shalt  }
0x64: {  	_ =	shalt  }
0x65: {  	_ =	shalt  }
0x66: {  	_ =	shalt  }
0x67: {  	_ =	shalt  }
0x68: {  	_ =	shalt  }
0x69: {  	_ =	shalt  }
0x6a: {  	_ =	shalt  }
0x6b: {  	_ =	shalt  }
0x6c: {  	_ =	shalt  }
0x6d: {  	_ =	shalt  }
0x6e: {  	_ =	shalt  }
0x6f: {  	_ =	shalt  }
0x70: {  	_ =	shalt  }
0x71: {  	_ =	shalt  }
0x72: {  	_ =	shalt  }
0x73: {  	_ =	shalt  }
0x74: {  	_ =	shalt  }
0x75: {  	_ =	shalt  }
0x76: {  	_ =	shalt  }
0x77: {  	_ =	shalt  }
0x78: {  	_ =	shalt  }
0x79: {  	_ =	shalt  }
0x7a: {  	_ =	shalt  }
0x7b: {  	_ =	shalt  }
0x7c: {  	_ =	shalt  }
0x7d: {  	_ =	shalt  }
0x7e: {  	_ =	shalt  }
0x7f: {  	_ =	shalt  }
0x80: {  	_ =	shalt  }
0x81: {  	_ =	shalt  }
0x82: {  	_ =	shalt  }
0x83: {  	_ =	shalt  }
0x84: {  	_ =	shalt  }
0x85: {  	_ =	shalt  }
0x86: {  	_ =	shalt  }
0x87: {  	_ =	shalt  }
.Lfunc_end0:
.L_simem_size_0:
called_computation_lowered:
.L_overlay_start_0:
0x88: {  	s2 =	sld [smem:$0x3FD9]  }
0x89: {  	s3 =	sld [smem:$0x3FFE];
	_ =	sdelay $0x1  }
0x8a: {  	s1 =	srdreg.scid  }
0x8b: {  	s0 =	sand.u32 $0x1, s1  }
0x8c: {  	s17 =	sshll.u32 s0, $0xA;
	s2 =	sadd.s32 s3, s2  }
0x8d: {  	s2 =	sadd.s32 s2, s17  }
0x8e: {  	[smem:$0x3FC2] =	sst s2  }
0x8f: {  	_ = 	snop  }
0x90: {  	s2 =	sld [smem:$0x3FC9]  }
0x91: {  	s18 =	sld [smem:$0x3FC8]  }
0x92: {  	s4 =	sld [smem:$0x3FC6];
	(tm) =	ssettm $0x1  }
0x93: {  	s5 =	sld [smem:$0x3FFB];
	_ =	sdelay $0x3  }
0x94: {  	_ =	strace s5  }
0x95: {  	s5 =	sld [smem:$0x3FFC];
	_ =	sdelay $0x3  }
0x96: {  	_ =	strace s5  }
0x97: {  	s5 =	sld [smem:$0x3FFD];
	_ =	sdelay $0x3  }
0x98: {  	_ =	strace s5  }
0x99: {  	_ =	strace $0x8FFFFFFF  }
0x9a: {  	s19 =	sld [smem:$0x3FDB];
	_ =	sdelay $0x1  }
0x9b: {  	s6 =	simm.s32 $_scs_section_size  }
0x9c: {  	s7 =	simm.s32 $_size__tile_overlayer_lowered;
	s8 =	simm.s32 $_tile_overlayer_lowered  }
0x9d: {  	s22 =	simm.s32 $0x1BFF;
	s21 =	sshll.u32 s8, $0x1;
	s5 =	sadd.s32 s6, s19  }
0x9e: {  	s9 =	simm.s32 $0x0;
	s20 =	sshll.u32 s7, $0x1;
	s7 =	sadd.s32 s21, s5  }
0x9f: {  	[timem:s9], [sflag:s22] =	dma.local [hbm:s7], s20  }
0xa0: {  	_ =	swait.ge [sflag:s22], s20  }
0xa1: {  	s6 =	ssub.s32 $0x0, s20;
	[sflag:s22] =	ssyncset.done $0x0  }
0xa2: {  	[sflag:s22] =	ssyncadd.s32 s6;
	_ =	sdelay $0x1  }
0xa3: {  	s23 =	simm.s32 $0x1B8B  }
0xa4: {  	_ =	swait.ge [sflag:s23], $0x1  }
0xa5: {  	[sflag:s23] =	ssyncset.done $0x0  }
0xa6: {  	s25 =	simm.s32 $0x1B8E;
	s24 =	sld [smem:$0x3FFE];
	[sflag:s23] =	ssyncadd.s32 $0xFFFFFFFF  }
0xa7: {  	s26 =	simm.s32 $execute0_lowered;
	[smem:$0x3FD2] =	sst s25  }
0xa8: {  	s7 =	sshll.u32 s26, $0x1;
	_ =	strace $0x80000046;
	[dreg:$0x1] =	wrdreg $0xFFFFFFFF  }
0xa9: {  	s28 =	simm.s32 $_size_execute0_lowered;
	s5 =	sadd.s32 s5, s7;
	[dreg:$0x0] =	wrdreg $0x0  }
0xaa: {  	s7 =	sshll.u32 s28, $0x1;
	[dreg:$0x2] =	wrdreg s5  }
0xab: {  	[dreg:$0x3] =	wrdreg s7  }
0xac: {  	[dreg:$0x4] =	wrdreg $0xC0  }
0xad: {  	_ =	task [dreg:s9], $0x5FFFF  }
0xae: {  	[dreg:$0x1] =	wrdreg $0xFFFFFFFF  }
0xaf: {  	[dreg:$0x0] =	wrdreg $0x60  }
0xb0: {  	[dreg:$0x2] =	wrdreg s2  }
0xb1: {  	[dreg:$0x3] =	wrdreg s18  }
0xb2: {  	[dreg:$0x4] =	wrdreg s4  }
0xb3: {  	[dreg:$0x5] =	wrdreg s24  }
0xb4: {  	[dreg:$0x6] =	wrdreg $0x9  }
0xb5: {  	_ =	task.clear_ibuf [dreg:s9], $0x7FFFF;
	_ =	strace $0x90000046  }
0xb6: {  	s29 =	simm.s32 $0x9;
	_ =	strace $0x80000048  }
0xb7: {  	_ =	swait.ge [sflag:s29], $0x1  }
0xb8: {  	[sflag:s29] =	ssyncadd.s32 $0xFFFFFFFF  }
0xb9: {  	_ =	strace $0x90000048  }
0xba: {  	_ =	sfence  }
0xbb: {  	s30 =	sld [smem:$0x0];
	_ =	sdelay $0x2  }
0xbc: {  	s31 =	sshll.u32 s1, $0xD;
	s1 =	sshrl.u32 s1, $0x2  }
0xbd: {  	s3 =	sand.u32 $0x4000, s31;
	s1 =	sadd.s32 s1, s30  }
0xbe: {  	s0 =	sor.u32 s3, s0;
	s1 =	sshll.u32 s1, $0x11  }
0xbf: {  	s0 =	sor.u32 s1, s0  }
0xc0: {  	s0 =	sadd.s32 $0x8F2B, s0  }
0xc1: {  	[sflag:s0] =	ssyncadd.remote.s32 $0x1  }
0xc2: {  	_ =	sfence.sel $0xFFFF  }
0xc3: {  	[dreg:$0x0] =	wrdreg $0xFFFFFFFF;
	(pc) =	sbr.abs _section_cstart, $3  }
0xc4: {  	[dreg:$0x1] =	wrdreg $0xFFFFFFFF  }
0xc5: {  	_ =	task.clear_ibuf [dreg:s9], $0x2FFFF;
	_ =	strace $0x9FFFFFFF  }
0xc6: {  	(tm) =	ssettm $0x7FFFFFFF  }
0xc7: {  	_ =	shalt  }
tec
execute0_lowered:
.L_overlay_start_1:
0x0: {  	(tag) =	ssettag $0x1  }
0x1: {  	s0 =	rddreg [dreg:$0x0]  }
0x2: {  	s7 =	rddreg [dreg:$0x1]  }
0x3: {  	s8 =	rddreg [dreg:$0x2]  }
0x4: {  	s1 =	rddreg [dreg:$0x3]  }
0x5: {  	s2 =	srdreg.scid;
	s3 =	stileid.u32  }
0x6: {  	s6 =	simm.s32 $0x0;
	s13 =	simm.s32 $0x1;
	s14 =	simm.s32 $0x7A1400  }
0x7: {  	s15 =	simm.s32 $0x400;
	s9 =	simm.s32 $0xC00;
	s10 =	simm.s32 $0x1400  }
0x8: {  	s17 =	simm.s32 $0x1C00;
	s18 =	simm.s32 $0x4400;
	s20 =	simm.s32 $0x4C00  }
0x9: {  	s28 =	simm.s32 $0x5400;
	s12 =	simm.s32 $0x5C00;
	s30 =	simm.s32 $0x6400  }
0xa: {  	s21 =	simm.s32 $0x3;
	s22 =	simm.s32 $0x2;
	s23 =	simm.s32 $0x4  }
0xb: {  	s2 =	sand.u32 $0x1, s2;
	s3 =	sshll.u32 s3, $0x1;
	[smem:$0x7FF] =	sst s6  }
0xc: {  	s3 =	sor.u32 s2, s3;
	_ =	strace $0x80000047;
	s2 =	ssub.s32 $0x2, s2  }
0xd: {  	s4 =	sshll.u32 s3, $0x7;
	s3 =	sshll.u32 s3, $0x1;
	s5 =	sshrl.u32 s2, $0x1  }
.Ltmp0:
0xe: {  	s4 =	sadd.s32 s0, s4;
	s25 =	sadd.s32 s3, s1;
	(pc) =	sbr.rel .LBB2_1-.Ltmp0, $4  }
0xf: {  	s26 =	ssub.s32 s2, s5;
	[dreg:$0x5] =	wrdreg s4;
	s29 =	sadd.s32 $0x10, s4  }
0x10: {  	s3 =	simm.s32 $0x5;
	s0 =	sadd.s32 $0xC00, s25;
	[dreg:$0x6] =	wrdreg s29  }
0x11: {  	v0 =	vlaneseq.u32;
	s5 =	simm.s32 $0xBC00;
	s31 =	smax.u32 s26, $0x1;
	[dreg:$0x7] =	wrdreg s0  }
0x12: {  	v0 =	vmul.u32 $0x80, v0;
	s1 =	simm.s32 $0x0;
	s25 =	simm.s32 $0x2C00;
	[dreg:$0x8] =	wrdreg s31  }
.LBB2_5:
0x13: {  	s6 =	simm.s32 $0x0  }
0x14: {  	[tilespmem:$0x10400] =	vst v3;
	s0 =	rddreg [dreg:$0x7];
	s1 =	simm.s32 $0x10400;
	s3 =	simm.s32 $0x5  }
0x15: {  	[hbm4b:s0+s6] =	stream.linear.scatter [tilespmem:s1], [sflag:$0x5], $0x10, $0x38;
	[tilespmem:$0x10480] =	vst v63  }
0x16: {  	_ =	swait.ge [sflag:s3], $0x10  }
0x17: {  	s29 =	rddreg [dreg:$0x9]  }
0x18: {  	s31 =	rddreg [dreg:$0x8];
	s1 =	sadd.s32 $0x1, s29  }
0x19: {  	p0 =	sne.s32 s1, s31  }
.Ltmp1:
0x1a: {  	_ = 	snop;
	(pc) =	sbr.rel @!p0 .LBB2_6-.Ltmp1, $3  }
0x1b: {  	_ =	sdelay $0x1  }
0x1c: {  	[sflag:s3] =	ssyncset.done $0x0  }
0x1d: {  	s5 =	simm.s32 $0xBC00;
	[sflag:s3] =	ssyncadd.s32 $0xFFFFFFF0  }
.LBB2_1:
0x1e: {  	[dreg:$0x9] =	wrdreg s1  }
0x1f: {  	s0 =	rddreg [dreg:$0x5];
	s26 =	simm.s32 $0x80;
	s2 =	simm.s32 $0x100  }
0x20: {  	[tilespmem:s6], [sflag:$0x5] =	stream.strided.gather [hbm4b:s0+s26], $0x200, s2, s26, $0x38;
	[tilespmem:$0x10480] =	vst v63  }
0x21: {  	_ =	swait.ge [sflag:s3], $0x200  }
0x22: {  	[sflag:s3] =	ssyncset.done $0x0  }
0x23: {  	s4 =	simm.s32 $0x200;
	s11 =	rddreg [dreg:$0x6];
	[sflag:s3] =	ssyncadd.s32 $0xFFFFFE00  }
0x24: {  	[tilespmem:s4], [sflag:$0x5] =	stream.strided.gather [hbm4b:s11+s26], $0x200, s2, s26, $0x38;
	[tilespmem:$0x10480] =	vst v63  }
0x25: {  	_ =	swait.ge [sflag:s3], $0x200  }
0x26: {  	[sflag:s3] =	ssyncset.done $0x0  }
0x27: {  	[sflag:s3] =	ssyncadd.s32 $0xFFFFFE00  }
0x28: {  	v2 =	vld [tilespmem:$0x0];
	_ =	sdelay $0x4  }
0x29: {  	(v2sf) =	vpush v2, $0x0;
	_ =	sdelay $0x5  }
0x2a: {  	(v2sf) =	vpush v2, $0x1;
	_ =	sdelay $0x8  }
0x2b: {  	s16 =	spop (v2sf)  }
0x2c: {  	s19 =	sand.u32 $0x7F, s16  }
0x2d: {  	s24 =	sshra.s32 s16, $0x1F;
	p1 =	slt.s32 s16, $0x1;
	p0 =	sne.s32 s19, $0x0  }
0x2e: {  	(v2sf) =	vpush v2, $0x2;
	s1 =	sshrl.u32 s24, $0x19;
	p0 =	por !p1, !p0  }
0x2f: {  	s0 =	sadd.s32 s1, s16;
	s1 =	simm.s32 $0x1;
	p0 =	por !p0, !p0  }
0x30: {  	s0 =	sshrl.u32 s0, $0x7;
	s1 =	simm.s32 @!p0 $0x0  }
0x31: {  	s26 =	spop (v2sf);
	s0 =	ssub.s32 s0, s1  }
0x32: {  	s3 =	sand.u32 $0x7F, s26;
	s6 =	sshra.s32 s26, $0x1F;
	s0 =	sshll.u32 s0, $0x7  }
0x33: {  	p2 =	slt.s32 s26, $0x1;
	p1 =	sne.s32 s3, $0x0;
	s0 =	sand.u32 $0x1FFFFF80, s0  }
0x34: {  	(v2sf) =	vpush v2, $0x3;
	p0 =	por !p2, !p1;
	s1 =	sshrl.u32 s6, $0x19;
	s0 =	sadd.s32 s7, s0  }
0x35: {  	v1 =	vld [tilespmem:$0x200];
	[tilespmem:s15], [sflag:$0x1] =	stream.strided.gather [hbm4b:s0+s15], $0x800, s14, s15, $0x38  }
0x36: {  	p0 =	por !p0, !p0;
	s0 =	sadd.s32 s1, s26;
	s1 =	simm.s32 $0x1  }
0x37: {  	s0 =	sshrl.u32 s0, $0x7;
	s1 =	simm.s32 @!p0 $0x0  }
0x38: {  	s0 =	ssub.s32 s0, s1  }
0x39: {  	s0 =	sshll.u32 s0, $0x7  }
0x3a: {  	s0 =	sand.u32 $0x1FFFFF80, s0  }
0x3b: {  	s0 =	sadd.s32 s7, s0  }
0x3c: {  	[tilespmem:s9], [sflag:$0x1] =	stream.strided.gather [hbm4b:s0+s15], $0x800, s14, s15, $0x38;
	[tilespmem:$0x10480] =	vst v63  }
0x3d: {  	s9 =	spop (v2sf)  }
0x3e: {  	(v2sf) =	vpush v2, $0x4;
	s11 =	sand.u32 $0x7F, s9  }
0x3f: {  	s16 =	sshra.s32 s9, $0x1F;
	p4 =	slt.s32 s9, $0x1;
	p3 =	sne.s32 s11, $0x0  }
0x40: {  	s1 =	sshrl.u32 s16, $0x19;
	p0 =	por !p4, !p3  }
0x41: {  	s0 =	sadd.s32 s1, s9;
	s1 =	simm.s32 $0x1;
	p0 =	por !p0, !p0  }
0x42: {  	s0 =	sshrl.u32 s0, $0x7;
	s1 =	simm.s32 @!p0 $0x0  }
0x43: {  	s19 =	spop (v2sf);
	s0 =	ssub.s32 s0, s1  }
0x44: {  	s24 =	sand.u32 $0x7F, s19;
	s26 =	sshra.s32 s19, $0x1F;
	s0 =	sshll.u32 s0, $0x7  }
0x45: {  	(v2sf) =	vpush v2, $0x5;
	p6 =	slt.s32 s19, $0x1;
	p5 =	sne.s32 s24, $0x0;
	s0 =	sand.u32 $0x1FFFFF80, s0  }
0x46: {  	p0 =	por !p6, !p5;
	s1 =	sshrl.u32 s26, $0x19;
	s0 =	sadd.s32 s7, s0  }
0x47: {  	[tilespmem:s10], [sflag:$0x1] =	stream.strided.gather [hbm4b:s0+s15], $0x800, s14, s15, $0x38;
	[tilespmem:$0x10480] =	vst v63  }
0x48: {  	p0 =	por !p0, !p0;
	s0 =	sadd.s32 s1, s19;
	s1 =	simm.s32 $0x1  }
0x49: {  	s0 =	sshrl.u32 s0, $0x7;
	s1 =	simm.s32 @!p0 $0x0  }
0x4a: {  	s0 =	ssub.s32 s0, s1  }
0x4b: {  	s0 =	sshll.u32 s0, $0x7  }
0x4c: {  	s0 =	sand.u32 $0x1FFFFF80, s0  }
0x4d: {  	s0 =	sadd.s32 s7, s0;
	s3 =	spop (v2sf)  }
0x4e: {  	[tilespmem:s17], [sflag:$0x1] =	stream.strided.gather [hbm4b:s0+s15], $0x800, s14, s15, $0x38;
	[tilespmem:$0x10480] =	vst v63  }
0x4f: {  	(v2sf) =	vpush v2, $0x6;
	s6 =	sand.u32 $0x7F, s3  }
0x50: {  	s9 =	sshra.s32 s3, $0x1F;
	p2 =	slt.s32 s3, $0x1;
	p1 =	sne.s32 s6, $0x0  }
0x51: {  	s1 =	sshrl.u32 s9, $0x19;
	p0 =	por !p2, !p1  }
0x52: {  	s0 =	sadd.s32 s1, s3;
	s1 =	simm.s32 $0x1;
	p0 =	por !p0, !p0  }
0x53: {  	s0 =	sshrl.u32 s0, $0x7;
	s1 =	simm.s32 @!p0 $0x0  }
0x54: {  	s10 =	simm.s32 $0x2400;
	s11 =	spop (v2sf);
	s0 =	ssub.s32 s0, s1  }
0x55: {  	s16 =	sand.u32 $0x7F, s11;
	s17 =	sshra.s32 s11, $0x1F;
	s0 =	sshll.u32 s0, $0x7  }
0x56: {  	(v2sf) =	vpush v2, $0x7;
	p4 =	slt.s32 s11, $0x1;
	p3 =	sne.s32 s16, $0x0;
	s0 =	sand.u32 $0x1FFFFF80, s0  }
0x57: {  	p0 =	por !p4, !p3;
	s1 =	sshrl.u32 s17, $0x19;
	s0 =	sadd.s32 s7, s0  }
0x58: {  	[tilespmem:s10], [sflag:$0x1] =	stream.strided.gather [hbm4b:s0+s15], $0x800, s14, s15, $0x38;
	[tilespmem:$0x10480] =	vst v63  }
0x59: {  	p0 =	por !p0, !p0;
	s0 =	sadd.s32 s1, s11;
	s1 =	simm.s32 $0x1  }
0x5a: {  	s0 =	sshrl.u32 s0, $0x7;
	s1 =	simm.s32 @!p0 $0x0  }
0x5b: {  	s0 =	ssub.s32 s0, s1  }
0x5c: {  	s0 =	sshll.u32 s0, $0x7  }
0x5d: {  	s0 =	sand.u32 $0x1FFFFF80, s0  }
0x5e: {  	s0 =	sadd.s32 s7, s0;
	s19 =	spop (v2sf)  }
0x5f: {  	[tilespmem:s25], [sflag:$0x1] =	stream.strided.gather [hbm4b:s0+s15], $0x800, s14, s15, $0x38;
	[tilespmem:$0x10480] =	vst v63  }
0x60: {  	(v2sf) =	vpush v1, $0x0;
	s24 =	sand.u32 $0x7F, s19  }
0x61: {  	s25 =	sshra.s32 s19, $0x1F;
	p6 =	slt.s32 s19, $0x1;
	p5 =	sne.s32 s24, $0x0  }
0x62: {  	s1 =	sshrl.u32 s25, $0x19;
	p0 =	por !p6, !p5  }
0x63: {  	s0 =	sadd.s32 s1, s19;
	s1 =	simm.s32 $0x1;
	p0 =	por !p0, !p0  }
0x64: {  	s0 =	sshrl.u32 s0, $0x7;
	s1 =	simm.s32 @!p0 $0x0  }
0x65: {  	s26 =	simm.s32 $0x3400;
	s3 =	spop (v2sf);
	s0 =	ssub.s32 s0, s1  }
0x66: {  	s6 =	sand.u32 $0x7F, s3;
	s9 =	sshra.s32 s3, $0x1F;
	s0 =	sshll.u32 s0, $0x7  }
0x67: {  	(v2sf) =	vpush v1, $0x1;
	p2 =	slt.s32 s3, $0x1;
	p1 =	sne.s32 s6, $0x0;
	s0 =	sand.u32 $0x1FFFFF80, s0  }
0x68: {  	p0 =	por !p2, !p1;
	s1 =	sshrl.u32 s9, $0x19;
	s0 =	sadd.s32 s7, s0  }
0x69: {  	[tilespmem:s26], [sflag:$0x1] =	stream.strided.gather [hbm4b:s0+s15], $0x800, s14, s15, $0x38;
	[tilespmem:$0x10480] =	vst v63  }
0x6a: {  	p0 =	por !p0, !p0;
	s0 =	sadd.s32 s1, s3;
	s1 =	simm.s32 $0x1  }
0x6b: {  	s0 =	sshrl.u32 s0, $0x7;
	s1 =	simm.s32 @!p0 $0x0  }
0x6c: {  	s0 =	ssub.s32 s0, s1  }
0x6d: {  	s0 =	sshll.u32 s0, $0x7  }
0x6e: {  	s0 =	sand.u32 $0x1FFFFF80, s0  }
0x6f: {  	s10 =	simm.s32 $0x3C00;
	s0 =	sadd.s32 s7, s0;
	s11 =	spop (v2sf)  }
0x70: {  	[tilespmem:s10], [sflag:$0x1] =	stream.strided.gather [hbm4b:s0+s15], $0x800, s14, s15, $0x38;
	[tilespmem:$0x10480] =	vst v63  }
0x71: {  	(v2sf) =	vpush v1, $0x2;
	s16 =	sand.u32 $0x7F, s11  }
0x72: {  	s17 =	sshra.s32 s11, $0x1F;
	p4 =	slt.s32 s11, $0x1;
	p3 =	sne.s32 s16, $0x0  }
0x73: {  	s1 =	sshrl.u32 s17, $0x19;
	p0 =	por !p4, !p3  }
0x74: {  	s0 =	sadd.s32 s1, s11;
	s1 =	simm.s32 $0x1;
	p0 =	por !p0, !p0  }
0x75: {  	s0 =	sshrl.u32 s0, $0x7;
	s1 =	simm.s32 @!p0 $0x0  }
0x76: {  	s19 =	simm.s32 $0x8400;
	s24 =	spop (v2sf);
	s0 =	ssub.s32 s0, s1  }
0x77: {  	s25 =	sand.u32 $0x7F, s24;
	s26 =	sshra.s32 s24, $0x1F;
	s0 =	sshll.u32 s0, $0x7  }
0x78: {  	(v2sf) =	vpush v1, $0x3;
	p6 =	slt.s32 s24, $0x1;
	p5 =	sne.s32 s25, $0x0;
	s0 =	sand.u32 $0x1FFFFF80, s0  }
0x79: {  	p0 =	por !p6, !p5;
	s1 =	sshrl.u32 s26, $0x19;
	s0 =	sadd.s32 s8, s0  }
0x7a: {  	[tilespmem:s19], [sflag:$0x3] =	stream.strided.gather [hbm4b:s0+s15], $0x800, s14, s15, $0x38;
	[tilespmem:$0x10480] =	vst v63  }
0x7b: {  	p0 =	por !p0, !p0;
	s0 =	sadd.s32 s1, s24;
	s1 =	simm.s32 $0x1  }
0x7c: {  	s0 =	sshrl.u32 s0, $0x7;
	s1 =	simm.s32 @!p0 $0x0  }
0x7d: {  	s0 =	ssub.s32 s0, s1  }
0x7e: {  	s0 =	sshll.u32 s0, $0x7  }
0x7f: {  	s0 =	sand.u32 $0x1FFFFF80, s0  }
0x80: {  	s3 =	simm.s32 $0x8C00;
	s0 =	sadd.s32 s8, s0;
	s6 =	spop (v2sf)  }
0x81: {  	[tilespmem:s3], [sflag:$0x3] =	stream.strided.gather [hbm4b:s0+s15], $0x800, s14, s15, $0x38;
	[tilespmem:$0x10480] =	vst v63  }
0x82: {  	(v2sf) =	vpush v1, $0x4;
	s9 =	sand.u32 $0x7F, s6  }
0x83: {  	s10 =	sshra.s32 s6, $0x1F;
	p2 =	slt.s32 s6, $0x1;
	p1 =	sne.s32 s9, $0x0  }
0x84: {  	s1 =	sshrl.u32 s10, $0x19;
	p0 =	por !p2, !p1  }
0x85: {  	s0 =	sadd.s32 s1, s6;
	s1 =	simm.s32 $0x1;
	p0 =	por !p0, !p0  }
0x86: {  	s0 =	sshrl.u32 s0, $0x7;
	s1 =	simm.s32 @!p0 $0x0  }
0x87: {  	s11 =	simm.s32 $0x9400;
	s16 =	spop (v2sf);
	s0 =	ssub.s32 s0, s1  }
0x88: {  	s17 =	sand.u32 $0x7F, s16;
	s19 =	sshra.s32 s16, $0x1F;
	s0 =	sshll.u32 s0, $0x7  }
0x89: {  	(v2sf) =	vpush v1, $0x5;
	p4 =	slt.s32 s16, $0x1;
	p3 =	sne.s32 s17, $0x0;
	s0 =	sand.u32 $0x1FFFFF80, s0  }
0x8a: {  	p0 =	por !p4, !p3;
	s1 =	sshrl.u32 s19, $0x19;
	s0 =	sadd.s32 s8, s0  }
0x8b: {  	[tilespmem:s11], [sflag:$0x3] =	stream.strided.gather [hbm4b:s0+s15], $0x800, s14, s15, $0x38;
	[tilespmem:$0x10480] =	vst v63  }
0x8c: {  	p0 =	por !p0, !p0;
	s0 =	sadd.s32 s1, s16;
	s1 =	simm.s32 $0x1  }
0x8d: {  	s0 =	sshrl.u32 s0, $0x7;
	s1 =	simm.s32 @!p0 $0x0  }
0x8e: {  	s0 =	ssub.s32 s0, s1  }
0x8f: {  	s0 =	sshll.u32 s0, $0x7  }
0x90: {  	s0 =	sand.u32 $0x1FFFFF80, s0  }
0x91: {  	s24 =	simm.s32 $0x9C00;
	s0 =	sadd.s32 s8, s0;
	s25 =	spop (v2sf)  }
0x92: {  	[tilespmem:s24], [sflag:$0x3] =	stream.strided.gather [hbm4b:s0+s15], $0x800, s14, s15, $0x38;
	[tilespmem:$0x10480] =	vst v63  }
0x93: {  	(v2sf) =	vpush v1, $0x6;
	s26 =	sand.u32 $0x7F, s25  }
0x94: {  	s3 =	sshra.s32 s25, $0x1F;
	p6 =	slt.s32 s25, $0x1;
	p5 =	sne.s32 s26, $0x0  }
0x95: {  	s1 =	sshrl.u32 s3, $0x19;
	p0 =	por !p6, !p5  }
0x96: {  	s0 =	sadd.s32 s1, s25;
	s1 =	simm.s32 $0x1;
	p0 =	por !p0, !p0  }
0x97: {  	s0 =	sshrl.u32 s0, $0x7;
	s1 =	simm.s32 @!p0 $0x0  }
0x98: {  	s2 =	simm.s32 $0xA400;
	s6 =	spop (v2sf);
	s0 =	ssub.s32 s0, s1  }
0x99: {  	s9 =	sand.u32 $0x7F, s6;
	s10 =	sshra.s32 s6, $0x1F;
	s0 =	sshll.u32 s0, $0x7  }
0x9a: {  	(v2sf) =	vpush v1, $0x7;
	p2 =	slt.s32 s6, $0x1;
	p1 =	sne.s32 s9, $0x0;
	s0 =	sand.u32 $0x1FFFFF80, s0  }
0x9b: {  	p0 =	por !p2, !p1;
	s1 =	sshrl.u32 s10, $0x19;
	s0 =	sadd.s32 s8, s0  }
0x9c: {  	[tilespmem:s2], [sflag:$0x3] =	stream.strided.gather [hbm4b:s0+s15], $0x800, s14, s15, $0x38;
	[tilespmem:$0x10480] =	vst v63  }
0x9d: {  	p0 =	por !p0, !p0;
	s0 =	sadd.s32 s1, s6;
	s1 =	simm.s32 $0x1  }
0x9e: {  	s0 =	sshrl.u32 s0, $0x7;
	s1 =	simm.s32 @!p0 $0x0  }
0x9f: {  	s0 =	ssub.s32 s0, s1  }
0xa0: {  	s0 =	sshll.u32 s0, $0x7  }
0xa1: {  	s0 =	sand.u32 $0x1FFFFF80, s0  }
0xa2: {  	s4 =	simm.s32 $0xAC00;
	s11 =	spop (v2sf);
	s0 =	sadd.s32 s8, s0  }
0xa3: {  	[tilespmem:s4], [sflag:$0x3] =	stream.strided.gather [hbm4b:s0+s15], $0x800, s14, s15, $0x38;
	[tilespmem:$0x10480] =	vst v63  }
0xa4: {  	s17 =	sand.u32 $0x7F, s11  }
0xa5: {  	s19 =	sshra.s32 s11, $0x1F;
	p4 =	slt.s32 s11, $0x1;
	p3 =	sne.s32 s17, $0x0  }
0xa6: {  	s0 =	sshrl.u32 s19, $0x19;
	p0 =	por !p4, !p3  }
0xa7: {  	s1 =	simm.s32 $0x1;
	s0 =	sadd.s32 s0, s11;
	p0 =	por !p0, !p0  }
0xa8: {  	s31 =	simm.s32 $0xC400;
	s0 =	sshrl.u32 s0, $0x7;
	s1 =	simm.s32 @!p0 $0x0  }
0xa9: {  	s16 =	simm.s32 $0xB400;
	s24 =	spop (v2sf);
	s0 =	ssub.s32 s0, s1  }
0xaa: {  	s25 =	sand.u32 $0x7F, s24;
	s26 =	sshra.s32 s24, $0x1F;
	s0 =	sshll.u32 s0, $0x7  }
0xab: {  	p6 =	slt.s32 s24, $0x1;
	p5 =	sne.s32 s25, $0x0;
	s0 =	sand.u32 $0x1FFFFF80, s0  }
0xac: {  	p0 =	por !p6, !p5;
	s1 =	sshrl.u32 s26, $0x19;
	s0 =	sadd.s32 s8, s0  }
0xad: {  	[tilespmem:s16], [sflag:$0x3] =	stream.strided.gather [hbm4b:s0+s15], $0x800, s14, s15, $0x38;
	[tilespmem:$0x10480] =	vst v63  }
0xae: {  	p0 =	por !p0, !p0;
	s0 =	sadd.s32 s1, s24;
	s1 =	simm.s32 $0x1  }
0xaf: {  	s29 =	simm.s32 $0xCC00;
	s0 =	sshrl.u32 s0, $0x7;
	s1 =	simm.s32 @!p0 $0x0  }
0xb0: {  	s3 =	simm.s32 $0x7400;
	s2 =	simm.s32 $0x6C00;
	s0 =	ssub.s32 s0, s1  }
.Ltmp2:
0xb1: {  	s6 =	simm.s32 $0xDC00;
	s0 =	sshll.u32 s0, $0x7;
	(pc) =	sbr.rel .LBB2_2-.Ltmp2, $4  }
0xb2: {  	s4 =	simm.s32 $0x7C00;
	s19 =	simm.s32 $0xFC00;
	s0 =	sand.u32 $0x1FFFFF80, s0  }
0xb3: {  	s11 =	simm.s32 $0xD400;
	s26 =	simm.s32 $0xEC00;
	s0 =	sadd.s32 s8, s0  }
0xb4: {  	[tilespmem:s5], [sflag:$0x3] =	stream.strided.gather [hbm4b:s0+s15], $0x800, s14, s15, $0x38;
	[tilespmem:$0x10480] =	vst v63  }
0xb5: {  	v3 =	vimm.f32 $0.0e+00;
	s24 =	simm.s32 $0xFFFFFFE0;
	s16 =	simm.s32 $0xF400;
	s5 =	simm.s32 $0xE400  }
.LBB2_4:
0xb6: {  	_ =	swait.ge [sflag:s22], $0x800  }
0xb7: {  	[sflag:s22] =	ssyncset.done $0x0  }
0xb8: {  	[sflag:s22] =	ssyncadd.s32 $0xFFFFF800  }
0xb9: {  	_ =	swait.ge [sflag:s22], $0x800  }
0xba: {  	[sflag:s22] =	ssyncset.done $0x0  }
0xbb: {  	[sflag:s22] =	ssyncadd.s32 $0xFFFFF800  }
0xbc: {  	_ =	swait.ge [sflag:s22], $0x800  }
0xbd: {  	[sflag:s22] =	ssyncset.done $0x0  }
0xbe: {  	[sflag:s22] =	ssyncadd.s32 $0xFFFFF800  }
0xbf: {  	_ =	swait.ge [sflag:s22], $0x800  }
0xc0: {  	[sflag:s22] =	ssyncset.done $0x0  }
0xc1: {  	[sflag:s22] =	ssyncadd.s32 $0xFFFFF800  }
0xc2: {  	_ =	swait.ge [sflag:s22], $0x800  }
0xc3: {  	[sflag:s22] =	ssyncset.done $0x0  }
0xc4: {  	[sflag:s22] =	ssyncadd.s32 $0xFFFFF800  }
0xc5: {  	_ =	swait.ge [sflag:s22], $0x800  }
0xc6: {  	[sflag:s22] =	ssyncset.done $0x0  }
0xc7: {  	[sflag:s22] =	ssyncadd.s32 $0xFFFFF800  }
0xc8: {  	_ =	swait.ge [sflag:s22], $0x800  }
0xc9: {  	[sflag:s22] =	ssyncset.done $0x0  }
0xca: {  	[sflag:s22] =	ssyncadd.s32 $0xFFFFF800  }
0xcb: {  	_ =	swait.ge [sflag:s22], $0x800  }
0xcc: {  	[sflag:s22] =	ssyncset.done $0x0  }
0xcd: {  	[sflag:s22] =	ssyncadd.s32 $0xFFFFF800  }
0xce: {  	_ =	swait.ge [sflag:s23], $0x800  }
0xcf: {  	[sflag:s23] =	ssyncset.done $0x0  }
0xd0: {  	[sflag:s23] =	ssyncadd.s32 $0xFFFFF800  }
0xd1: {  	_ =	swait.ge [sflag:s23], $0x800  }
0xd2: {  	[sflag:s23] =	ssyncset.done $0x0  }
0xd3: {  	[sflag:s23] =	ssyncadd.s32 $0xFFFFF800  }
0xd4: {  	_ =	swait.ge [sflag:s23], $0x800  }
0xd5: {  	[sflag:s23] =	ssyncset.done $0x0  }
0xd6: {  	[sflag:s23] =	ssyncadd.s32 $0xFFFFF800  }
0xd7: {  	_ =	swait.ge [sflag:s23], $0x800  }
0xd8: {  	[sflag:s23] =	ssyncset.done $0x0  }
0xd9: {  	[sflag:s23] =	ssyncadd.s32 $0xFFFFF800  }
0xda: {  	_ =	swait.ge [sflag:s23], $0x800  }
0xdb: {  	[sflag:s23] =	ssyncset.done $0x0  }
0xdc: {  	[sflag:s23] =	ssyncadd.s32 $0xFFFFF800  }
0xdd: {  	_ =	swait.ge [sflag:s23], $0x800  }
0xde: {  	[sflag:s23] =	ssyncset.done $0x0  }
0xdf: {  	s0 =	rddreg [dreg:$0xa];
	[sflag:s23] =	ssyncadd.s32 $0xFFFFF800  }
0xe0: {  	s1 =	rddreg [dreg:$0xc];
	_ =	swait.ge [sflag:s23], $0x800  }
0xe1: {  	s16 =	rddreg [dreg:$0x1a]  }
0xe2: {  	s19 =	rddreg [dreg:$0x1c]  }
0xe3: {  	s26 =	rddreg [dreg:$0xb]  }
0xe4: {  	[sflag:s23] =	ssyncset.done $0x0;
	s2 =	rddreg [dreg:$0xe]  }
0xe5: {  	s0 =	ssub.s32 s0, s1;
	s3 =	rddreg [dreg:$0x1d];
	[sflag:s23] =	ssyncadd.s32 $0xFFFFF800  }
0xe6: {  	s1 =	ssub.s32 s26, s2;
	s2 =	rddreg [dreg:$0x1b];
	_ =	swait.ge [sflag:s23], $0x800  }
0xe7: {  	s4 =	rddreg [dreg:$0xd]  }
0xe8: {  	v9 =	vmul.f32 v18, v9;
	s11 =	rddreg [dreg:$0x10]  }
0xe9: {  	v40 =	vadd.s32 s0, v0;
	s0 =	ssub.s32 s16, s19;
	s16 =	rddreg [dreg:$0x1e]  }
0xea: {  	v38 =	vmul.f32 v19, v11;
	v3 =	vadd.f32 v9, v3;
	s19 =	rddreg [dreg:$0xf]  }
0xeb: {  	s26 =	rddreg [dreg:$0x12]  }
0xec: {  	v39 =	vmul.f32 v17, v10;
	v3 =	vadd.f32 v38, v3;
	v41 =	vadd.s32 s0, v0;
	s0 =	ssub.s32 s2, s3;
	s3 =	rddreg [dreg:$0x1f]  }
0xed: {  	s2 =	rddreg [dreg:$0x15]  }
0xee: {  	v8 =	vmul.f32 v16, v8;
	v3 =	vadd.f32 v39, v3;
	v42 =	vadd.s32 s1, v0;
	s1 =	ssub.s32 s4, s11;
	s4 =	rddreg [dreg:$0x11]  }
0xef: {  	s31 =	simm.s32 $0xC400;
	[sflag:s23] =	ssyncset.done $0x0;
	s11 =	rddreg [dreg:$0x14]  }
0xf0: {  	v7 =	vmul.f32 v15, v7;
	v3 =	vadd.f32 v8, v3;
	v43 =	vadd.s32 s0, v0;
	s0 =	ssub.s32 s18, s16;
	[sflag:s23] =	ssyncadd.s32 $0xFFFFF800;
	s16 =	sld [smem:$0x7FA]  }
0xf1: {  	v6 =	vmul.f32 v14, v6;
	s18 =	simm.s32 $0x4400;
	v44 =	vadd.s32 s1, v0;
	s1 =	ssub.s32 s19, s26;
	s19 =	rddreg [dreg:$0x13]  }
0xf2: {  	v3 =	vadd.f32 v7, v3;
	v45 =	vadd.s32 s0, v0;
	v46 =	vld.idx.msk [tilespmem:v40+s18+$0x0], $0xffff;
	s0 =	ssub.s32 s20, s3;
	s26 =	rddreg [dreg:$0x16];
	v47 =	vadd.s32 s1, v0;
	s1 =	ssub.s32 s4, s11  }
0xf3: {  	v5 =	vmul.f32 v13, v5;
	s20 =	simm.s32 $0x4C00;
	s3 =	rddreg [dreg:$0x18];
	v11 =	vld.idx.msk [tilespmem:v41+s31+$0x0], $0xffff;
	v50 =	vadd.s32 s1, v0;
	s1 =	ssub.s32 s19, s26  }
0xf4: {  	s29 =	simm.s32 $0xCC00;
	v3 =	vadd.f32 v6, v3;
	v48 =	vadd.s32 s0, v0;
	v49 =	vld.idx.msk [tilespmem:v42+s20+$0x0], $0xffff;
	v53 =	vadd.s32 s1, v0;
	s1 =	sld [smem:$0x7FB]  }
0xf5: {  	s28 =	simm.s32 $0x5400;
	s4 =	sld [smem:$0x7FC];
	s0 =	ssub.s32 s30, s16;
	v51 =	vld.idx.msk [tilespmem:v43+s29+$0x0], $0xffff  }
0xf6: {  	v4 =	vmul.f32 v12, v4;
	v3 =	vadd.f32 v5, v3;
	s11 =	simm.s32 $0xD400;
	s16 =	rddreg [dreg:$0x17];
	v52 =	vadd.s32 s0, v0;
	v5 =	vld.idx.msk [tilespmem:v44+s28+$0x0], $0xffff  }
0xf7: {  	s26 =	sld [smem:$0x7FD];
	v54 =	vld.idx.msk [tilespmem:v45+s11+$0x0], $0xffff;
	s0 =	ssub.s32 s12, s1;
	s12 =	simm.s32 $0x5C00  }
0xf8: {  	v3 =	vadd.f32 v4, v3;
	s1 =	ssub.s32 s2, s3;
	v55 =	vadd.s32 s0, v0;
	v4 =	vld.idx.msk [tilespmem:v47+s12+$0x0], $0xffff;
	v7 =	vmul.f32 v11, v46;
	s0 =	ssub.s32 s6, s4;
	s6 =	simm.s32 $0xDC00  }
0xf9: {  	s19 =	rddreg [dreg:$0x19];
	s30 =	simm.s32 $0x6400;
	v56 =	vadd.s32 s1, v0;
	v57 =	vld.idx.msk [tilespmem:v48+s6+$0x0], $0xffff  }
0xfa: {  	s1 =	ssub.s32 s16, s19;
	v9 =	vld.idx.msk [tilespmem:v50+s30+$0x0], $0xffff;
	v58 =	vadd.s32 s0, v0;
	v6 =	vmul.f32 v51, v49;
	s0 =	ssub.s32 s5, s26;
	s5 =	simm.s32 $0xE400;
	v3 =	vadd.f32 v7, v3  }
0xfb: {  	s2 =	simm.s32 $0x6C00;
	v59 =	vadd.s32 s1, v0;
	v60 =	vld.idx.msk [tilespmem:v52+s5+$0x0], $0xffff  }
0xfc: {  	v8 =	vld.idx.msk [tilespmem:v53+s2+$0x0], $0xffff;
	s26 =	simm.s32 $0xEC00;
	v61 =	vadd.s32 s0, v0;
	v5 =	vmul.f32 v54, v5;
	v3 =	vadd.f32 v6, v3  }
0xfd: {  	s3 =	simm.s32 $0x7400;
	v62 =	vld.idx.msk [tilespmem:v55+s26+$0x0], $0xffff  }
0xfe: {  	s16 =	simm.s32 $0xF400;
	v10 =	vld.idx.msk [tilespmem:v56+s3+$0x0], $0xffff;
	v3 =	vadd.f32 v5, v3;
	v4 =	vmul.f32 v57, v4  }
0xff: {  	s4 =	simm.s32 $0x7C00;
	v5 =	vld.idx.msk [tilespmem:v58+s16+$0x0], $0xffff  }
0x100: {  	s19 =	simm.s32 $0xFC00;
	v7 =	vld.idx.msk [tilespmem:v59+s4+$0x0], $0xffff;
	v3 =	vadd.f32 v4, v3;
	v4 =	vmul.f32 v60, v9  }
0x101: {  	v63 =	vld.idx.msk [tilespmem:v61+s19+$0x0], $0xffff  }
0x102: {  	s24 =	sadd.s32 $0x1, s24;
	v3 =	vadd.f32 v4, v3;
	v4 =	vmul.f32 v62, v8  }
0x103: {  	p0 =	seq.s32 s24, $0x0  }
.Ltmp3:
0x104: {  	v3 =	vadd.f32 v4, v3;
	v4 =	vmul.f32 v5, v10;
	(pc) =	sbr.rel @p0 .LBB2_5-.Ltmp3, $3  }
0x105: {  	_ = 	snop  }
0x106: {  	v3 =	vadd.f32 v4, v3;
	v4 =	vmul.f32 v63, v7;
	_ =	sdelay $0x1  }
0x107: {  	v3 =	vadd.f32 v4, v3  }
.LBB2_2:
0x108: {  	(v2sf) =	vpush v2, $0x8;
	_ =	sdelay $0x5  }
0x109: {  	(v2sf) =	vpush v2, $0x9;
	_ =	sdelay $0x6  }
0x10a: {  	(v2sf) =	vpush v2, $0xA;
	_ =	sdelay $0x1  }
0x10b: {  	s9 =	spop (v2sf)  }
0x10c: {  	s0 =	sand.u32 $0x7F, s9  }
0x10d: {  	s1 =	sshra.s32 s9, $0x1F;
	p0 =	slt.s32 s9, $0x1;
	p1 =	sne.s32 s0, $0x0  }
0x10e: {  	s17 =	sshrl.u32 s1, $0x19;
	p0 =	por !p0, !p1  }
0x10f: {  	s1 =	simm.s32 $0x1;
	s0 =	sadd.s32 s17, s9;
	p0 =	por !p0, !p0  }
0x110: {  	(v2sf) =	vpush v2, $0xB;
	s0 =	sshrl.u32 s0, $0x7;
	s1 =	simm.s32 @!p0 $0x0  }
0x111: {  	s25 =	spop (v2sf);
	s0 =	ssub.s32 s0, s1  }
0x112: {  	s10 =	sand.u32 $0x7F, s25;
	s0 =	sshll.u32 s0, $0x7  }
0x113: {  	p3 =	slt.s32 s25, $0x1;
	[dreg:$0xc] =	wrdreg s0;
	s0 =	sand.u32 $0x1FFFFF80, s0  }
0x114: {  	s17 =	sshra.s32 s25, $0x1F;
	p4 =	sne.s32 s10, $0x0;
	s0 =	sadd.s32 s7, s0  }
0x115: {  	[tilespmem:s18], [sflag:$0x2] =	stream.strided.gather [hbm4b:s0+s15], $0x800, s14, s15, $0x38;
	[tilespmem:$0x10480] =	vst v63  }
0x116: {  	[dreg:$0xb] =	wrdreg s25;
	p0 =	por !p3, !p4;
	s18 =	sshrl.u32 s17, $0x19  }
0x117: {  	p0 =	por !p0, !p0;
	s1 =	simm.s32 $0x1;
	s0 =	sadd.s32 s18, s25  }
0x118: {  	s1 =	simm.s32 @!p0 $0x0;
	s25 =	spop (v2sf);
	s0 =	sshrl.u32 s0, $0x7  }
0x119: {  	s10 =	sshra.s32 s25, $0x1F;
	s0 =	ssub.s32 s0, s1  }
0x11a: {  	p5 =	slt.s32 s25, $0x1;
	s1 =	sand.u32 $0x7F, s25;
	s0 =	sshll.u32 s0, $0x7  }
0x11b: {  	p6 =	sne.s32 s1, $0x0;
	[dreg:$0xe] =	wrdreg s0;
	s0 =	sand.u32 $0x1FFFFF80, s0  }
0x11c: {  	s17 =	sshrl.u32 s10, $0x19;
	p0 =	por !p5, !p6;
	s0 =	sadd.s32 s7, s0  }
0x11d: {  	(v2sf) =	vpush v2, $0xC;
	[tilespmem:s20], [sflag:$0x2] =	stream.strided.gather [hbm4b:s0+s15], $0x800, s14, s15, $0x38;
	[tilespmem:$0x10480] =	vst v63  }
0x11e: {  	s1 =	simm.s32 $0x1;
	p0 =	por !p0, !p0;
	s0 =	sadd.s32 s17, s25  }
0x11f: {  	s18 =	spop (v2sf);
	s1 =	simm.s32 @!p0 $0x0;
	s0 =	sshrl.u32 s0, $0x7  }
0x120: {  	[dreg:$0xd] =	wrdreg s25;
	p1 =	slt.s32 s18, $0x1;
	s0 =	ssub.s32 s0, s1  }
0x121: {  	s20 =	sand.u32 $0x7F, s18;
	s25 =	sshra.s32 s18, $0x1F;
	s0 =	sshll.u32 s0, $0x7  }
0x122: {  	(v2sf) =	vpush v2, $0xD;
	p2 =	sne.s32 s20, $0x0;
	[dreg:$0x10] =	wrdreg s0;
	s0 =	sand.u32 $0x1FFFFF80, s0  }
0x123: {  	s10 =	sshrl.u32 s25, $0x19;
	p0 =	por !p1, !p2;
	s0 =	sadd.s32 s7, s0  }
0x124: {  	[tilespmem:s28], [sflag:$0x2] =	stream.strided.gather [hbm4b:s0+s15], $0x800, s14, s15, $0x38;
	[tilespmem:$0x10480] =	vst v63  }
0x125: {  	s1 =	simm.s32 $0x1;
	p0 =	por !p0, !p0;
	s0 =	sadd.s32 s10, s18  }
0x126: {  	s1 =	simm.s32 @!p0 $0x0;
	s0 =	sshrl.u32 s0, $0x7  }
0x127: {  	s0 =	ssub.s32 s0, s1  }
0x128: {  	s0 =	sshll.u32 s0, $0x7  }
0x129: {  	[dreg:$0x12] =	wrdreg s0;
	s0 =	sand.u32 $0x1FFFFF80, s0  }
0x12a: {  	s0 =	sadd.s32 s7, s0  }
0x12b: {  	[tilespmem:s12], [sflag:$0x2] =	stream.strided.gather [hbm4b:s0+s15], $0x800, s14, s15, $0x38;
	[tilespmem:$0x10480] =	vst v63  }
0x12c: {  	s12 =	spop (v2sf)  }
0x12d: {  	[dreg:$0xf] =	wrdreg s18;
	(v2sf) =	vpush v2, $0xE;
	s17 =	sand.u32 $0x7F, s12  }
0x12e: {  	s18 =	sshra.s32 s12, $0x1F;
	p3 =	slt.s32 s12, $0x1;
	p4 =	sne.s32 s17, $0x0  }
0x12f: {  	s20 =	sshrl.u32 s18, $0x19;
	p0 =	por !p3, !p4  }
0x130: {  	s1 =	simm.s32 $0x1;
	s0 =	sadd.s32 s20, s12;
	p0 =	por !p0, !p0  }
0x131: {  	s25 =	spop (v2sf);
	s0 =	sshrl.u32 s0, $0x7;
	s1 =	simm.s32 @!p0 $0x0  }
0x132: {  	[dreg:$0x11] =	wrdreg s12;
	s10 =	sand.u32 $0x7F, s25;
	s0 =	ssub.s32 s0, s1  }
0x133: {  	(v2sf) =	vpush v2, $0xF;
	p5 =	slt.s32 s25, $0x1;
	s12 =	sshra.s32 s25, $0x1F;
	s0 =	sshll.u32 s0, $0x7  }
0x134: {  	p6 =	sne.s32 s10, $0x0;
	[dreg:$0x14] =	wrdreg s0;
	s0 =	sand.u32 $0x1FFFFF80, s0  }
0x135: {  	s17 =	sshrl.u32 s12, $0x19;
	p0 =	por !p5, !p6;
	s0 =	sadd.s32 s7, s0  }
0x136: {  	[tilespmem:s30], [sflag:$0x2] =	stream.strided.gather [hbm4b:s0+s15], $0x800, s14, s15, $0x38;
	[tilespmem:$0x10480] =	vst v63  }
0x137: {  	p0 =	por !p0, !p0;
	s1 =	simm.s32 $0x1;
	s0 =	sadd.s32 s17, s25  }
0x138: {  	s1 =	simm.s32 @!p0 $0x0;
	s0 =	sshrl.u32 s0, $0x7  }
0x139: {  	s0 =	ssub.s32 s0, s1  }
0x13a: {  	s0 =	sshll.u32 s0, $0x7  }
0x13b: {  	[dreg:$0x16] =	wrdreg s0;
	s0 =	sand.u32 $0x1FFFFF80, s0  }
0x13c: {  	s0 =	sadd.s32 s7, s0;
	s18 =	spop (v2sf)  }
0x13d: {  	[tilespmem:s2], [sflag:$0x2] =	stream.strided.gather [hbm4b:s0+s15], $0x800, s14, s15, $0x38;
	[tilespmem:$0x10480] =	vst v63  }
0x13e: {  	[dreg:$0x13] =	wrdreg s25;
	(v2sf) =	vpush v1, $0x8;
	s20 =	sand.u32 $0x7F, s18  }
0x13f: {  	s25 =	sshra.s32 s18, $0x1F;
	p1 =	slt.s32 s18, $0x1;
	p2 =	sne.s32 s20, $0x0  }
0x140: {  	[dreg:$0xa] =	wrdreg s9;
	s1 =	sshrl.u32 s25, $0x19;
	p0 =	por !p1, !p2  }
0x141: {  	s0 =	sadd.s32 s1, s18;
	s1 =	simm.s32 $0x1;
	p0 =	por !p0, !p0  }
0x142: {  	s9 =	spop (v2sf);
	s0 =	sshrl.u32 s0, $0x7;
	s1 =	simm.s32 @!p0 $0x0  }
0x143: {  	s10 =	sand.u32 $0x7F, s9;
	s0 =	ssub.s32 s0, s1  }
0x144: {  	(v2sf) =	vpush v1, $0x9;
	s12 =	sshra.s32 s9, $0x1F;
	p3 =	slt.s32 s9, $0x1;
	s0 =	sshll.u32 s0, $0x7  }
0x145: {  	p4 =	sne.s32 s10, $0x0;
	[dreg:$0x18] =	wrdreg s0;
	s0 =	sand.u32 $0x1FFFFF80, s0  }
0x146: {  	s17 =	sshrl.u32 s12, $0x19;
	p0 =	por !p3, !p4;
	s0 =	sadd.s32 s7, s0  }
0x147: {  	[tilespmem:s3], [sflag:$0x2] =	stream.strided.gather [hbm4b:s0+s15], $0x800, s14, s15, $0x38;
	[tilespmem:$0x10480] =	vst v63  }
0x148: {  	p0 =	por !p0, !p0;
	s1 =	simm.s32 $0x1;
	s0 =	sadd.s32 s17, s9  }
0x149: {  	s1 =	simm.s32 @!p0 $0x0;
	s0 =	sshrl.u32 s0, $0x7  }
0x14a: {  	s0 =	ssub.s32 s0, s1  }
0x14b: {  	s0 =	sshll.u32 s0, $0x7  }
0x14c: {  	[dreg:$0x19] =	wrdreg s0;
	s0 =	sand.u32 $0x1FFFFF80, s0  }
0x14d: {  	[dreg:$0x15] =	wrdreg s18;
	s0 =	sadd.s32 s7, s0;
	s18 =	spop (v2sf)  }
0x14e: {  	[tilespmem:s4], [sflag:$0x2] =	stream.strided.gather [hbm4b:s0+s15], $0x800, s14, s15, $0x38;
	[tilespmem:$0x10480] =	vst v63  }
0x14f: {  	(v2sf) =	vpush v1, $0xA;
	s20 =	sand.u32 $0x7F, s18  }
0x150: {  	s25 =	sshra.s32 s18, $0x1F;
	p5 =	slt.s32 s18, $0x1;
	p6 =	sne.s32 s20, $0x0  }
0x151: {  	s3 =	sshrl.u32 s25, $0x19;
	p0 =	por !p5, !p6  }
0x152: {  	s1 =	simm.s32 $0x1;
	s0 =	sadd.s32 s3, s18;
	p0 =	por !p0, !p0  }
0x153: {  	s4 =	spop (v2sf);
	s0 =	sshrl.u32 s0, $0x7;
	s1 =	simm.s32 @!p0 $0x0  }
0x154: {  	[dreg:$0x17] =	wrdreg s9;
	s9 =	sand.u32 $0x7F, s4;
	s0 =	ssub.s32 s0, s1  }
0x155: {  	(v2sf) =	vpush v1, $0xB;
	s10 =	sshra.s32 s4, $0x1F;
	p1 =	slt.s32 s4, $0x1;
	s0 =	sshll.u32 s0, $0x7  }
0x156: {  	p2 =	sne.s32 s9, $0x0;
	[dreg:$0x1c] =	wrdreg s0;
	s0 =	sand.u32 $0x1FFFFF80, s0  }
0x157: {  	s12 =	sshrl.u32 s10, $0x19;
	p0 =	por !p1, !p2;
	s0 =	sadd.s32 s8, s0  }
0x158: {  	[tilespmem:s31], [sflag:$0x4] =	stream.strided.gather [hbm4b:s0+s15], $0x800, s14, s15, $0x38;
	[tilespmem:$0x10480] =	vst v63  }
0x159: {  	p0 =	por !p0, !p0;
	s1 =	simm.s32 $0x1;
	s0 =	sadd.s32 s12, s4  }
0x15a: {  	s1 =	simm.s32 @!p0 $0x0;
	s0 =	sshrl.u32 s0, $0x7  }
0x15b: {  	s0 =	ssub.s32 s0, s1  }
0x15c: {  	s0 =	sshll.u32 s0, $0x7  }
0x15d: {  	[dreg:$0x1d] =	wrdreg s0;
	s0 =	sand.u32 $0x1FFFFF80, s0  }
0x15e: {  	[dreg:$0x1a] =	wrdreg s18;
	s0 =	sadd.s32 s8, s0;
	s18 =	spop (v2sf)  }
0x15f: {  	[tilespmem:s29], [sflag:$0x4] =	stream.strided.gather [hbm4b:s0+s15], $0x800, s14, s15, $0x38;
	[tilespmem:$0x10480] =	vst v63  }
0x160: {  	(v2sf) =	vpush v1, $0xC;
	s17 =	sand.u32 $0x7F, s18  }
0x161: {  	s20 =	sshra.s32 s18, $0x1F;
	p3 =	slt.s32 s18, $0x1;
	p4 =	sne.s32 s17, $0x0  }
0x162: {  	s25 =	sshrl.u32 s20, $0x19;
	p0 =	por !p3, !p4  }
0x163: {  	s1 =	simm.s32 $0x1;
	s0 =	sadd.s32 s25, s18;
	p0 =	por !p0, !p0  }
0x164: {  	s20 =	spop (v2sf);
	s0 =	sshrl.u32 s0, $0x7;
	s1 =	simm.s32 @!p0 $0x0  }
0x165: {  	s29 =	sand.u32 $0x7F, s20;
	s0 =	ssub.s32 s0, s1  }
0x166: {  	s31 =	sshra.s32 s20, $0x1F;
	p5 =	slt.s32 s20, $0x1;
	s0 =	sshll.u32 s0, $0x7  }
0x167: {  	(v2sf) =	vpush v1, $0xD;
	p6 =	sne.s32 s29, $0x0;
	[dreg:$0x1e] =	wrdreg s0;
	s0 =	sand.u32 $0x1FFFFF80, s0  }
0x168: {  	s2 =	sshrl.u32 s31, $0x19;
	p0 =	por !p5, !p6;
	s0 =	sadd.s32 s8, s0  }
0x169: {  	[tilespmem:s11], [sflag:$0x4] =	stream.strided.gather [hbm4b:s0+s15], $0x800, s14, s15, $0x38;
	[tilespmem:$0x10480] =	vst v63  }
0x16a: {  	p0 =	por !p0, !p0;
	s1 =	simm.s32 $0x1;
	s0 =	sadd.s32 s2, s20  }
0x16b: {  	s1 =	simm.s32 @!p0 $0x0;
	s0 =	sshrl.u32 s0, $0x7  }
0x16c: {  	s0 =	ssub.s32 s0, s1  }
0x16d: {  	s0 =	sshll.u32 s0, $0x7  }
0x16e: {  	[dreg:$0x1f] =	wrdreg s0;
	s0 =	sand.u32 $0x1FFFFF80, s0  }
0x16f: {  	s0 =	sadd.s32 s8, s0;
	s30 =	spop (v2sf)  }
0x170: {  	[tilespmem:s6], [sflag:$0x4] =	stream.strided.gather [hbm4b:s0+s15], $0x800, s14, s15, $0x38;
	[tilespmem:$0x10480] =	vst v63  }
0x171: {  	[dreg:$0x1b] =	wrdreg s4;
	(v2sf) =	vpush v1, $0xE;
	s3 =	sand.u32 $0x7F, s30  }
0x172: {  	s4 =	sshra.s32 s30, $0x1F;
	p2 =	slt.s32 s30, $0x1;
	p1 =	sne.s32 s3, $0x0  }
0x173: {  	s0 =	sshrl.u32 s4, $0x19;
	p0 =	por !p2, !p1  }
0x174: {  	s1 =	simm.s32 $0x1;
	s0 =	sadd.s32 s0, s30;
	p0 =	por !p0, !p0  }
0x175: {  	s0 =	sshrl.u32 s0, $0x7;
	s1 =	simm.s32 @!p0 $0x0  }
0x176: {  	s12 =	spop (v2sf);
	s0 =	ssub.s32 s0, s1  }
0x177: {  	s6 =	sand.u32 $0x7F, s12;
	s0 =	sshll.u32 s0, $0x7  }
0x178: {  	p4 =	slt.s32 s12, $0x1;
	[smem:$0x7FA] =	sst s0;
	s0 =	sand.u32 $0x1FFFFF80, s0  }
0x179: {  	s9 =	sshra.s32 s12, $0x1F;
	p3 =	sne.s32 s6, $0x0;
	s0 =	sadd.s32 s8, s0  }
0x17a: {  	[tilespmem:s5], [sflag:$0x4] =	stream.strided.gather [hbm4b:s0+s15], $0x800, s14, s15, $0x38;
	[tilespmem:$0x10480] =	vst v63  }
0x17b: {  	(v2sf) =	vpush v1, $0xF;
	p0 =	por !p4, !p3;
	s0 =	sshrl.u32 s9, $0x19  }
0x17c: {  	p0 =	por !p0, !p0;
	s1 =	simm.s32 $0x1;
	s0 =	sadd.s32 s0, s12  }
0x17d: {  	s1 =	simm.s32 @!p0 $0x0;
	s0 =	sshrl.u32 s0, $0x7  }
0x17e: {  	s0 =	ssub.s32 s0, s1  }
0x17f: {  	s0 =	sshll.u32 s0, $0x7  }
0x180: {  	[smem:$0x7FB] =	sst s0;
	s0 =	sand.u32 $0x1FFFFF80, s0;
	s6 =	spop (v2sf)  }
0x181: {  	s0 =	sadd.s32 s8, s0;
	s10 =	sand.u32 $0x7F, s6  }
0x182: {  	[tilespmem:s26], [sflag:$0x4] =	stream.strided.gather [hbm4b:s0+s15], $0x800, s14, s15, $0x38;
	[tilespmem:$0x10480] =	vst v63  }
0x183: {  	p6 =	slt.s32 s6, $0x1;
	s11 =	sshra.s32 s6, $0x1F;
	p5 =	sne.s32 s10, $0x0  }
0x184: {  	s0 =	sshrl.u32 s11, $0x19;
	p0 =	por !p6, !p5  }
0x185: {  	s1 =	simm.s32 $0x1;
	s0 =	sadd.s32 s0, s6;
	p0 =	por !p0, !p0  }
0x186: {  	s0 =	sshrl.u32 s0, $0x7;
	s1 =	simm.s32 @!p0 $0x0  }
0x187: {  	s0 =	ssub.s32 s0, s1  }
0x188: {  	s0 =	sshll.u32 s0, $0x7  }
0x189: {  	[smem:$0x7FC] =	sst s0;
	s0 =	sand.u32 $0x1FFFFF80, s0  }
0x18a: {  	s5 =	spop (v2sf);
	s0 =	sadd.s32 s8, s0  }
0x18b: {  	[tilespmem:s16], [sflag:$0x4] =	stream.strided.gather [hbm4b:s0+s15], $0x800, s14, s15, $0x38;
	[tilespmem:$0x10480] =	vst v63  }
0x18c: {  	s16 =	sand.u32 $0x7F, s5  }
0x18d: {  	p2 =	slt.s32 s5, $0x1;
	s17 =	sshra.s32 s5, $0x1F;
	p1 =	sne.s32 s16, $0x0  }
0x18e: {  	s0 =	sshrl.u32 s17, $0x19;
	p0 =	por !p2, !p1  }
0x18f: {  	s1 =	simm.s32 $0x1;
	s0 =	sadd.s32 s0, s5;
	p0 =	por !p0, !p0  }
0x190: {  	s0 =	sshrl.u32 s0, $0x7;
	s1 =	simm.s32 @!p0 $0x0  }
0x191: {  	s0 =	ssub.s32 s0, s1  }
0x192: {  	s0 =	sshll.u32 s0, $0x7  }
0x193: {  	[smem:$0x7FD] =	sst s0;
	s0 =	sand.u32 $0x1FFFFF80, s0  }
0x194: {  	s0 =	sadd.s32 s8, s0  }
0x195: {  	[tilespmem:s19], [sflag:$0x4] =	stream.strided.gather [hbm4b:s0+s15], $0x800, s14, s15, $0x38;
	[tilespmem:$0x10480] =	vst v63  }
0x196: {  	_ =	swait.ge [sflag:s13], $0x800  }
0x197: {  	[sflag:s13] =	ssyncset.done $0x0  }
0x198: {  	[sflag:s13] =	ssyncadd.s32 $0xFFFFF800  }
0x199: {  	_ =	swait.ge [sflag:s13], $0x800  }
0x19a: {  	[sflag:s13] =	ssyncset.done $0x0  }
0x19b: {  	[sflag:s13] =	ssyncadd.s32 $0xFFFFF800  }
0x19c: {  	_ =	swait.ge [sflag:s13], $0x800  }
0x19d: {  	[sflag:s13] =	ssyncset.done $0x0  }
0x19e: {  	[sflag:s13] =	ssyncadd.s32 $0xFFFFF800  }
0x19f: {  	_ =	swait.ge [sflag:s13], $0x800  }
0x1a0: {  	[sflag:s13] =	ssyncset.done $0x0  }
0x1a1: {  	[sflag:s13] =	ssyncadd.s32 $0xFFFFF800  }
0x1a2: {  	_ =	swait.ge [sflag:s13], $0x800  }
0x1a3: {  	[sflag:s13] =	ssyncset.done $0x0  }
0x1a4: {  	[sflag:s13] =	ssyncadd.s32 $0xFFFFF800  }
0x1a5: {  	_ =	swait.ge [sflag:s13], $0x800  }
0x1a6: {  	[sflag:s13] =	ssyncset.done $0x0  }
0x1a7: {  	[sflag:s13] =	ssyncadd.s32 $0xFFFFF800  }
0x1a8: {  	_ =	swait.ge [sflag:s13], $0x800  }
0x1a9: {  	[sflag:s13] =	ssyncset.done $0x0  }
0x1aa: {  	[sflag:s13] =	ssyncadd.s32 $0xFFFFF800  }
0x1ab: {  	_ =	swait.ge [sflag:s13], $0x800  }
0x1ac: {  	[sflag:s13] =	ssyncset.done $0x0  }
0x1ad: {  	[sflag:s13] =	ssyncadd.s32 $0xFFFFF800  }
0x1ae: {  	_ =	swait.ge [sflag:s21], $0x800  }
0x1af: {  	[sflag:s21] =	ssyncset.done $0x0  }
0x1b0: {  	[sflag:s21] =	ssyncadd.s32 $0xFFFFF800  }
0x1b1: {  	_ =	swait.ge [sflag:s21], $0x800  }
0x1b2: {  	[sflag:s21] =	ssyncset.done $0x0  }
0x1b3: {  	[sflag:s21] =	ssyncadd.s32 $0xFFFFF800  }
0x1b4: {  	_ =	swait.ge [sflag:s21], $0x800  }
0x1b5: {  	[sflag:s21] =	ssyncset.done $0x0  }
0x1b6: {  	[sflag:s21] =	ssyncadd.s32 $0xFFFFF800  }
0x1b7: {  	_ =	swait.ge [sflag:s21], $0x800  }
0x1b8: {  	[sflag:s21] =	ssyncset.done $0x0  }
0x1b9: {  	[sflag:s21] =	ssyncadd.s32 $0xFFFFF800  }
0x1ba: {  	_ =	swait.ge [sflag:s21], $0x800  }
0x1bb: {  	[sflag:s21] =	ssyncset.done $0x0  }
0x1bc: {  	[sflag:s21] =	ssyncadd.s32 $0xFFFFF800  }
0x1bd: {  	_ =	swait.ge [sflag:s21], $0x800  }
0x1be: {  	[sflag:s21] =	ssyncset.done $0x0  }
0x1bf: {  	[sflag:s21] =	ssyncadd.s32 $0xFFFFF800  }
0x1c0: {  	_ =	swait.ge [sflag:s21], $0x800  }
0x1c1: {  	[sflag:s21] =	ssyncset.done $0x0  }
0x1c2: {  	[sflag:s21] =	ssyncadd.s32 $0xFFFFF800  }
0x1c3: {  	_ =	swait.ge [sflag:s21], $0x800  }
0x1c4: {  	(v2sf) =	vpush v2, $0x0;
	_ =	sdelay $0x1  }
0x1c5: {  	(v2sf) =	vpush v2, $0x1;
	_ =	sdelay $0x1  }
0x1c6: {  	(v2sf) =	vpush v2, $0x2;
	_ =	sdelay $0x9  }
0x1c7: {  	(v2sf) =	vpush v2, $0x3  }
0x1c8: {  	s2 =	simm.s32 $0x1;
	s19 =	simm.s32 $0x1;
	s25 =	spop (v2sf)  }
0x1c9: {  	[sflag:s21] =	ssyncset.done $0x0;
	s26 =	sand.u32 $0x7F, s25;
	p4 =	slt.s32 s25, $0x1  }
0x1ca: {  	s29 =	sshra.s32 s25, $0x1F;
	s31 =	spop (v2sf);
	p3 =	sne.s32 s26, $0x0  }
0x1cb: {  	(v2sf) =	vpush v2, $0x4;
	s1 =	sshrl.u32 s29, $0x19;
	s4 =	sshra.s32 s31, $0x1F;
	s9 =	sand.u32 $0x7F, s31  }
0x1cc: {  	s17 =	spop (v2sf);
	p2 =	slt.s32 s31, $0x1;
	p0 =	por !p4, !p3  }
0x1cd: {  	s1 =	sadd.s32 s1, s25;
	p5 =	sne.s32 s9, $0x0;
	s3 =	sshrl.u32 s4, $0x19  }
0x1ce: {  	s10 =	sand.u32 $0x7F, s17;
	s11 =	sshra.s32 s17, $0x1F;
	p3 =	slt.s32 s17, $0x1  }
0x1cf: {  	p0 =	por !p0, !p0;
	s1 =	sshrl.u32 s1, $0x7;
	p6 =	sne.s32 s10, $0x0  }
0x1d0: {  	s3 =	sadd.s32 s3, s31;
	s8 =	sshrl.u32 s11, $0x19;
	s10 =	simm.s32 $0x1  }
0x1d1: {  	(v2sf) =	vpush v2, $0x5;
	s2 =	simm.s32 @!p0 $0x0;
	s3 =	sshrl.u32 s3, $0x7;
	p0 =	por !p2, !p5  }
0x1d2: {  	s8 =	sadd.s32 s8, s17;
	p1 =	por !p3, !p6;
	s1 =	ssub.s32 s2, s1  }
0x1d3: {  	(v2sf) =	vpush v2, $0x6;
	p0 =	por !p0, !p0;
	p1 =	por !p1, !p1;
	s8 =	sshrl.u32 s8, $0x7  }
0x1d4: {  	s1 =	sshll.u32 s1, $0x7;
	s10 =	simm.s32 @!p0 $0x0;
	s19 =	simm.s32 @!p1 $0x0  }
0x1d5: {  	s0 =	sadd.s32 s25, s1;
	s16 =	ssub.s32 s10, s3;
	s19 =	ssub.s32 s19, s8  }
0x1d6: {  	s25 =	spop (v2sf);
	(v2sf) =	vpush v2, $0x7;
	s1 =	sshll.u32 s16, $0x7;
	s3 =	sshll.u32 s19, $0x7  }
0x1d7: {  	s26 =	sand.u32 $0x7F, s25;
	s29 =	sshra.s32 s25, $0x1F;
	p5 =	slt.s32 s25, $0x1  }
0x1d8: {  	s10 =	sadd.s32 s31, s1;
	s28 =	sadd.s32 s17, s3;
	p4 =	sne.s32 s26, $0x0  }
0x1d9: {  	s1 =	sshrl.u32 s29, $0x19;
	s3 =	simm.s32 $0x1;
	s17 =	simm.s32 $0x1  }
0x1da: {  	s1 =	sadd.s32 s1, s25;
	p0 =	por !p5, !p4;
	s2 =	spop (v2sf)  }
0x1db: {  	s1 =	sshrl.u32 s1, $0x7;
	p0 =	por !p0, !p0;
	s31 =	sand.u32 $0x7F, s2  }
0x1dc: {  	p3 =	slt.s32 s2, $0x1;
	s4 =	sshra.s32 s2, $0x1F;
	p6 =	sne.s32 s31, $0x0  }
0x1dd: {  	s3 =	simm.s32 @!p0 $0x0;
	s9 =	sshrl.u32 s4, $0x19;
	p0 =	por !p3, !p6  }
0x1de: {  	s1 =	ssub.s32 s3, s1;
	s3 =	sadd.s32 s9, s2;
	p0 =	por !p0, !p0  }
0x1df: {  	[sflag:s21] =	ssyncadd.s32 $0xFFFFF800;
	(v2sf) =	vpush v1, $0x0;
	s3 =	sshrl.u32 s3, $0x7;
	s17 =	simm.s32 @!p0 $0x0  }
0x1e0: {  	s1 =	sshll.u32 s1, $0x7;
	s11 =	ssub.s32 s17, s3;
	s3 =	spop (v2sf)  }
0x1e1: {  	v5 =	vadd.s32 s10, v0;
	s10 =	simm.s32 $0x1;
	s8 =	sadd.s32 s25, s1;
	s16 =	sshra.s32 s3, $0x1F  }
0x1e2: {  	s26 =	sand.u32 $0x7F, s3;
	s25 =	spop (v2sf);
	s1 =	sshll.u32 s11, $0x7  }
0x1e3: {  	p6 =	slt.s32 s3, $0x1;
	p4 =	sne.s32 s26, $0x0;
	s17 =	sshrl.u32 s16, $0x19  }
0x1e4: {  	s29 =	sand.u32 $0x7F, s25;
	s31 =	sshra.s32 s25, $0x1F;
	p3 =	slt.s32 s25, $0x1  }
0x1e5: {  	s26 =	simm.s32 $0x1;
	s16 =	spop (v2sf);
	p5 =	sne.s32 s29, $0x0  }
0x1e6: {  	(v2sf) =	vpush v1, $0x1;
	s17 =	sadd.s32 s17, s3;
	p0 =	por !p6, !p4;
	s19 =	sshrl.u32 s31, $0x19  }
0x1e7: {  	(v2sf) =	vpush v1, $0x2;
	s29 =	simm.s32 $0x1;
	s17 =	sshrl.u32 s17, $0x7;
	p0 =	por !p0, !p0  }
0x1e8: {  	s19 =	sadd.s32 s19, s25;
	p1 =	por !p3, !p5;
	p5 =	slt.s32 s16, $0x1  }
0x1e9: {  	p1 =	por !p1, !p1;
	s26 =	simm.s32 @!p0 $0x0;
	s4 =	sshrl.u32 s19, $0x7  }
0x1ea: {  	s19 =	sadd.s32 s2, s1;
	s29 =	simm.s32 @!p1 $0x0;
	s9 =	ssub.s32 s26, s17  }
0x1eb: {  	v12 =	vadd.s32 s19, v0;
	s19 =	simm.s32 $0x2400;
	s11 =	ssub.s32 s29, s4;
	s1 =	sshll.u32 s9, $0x7  }
0x1ec: {  	s29 =	sshra.s32 s16, $0x1F;
	s2 =	sshll.u32 s11, $0x7;
	s1 =	sadd.s32 s3, s1  }
0x1ed: {  	s3 =	simm.s32 $0x1;
	s17 =	sadd.s32 s25, s2;
	s25 =	sand.u32 $0x7F, s16  }
0x1ee: {  	s2 =	sshrl.u32 s29, $0x19;
	p4 =	sne.s32 s25, $0x0;
	s25 =	spop (v2sf)  }
0x1ef: {  	s29 =	simm.s32 $0x1;
	s2 =	sadd.s32 s2, s16;
	s31 =	sand.u32 $0x7F, s25  }
0x1f0: {  	p0 =	por !p5, !p4;
	s2 =	sshrl.u32 s2, $0x7;
	p1 =	slt.s32 s25, $0x1  }
0x1f1: {  	(v2sf) =	vpush v1, $0x3;
	s4 =	sshra.s32 s25, $0x1F;
	p6 =	sne.s32 s31, $0x0;
	p0 =	por !p0, !p0  }
0x1f2: {  	s9 =	sshrl.u32 s4, $0x19;
	s3 =	simm.s32 @!p0 $0x0;
	p0 =	por !p1, !p6  }
0x1f3: {  	(v2sf) =	vpush v1, $0x4;
	s2 =	ssub.s32 s3, s2;
	s3 =	sadd.s32 s9, s25;
	p0 =	por !p0, !p0  }
0x1f4: {  	s2 =	sshll.u32 s2, $0x7;
	s11 =	sshrl.u32 s3, $0x7;
	s29 =	simm.s32 @!p0 $0x0  }
0x1f5: {  	s3 =	sadd.s32 s16, s2;
	s2 =	ssub.s32 s29, s11;
	s29 =	spop (v2sf)  }
0x1f6: {  	s16 =	sshra.s32 s29, $0x1F;
	s4 =	sand.u32 $0x7F, s29;
	s9 =	spop (v2sf)  }
0x1f7: {  	s2 =	sshll.u32 s2, $0x7;
	p5 =	slt.s32 s29, $0x1;
	p3 =	sne.s32 s4, $0x0  }
0x1f8: {  	s26 =	sshrl.u32 s16, $0x19;
	s11 =	sand.u32 $0x7F, s9;
	s16 =	sshra.s32 s9, $0x1F  }
0x1f9: {  	p6 =	slt.s32 s9, $0x1;
	s4 =	simm.s32 $0x1;
	s26 =	sadd.s32 s26, s29  }
0x1fa: {  	v4 =	vadd.s32 s0, v0;
	(v2sf) =	vpush v1, $0x5;
	p4 =	sne.s32 s11, $0x0;
	p0 =	por !p5, !p3;
	s31 =	sshrl.u32 s26, $0x7  }
0x1fb: {  	s26 =	sshrl.u32 s16, $0x19;
	p0 =	por !p0, !p0;
	p1 =	por !p6, !p4  }
0x1fc: {  	s16 =	smov.u32 s7;
	s7 =	simm.s32 $0x1;
	s26 =	sadd.s32 s26, s9  }
0x1fd: {  	p1 =	por !p1, !p1;
	s4 =	simm.s32 @!p0 $0x0;
	s11 =	sshrl.u32 s26, $0x7  }
0x1fe: {  	s7 =	simm.s32 @!p1 $0x0;
	s26 =	sadd.s32 s25, s2;
	s25 =	ssub.s32 s4, s31  }
0x1ff: {  	v9 =	vld.idx.msk [tilespmem:v4+s15+$0x0], $0xffff;
	v4 =	vadd.s32 s17, v0;
	s17 =	simm.s32 $0x1C00;
	s31 =	ssub.s32 s7, s11;
	s2 =	sshll.u32 s25, $0x7  }
0x200: {  	s7 =	spop (v2sf);
	s4 =	sshll.u32 s31, $0x7;
	s29 =	sadd.s32 s29, s2  }
0x201: {  	p4 =	slt.s32 s7, $0x1;
	s25 =	sadd.s32 s9, s4;
	s4 =	sand.u32 $0x7F, s7  }
0x202: {  	(v2sf) =	vpush v1, $0x6;
	s9 =	sshra.s32 s7, $0x1F;
	p3 =	sne.s32 s4, $0x0;
	s4 =	spop (v2sf)  }
0x203: {  	s2 =	sshrl.u32 s9, $0x19;
	s9 =	simm.s32 $0x1;
	s11 =	sand.u32 $0x7F, s4  }
0x204: {  	s2 =	sadd.s32 s2, s7;
	p0 =	por !p4, !p3;
	p6 =	slt.s32 s4, $0x1  }
0x205: {  	(v2sf) =	vpush v1, $0x7;
	s31 =	sshra.s32 s4, $0x1F;
	p5 =	sne.s32 s11, $0x0;
	p0 =	por !p0, !p0  }
0x206: {  	s2 =	sshrl.u32 s2, $0x7;
	s31 =	sshrl.u32 s31, $0x19;
	s9 =	simm.s32 @!p0 $0x0  }
0x207: {  	s11 =	simm.s32 $0x1;
	p0 =	por !p6, !p5;
	s2 =	ssub.s32 s9, s2  }
0x208: {  	v7 =	vadd.s32 s8, v0;
	s9 =	sadd.s32 s31, s4;
	p0 =	por !p0, !p0;
	s2 =	sshll.u32 s2, $0x7  }
0x209: {  	s9 =	sshrl.u32 s9, $0x7;
	s11 =	simm.s32 @!p0 $0x0;
	s31 =	spop (v2sf)  }
0x20a: {  	s2 =	sadd.s32 s7, s2;
	s7 =	ssub.s32 s11, s9;
	s9 =	sshra.s32 s31, $0x1F  }
0x20b: {  	v14 =	vadd.s32 s3, v0;
	s3 =	simm.s32 $0x1;
	s11 =	sand.u32 $0x7F, s31;
	s9 =	sshrl.u32 s9, $0x19  }
0x20c: {  	p1 =	sne.s32 s11, $0x0;
	s11 =	sadd.s32 $0x21, s24;
	s9 =	sadd.s32 s9, s31  }
0x20d: {  	v8 =	vld.idx.msk [tilespmem:v7+s17+$0x0], $0xffff;
	p2 =	slt.s32 s31, $0x1;
	s0 =	sshrl.u32 s9, $0x7;
	s9 =	smin.u32 s11, $0x1F  }
0x20e: {  	v7 =	vld.idx.msk [tilespmem:v12+s19+$0x0], $0xffff;
	v15 =	vadd.s32 s26, v0;
	s26 =	simm.s32 $0x3400;
	p0 =	por !p2, !p1;
	s9 =	sshll.u32 s9, $0x4  }
0x20f: {  	v12 =	vadd.s32 s25, v0;
	s25 =	simm.s32 $0x2C00;
	s7 =	sshll.u32 s7, $0x7;
	p0 =	por !p0, !p0;
	v2 =	vld [tilespmem:s9+$0x0]  }
0x210: {  	s4 =	sadd.s32 s4, s7;
	s10 =	simm.s32 @!p0 $0x0;
	v1 =	vld [tilespmem:s9+$0x200];
	s9 =	simm.s32 $0xC00  }
0x211: {  	s0 =	ssub.s32 s10, s0;
	s10 =	simm.s32 $0x1400;
	s11 =	spop (v2sf);
	v11 =	vld.idx.msk [tilespmem:v5+s9+$0x0], $0xffff  }
0x212: {  	v5 =	vld.idx.msk [tilespmem:v4+s26+$0x0], $0xffff;
	s0 =	sshll.u32 s0, $0x7;
	s26 =	simm.s32 $0x3C00;
	s8 =	sand.u32 $0x7F, s11  }
0x213: {  	v6 =	vadd.s32 s28, v0;
	s7 =	sshra.s32 s11, $0x1F;
	p4 =	slt.s32 s11, $0x1;
	s0 =	sadd.s32 s31, s0  }
0x214: {  	v13 =	vadd.s32 s1, v0;
	p3 =	sne.s32 s8, $0x0;
	s8 =	spop (v2sf);
	s1 =	sshrl.u32 s7, $0x19  }
0x215: {  	s7 =	sand.u32 $0x7F, s8;
	p1 =	por !p4, !p3;
	s1 =	sadd.s32 s1, s11  }
0x216: {  	p6 =	slt.s32 s8, $0x1;
	p5 =	sne.s32 s7, $0x0;
	p1 =	por !p1, !p1  }
0x217: {  	v16 =	vadd.s32 s29, v0;
	s1 =	sshrl.u32 s1, $0x7;
	s7 =	sshra.s32 s8, $0x1F;
	s3 =	simm.s32 @!p1 $0x0  }
0x218: {  	v10 =	vld.idx.msk [tilespmem:v6+s10+$0x0], $0xffff;
	s7 =	sshrl.u32 s7, $0x19;
	p0 =	por !p6, !p5;
	s1 =	ssub.s32 s3, s1  }
0x219: {  	v6 =	vld.idx.msk [tilespmem:v13+s25+$0x0], $0xffff;
	v13 =	vadd.s32 s2, v0;
	s3 =	sadd.s32 s7, s8;
	p0 =	por !p0, !p0;
	s7 =	simm.s32 $0x1  }
0x21a: {  	v4 =	vld.idx.msk [tilespmem:v14+s26+$0x0], $0xffff;
	v14 =	vadd.s32 s0, v0;
	s19 =	sshrl.u32 s3, $0x7;
	s7 =	simm.s32 @!p0 $0x0  }
0x21b: {  	s28 =	simm.s32 $0x8C00;
	s1 =	sshll.u32 s1, $0x7;
	s2 =	ssub.s32 s7, s19  }
0x21c: {  	s29 =	simm.s32 $0x9400;
	v19 =	vld.idx.msk [tilespmem:v16+s28+$0x0], $0xffff;
	v20 =	vadd.s32 s4, v0;
	s11 =	sadd.s32 s11, s1;
	s19 =	sshll.u32 s2, $0x7  }
0x21d: {  	v17 =	vld.idx.msk [tilespmem:v12+s29+$0x0], $0xffff;
	s31 =	simm.s32 $0x9C00;
	v21 =	vadd.s32 s11, v0;
	s26 =	sadd.s32 s8, s19  }
0x21e: {  	v16 =	vld.idx.msk [tilespmem:v13+s31+$0x0], $0xffff;
	s3 =	simm.s32 $0xAC00;
	p0 =	seq.s32 s24, $0xFFFFFFFF;
	v22 =	vadd.s32 s26, v0  }
.Ltmp4:
0x21f: {  	s7 =	smov.u32 s16;
	s16 =	simm.s32 $0x8400;
	v14 =	vld.idx.msk [tilespmem:v14+s3+$0x0], $0xffff;
	(pc) =	sbr.rel @p0 .LBB2_4-.Ltmp4, $4  }
0x220: {  	v18 =	vld.idx.msk [tilespmem:v15+s16+$0x0], $0xffff;
	s2 =	simm.s32 $0xA400  }
0x221: {  	s4 =	simm.s32 $0xB400;
	v15 =	vld.idx.msk [tilespmem:v20+s2+$0x0], $0xffff  }
0x222: {  	s28 =	simm.s32 $0xBC00;
	v13 =	vld.idx.msk [tilespmem:v21+s4+$0x0], $0xffff  }
0x223: {  	s8 =	rddreg [dreg:$0x2];
	v12 =	vld.idx.msk [tilespmem:v22+s28+$0x0], $0xffff  }
0x224: {  	(v2sf) =	vpush v2, $0x0;
	_ =	sdelay $0x5  }
0x225: {  	(v2sf) =	vpush v2, $0x1;
	_ =	sdelay $0x8  }
0x226: {  	s0 =	spop (v2sf)  }
0x227: {  	(v2sf) =	vpush v2, $0x2;
	s1 =	sand.u32 $0x7F, s0  }
0x228: {  	s19 =	sshra.s32 s0, $0x1F;
	p1 =	slt.s32 s0, $0x1;
	p0 =	sne.s32 s1, $0x0  }
0x229: {  	s1 =	sshrl.u32 s19, $0x19;
	p0 =	por !p1, !p0  }
0x22a: {  	s0 =	sadd.s32 s1, s0;
	s1 =	simm.s32 $0x1;
	p0 =	por !p0, !p0  }
0x22b: {  	s0 =	sshrl.u32 s0, $0x7;
	s1 =	simm.s32 @!p0 $0x0  }
0x22c: {  	s26 =	spop (v2sf);
	s0 =	ssub.s32 s0, s1  }
0x22d: {  	s29 =	sand.u32 $0x7F, s26;
	s31 =	sshra.s32 s26, $0x1F;
	s0 =	sshll.u32 s0, $0x7  }
0x22e: {  	(v2sf) =	vpush v2, $0x3;
	p2 =	slt.s32 s26, $0x1;
	p1 =	sne.s32 s29, $0x0;
	s0 =	sand.u32 $0x1FFFFF80, s0  }
0x22f: {  	p0 =	por !p2, !p1;
	s1 =	sshrl.u32 s31, $0x19;
	s0 =	sadd.s32 s7, s0  }
0x230: {  	[tilespmem:s15], [sflag:$0x1] =	stream.strided.gather [hbm4b:s0+s15], $0x800, s14, s15, $0x38;
	[tilespmem:$0x10480] =	vst v63  }
0x231: {  	p0 =	por !p0, !p0;
	s0 =	sadd.s32 s1, s26;
	s1 =	simm.s32 $0x1  }
0x232: {  	s0 =	sshrl.u32 s0, $0x7;
	s1 =	simm.s32 @!p0 $0x0  }
0x233: {  	s0 =	ssub.s32 s0, s1  }
0x234: {  	s0 =	sshll.u32 s0, $0x7  }
0x235: {  	s0 =	sand.u32 $0x1FFFFF80, s0  }
0x236: {  	s0 =	sadd.s32 s7, s0;
	s11 =	spop (v2sf)  }
0x237: {  	[tilespmem:s9], [sflag:$0x1] =	stream.strided.gather [hbm4b:s0+s15], $0x800, s14, s15, $0x38;
	[tilespmem:$0x10480] =	vst v63  }
0x238: {  	(v2sf) =	vpush v2, $0x4;
	s16 =	sand.u32 $0x7F, s11  }
0x239: {  	s19 =	sshra.s32 s11, $0x1F;
	p4 =	slt.s32 s11, $0x1;
	p3 =	sne.s32 s16, $0x0  }
0x23a: {  	s1 =	sshrl.u32 s19, $0x19;
	p0 =	por !p4, !p3  }
0x23b: {  	s0 =	sadd.s32 s1, s11;
	s1 =	simm.s32 $0x1;
	p0 =	por !p0, !p0  }
0x23c: {  	s0 =	sshrl.u32 s0, $0x7;
	s1 =	simm.s32 @!p0 $0x0  }
0x23d: {  	s26 =	spop (v2sf);
	s0 =	ssub.s32 s0, s1  }
0x23e: {  	s29 =	sand.u32 $0x7F, s26;
	s31 =	sshra.s32 s26, $0x1F;
	s0 =	sshll.u32 s0, $0x7  }
0x23f: {  	(v2sf) =	vpush v2, $0x5;
	p6 =	slt.s32 s26, $0x1;
	p5 =	sne.s32 s29, $0x0;
	s0 =	sand.u32 $0x1FFFFF80, s0  }
0x240: {  	p0 =	por !p6, !p5;
	s1 =	sshrl.u32 s31, $0x19;
	s0 =	sadd.s32 s7, s0  }
0x241: {  	[tilespmem:s10], [sflag:$0x1] =	stream.strided.gather [hbm4b:s0+s15], $0x800, s14, s15, $0x38;
	[tilespmem:$0x10480] =	vst v63  }
0x242: {  	p0 =	por !p0, !p0;
	s0 =	sadd.s32 s1, s26;
	s1 =	simm.s32 $0x1  }
0x243: {  	s0 =	sshrl.u32 s0, $0x7;
	s1 =	simm.s32 @!p0 $0x0  }
0x244: {  	s0 =	ssub.s32 s0, s1  }
0x245: {  	s0 =	sshll.u32 s0, $0x7  }
0x246: {  	s0 =	sand.u32 $0x1FFFFF80, s0  }
0x247: {  	s0 =	sadd.s32 s7, s0;
	s11 =	spop (v2sf)  }
0x248: {  	[tilespmem:s17], [sflag:$0x1] =	stream.strided.gather [hbm4b:s0+s15], $0x800, s14, s15, $0x38;
	[tilespmem:$0x10480] =	vst v63  }
0x249: {  	(v2sf) =	vpush v2, $0x6;
	s16 =	sand.u32 $0x7F, s11  }
0x24a: {  	s19 =	sshra.s32 s11, $0x1F;
	p2 =	slt.s32 s11, $0x1;
	p1 =	sne.s32 s16, $0x0  }
0x24b: {  	s1 =	sshrl.u32 s19, $0x19;
	p0 =	por !p2, !p1  }
0x24c: {  	s0 =	sadd.s32 s1, s11;
	s1 =	simm.s32 $0x1;
	p0 =	por !p0, !p0  }
0x24d: {  	s0 =	sshrl.u32 s0, $0x7;
	s1 =	simm.s32 @!p0 $0x0  }
0x24e: {  	s26 =	simm.s32 $0x2400;
	s29 =	spop (v2sf);
	s0 =	ssub.s32 s0, s1  }
0x24f: {  	s31 =	sand.u32 $0x7F, s29;
	p4 =	slt.s32 s29, $0x1;
	s0 =	sshll.u32 s0, $0x7  }
0x250: {  	(v2sf) =	vpush v2, $0x7;
	p3 =	sne.s32 s31, $0x0;
	s11 =	sshra.s32 s29, $0x1F;
	s0 =	sand.u32 $0x1FFFFF80, s0  }
0x251: {  	p0 =	por !p4, !p3;
	s1 =	sshrl.u32 s11, $0x19;
	s0 =	sadd.s32 s7, s0  }
0x252: {  	[tilespmem:s26], [sflag:$0x1] =	stream.strided.gather [hbm4b:s0+s15], $0x800, s14, s15, $0x38;
	[tilespmem:$0x10480] =	vst v63  }
0x253: {  	p0 =	por !p0, !p0;
	s0 =	sadd.s32 s1, s29;
	s1 =	simm.s32 $0x1  }
0x254: {  	s0 =	sshrl.u32 s0, $0x7;
	s1 =	simm.s32 @!p0 $0x0  }
0x255: {  	s0 =	ssub.s32 s0, s1  }
0x256: {  	s0 =	sshll.u32 s0, $0x7  }
0x257: {  	s0 =	sand.u32 $0x1FFFFF80, s0  }
0x258: {  	s0 =	sadd.s32 s7, s0;
	s16 =	spop (v2sf)  }
0x259: {  	[tilespmem:s25], [sflag:$0x1] =	stream.strided.gather [hbm4b:s0+s15], $0x800, s14, s15, $0x38;
	[tilespmem:$0x10480] =	vst v63  }
0x25a: {  	(v2sf) =	vpush v1, $0x0;
	s19 =	sand.u32 $0x7F, s16  }
0x25b: {  	s26 =	sshra.s32 s16, $0x1F;
	p6 =	slt.s32 s16, $0x1;
	p5 =	sne.s32 s19, $0x0  }
0x25c: {  	s1 =	sshrl.u32 s26, $0x19;
	p0 =	por !p6, !p5  }
0x25d: {  	s0 =	sadd.s32 s1, s16;
	s1 =	simm.s32 $0x1;
	p0 =	por !p0, !p0  }
0x25e: {  	s0 =	sshrl.u32 s0, $0x7;
	s1 =	simm.s32 @!p0 $0x0  }
0x25f: {  	s29 =	simm.s32 $0x3400;
	s31 =	spop (v2sf);
	s0 =	ssub.s32 s0, s1  }
0x260: {  	s11 =	sand.u32 $0x7F, s31;
	p2 =	slt.s32 s31, $0x1;
	s0 =	sshll.u32 s0, $0x7  }
0x261: {  	(v2sf) =	vpush v1, $0x1;
	p1 =	sne.s32 s11, $0x0;
	s16 =	sshra.s32 s31, $0x1F;
	s0 =	sand.u32 $0x1FFFFF80, s0  }
0x262: {  	p0 =	por !p2, !p1;
	s1 =	sshrl.u32 s16, $0x19;
	s0 =	sadd.s32 s7, s0  }
0x263: {  	[tilespmem:s29], [sflag:$0x1] =	stream.strided.gather [hbm4b:s0+s15], $0x800, s14, s15, $0x38;
	[tilespmem:$0x10480] =	vst v63  }
0x264: {  	p0 =	por !p0, !p0;
	s0 =	sadd.s32 s1, s31;
	s1 =	simm.s32 $0x1  }
0x265: {  	s0 =	sshrl.u32 s0, $0x7;
	s1 =	simm.s32 @!p0 $0x0  }
0x266: {  	s0 =	ssub.s32 s0, s1  }
0x267: {  	s0 =	sshll.u32 s0, $0x7  }
0x268: {  	s0 =	sand.u32 $0x1FFFFF80, s0  }
0x269: {  	s19 =	simm.s32 $0x3C00;
	s0 =	sadd.s32 s7, s0;
	s26 =	spop (v2sf)  }
0x26a: {  	[tilespmem:s19], [sflag:$0x1] =	stream.strided.gather [hbm4b:s0+s15], $0x800, s14, s15, $0x38;
	[tilespmem:$0x10480] =	vst v63  }
0x26b: {  	(v2sf) =	vpush v1, $0x2;
	s29 =	sand.u32 $0x7F, s26  }
0x26c: {  	s31 =	sshra.s32 s26, $0x1F;
	p4 =	slt.s32 s26, $0x1;
	p3 =	sne.s32 s29, $0x0  }
0x26d: {  	s1 =	sshrl.u32 s31, $0x19;
	p0 =	por !p4, !p3  }
0x26e: {  	s0 =	sadd.s32 s1, s26;
	s1 =	simm.s32 $0x1;
	p0 =	por !p0, !p0  }
0x26f: {  	s0 =	sshrl.u32 s0, $0x7;
	s1 =	simm.s32 @!p0 $0x0  }
0x270: {  	s11 =	simm.s32 $0x8400;
	s16 =	spop (v2sf);
	s0 =	ssub.s32 s0, s1  }
0x271: {  	s19 =	sand.u32 $0x7F, s16;
	p6 =	slt.s32 s16, $0x1;
	s0 =	sshll.u32 s0, $0x7  }
0x272: {  	(v2sf) =	vpush v1, $0x3;
	p5 =	sne.s32 s19, $0x0;
	s26 =	sshra.s32 s16, $0x1F;
	s0 =	sand.u32 $0x1FFFFF80, s0  }
0x273: {  	p0 =	por !p6, !p5;
	s1 =	sshrl.u32 s26, $0x19;
	s0 =	sadd.s32 s8, s0  }
0x274: {  	[tilespmem:s11], [sflag:$0x3] =	stream.strided.gather [hbm4b:s0+s15], $0x800, s14, s15, $0x38;
	[tilespmem:$0x10480] =	vst v63  }
0x275: {  	p0 =	por !p0, !p0;
	s0 =	sadd.s32 s1, s16;
	s1 =	simm.s32 $0x1  }
0x276: {  	s0 =	sshrl.u32 s0, $0x7;
	s1 =	simm.s32 @!p0 $0x0  }
0x277: {  	s0 =	ssub.s32 s0, s1  }
0x278: {  	s0 =	sshll.u32 s0, $0x7  }
0x279: {  	s0 =	sand.u32 $0x1FFFFF80, s0  }
0x27a: {  	s29 =	simm.s32 $0x8C00;
	s0 =	sadd.s32 s8, s0;
	s31 =	spop (v2sf)  }
0x27b: {  	[tilespmem:s29], [sflag:$0x3] =	stream.strided.gather [hbm4b:s0+s15], $0x800, s14, s15, $0x38;
	[tilespmem:$0x10480] =	vst v63  }
0x27c: {  	(v2sf) =	vpush v1, $0x4;
	s11 =	sand.u32 $0x7F, s31  }
0x27d: {  	s16 =	sshra.s32 s31, $0x1F;
	p2 =	slt.s32 s31, $0x1;
	p1 =	sne.s32 s11, $0x0  }
0x27e: {  	s1 =	sshrl.u32 s16, $0x19;
	p0 =	por !p2, !p1  }
0x27f: {  	s0 =	sadd.s32 s1, s31;
	s1 =	simm.s32 $0x1;
	p0 =	por !p0, !p0  }
0x280: {  	s0 =	sshrl.u32 s0, $0x7;
	s1 =	simm.s32 @!p0 $0x0  }
0x281: {  	s19 =	simm.s32 $0x9400;
	s26 =	spop (v2sf);
	s0 =	ssub.s32 s0, s1  }
0x282: {  	s29 =	sand.u32 $0x7F, s26;
	p4 =	slt.s32 s26, $0x1;
	s0 =	sshll.u32 s0, $0x7  }
0x283: {  	p3 =	sne.s32 s29, $0x0;
	s31 =	sshra.s32 s26, $0x1F;
	s0 =	sand.u32 $0x1FFFFF80, s0  }
0x284: {  	p0 =	por !p4, !p3;
	s1 =	sshrl.u32 s31, $0x19;
	s0 =	sadd.s32 s8, s0  }
0x285: {  	(v2sf) =	vpush v1, $0x5;
	[tilespmem:s19], [sflag:$0x3] =	stream.strided.gather [hbm4b:s0+s15], $0x800, s14, s15, $0x38;
	[tilespmem:$0x10480] =	vst v63  }
0x286: {  	p0 =	por !p0, !p0;
	s0 =	sadd.s32 s1, s26;
	s1 =	simm.s32 $0x1  }
0x287: {  	s0 =	sshrl.u32 s0, $0x7;
	s1 =	simm.s32 @!p0 $0x0  }
0x288: {  	s0 =	ssub.s32 s0, s1  }
0x289: {  	s0 =	sshll.u32 s0, $0x7  }
0x28a: {  	s0 =	sand.u32 $0x1FFFFF80, s0  }
0x28b: {  	s11 =	simm.s32 $0x9C00;
	s0 =	sadd.s32 s8, s0;
	s16 =	spop (v2sf)  }
0x28c: {  	[tilespmem:s11], [sflag:$0x3] =	stream.strided.gather [hbm4b:s0+s15], $0x800, s14, s15, $0x38;
	[tilespmem:$0x10480] =	vst v63  }
0x28d: {  	(v2sf) =	vpush v1, $0x6;
	s19 =	sand.u32 $0x7F, s16  }
0x28e: {  	s26 =	sshra.s32 s16, $0x1F;
	p6 =	slt.s32 s16, $0x1;
	p5 =	sne.s32 s19, $0x0  }
0x28f: {  	s1 =	sshrl.u32 s26, $0x19;
	p0 =	por !p6, !p5  }
0x290: {  	s0 =	sadd.s32 s1, s16;
	s1 =	simm.s32 $0x1;
	p0 =	por !p0, !p0  }
0x291: {  	s0 =	sshrl.u32 s0, $0x7;
	s1 =	simm.s32 @!p0 $0x0  }
0x292: {  	s0 =	ssub.s32 s0, s1  }
0x293: {  	s0 =	sshll.u32 s0, $0x7  }
0x294: {  	s29 =	spop (v2sf);
	(v2sf) =	vpush v1, $0x7;
	s0 =	sand.u32 $0x1FFFFF80, s0  }
0x295: {  	s31 =	sand.u32 $0x7F, s29;
	s0 =	sadd.s32 s8, s0  }
0x296: {  	[tilespmem:s2], [sflag:$0x3] =	stream.strided.gather [hbm4b:s0+s15], $0x800, s14, s15, $0x38;
	[tilespmem:$0x10480] =	vst v63  }
0x297: {  	p2 =	slt.s32 s29, $0x1;
	p1 =	sne.s32 s31, $0x0;
	s2 =	sshra.s32 s29, $0x1F  }
0x298: {  	p0 =	por !p2, !p1;
	s1 =	sshrl.u32 s2, $0x19  }
0x299: {  	p0 =	por !p0, !p0;
	s0 =	sadd.s32 s1, s29;
	s1 =	simm.s32 $0x1  }
0x29a: {  	s0 =	sshrl.u32 s0, $0x7;
	s1 =	simm.s32 @!p0 $0x0  }
0x29b: {  	s0 =	ssub.s32 s0, s1  }
0x29c: {  	s0 =	sshll.u32 s0, $0x7;
	s11 =	spop (v2sf)  }
0x29d: {  	s0 =	sand.u32 $0x1FFFFF80, s0;
	s16 =	sand.u32 $0x7F, s11;
	s19 =	sshra.s32 s11, $0x1F  }
0x29e: {  	p4 =	slt.s32 s11, $0x1;
	s0 =	sadd.s32 s8, s0;
	p3 =	sne.s32 s16, $0x0  }
0x29f: {  	[tilespmem:s3], [sflag:$0x3] =	stream.strided.gather [hbm4b:s0+s15], $0x800, s14, s15, $0x38;
	[tilespmem:$0x10480] =	vst v63  }
0x2a0: {  	s0 =	sshrl.u32 s19, $0x19;
	p0 =	por !p4, !p3  }
0x2a1: {  	s1 =	simm.s32 $0x1;
	s0 =	sadd.s32 s0, s11;
	p0 =	por !p0, !p0  }
0x2a2: {  	s0 =	sshrl.u32 s0, $0x7;
	s1 =	simm.s32 @!p0 $0x0  }
0x2a3: {  	s26 =	spop (v2sf);
	s0 =	ssub.s32 s0, s1  }
0x2a4: {  	s29 =	sand.u32 $0x7F, s26;
	s31 =	sshra.s32 s26, $0x1F;
	s0 =	sshll.u32 s0, $0x7  }
0x2a5: {  	p6 =	slt.s32 s26, $0x1;
	p5 =	sne.s32 s29, $0x0;
	s0 =	sand.u32 $0x1FFFFF80, s0  }
0x2a6: {  	p0 =	por !p6, !p5;
	s1 =	sshrl.u32 s31, $0x19;
	s0 =	sadd.s32 s8, s0  }
0x2a7: {  	[tilespmem:s4], [sflag:$0x3] =	stream.strided.gather [hbm4b:s0+s15], $0x800, s14, s15, $0x38;
	[tilespmem:$0x10480] =	vst v63  }
0x2a8: {  	p0 =	por !p0, !p0;
	s0 =	sadd.s32 s1, s26;
	s1 =	simm.s32 $0x1  }
0x2a9: {  	s0 =	sshrl.u32 s0, $0x7;
	s1 =	simm.s32 @!p0 $0x0  }
.Ltmp5:
0x2aa: {  	s0 =	ssub.s32 s0, s1;
	(pc) =	sbr.rel .LBB2_4-.Ltmp5, $4  }
0x2ab: {  	s0 =	sshll.u32 s0, $0x7  }
0x2ac: {  	s0 =	sand.u32 $0x1FFFFF80, s0  }
0x2ad: {  	s0 =	sadd.s32 s8, s0  }
0x2ae: {  	[tilespmem:s28], [sflag:$0x3] =	stream.strided.gather [hbm4b:s0+s15], $0x800, s14, s15, $0x38;
	[tilespmem:$0x10480] =	vst v63  }
.LBB2_6:
0x2af: {  	_ =	sfence.sel $0x180000  }
0x2b0: {  	[bflag:$0x0] =	sbarrier.arrive $0xFFFF  }
0x2b1: {  	_ =	strace $0x90000047  }
0x2b2: {  	s0 =	stileid.u32;
	[bflag:$0x2] =	sbarrier.arrive $0xFFFF  }
0x2b3: {  	p0 =	sne.s32 s0, $0x0;
	s0 =	rddreg [dreg:$0x4]  }
0x2b4: {  	s0 =	sadd.s32 @!p0 $0x100000, s0  }
0x2b5: {  	[sflag:s0] =	ssyncadd.tile.s32 @!p0 $0x1;
	_ =	shalt  }
.Lfunc_end2:
_tile_overlayer_lowered:
.L_overlay_start_2:
0x2b6: {  	(tag) =	ssettag $0x2  }
0x2b7: {  	s0 =	rddreg [dreg:$0x0];
	s2 =	stileid.u32  }
0x2b8: {  	s1 =	rddreg [dreg:$0x1];
	p0 =	sne.s32 s2, $0x0  }
0x2b9: {  	s3 =	rddreg [dreg:$0x2];
	[bflag:$0x3] =	sbarrier.arrive $0xFFFF;
	s2 =	simm.s32 @!p0 $0x1C05  }
0x2ba: {  	[timem:s3], [sflag:s2] =	dma.local @!p0 [hbm:s0], s1  }
0x2bb: {  	s0 =	simm.s32 @!p0 $0x5  }
0x2bc: {  	_ =	swait.ge @!p0 [sflag:s0], s1  }
0x2bd: {  	s1 =	ssub.s32 @!p0 $0x0, s1;
	[sflag:s0] =	ssyncset.done @!p0 $0x0  }
0x2be: {  	[sflag:s0] =	ssyncadd.s32 @!p0 s1  }
0x2bf: {  	[bflag:$0x3] =	sbarrier.arrive $0xFFFF  }
0x2c0: {  	_ =	shalt  }

// kernel: _sc_call.7.cloned.1.call-start
scs
__scs_entry_jumppad:
0x0: {  	(pc) =	sbr.rel $0x88, $3  }
0x1: {  	(tag) =	ssettag $0x0;
	lr =	simm.s32 $0x1  }
0x2: {  	[smem:$0x3F9B] =	sst lr;
	_ =	strace $0xD0000000  }
0x3: {  	_ = 	snop  }
0x4: {  	_ = 	snop  }
0x5: {  	_ = 	snop  }
0x6: {  	_ = 	snop  }
0x7: {  	_ = 	snop  }
__scs_overlays_trampoline_lowered:
0x8: {  	[smem:$0x3FAA] =	sst s0  }
0x9: {  	[smem:$0x3FAB] =	sst s1  }
0xa: {  	[smem:$0x3FAC] =	sst s2  }
0xb: {  	[smem:$0x3FAD] =	sst s3  }
0xc: {  	[smem:$0x3FAE] =	sst s4  }
0xd: {  	[smem:$0x3FAF] =	sst s5  }
0xe: {  	[smem:$0x3FB0] =	sst s6  }
0xf: {  	[smem:$0x3FB1] =	sst s7  }
0x10: {  	[smem:$0x3FB2] =	sst s8  }
0x11: {  	[smem:$0x3FB3] =	sst s9;
	s0 =	simm.s32 @!p0 $0x0  }
0x12: {  	s1 =	sld [smem:$0x3F99];
	s0 =	simm.s32 @p0 $0x1  }
0x13: {  	[smem:$0x3FB4] =	sst s0;
	s0 =	simm.s32 @!p1 $0x0  }
0x14: {  	s2 =	sld [smem:$0x3F98];
	s0 =	simm.s32 @p1 $0x1  }
0x15: {  	[smem:$0x3FB5] =	sst s0;
	s0 =	simm.s32 @!p2 $0x0  }
0x16: {  	s3 =	sld [smem:$0x3FDB];
	s0 =	simm.s32 @p2 $0x1  }
0x17: {  	s4 =	simm.s32 $0x1BF5;
	[smem:$0x3FB7] =	sst s0  }
0x18: {  	s0 =	sld [smem:$0x3F9A];
	_ =	swait.ge [sflag:s4], $0x0  }
0x19: {  	s7 =	sld [smem:$0x3F9B]  }
0x1a: {  	s8 =	sadd.s32 $0xFFFFE003, lr  }
0x1b: {  	s9 =	sadd.s32 $0xFFFFFEF7, lr;
	s5 =	simm.s32 $0xFFFFFFFF;
	p2 =	slt.u32 s8, $0xFFFFF086  }
0x1c: {  	p1 =	slt.u32 s9, $0xF7A;
	s5 =	simm.s32 @!p2 $0x0  }
0x1d: {  	s5 =	simm.s32 @p1 $0x1;
	p0 =	seq.s32 s7, s2  }
0x1e: {  	s7 =	smul.u32 @!p0 $0xF7A, s2;
	p2 =	seq.s32 @!p0 s5, $0x0  }
0x1f: {  	s9 =	smul.u32 $0xF7A, s1;
	s8 =	simm.s32 @!p0 $0x1BF5;
	p2 =	por !p2, p0  }
0x20: {  	[sflag:s8] =	ssyncset.s32 @!p0 $0xFFFFF086;
	s6 =	sadd.s32 @!p0 s3, s7;
	s7 =	simm.s32 @!p0 $0x108  }
0x21: {  	s3 =	sadd.s32 s3, s9;
	s6 =	sadd.s32 @!p0 $0x88, s6;
	s7 =	simm.s32 @p2 $0x1082  }
0x22: {  	[simem:s7], [sflag:s8] =	dma.local @!p0 [hbm:s6], $0xF7A  }
0x23: {  	s9 =	sor.u32 $0xD0000000, s2;
	s6 =	simm.s32 $0x108;
	_ =	swait.ge @!p0 [sflag:s8], $0x0  }
0x24: {  	s3 =	sadd.s32 $0x88, s3;
	s6 =	simm.s32 @!p1 $0x1082;
	[sflag:s4] =	ssyncset.s32 $0xFFFFF086  }
0x25: {  	[simem:s6], [sflag:s4] =	dma.local [hbm:s3], $0xF7A  }
0x26: {  	[smem:$0x3F9B] =	sst s1;
	(tag) =	ssettag s2;
	_ =	strace s9  }
0x27: {  	s1 =	sld [smem:$0x3FAB]  }
0x28: {  	s2 =	sld [smem:$0x3FAC]  }
0x29: {  	s4 =	sld [smem:$0x3FAE]  }
0x2a: {  	p0 =	seq.s32 s5, $0x0;
	s5 =	sld [smem:$0x3FAF]  }
0x2b: {  	s6 =	sld [smem:$0x3FB0]  }
0x2c: {  	s7 =	sld [smem:$0x3FB1]  }
0x2d: {  	s3 =	simm.s32 $0x108;
	s8 =	sld [smem:$0x3FB2]  }
0x2e: {  	s3 =	simm.s32 @!p0 $0x1082;
	s9 =	sld [smem:$0x3FB3]  }
0x2f: {  	lr =	sadd.s32 s0, s3;
	s0 =	sld [smem:$0x3FAA]  }
0x30: {  	s3 =	sld [smem:$0x3FAD]  }
0x31: {  	[smem:$0x3FB6] =	sst s10  }
0x32: {  	s10 =	sld [smem:$0x3FB4];
	_ =	sdelay $0x3  }
0x33: {  	p0 =	seq.s32 s10, $0x1;
	s10 =	sld [smem:$0x3FB6];
	_ =	sdelay $0x3  }
0x34: {  	[smem:$0x3FB6] =	sst s10  }
0x35: {  	s10 =	sld [smem:$0x3FB5];
	_ =	sdelay $0x3  }
0x36: {  	p1 =	seq.s32 s10, $0x1;
	s10 =	sld [smem:$0x3FB6];
	_ =	sdelay $0x3  }
0x37: {  	[smem:$0x3FB6] =	sst s10  }
0x38: {  	s10 =	sld [smem:$0x3FB7]  }
0x39: {  	_ = 	snop;
	(pc) =	sbr.ind lr, $3  }
0x3a: {  	_ = 	snop  }
0x3b: {  	_ = 	snop  }
0x3c: {  	p2 =	seq.s32 s10, $0x1;
	s10 =	sld [smem:$0x3FB6]  }
0x3d: {  	_ =	shalt  }
0x3e: {  	_ =	shalt  }
0x3f: {  	_ =	shalt  }
0x40: {  	_ =	shalt  }
0x41: {  	_ =	shalt  }
0x42: {  	_ =	shalt  }
0x43: {  	_ =	shalt  }
0x44: {  	_ =	shalt  }
0x45: {  	_ =	shalt  }
0x46: {  	_ =	shalt  }
0x47: {  	_ =	shalt  }
0x48: {  	_ =	shalt  }
0x49: {  	_ =	shalt  }
0x4a: {  	_ =	shalt  }
0x4b: {  	_ =	shalt  }
0x4c: {  	_ =	shalt  }
0x4d: {  	_ =	shalt  }
0x4e: {  	_ =	shalt  }
0x4f: {  	_ =	shalt  }
0x50: {  	_ =	shalt  }
0x51: {  	_ =	shalt  }
0x52: {  	_ =	shalt  }
0x53: {  	_ =	shalt  }
0x54: {  	_ =	shalt  }
0x55: {  	_ =	shalt  }
0x56: {  	_ =	shalt  }
0x57: {  	_ =	shalt  }
0x58: {  	_ =	shalt  }
0x59: {  	_ =	shalt  }
0x5a: {  	_ =	shalt  }
0x5b: {  	_ =	shalt  }
0x5c: {  	_ =	shalt  }
0x5d: {  	_ =	shalt  }
0x5e: {  	_ =	shalt  }
0x5f: {  	_ =	shalt  }
0x60: {  	_ =	shalt  }
0x61: {  	_ =	shalt  }
0x62: {  	_ =	shalt  }
0x63: {  	_ =	shalt  }
0x64: {  	_ =	shalt  }
0x65: {  	_ =	shalt  }
0x66: {  	_ =	shalt  }
0x67: {  	_ =	shalt  }
0x68: {  	_ =	shalt  }
0x69: {  	_ =	shalt  }
0x6a: {  	_ =	shalt  }
0x6b: {  	_ =	shalt  }
0x6c: {  	_ =	shalt  }
0x6d: {  	_ =	shalt  }
0x6e: {  	_ =	shalt  }
0x6f: {  	_ =	shalt  }
0x70: {  	_ =	shalt  }
0x71: {  	_ =	shalt  }
0x72: {  	_ =	shalt  }
0x73: {  	_ =	shalt  }
0x74: {  	_ =	shalt  }
0x75: {  	_ =	shalt  }
0x76: {  	_ =	shalt  }
0x77: {  	_ =	shalt  }
0x78: {  	_ =	shalt  }
0x79: {  	_ =	shalt  }
0x7a: {  	_ =	shalt  }
0x7b: {  	_ =	shalt  }
0x7c: {  	_ =	shalt  }
0x7d: {  	_ =	shalt  }
0x7e: {  	_ =	shalt  }
0x7f: {  	_ =	shalt  }
0x80: {  	_ =	shalt  }
0x81: {  	_ =	shalt  }
0x82: {  	_ =	shalt  }
0x83: {  	_ =	shalt  }
0x84: {  	_ =	shalt  }
0x85: {  	_ =	shalt  }
0x86: {  	_ =	shalt  }
0x87: {  	_ =	shalt  }
.Lfunc_end0:
.L_simem_size_0:
called_computation.1_lowered:
.L_overlay_start_0:
0x88: {  	s2 =	sld [smem:$0x3FD9]  }
0x89: {  	s3 =	sld [smem:$0x3FFE];
	_ =	sdelay $0x1  }
0x8a: {  	s1 =	srdreg.scid  }
0x8b: {  	s0 =	sand.u32 $0x1, s1  }
0x8c: {  	s17 =	sshll.u32 s0, $0xA;
	s2 =	sadd.s32 s3, s2  }
0x8d: {  	s2 =	sadd.s32 s2, s17  }
0x8e: {  	[smem:$0x3FC2] =	sst s2  }
0x8f: {  	_ = 	snop  }
0x90: {  	s2 =	sld [smem:$0x3FC7]  }
0x91: {  	s18 =	sld [smem:$0x3FC5]  }
0x92: {  	s4 =	sld [smem:$0x3FD0];
	(tm) =	ssettm $0x1  }
0x93: {  	s5 =	sld [smem:$0x3FFB];
	_ =	sdelay $0x3  }
0x94: {  	_ =	strace s5  }
0x95: {  	s5 =	sld [smem:$0x3FFC];
	_ =	sdelay $0x3  }
0x96: {  	_ =	strace s5  }
0x97: {  	s5 =	sld [smem:$0x3FFD];
	_ =	sdelay $0x3  }
0x98: {  	_ =	strace s5  }
0x99: {  	_ =	strace $0x8FFFFFFF  }
0x9a: {  	s19 =	sld [smem:$0x3FDB];
	_ =	sdelay $0x1  }
0x9b: {  	s6 =	simm.s32 $_scs_section_size  }
0x9c: {  	s7 =	simm.s32 $_size__tile_overlayer_lowered;
	s8 =	simm.s32 $_tile_overlayer_lowered  }
0x9d: {  	s22 =	simm.s32 $0x1BFF;
	s21 =	sshll.u32 s8, $0x1;
	s5 =	sadd.s32 s6, s19  }
0x9e: {  	s9 =	simm.s32 $0x0;
	s20 =	sshll.u32 s7, $0x1;
	s7 =	sadd.s32 s21, s5  }
0x9f: {  	[timem:s9], [sflag:s22] =	dma.local [hbm:s7], s20  }
0xa0: {  	_ =	swait.ge [sflag:s22], s20  }
0xa1: {  	s6 =	ssub.s32 $0x0, s20;
	[sflag:s22] =	ssyncset.done $0x0  }
0xa2: {  	[sflag:s22] =	ssyncadd.s32 s6;
	_ =	sdelay $0x1  }
0xa3: {  	s23 =	simm.s32 $0x1B8B  }
0xa4: {  	_ =	swait.ge [sflag:s23], $0x1  }
0xa5: {  	[sflag:s23] =	ssyncset.done $0x0  }
0xa6: {  	s25 =	simm.s32 $0x1B8E;
	s24 =	sld [smem:$0x3FFE];
	[sflag:s23] =	ssyncadd.s32 $0xFFFFFFFF  }
0xa7: {  	s26 =	simm.s32 $execute0_lowered;
	[smem:$0x3FD2] =	sst s25  }
0xa8: {  	s7 =	sshll.u32 s26, $0x1;
	_ =	strace $0x80000049;
	[dreg:$0x1] =	wrdreg $0xFFFFFFFF  }
0xa9: {  	s28 =	simm.s32 $_size_execute0_lowered;
	s5 =	sadd.s32 s5, s7;
	[dreg:$0x0] =	wrdreg $0x0  }
0xaa: {  	s7 =	sshll.u32 s28, $0x1;
	[dreg:$0x2] =	wrdreg s5  }
0xab: {  	[dreg:$0x3] =	wrdreg s7  }
0xac: {  	[dreg:$0x4] =	wrdreg $0xC0  }
0xad: {  	_ =	task [dreg:s9], $0x5FFFF  }
0xae: {  	[dreg:$0x1] =	wrdreg $0xFFFFFFFF  }
0xaf: {  	[dreg:$0x0] =	wrdreg $0x60  }
0xb0: {  	[dreg:$0x2] =	wrdreg s24  }
0xb1: {  	[dreg:$0x3] =	wrdreg s2  }
0xb2: {  	[dreg:$0x4] =	wrdreg s18  }
0xb3: {  	[dreg:$0x5] =	wrdreg s4  }
0xb4: {  	[dreg:$0x6] =	wrdreg $0x9  }
0xb5: {  	_ =	task.clear_ibuf [dreg:s9], $0x7FFFF;
	_ =	strace $0x90000049  }
0xb6: {  	s29 =	simm.s32 $0x9;
	_ =	strace $0x8000004B  }
0xb7: {  	_ =	swait.ge [sflag:s29], $0x1  }
0xb8: {  	[sflag:s29] =	ssyncadd.s32 $0xFFFFFFFF  }
0xb9: {  	_ =	strace $0x9000004B  }
0xba: {  	_ =	sfence  }
0xbb: {  	s30 =	sld [smem:$0x0];
	_ =	sdelay $0x2  }
0xbc: {  	s31 =	sshll.u32 s1, $0xD;
	s1 =	sshrl.u32 s1, $0x2  }
0xbd: {  	s3 =	sand.u32 $0x4000, s31;
	s1 =	sadd.s32 s1, s30  }
0xbe: {  	s0 =	sor.u32 s3, s0;
	s1 =	sshll.u32 s1, $0x11  }
0xbf: {  	s0 =	sor.u32 s1, s0  }
0xc0: {  	s0 =	sadd.s32 $0x8F2B, s0  }
0xc1: {  	[sflag:s0] =	ssyncadd.remote.s32 $0x1  }
0xc2: {  	_ =	sfence.sel $0xFFFF  }
0xc3: {  	[dreg:$0x0] =	wrdreg $0xFFFFFFFF;
	(pc) =	sbr.abs _section_cstart, $3  }
0xc4: {  	[dreg:$0x1] =	wrdreg $0xFFFFFFFF  }
0xc5: {  	_ =	task.clear_ibuf [dreg:s9], $0x2FFFF;
	_ =	strace $0x9FFFFFFF  }
0xc6: {  	(tm) =	ssettm $0x7FFFFFFF  }
0xc7: {  	_ =	shalt  }
tec
execute0_lowered:
.L_overlay_start_1:
0x0: {  	(tag) =	ssettag $0x1  }
0x1: {  	s6 =	rddreg [dreg:$0x0]  }
0x2: {  	s1 =	rddreg [dreg:$0x1]  }
0x3: {  	s2 =	rddreg [dreg:$0x2]  }
0x4: {  	s9 =	rddreg [dreg:$0x3]  }
0x5: {  	s0 =	rddreg [dreg:$0x4];
	s5 =	srdreg.scid  }
0x6: {  	s4 =	simm.s32 $0x0;
	s3 =	stileid.u32;
	s12 =	simm.s32 $0x200  }
0x7: {  	s13 =	simm.s32 $0x400;
	s14 =	simm.s32 $0xA00;
	s15 =	simm.s32 $0x600  }
0x8: {  	s16 =	simm.s32 $0x800;
	s17 =	simm.s32 $0x1;
	s18 =	simm.s32 $0xA20  }
0x9: {  	s19 =	simm.s32 $0x0;
	s5 =	sand.u32 $0x1, s5;
	[smem:$0x7FF] =	sst s4  }
0xa: {  	s7 =	sshll.u32 s3, $0x7;
	s8 =	sshll.u32 s5, $0x6;
	_ =	strace $0x8000004A  }
0xb: {  	s31 =	ssub.s32 $0x2, s5;
	s5 =	sadd.s32 $0xC00, s6;
	s10 =	sor.u32 s8, s7  }
0xc: {  	s11 =	sshrl.u32 s31, $0x1;
	s8 =	sadd.s32 s10, s6;
	s6 =	sadd.s32 $0xE00, s6  }
0xd: {  	s11 =	ssub.s32 s31, s11;
	s9 =	sadd.s32 s9, s10;
	s7 =	sadd.s32 $0x1000, s8  }
0xe: {  	s8 =	sadd.s32 $0x1800, s8;
	s10 =	smax.u32 s11, $0x1;
	s11 =	simm.s32 $0x2  }
.LBB2_1:
0xf: {  	[tilespmem:s4], [sflag:$0x2] =	stream.linear.gather [hbm4b:s7+s4], $0x200, $0x38;
	[tilespmem:$0xC20] =	vst v63  }
0x10: {  	_ =	swait.ge [sflag:s11], $0x200  }
0x11: {  	[sflag:s11] =	ssyncset.done $0x0  }
0x12: {  	[sflag:s11] =	ssyncadd.s32 $0xFFFFFE00  }
0x13: {  	[tilespmem:s12], [sflag:$0x2] =	stream.linear.gather [hbm4b:s8+s4], $0x200, $0x38;
	[tilespmem:$0xC20] =	vst v63  }
0x14: {  	_ =	swait.ge [sflag:s11], $0x200  }
0x15: {  	[sflag:s11] =	ssyncset.done $0x0  }
0x16: {  	[sflag:s11] =	ssyncadd.s32 $0xFFFFFE00  }
0x17: {  	[tilespmem:s13], [sflag:$0x2] =	stream.linear.gather [hbm4b:s5+s4], $0x200, $0x38;
	[tilespmem:$0xC20] =	vst v63  }
0x18: {  	_ =	swait.ge [sflag:s11], $0x200  }
0x19: {  	[sflag:s11] =	ssyncset.done $0x0  }
0x1a: {  	[sflag:s11] =	ssyncadd.s32 $0xFFFFFE00  }
0x1b: {  	[tilespmem:s14], [sflag:$0x2] =	stream.linear.gather [hbm4b:s6+s4], $0x20, $0x38;
	[tilespmem:$0xC20] =	vst v63  }
0x1c: {  	_ =	swait.ge [sflag:s11], $0x20  }
0x1d: {  	[sflag:s11] =	ssyncset.done $0x0  }
0x1e: {  	[sflag:s11] =	ssyncadd.s32 $0xFFFFFFE0  }
0x1f: {  	[tilespmem:s15], [sflag:$0x1] =	stream.indirect.gather [hbm4b:s1+s12], $0x1, s4, s12, $0xb8;
	[tilespmem:$0xC20] =	vst v63  }
0x20: {  	_ = 	snop  }
0x21: {  	[tilespmem:s16], [sflag:$0x1] =	stream.indirect.gather [hbm4b:s2+s12], $0x1, s12, s12, $0xb8;
	[tilespmem:$0xC20] =	vst v63  }
0x22: {  	v0 =	vld [tilespmem:$0x400]  }
0x23: {  	v1 =	vld [tilespmem:$0x410];
	_ =	sdelay $0x1  }
0x24: {  	v2 =	vld [tilespmem:$0x420];
	_ =	sdelay $0x1  }
0x25: {  	v3 =	vld [tilespmem:$0x430]  }
0x26: {  	v0 =	vadd.f32 v1, v0  }
0x27: {  	v1 =	vld [tilespmem:$0x440]  }
0x28: {  	v0 =	vadd.f32 v2, v0  }
0x29: {  	v2 =	vld [tilespmem:$0x450]  }
0x2a: {  	v0 =	vadd.f32 v3, v0  }
0x2b: {  	v3 =	vld [tilespmem:$0x460]  }
0x2c: {  	v0 =	vadd.f32 v1, v0  }
0x2d: {  	v1 =	vld [tilespmem:$0x470]  }
0x2e: {  	v0 =	vadd.f32 v2, v0  }
0x2f: {  	v2 =	vld [tilespmem:$0x480]  }
0x30: {  	v0 =	vadd.f32 v3, v0  }
0x31: {  	v3 =	vld [tilespmem:$0x490]  }
0x32: {  	v0 =	vadd.f32 v1, v0  }
0x33: {  	v1 =	vld [tilespmem:$0x4A0]  }
0x34: {  	v0 =	vadd.f32 v2, v0  }
0x35: {  	v2 =	vld [tilespmem:$0x4B0]  }
0x36: {  	v0 =	vadd.f32 v3, v0  }
0x37: {  	v3 =	vld [tilespmem:$0x4C0]  }
0x38: {  	v0 =	vadd.f32 v1, v0  }
0x39: {  	v1 =	vld [tilespmem:$0x4D0]  }
0x3a: {  	v0 =	vadd.f32 v2, v0  }
0x3b: {  	v2 =	vld [tilespmem:$0x4E0]  }
0x3c: {  	v0 =	vadd.f32 v3, v0  }
0x3d: {  	v3 =	vld [tilespmem:$0x4F0]  }
0x3e: {  	v0 =	vadd.f32 v1, v0  }
0x3f: {  	v1 =	vld [tilespmem:$0x500]  }
0x40: {  	v0 =	vadd.f32 v2, v0  }
0x41: {  	v2 =	vld [tilespmem:$0x510]  }
0x42: {  	v0 =	vadd.f32 v3, v0  }
0x43: {  	v3 =	vld [tilespmem:$0x520]  }
0x44: {  	v0 =	vadd.f32 v1, v0  }
0x45: {  	v1 =	vld [tilespmem:$0x530]  }
0x46: {  	v0 =	vadd.f32 v2, v0  }
0x47: {  	v2 =	vld [tilespmem:$0x540]  }
0x48: {  	v0 =	vadd.f32 v3, v0  }
0x49: {  	v3 =	vld [tilespmem:$0x550]  }
0x4a: {  	v0 =	vadd.f32 v1, v0  }
0x4b: {  	v1 =	vld [tilespmem:$0x560]  }
0x4c: {  	v0 =	vadd.f32 v2, v0  }
0x4d: {  	v2 =	vld [tilespmem:$0x570]  }
0x4e: {  	v0 =	vadd.f32 v3, v0  }
0x4f: {  	v3 =	vld [tilespmem:$0x580]  }
0x50: {  	v0 =	vadd.f32 v1, v0  }
0x51: {  	v1 =	vld [tilespmem:$0x590]  }
0x52: {  	v0 =	vadd.f32 v2, v0  }
0x53: {  	v2 =	vld [tilespmem:$0x5A0]  }
0x54: {  	v0 =	vadd.f32 v3, v0  }
0x55: {  	v3 =	vld [tilespmem:$0x5B0]  }
0x56: {  	v0 =	vadd.f32 v1, v0  }
0x57: {  	v1 =	vld [tilespmem:$0x5C0]  }
0x58: {  	v0 =	vadd.f32 v2, v0  }
0x59: {  	v2 =	vld [tilespmem:$0x5D0]  }
0x5a: {  	v0 =	vadd.f32 v3, v0  }
0x5b: {  	v3 =	vld [tilespmem:$0x5E0]  }
0x5c: {  	v0 =	vadd.f32 v1, v0  }
0x5d: {  	v1 =	vld [tilespmem:$0x5F0]  }
0x5e: {  	v0 =	vadd.f32 v2, v0;
	_ =	sdelay $0x1  }
0x5f: {  	v0 =	vadd.f32 v3, v0;
	_ =	sdelay $0x1  }
0x60: {  	v0 =	vadd.f32 v1, v0;
	_ =	sdelay $0x1  }
0x61: {  	(v2sf) =	vpush v0, $0x0  }
0x62: {  	(v2sf) =	vpush v0, $0x1;
	_ =	sdelay $0x1  }
0x63: {  	(v2sf) =	vpush v0, $0x2;
	_ =	sdelay $0x1  }
0x64: {  	(v2sf) =	vpush v0, $0x3;
	_ =	sdelay $0x1  }
0x65: {  	(v2sf) =	vpush v0, $0x4;
	_ =	sdelay $0x1  }
0x66: {  	(v2sf) =	vpush v0, $0x5;
	_ =	sdelay $0x1  }
0x67: {  	(v2sf) =	vpush v0, $0x6;
	_ =	sdelay $0x1  }
0x68: {  	(v2sf) =	vpush v0, $0x7  }
0x69: {  	(v2sf) =	vpush v0, $0x8  }
0x6a: {  	s20 =	spop (v2sf);
	(v2sf) =	vpush v0, $0x9  }
0x6b: {  	s21 =	spop (v2sf);
	(v2sf) =	vpush v0, $0xA  }
0x6c: {  	s20 =	sadd.f32 s21, s20;
	(v2sf) =	vpush v0, $0xB  }
0x6d: {  	s30 =	spop (v2sf);
	(v2sf) =	vpush v0, $0xC  }
0x6e: {  	s20 =	sadd.f32 s20, s30;
	(v2sf) =	vpush v0, $0xD  }
0x6f: {  	s31 =	spop (v2sf);
	(v2sf) =	vpush v0, $0xE  }
0x70: {  	s20 =	sadd.f32 s20, s31;
	(v2sf) =	vpush v0, $0xF  }
0x71: {  	s22 =	spop (v2sf)  }
0x72: {  	s20 =	sadd.f32 s20, s22  }
0x73: {  	s23 =	spop (v2sf)  }
0x74: {  	s20 =	sadd.f32 s20, s23  }
0x75: {  	s24 =	spop (v2sf)  }
0x76: {  	s20 =	sadd.f32 s20, s24  }
0x77: {  	s25 =	spop (v2sf)  }
0x78: {  	s22 =	spop (v2sf);
	s20 =	sadd.f32 s20, s25  }
0x79: {  	s26 =	spop (v2sf)  }
0x7a: {  	s23 =	spop (v2sf);
	s20 =	sadd.f32 s20, s22  }
0x7b: {  	s28 =	spop (v2sf)  }
0x7c: {  	s24 =	spop (v2sf);
	s20 =	sadd.f32 s20, s26  }
0x7d: {  	s29 =	spop (v2sf)  }
0x7e: {  	s25 =	spop (v2sf);
	s20 =	sadd.f32 s20, s23  }
0x7f: {  	v1 =	vld [tilespmem:$0xA10];
	s30 =	spop (v2sf)  }
0x80: {  	v0 =	vld [tilespmem:$0xA00];
	s20 =	sadd.f32 s20, s28;
	_ =	swait.ge [sflag:s17], $0x200  }
0x81: {  	[sflag:s17] =	ssyncset.done $0x0  }
0x82: {  	s20 =	sadd.f32 s20, s24;
	[sflag:s17] =	ssyncadd.s32 $0xFFFFFE00  }
0x83: {  	_ =	swait.ge [sflag:s17], $0x200  }
0x84: {  	s21 =	sadd.f32 s20, s29;
	[sflag:s17] =	ssyncset.done $0x0  }
0x85: {  	s20 =	simm.s32 $0x0;
	[sflag:s17] =	ssyncadd.s32 $0xFFFFFE00  }
0x86: {  	s21 =	sadd.f32 s21, s25;
	v3 =	vld [tilespmem:s20+$0x600];
	_ =	sdelay $0x1  }
0x87: {  	v4 =	vld [tilespmem:s20+$0x800];
	s31 =	sadd.f32 s21, s30  }
0x88: {  	s21 =	simm.s32 $0x10  }
0x89: {  	v5 =	vld [tilespmem:s21+$0x600];
	v2 =	vmov s31  }
0x8a: {  	v3 =	vadd.f32 v3, v2  }
0x8b: {  	v6 =	vld [tilespmem:s21+$0x800]  }
0x8c: {  	v3 =	vadd.f32 v4, v3;
	_ =	sdelay $0x1  }
0x8d: {  	v4 =	vadd.f32 v5, v2;
	v3 =	vmul.f32 v3, v0  }
0x8e: {  	s22 =	simm.s32 $0x20  }
0x8f: {  	v5 =	vld [tilespmem:s22+$0x600];
	v4 =	vadd.f32 v6, v4;
	v3 =	vadd.f32 v3, v1;
	_ =	sdelay $0x1  }
0x90: {  	v6 =	vld [tilespmem:s22+$0x800];
	v4 =	vmul.f32 v4, v0;
	v3 =	vsub.f32 $0.0e+00, v3;
	_ =	sdelay $0x1  }
0x91: {  	s23 =	simm.s32 $0x30;
	v4 =	vadd.f32 v4, v1;
	v3 =	vmul.f32 $1.442695020e+00, v3  }
0x92: {  	v7 =	vld [tilespmem:s23+$0x600];
	v5 =	vadd.f32 v5, v2  }
0x93: {  	v4 =	vsub.f32 $0.0e+00, v4;
	(erf) = vpow2.f32 v3  }
0x94: {  	v5 =	vadd.f32 v6, v5;
	v3 =	vld [tilespmem:s23+$0x800]  }
0x95: {  	v4 =	vmul.f32 $1.442695020e+00, v4  }
0x96: {  	s24 =	simm.s32 $0x40;
	v5 =	vmul.f32 v5, v0  }
0x97: {  	v6 =	vadd.f32 v7, v2;
	(erf) = vpow2.f32 v4;
	v4 =	vld [tilespmem:s24+$0x600]  }
0x98: {  	v5 =	vadd.f32 v5, v1  }
0x99: {  	v3 =	vadd.f32 v3, v6  }
0x9a: {  	v5 =	vsub.f32 $0.0e+00, v5;
	v6 =	vld [tilespmem:s24+$0x800]  }
0x9b: {  	v3 =	vmul.f32 v3, v0  }
0x9c: {  	v5 =	vmul.f32 $1.442695020e+00, v5;
	v4 =	vadd.f32 v4, v2;
	v7 =	vpop (erf)  }
0x9d: {  	v3 =	vadd.f32 v3, v1;
	v7 =	vadd.f32 $1.000000000e+00, v7  }
0x9e: {  	s25 =	simm.s32 $0x50;
	(erf) = vpow2.f32 v5  }
0x9f: {  	v5 =	vadd.f32 v6, v4;
	v6 =	vsub.f32 $0.0e+00, v3;
	v3 =	vld [tilespmem:s25+$0x600];
	(erf) = vrcp.f32 v7;
	_ =	sdelay $0x1  }
0xa0: {  	v4 =	vld [tilespmem:s25+$0x800];
	v8 =	vpop (erf)  }
0xa1: {  	s26 =	simm.s32 $0x180;
	v7 =	vmul.f32 v5, v0;
	v6 =	vmul.f32 $1.442695020e+00, v6;
	v5 =	vadd.f32 $1.000000000e+00, v8  }
.LBB2_2:
0xa2: {  	s28 =	sshra.s32 s26, $0x2  }
0xa3: {  	v9 =	vadd.f32 v3, v2;
	v7 =	vadd.f32 v7, v1;
	(erf) = vpow2.f32 v6;
	s29 =	smov.u32 s23;
	s23 =	smov.u32 s24;
	p0 =	sne.s32 s26, $0x7C0  }
.Ltmp0:
0xa4: {  	s26 =	sadd.s32 $0x40, s26;
	v3 =	vld [tilespmem:s28+$0x600];
	(erf) = vrcp.f32 v5;
	(pc) =	sbr.rel @p0 .LBB2_2-.Ltmp0, $4  }
0xa5: {  	s24 =	smov.u32 s25;
	s25 =	smov.u32 s28;
	v5 =	vadd.f32 v4, v9;
	v6 =	vsub.f32 $0.0e+00, v7  }
0xa6: {  	v4 =	vld [tilespmem:s25+$0x800];
	v8 =	vpop (erf)  }
0xa7: {  	v7 =	vmul.f32 v5, v0;
	v6 =	vmul.f32 $1.442695020e+00, v6;
	v9 =	vpop (erf)  }
0xa8: {  	v5 =	vadd.f32 $1.000000000e+00, v8;
	[tilespmem:s20+$0xA20] =	vst v9;
	s20 =	smov.u32 s21;
	s21 =	smov.u32 s22;
	s22 =	smov.u32 s29  }
0xa9: {  	v2 =	vadd.f32 v3, v2;
	_ =	sdelay $0x1  }
0xaa: {  	v2 =	vadd.f32 v4, v2;
	_ =	sdelay $0x1  }
0xab: {  	v51 =	vadd.f32 v7, v1;
	v0 =	vmul.f32 v2, v0;
	_ =	sdelay $0x1  }
0xac: {  	v52 =	vsub.f32 $0.0e+00, v51;
	v0 =	vadd.f32 v0, v1;
	_ =	sdelay $0x1  }
0xad: {  	(erf) = vpow2.f32 v6;
	v53 =	vpop (erf);
	v2 =	vmul.f32 $1.442695020e+00, v52;
	v0 =	vsub.f32 $0.0e+00, v0  }
0xae: {  	(erf) = vrcp.f32 v5;
	v1 =	vadd.f32 $1.000000000e+00, v53  }
0xaf: {  	(erf) = vpow2.f32 v2;
	v0 =	vmul.f32 $1.442695020e+00, v0  }
0xb0: {  	(erf) = vrcp.f32 v1  }
0xb1: {  	(erf) = vpow2.f32 v0;
	_ =	sdelay $0x3  }
0xb2: {  	v54 =	vpop (erf)  }
0xb3: {  	v55 =	vpop (erf)  }
0xb4: {  	v56 =	vpop (erf)  }
0xb5: {  	v57 =	vpop (erf)  }
0xb6: {  	v1 =	vadd.f32 $1.000000000e+00, v55;
	v58 =	vpop (erf)  }
0xb7: {  	v3 =	vadd.f32 $1.000000000e+00, v57;
	v59 =	vpop (erf)  }
0xb8: {  	(erf) = vrcp.f32 v1;
	v60 =	vadd.f32 $1.000000000e+00, v59  }
0xb9: {  	(erf) = vrcp.f32 v3  }
0xba: {  	(erf) = vrcp.f32 v60;
	_ =	sdelay $0x4  }
0xbb: {  	[tilespmem:s20+$0xA20] =	vst v54  }
0xbc: {  	[tilespmem:s21+$0xA20] =	vst v56  }
0xbd: {  	[tilespmem:s22+$0xA20] =	vst v58;
	v61 =	vpop (erf)  }
0xbe: {  	s19 =	sadd.s32 $0x1, s19;
	[tilespmem:s23+$0xA20] =	vst v61;
	v62 =	vpop (erf)  }
0xbf: {  	p0 =	sne.s32 s19, s10;
	[tilespmem:s24+$0xA20] =	vst v62;
	v63 =	vpop (erf)  }
.Ltmp1:
0xc0: {  	[tilespmem:s25+$0xA20] =	vst v63;
	(pc) =	sbr.rel @p0 .LBB2_1-.Ltmp1, $4  }
0xc1: {  	[hbm4b:s9+s4] =	stream.linear.scatter [tilespmem:s18], [sflag:$0x2], $0x200, $0x38;
	[tilespmem:$0xC20] =	vst v63  }
0xc2: {  	_ =	swait.ge [sflag:s11], $0x200  }
0xc3: {  	[sflag:s11] =	ssyncset.done $0x0  }
0xc4: {  	[sflag:s11] =	ssyncadd.s32 $0xFFFFFE00  }
0xc5: {  	_ =	sfence.sel $0x180000  }
0xc6: {  	[bflag:$0x0] =	sbarrier.arrive $0xFFFF  }
0xc7: {  	p0 =	sne.s32 s3, $0x0;
	_ =	strace $0x9000004A  }
0xc8: {  	s0 =	sadd.s32 @!p0 $0x100000, s0;
	[bflag:$0x2] =	sbarrier.arrive $0xFFFF  }
0xc9: {  	[sflag:s0] =	ssyncadd.tile.s32 @!p0 $0x1;
	_ =	shalt  }
.Lfunc_end2:
_tile_overlayer_lowered:
.L_overlay_start_2:
0xca: {  	(tag) =	ssettag $0x2  }
0xcb: {  	s0 =	rddreg [dreg:$0x0];
	s2 =	stileid.u32  }
0xcc: {  	s1 =	rddreg [dreg:$0x1];
	p0 =	sne.s32 s2, $0x0  }
0xcd: {  	s3 =	rddreg [dreg:$0x2];
	[bflag:$0x3] =	sbarrier.arrive $0xFFFF;
	s2 =	simm.s32 @!p0 $0x1C02  }
0xce: {  	[timem:s3], [sflag:s2] =	dma.local @!p0 [hbm:s0], s1  }
0xcf: {  	s0 =	simm.s32 @!p0 $0x2  }
0xd0: {  	_ =	swait.ge @!p0 [sflag:s0], s1  }
0xd1: {  	s1 =	ssub.s32 @!p0 $0x0, s1;
	[sflag:s0] =	ssyncset.done @!p0 $0x0  }
0xd2: {  	[sflag:s0] =	ssyncadd.s32 @!p0 s1  }
0xd3: {  	[bflag:$0x3] =	sbarrier.arrive $0xFFFF  }
0xd4: {  	_ =	shalt  }

</sc_bundles>
